<compile_context>
chip_gen: v7x
topology: tpu7x:2x2x1
jax: 0.10.2.dev20260603
libtpu: 0.0.44.dev20260713+nightly
codegen_flags: <defaults>
</compile_context>

<pallas_src>
import functools

import jax
import jax.numpy as jnp
from jax import lax
from jax.experimental import pallas as pl
from jax.experimental.pallas import tpu as pltpu
from jax.experimental.pallas import tpu_sc as plsc

NUM_USERS = 25000
NUM_ITEMS = 25000
N = NUM_USERS + NUM_ITEMS
E = 1600000
D = 32
N_LAYERS = 3

NC, NS = 2, 16
NT = NC * NS
N_PAD = 50176
R_T = N_PAD // NS
CHUNK = 440
T_E = E // NT
N_PAIRS = 56
TAIL = T_E - N_PAIRS * 2 * CHUNK - CHUNK
F = N_PAD * D // 128
TC_BLK = 896


def _sc_compiler_params():
  return pltpu.CompilerParams(use_tc_tiling_on_sc=False)


def _fill_rows(rows_ref, n_rows, value):
  vec = jnp.full((16,), value, jnp.float32)

  @pl.loop(0, n_rows)
  def _(r):
    rows_ref[r, pl.ds(0, 16)] = vec
    rows_ref[r, pl.ds(16, 16)] = vec


def _zero_acc_slab(rows_ref, acc, rbase, buf_rows):
  n_full = R_T // buf_rows
  rem = R_T - n_full * buf_rows

  @pl.loop(0, n_full)
  def _(i):
    pltpu.sync_copy(rows_ref, acc.at[pl.ds(rbase + i * buf_rows, buf_rows)])

  if rem:
    pltpu.sync_copy(rows_ref.at[pl.ds(0, rem)],
                    acc.at[pl.ds(rbase + n_full * buf_rows, rem)])


def _dump_slab(acc, rbase, c, out0, out1):
  @pl.when(c == 0)
  def _():
    pltpu.sync_copy(acc.at[pl.ds(rbase, R_T)], out0.at[pl.ds(rbase, R_T)])

  @pl.when(c == 1)
  def _():
    pltpu.sync_copy(acc.at[pl.ds(rbase, R_T)], out1.at[pl.ds(rbase, R_T)])


@functools.cache
def _make_sc_segment_sum():
  mesh = plsc.VectorSubcoreMesh(
      core_axis_name="c", subcore_axis_name="s", num_cores=NC, num_subcores=NS)
  part = jax.ShapeDtypeStruct((N_PAD, D), jnp.float32)

  @functools.partial(
      pl.kernel,
      out_type=[part, part],
      mesh=mesh,
      scratch_types=[
          pltpu.VMEM((2, CHUNK), jnp.int32),
          pltpu.VMEM((2, CHUNK), jnp.int32),
          pltpu.VMEM((2, TAIL), jnp.int32),
          pltpu.VMEM((CHUNK, D), jnp.float32),
          pltpu.VMEM((CHUNK, D), jnp.float32),
          pltpu.VMEM_SHARED((N_PAD, D), jnp.float32),
          pltpu.SemaphoreType.DMA,
          pltpu.SemaphoreType.DMA,
          pltpu.SemaphoreType.DMA,
      ],
      compiler_params=_sc_compiler_params(),
  )
  def sc_segment_sum(z_hbm, ei_hbm, out0, out1,
                     idx_a, idx_b, idx_t,
                     rows_a, rows_b, acc, gsem, ssem_a, ssem_b):
    c = lax.axis_index("c")
    s = lax.axis_index("s")
    wid = s * NC + c
    rbase = s * R_T
    _fill_rows(rows_a, CHUNK, 0.0)
    _zero_acc_slab(rows_a, acc, rbase, CHUNK)
    plsc.subcore_barrier()

    ebase = wid * T_E

    def scatter_desc(rows, idx, ssem):
      return pltpu.make_async_copy(rows, acc.at[idx.at[1]], ssem)

    def load_idx(eoff, n, idx):
      pltpu.sync_copy(ei_hbm.at[pl.ds(0, 2), pl.ds(eoff, n)], idx)

    def gather_split(idx, rows):
      gs = []
      for off, n in ((0, 224), (224, 216)):
        gs.append(pltpu.async_copy(z_hbm.at[idx.at[0, pl.ds(off, n)]],
                                   rows.at[pl.ds(off, n)], gsem))
      return gs

    def pair(p, first):
      eoff = ebase + p * 2 * CHUNK
      if not first:
        scatter_desc(rows_a, idx_a, ssem_a).wait()
      load_idx(eoff, CHUNK, idx_a)
      ga = gather_split(idx_a, rows_a)
      if not first:
        scatter_desc(rows_b, idx_b, ssem_b).wait()
      load_idx(eoff + CHUNK, CHUNK, idx_b)
      gb = gather_split(idx_b, rows_b)
      for g in ga:
        g.wait()
      pltpu.async_copy(rows_a, acc.at[idx_a.at[1]], ssem_a, add=True)
      for g in gb:
        g.wait()
      pltpu.async_copy(rows_b, acc.at[idx_b.at[1]], ssem_b, add=True)

    pair(0, True)

    @pl.loop(1, N_PAIRS)
    def _(p):
      pair(p, False)

    eoff = ebase + N_PAIRS * 2 * CHUNK
    scatter_desc(rows_a, idx_a, ssem_a).wait()
    load_idx(eoff, CHUNK, idx_a)
    ga = gather_split(idx_a, rows_a)
    scatter_desc(rows_b, idx_b, ssem_b).wait()
    load_idx(eoff + CHUNK, TAIL, idx_t)
    rows_t = rows_b.at[pl.ds(0, TAIL)]
    gb = pltpu.async_copy(z_hbm.at[idx_t.at[0]], rows_t, gsem)
    for g in ga:
      g.wait()
    pltpu.async_copy(rows_a, acc.at[idx_a.at[1]], ssem_a, add=True)
    gb.wait()
    pltpu.async_copy(rows_t, acc.at[idx_t.at[1]], ssem_b, add=True)
    scatter_desc(rows_a, idx_a, ssem_a).wait()
    pltpu.make_async_copy(rows_t, acc.at[idx_t.at[1]], ssem_b).wait()

    plsc.subcore_barrier()
    _dump_slab(acc, rbase, c, out0, out1)

  return sc_segment_sum


@functools.cache
def _make_sc_degree():
  mesh = plsc.VectorSubcoreMesh(
      core_axis_name="c", subcore_axis_name="s", num_cores=NC, num_subcores=NS)
  part = jax.ShapeDtypeStruct((N_PAD, D), jnp.float32)

  @functools.partial(
      pl.kernel,
      out_type=[part, part],
      mesh=mesh,
      scratch_types=[
          [pltpu.VMEM((CHUNK,), jnp.int32)] * 4,
          pltpu.VMEM((TAIL,), jnp.int32),
          pltpu.VMEM((CHUNK, D), jnp.float32),
          pltpu.VMEM_SHARED((N_PAD, D), jnp.float32),
          [pltpu.SemaphoreType.DMA] * 4,
      ],
      compiler_params=_sc_compiler_params(),
  )
  def sc_degree(ei_hbm, out0, out1, didxs, didx_t, ones_rows, acc, ssems):
    c = lax.axis_index("c")
    s = lax.axis_index("s")
    wid = s * NC + c
    rbase = s * R_T
    _fill_rows(ones_rows, CHUNK, 0.0)
    _zero_acc_slab(ones_rows, acc, rbase, CHUNK)
    _fill_rows(ones_rows, CHUNK, 1.0)
    plsc.subcore_barrier()

    ebase = wid * T_E
    NQ = 4
    N_QUADS = T_E // (NQ * CHUNK)
    REST = T_E - N_QUADS * NQ * CHUNK - TAIL

    def half(eoff, didx, ssem, first):
      if not first:
        pltpu.make_async_copy(ones_rows, acc.at[didx], ssem).wait()
      pltpu.sync_copy(ei_hbm.at[1, pl.ds(eoff, CHUNK)], didx)
      pltpu.async_copy(ones_rows, acc.at[didx], ssem, add=True)

    def quad(q, first):
      eoff = ebase + q * NQ * CHUNK
      for j in range(NQ):
        half(eoff + j * CHUNK, didxs[j], ssems[j], first)

    quad(0, True)

    @pl.loop(1, N_QUADS)
    def _(q):
      quad(q, False)

    eoff = ebase + N_QUADS * NQ * CHUNK
    n_rest = REST // CHUNK
    for j in range(n_rest):
      half(eoff + j * CHUNK, didxs[j], ssems[j], False)
    pltpu.sync_copy(ei_hbm.at[1, pl.ds(eoff + n_rest * CHUNK, TAIL)], didx_t)
    ones_t = ones_rows.at[pl.ds(0, TAIL)]
    pltpu.make_async_copy(ones_rows, acc.at[didxs[n_rest]],
                          ssems[n_rest]).wait()
    pltpu.async_copy(ones_t, acc.at[didx_t], ssems[n_rest], add=True)

    for j in range(NQ):
      if j == n_rest:
        pltpu.make_async_copy(ones_t, acc.at[didx_t], ssems[j]).wait()
      else:
        pltpu.make_async_copy(ones_rows, acc.at[didxs[j]], ssems[j]).wait()

    plsc.subcore_barrier()
    _dump_slab(acc, rbase, c, out0, out1)

  return sc_degree


def _tc_call(body, n_in, n_out):
    spec = pl.BlockSpec((TC_BLK, 128), lambda i: (i, 0))
    return pl.pallas_call(
        body,
        grid=(F // TC_BLK,),
        in_specs=[spec] * n_in,
        out_specs=[spec] * n_out if n_out > 1 else spec,
        out_shape=(
            [jax.ShapeDtypeStruct((F, 128), jnp.float32)] * n_out
            if n_out > 1 else jax.ShapeDtypeStruct((F, 128), jnp.float32)),
    )


def _tc_init_body(d0_ref, d1_ref, x0_ref, dinv_ref, z0_ref):
    deg = d0_ref[...] + d1_ref[...]
    dinv = jnp.where(deg > 0, lax.rsqrt(jnp.maximum(deg, 1e-12)),
                     jnp.float32(0.0))
    dinv_ref[...] = dinv
    z0_ref[...] = x0_ref[...] * dinv


def _tc_combine_body(p0_ref, p1_ref, dinv_ref, x_ref, z_ref):
    dinv = dinv_ref[...]
    x = dinv * (p0_ref[...] + p1_ref[...])
    x_ref[...] = x
    z_ref[...] = x * dinv


def _tc_final_body(p0_ref, p1_ref, dinv_ref, x0_ref, x1_ref, x2_ref, out_ref):
    x3 = dinv_ref[...] * (p0_ref[...] + p1_ref[...])
    out_ref[...] = (x0_ref[...] + x1_ref[...] + x2_ref[...] + x3) * 0.25


def _flat(a):
    return a.reshape(F, 128)


def kernel(user_emb, item_emb, edge_index):
    ei = edge_index.astype(jnp.int32)

    fu = NUM_USERS * D // 128
    x0f = jnp.concatenate(
        [user_emb.reshape(fu, 128), item_emb.reshape(fu, 128),
         jnp.zeros((F - 2 * fu, 128), jnp.float32)], axis=0)

    sc_segment_sum = _make_sc_segment_sum()
    dg0, dg1 = _make_sc_degree()(ei)
    dinvf, zf = _tc_call(_tc_init_body, 3, 2)(_flat(dg0), _flat(dg1), x0f)

    xfs = []
    for _ in range(N_LAYERS - 1):
        p0, p1 = sc_segment_sum(zf.reshape(N_PAD, D), ei)
        xf, zf = _tc_call(_tc_combine_body, 3, 2)(_flat(p0), _flat(p1), dinvf)
        xfs.append(xf)
    p0, p1 = sc_segment_sum(zf.reshape(N_PAD, D), ei)
    outf = _tc_call(_tc_final_body, 6, 1)(
        _flat(p0), _flat(p1), dinvf, x0f, xfs[0], xfs[1])

    fu = NUM_USERS * D // 128
    users = outf[:fu].reshape(NUM_USERS, D)
    items = outf[fu:2 * fu].reshape(NUM_ITEMS, D)
    return (users, items)

# --- scband reference (transcript-rebuilt; emitter-appended) ---
"""Pipeline reference for scband-light-gcn-py-g-8486855376919 (READ-ONLY COPY).

The authoritative reference and input builder live on the scoring server;
editing this copy changes nothing except your own understanding.
"""

import jax, jax.numpy as jnp
import numpy as np

NUM_USERS = 25000
NUM_ITEMS = 25000
N = NUM_USERS + NUM_ITEMS
E = 1600000
D = 32
N_LAYERS = 3


def setup_inputs(seed: int = 0) -> dict:
    key = jax.random.key(seed)
    k1, k2, k3 = jax.random.split(key, 3)
    user_emb = jax.random.normal(k1, (NUM_USERS, D), dtype=jnp.float32) * 0.1
    item_emb = jax.random.normal(k2, (NUM_ITEMS, D), dtype=jnp.float32) * 0.1
    edge_index = jax.random.randint(k3, (2, E), 0, N).astype(jnp.int64)
    return {"user_emb": user_emb, "item_emb": item_emb, "edge_index": edge_index}


def _lgconv(x, src, dst):
    # PyG LGConv: gcn_norm (no self-loops), deg from dst with unit edge weights
    deg = jax.ops.segment_sum(jnp.ones(src.shape[0], dtype=x.dtype), dst, num_segments=N)
    deg_inv_sqrt = jnp.where(deg > 0, jax.lax.rsqrt(jnp.maximum(deg, 1e-12)), 0.0)
    norm = deg_inv_sqrt[src] * deg_inv_sqrt[dst]
    msg = jnp.take(x, src, axis=0) * norm[:, None]
    return jax.ops.segment_sum(msg, dst, num_segments=N)


def reference(user_emb, item_emb, edge_index):
    # LightGCN.computer(): concat user/item embeddings, n_layers of LGConv,
    # mean over layer outputs (including layer-0 ego embeddings), then split.
    src = edge_index[0]
    dst = edge_index[1]
    x = jnp.concatenate([user_emb, item_emb], axis=0)
    embs = [x]
    for _ in range(N_LAYERS):
        x = _lgconv(x, src, dst)
        embs.append(x)
    light_out = jnp.mean(jnp.stack(embs, axis=1), axis=1)
    users = light_out[:NUM_USERS]
    items = light_out[NUM_USERS:]
    return (users, items)

if __name__ == "__main__":
    import jax
    _d = setup_inputs()
    print(jax.jit(kernel)(*tuple(_d.values())))

</pallas_src>

<mosaic_0001>
#map = affine_map<(d0, d1) -> (0, 0)>
module attributes {stable_mosaic.version = 14 : i64} {
  func.func @sc_degree(%arg0: i32, %arg1: i32, %arg2: memref<2x1600000xi32, #tpu.memory_space<hbm>>, %arg3: memref<50176x32xf32, #tpu.memory_space<hbm>>, %arg4: memref<50176x32xf32, #tpu.memory_space<hbm>>, %arg5: memref<440xi32, #tpu.memory_space<vmem>>, %arg6: memref<440xi32, #tpu.memory_space<vmem>>, %arg7: memref<440xi32, #tpu.memory_space<vmem>>, %arg8: memref<440xi32, #tpu.memory_space<vmem>>, %arg9: memref<280xi32, #tpu.memory_space<vmem>>, %arg10: memref<440x32xf32, #tpu.memory_space<vmem>>, %arg11: memref<50176x32xf32, #tpu.memory_space<vmem_shared>>, %arg12: memref<!tpu.dma_semaphore, #tpu.memory_space<semaphore_mem>>, %arg13: memref<!tpu.dma_semaphore, #tpu.memory_space<semaphore_mem>>, %arg14: memref<!tpu.dma_semaphore, #tpu.memory_space<semaphore_mem>>, %arg15: memref<!tpu.dma_semaphore, #tpu.memory_space<semaphore_mem>>) attributes {dimension_semantics = [#tpu.dimension_semantics<core_parallel>, #tpu.dimension_semantics<subcore_parallel>], iteration_bounds = array<i64: 2, 16>, scalar_prefetch = 0 : i64, scratch_operands = 11 : i64, tpu.core_type = #tpu.core_type<sc_vector_subcore>, window_params = [{transform_indices = #map}, {transform_indices = #map}, {transform_indices = #map}]} {
    %mul3A = arith.constant 2 : i32
    %mul3A_0 = arith.muli %arg1, %mul3A : i32
    %add3A = arith.addi %mul3A_0, %arg0 : i32
    %mul3A_1 = arith.constant 3136 : i32
    %mul3A_2 = arith.muli %arg1, %mul3A_1 : i32
    %broadcast_in_dim3A = arith.constant 0.000000e+00 : f32
    %broadcast_in_dim3A_3 = vector.broadcast %broadcast_in_dim3A : f32 to vector<16xf32>
    %scan3A = arith.constant 0 : i32
    %scan3A_4 = arith.constant 440 : i32
    %scan3A_5 = arith.addi %scan3A, %scan3A_4 : i32
    %scan3A_6 = arith.constant 1 : i32
    scf.for %scan3A_98 = %scan3A to %scan3A_5 step %scan3A_6  : i32 {
      %mul3A_99 = arith.constant 1 : i32
      %mul3A_100 = arith.muli %scan3A_98, %mul3A_99 : i32
      %add3A_101 = arith.constant 0 : i32
      %add3A_102 = arith.addi %add3A_101, %mul3A_100 : i32
      %swap3A = arith.index_cast %add3A_102 : i32 to index
      %swap3A_103 = arith.constant 0 : index
      %swap3A_104 = tpu.vector_load %arg10[%swap3A, %swap3A_103] {strides = array<i32>} : memref<440x32xf32, #tpu.memory_space<vmem>>, vector<1x16xf32>,
      %swap3A_105 = vector.shape_cast %swap3A_104 : vector<1x16xf32> to vector<16xf32>
      %swap3A_106 = vector.shape_cast %broadcast_in_dim3A_3 : vector<16xf32> to vector<1x16xf32>
      tpu.vector_store %arg10[%swap3A, %swap3A_103], %swap3A_106 {strides = array<i32>} : memref<440x32xf32, #tpu.memory_space<vmem>>, vector<1x16xf32>,
      %swap3A_107 = arith.index_cast %add3A_102 : i32 to index
      %swap3A_108 = arith.constant 16 : index
      %swap3A_109 = tpu.vector_load %arg10[%swap3A_107, %swap3A_108] {strides = array<i32>} : memref<440x32xf32, #tpu.memory_space<vmem>>, vector<1x16xf32>,
      %swap3A_110 = vector.shape_cast %swap3A_109 : vector<1x16xf32> to vector<16xf32>
      %swap3A_111 = vector.shape_cast %broadcast_in_dim3A_3 : vector<16xf32> to vector<1x16xf32>
      tpu.vector_store %arg10[%swap3A_107, %swap3A_108], %swap3A_111 {strides = array<i32>} : memref<440x32xf32, #tpu.memory_space<vmem>>, vector<1x16xf32>,
    }
    %scan3A_7 = arith.constant 440 : i32
    %scan3A_8 = arith.constant 0 : i32
    %scan3A_9 = arith.constant 7 : i32
    %scan3A_10 = arith.addi %scan3A_8, %scan3A_9 : i32
    %scan3A_11 = arith.constant 1 : i32
    scf.for %scan3A_98 = %scan3A_8 to %scan3A_10 step %scan3A_11  : i32 {
      %mul3A_99 = arith.constant 1 : i32
      %mul3A_100 = arith.muli %scan3A_98, %mul3A_99 : i32
      %add3A_101 = arith.constant 0 : i32
      %add3A_102 = arith.addi %add3A_101, %mul3A_100 : i32
      %mul3A_103 = arith.constant 440 : i32
      %mul3A_104 = arith.muli %add3A_102, %mul3A_103 : i32
      %add3A_105 = arith.addi %mul3A_2, %mul3A_104 : i32
      "tpu.region"() ({
        %run_scoped3A_106 = tpu.sem_alloc : memref<!tpu.dma_semaphore, #tpu.memory_space<semaphore_mem>>
        %dma_start3A_107 = arith.constant 0 : i32
        %dma_start3A_108 = tpu.memref_slice %arg11[%add3A_105, %dma_start3A_107] : memref<50176x32xf32, #tpu.memory_space<vmem_shared>> -> memref<440x32xf32, #tpu.memory_space<vmem_shared>>
        %dma_start3A_109 = arith.constant 0 : i32
        %dma_start3A_110 = tpu.memref_slice %arg11[%add3A_105, %dma_start3A_109] : memref<50176x32xf32, #tpu.memory_space<vmem_shared>> -> memref<440x32xf32, #tpu.memory_space<vmem_shared>>
        tpu.enqueue_dma source(%arg10 : memref<440x32xf32, #tpu.memory_space<vmem>>) target(%dma_start3A_110 : memref<440x32xf32, #tpu.memory_space<vmem_shared>>) target_semaphore(%run_scoped3A_106 : memref<!tpu.dma_semaphore, #tpu.memory_space<semaphore_mem>>)
        %dma_wait3A_111 = arith.constant 0 : i32
        %dma_wait3A_112 = tpu.memref_slice %arg11[%add3A_105, %dma_wait3A_111] : memref<50176x32xf32, #tpu.memory_space<vmem_shared>> -> memref<440x32xf32, #tpu.memory_space<vmem_shared>>
        %dma_wait3A_113 = arith.constant 0 : i32
        %dma_wait3A_114 = tpu.memref_slice %arg11[%add3A_105, %dma_wait3A_113] : memref<50176x32xf32, #tpu.memory_space<vmem_shared>> -> memref<440x32xf32, #tpu.memory_space<vmem_shared>>
        tpu.wait_dma2 semaphore(%run_scoped3A_106 : memref<!tpu.dma_semaphore, #tpu.memory_space<semaphore_mem>>) src(%arg10 : memref<440x32xf32, #tpu.memory_space<vmem>>) dst(%dma_wait3A_114 : memref<440x32xf32, #tpu.memory_space<vmem_shared>>)
        tpu.yield
      }) : () -> ()
    }
    %scan3A_12 = arith.constant 7 : i32
    %add3A_13 = arith.constant 3080 : i32
    %add3A_14 = arith.addi %mul3A_2, %add3A_13 : i32
    "tpu.region"() ({
      %run_scoped3A_98 = tpu.sem_alloc : memref<!tpu.dma_semaphore, #tpu.memory_space<semaphore_mem>>
      %dma_start3A_99 = arith.constant 0 : i32
      %dma_start3A_100 = arith.constant 0 : i32
      %dma_start3A_101 = tpu.memref_slice %arg10[%dma_start3A_99, %dma_start3A_100] : memref<440x32xf32, #tpu.memory_space<vmem>> -> memref<56x32xf32, #tpu.memory_space<vmem>>
      %dma_start3A_102 = arith.constant 0 : i32
      %dma_start3A_103 = tpu.memref_slice %arg11[%add3A_14, %dma_start3A_102] : memref<50176x32xf32, #tpu.memory_space<vmem_shared>> -> memref<56x32xf32, #tpu.memory_space<vmem_shared>>
      %dma_start3A_104 = arith.constant 0 : i32
      %dma_start3A_105 = tpu.memref_slice %arg11[%add3A_14, %dma_start3A_104] : memref<50176x32xf32, #tpu.memory_space<vmem_shared>> -> memref<56x32xf32, #tpu.memory_space<vmem_shared>>
      %dma_start3A_106 = arith.constant 0 : i32
      %dma_start3A_107 = arith.constant 0 : i32
      %dma_start3A_108 = tpu.memref_slice %arg10[%dma_start3A_106, %dma_start3A_107] : memref<440x32xf32, #tpu.memory_space<vmem>> -> memref<56x32xf32, #tpu.memory_space<vmem>>
      tpu.enqueue_dma source(%dma_start3A_108 : memref<56x32xf32, #tpu.memory_space<vmem>>) target(%dma_start3A_105 : memref<56x32xf32, #tpu.memory_space<vmem_shared>>) target_semaphore(%run_scoped3A_98 : memref<!tpu.dma_semaphore, #tpu.memory_space<semaphore_mem>>)
      %dma_wait3A_109 = arith.constant 0 : i32
      %dma_wait3A_110 = arith.constant 0 : i32
      %dma_wait3A_111 = tpu.memref_slice %arg10[%dma_wait3A_109, %dma_wait3A_110] : memref<440x32xf32, #tpu.memory_space<vmem>> -> memref<56x32xf32, #tpu.memory_space<vmem>>
      %dma_wait3A_112 = arith.constant 0 : i32
      %dma_wait3A_113 = tpu.memref_slice %arg11[%add3A_14, %dma_wait3A_112] : memref<50176x32xf32, #tpu.memory_space<vmem_shared>> -> memref<56x32xf32, #tpu.memory_space<vmem_shared>>
      %dma_wait3A_114 = arith.constant 0 : i32
      %dma_wait3A_115 = tpu.memref_slice %arg11[%add3A_14, %dma_wait3A_114] : memref<50176x32xf32, #tpu.memory_space<vmem_shared>> -> memref<56x32xf32, #tpu.memory_space<vmem_shared>>
      %dma_wait3A_116 = arith.constant 0 : i32
      %dma_wait3A_117 = arith.constant 0 : i32
      %dma_wait3A_118 = tpu.memref_slice %arg10[%dma_wait3A_116, %dma_wait3A_117] : memref<440x32xf32, #tpu.memory_space<vmem>> -> memref<56x32xf32, #tpu.memory_space<vmem>>
      tpu.wait_dma2 semaphore(%run_scoped3A_98 : memref<!tpu.dma_semaphore, #tpu.memory_space<semaphore_mem>>) src(%dma_wait3A_118 : memref<56x32xf32, #tpu.memory_space<vmem>>) dst(%dma_wait3A_115 : memref<56x32xf32, #tpu.memory_space<vmem_shared>>)
      tpu.yield
    }) : () -> ()
    %broadcast_in_dim3A_15 = arith.constant 1.000000e+00 : f32
    %broadcast_in_dim3A_16 = vector.broadcast %broadcast_in_dim3A_15 : f32 to vector<16xf32>
    %scan3A_17 = arith.constant 0 : i32
    %scan3A_18 = arith.constant 440 : i32
    %scan3A_19 = arith.addi %scan3A_17, %scan3A_18 : i32
    %scan3A_20 = arith.constant 1 : i32
    scf.for %scan3A_98 = %scan3A_17 to %scan3A_19 step %scan3A_20  : i32 {
      %mul3A_99 = arith.constant 1 : i32
      %mul3A_100 = arith.muli %scan3A_98, %mul3A_99 : i32
      %add3A_101 = arith.constant 0 : i32
      %add3A_102 = arith.addi %add3A_101, %mul3A_100 : i32
      %swap3A = arith.index_cast %add3A_102 : i32 to index
      %swap3A_103 = arith.constant 0 : index
      %swap3A_104 = tpu.vector_load %arg10[%swap3A, %swap3A_103] {strides = array<i32>} : memref<440x32xf32, #tpu.memory_space<vmem>>, vector<1x16xf32>,
      %swap3A_105 = vector.shape_cast %swap3A_104 : vector<1x16xf32> to vector<16xf32>
      %swap3A_106 = vector.shape_cast %broadcast_in_dim3A_16 : vector<16xf32> to vector<1x16xf32>
      tpu.vector_store %arg10[%swap3A, %swap3A_103], %swap3A_106 {strides = array<i32>} : memref<440x32xf32, #tpu.memory_space<vmem>>, vector<1x16xf32>,
      %swap3A_107 = arith.index_cast %add3A_102 : i32 to index
      %swap3A_108 = arith.constant 16 : index
      %swap3A_109 = tpu.vector_load %arg10[%swap3A_107, %swap3A_108] {strides = array<i32>} : memref<440x32xf32, #tpu.memory_space<vmem>>, vector<1x16xf32>,
      %swap3A_110 = vector.shape_cast %swap3A_109 : vector<1x16xf32> to vector<16xf32>
      %swap3A_111 = vector.shape_cast %broadcast_in_dim3A_16 : vector<16xf32> to vector<1x16xf32>
      tpu.vector_store %arg10[%swap3A_107, %swap3A_108], %swap3A_111 {strides = array<i32>} : memref<440x32xf32, #tpu.memory_space<vmem>>, vector<1x16xf32>,
    }
    %scan3A_21 = arith.constant 440 : i32
    %barrier3A = arith.constant 0 : index
    tpu.barrier barrier_id(%barrier3A)
    %mul3A_22 = arith.constant 50000 : i32
    %mul3A_23 = arith.muli %add3A, %mul3A_22 : i32
    %add3A_24 = arith.constant 0 : i32
    %add3A_25 = arith.addi %mul3A_23, %add3A_24 : i32
    %add3A_26 = arith.constant 0 : i32
    %add3A_27 = arith.addi %add3A_25, %add3A_26 : i32
    %run_scoped3A = arith.constant 1 : i32
    "tpu.region"() ({
      %run_scoped3A_98 = tpu.sem_alloc : memref<!tpu.dma_semaphore, #tpu.memory_space<semaphore_mem>>
      %dma_start3A_99 = tpu.memref_slice %arg2[%run_scoped3A, %add3A_27] : memref<2x1600000xi32, #tpu.memory_space<hbm>> -> memref<1x440xi32, #tpu.memory_space<hbm>>
      %dma_start3A_100 = tpu.memref_squeeze %dma_start3A_99 : memref<1x440xi32, #tpu.memory_space<hbm>> -> memref<440xi32, #tpu.memory_space<hbm>>
      %dma_start3A_101 = tpu.memref_slice %arg2[%run_scoped3A, %add3A_27] : memref<2x1600000xi32, #tpu.memory_space<hbm>> -> memref<1x440xi32, #tpu.memory_space<hbm>>
      %dma_start3A_102 = tpu.memref_squeeze %dma_start3A_101 : memref<1x440xi32, #tpu.memory_space<hbm>> -> memref<440xi32, #tpu.memory_space<hbm>>
      tpu.enqueue_dma source(%dma_start3A_102 : memref<440xi32, #tpu.memory_space<hbm>>) target(%arg5 : memref<440xi32, #tpu.memory_space<vmem>>) target_semaphore(%run_scoped3A_98 : memref<!tpu.dma_semaphore, #tpu.memory_space<semaphore_mem>>)
      %dma_wait3A_103 = tpu.memref_slice %arg2[%run_scoped3A, %add3A_27] : memref<2x1600000xi32, #tpu.memory_space<hbm>> -> memref<1x440xi32, #tpu.memory_space<hbm>>
      %dma_wait3A_104 = tpu.memref_squeeze %dma_wait3A_103 : memref<1x440xi32, #tpu.memory_space<hbm>> -> memref<440xi32, #tpu.memory_space<hbm>>
      %dma_wait3A_105 = tpu.memref_slice %arg2[%run_scoped3A, %add3A_27] : memref<2x1600000xi32, #tpu.memory_space<hbm>> -> memref<1x440xi32, #tpu.memory_space<hbm>>
      %dma_wait3A_106 = tpu.memref_squeeze %dma_wait3A_105 : memref<1x440xi32, #tpu.memory_space<hbm>> -> memref<440xi32, #tpu.memory_space<hbm>>
      tpu.wait_dma2 semaphore(%run_scoped3A_98 : memref<!tpu.dma_semaphore, #tpu.memory_space<semaphore_mem>>) src(%dma_wait3A_106 : memref<440xi32, #tpu.memory_space<hbm>>) dst(%arg5 : memref<440xi32, #tpu.memory_space<vmem>>)
      tpu.yield
    }) : () -> ()
    %dma_start3A = arith.constant 0 : i32
    %dma_start3A_28 = arith.constant 0 : i32
    %dma_start3A_29 = tpu.memref_slice %arg11[%dma_start3A, %dma_start3A_28] : memref<50176x32xf32, #tpu.memory_space<vmem_shared>> -> memref<50176x32xf32, #tpu.memory_space<vmem_shared>>
    tpu.enqueue_indirect_dma source(%arg10 : memref<440x32xf32, #tpu.memory_space<vmem>>) target(%dma_start3A_29 : memref<50176x32xf32, #tpu.memory_space<vmem_shared>>) offsets(%arg5 : memref<440xi32, #tpu.memory_space<vmem>>) semaphore(%arg12 : memref<!tpu.dma_semaphore, #tpu.memory_space<semaphore_mem>>) {add = true}
    %add3A_30 = arith.constant 440 : i32
    %add3A_31 = arith.addi %add3A_25, %add3A_30 : i32
    %run_scoped3A_32 = arith.constant 1 : i32
    "tpu.region"() ({
      %run_scoped3A_98 = tpu.sem_alloc : memref<!tpu.dma_semaphore, #tpu.memory_space<semaphore_mem>>
      %dma_start3A_99 = tpu.memref_slice %arg2[%run_scoped3A_32, %add3A_31] : memref<2x1600000xi32, #tpu.memory_space<hbm>> -> memref<1x440xi32, #tpu.memory_space<hbm>>
      %dma_start3A_100 = tpu.memref_squeeze %dma_start3A_99 : memref<1x440xi32, #tpu.memory_space<hbm>> -> memref<440xi32, #tpu.memory_space<hbm>>
      %dma_start3A_101 = tpu.memref_slice %arg2[%run_scoped3A_32, %add3A_31] : memref<2x1600000xi32, #tpu.memory_space<hbm>> -> memref<1x440xi32, #tpu.memory_space<hbm>>
      %dma_start3A_102 = tpu.memref_squeeze %dma_start3A_101 : memref<1x440xi32, #tpu.memory_space<hbm>> -> memref<440xi32, #tpu.memory_space<hbm>>
      tpu.enqueue_dma source(%dma_start3A_102 : memref<440xi32, #tpu.memory_space<hbm>>) target(%arg6 : memref<440xi32, #tpu.memory_space<vmem>>) target_semaphore(%run_scoped3A_98 : memref<!tpu.dma_semaphore, #tpu.memory_space<semaphore_mem>>)
      %dma_wait3A_103 = tpu.memref_slice %arg2[%run_scoped3A_32, %add3A_31] : memref<2x1600000xi32, #tpu.memory_space<hbm>> -> memref<1x440xi32, #tpu.memory_space<hbm>>
      %dma_wait3A_104 = tpu.memref_squeeze %dma_wait3A_103 : memref<1x440xi32, #tpu.memory_space<hbm>> -> memref<440xi32, #tpu.memory_space<hbm>>
      %dma_wait3A_105 = tpu.memref_slice %arg2[%run_scoped3A_32, %add3A_31] : memref<2x1600000xi32, #tpu.memory_space<hbm>> -> memref<1x440xi32, #tpu.memory_space<hbm>>
      %dma_wait3A_106 = tpu.memref_squeeze %dma_wait3A_105 : memref<1x440xi32, #tpu.memory_space<hbm>> -> memref<440xi32, #tpu.memory_space<hbm>>
      tpu.wait_dma2 semaphore(%run_scoped3A_98 : memref<!tpu.dma_semaphore, #tpu.memory_space<semaphore_mem>>) src(%dma_wait3A_106 : memref<440xi32, #tpu.memory_space<hbm>>) dst(%arg6 : memref<440xi32, #tpu.memory_space<vmem>>)
      tpu.yield
    }) : () -> ()
    %dma_start3A_33 = arith.constant 0 : i32
    %dma_start3A_34 = arith.constant 0 : i32
    %dma_start3A_35 = tpu.memref_slice %arg11[%dma_start3A_33, %dma_start3A_34] : memref<50176x32xf32, #tpu.memory_space<vmem_shared>> -> memref<50176x32xf32, #tpu.memory_space<vmem_shared>>
    tpu.enqueue_indirect_dma source(%arg10 : memref<440x32xf32, #tpu.memory_space<vmem>>) target(%dma_start3A_35 : memref<50176x32xf32, #tpu.memory_space<vmem_shared>>) offsets(%arg6 : memref<440xi32, #tpu.memory_space<vmem>>) semaphore(%arg13 : memref<!tpu.dma_semaphore, #tpu.memory_space<semaphore_mem>>) {add = true}
    %add3A_36 = arith.constant 880 : i32
    %add3A_37 = arith.addi %add3A_25, %add3A_36 : i32
    %run_scoped3A_38 = arith.constant 1 : i32
    "tpu.region"() ({
      %run_scoped3A_98 = tpu.sem_alloc : memref<!tpu.dma_semaphore, #tpu.memory_space<semaphore_mem>>
      %dma_start3A_99 = tpu.memref_slice %arg2[%run_scoped3A_38, %add3A_37] : memref<2x1600000xi32, #tpu.memory_space<hbm>> -> memref<1x440xi32, #tpu.memory_space<hbm>>
      %dma_start3A_100 = tpu.memref_squeeze %dma_start3A_99 : memref<1x440xi32, #tpu.memory_space<hbm>> -> memref<440xi32, #tpu.memory_space<hbm>>
      %dma_start3A_101 = tpu.memref_slice %arg2[%run_scoped3A_38, %add3A_37] : memref<2x1600000xi32, #tpu.memory_space<hbm>> -> memref<1x440xi32, #tpu.memory_space<hbm>>
      %dma_start3A_102 = tpu.memref_squeeze %dma_start3A_101 : memref<1x440xi32, #tpu.memory_space<hbm>> -> memref<440xi32, #tpu.memory_space<hbm>>
      tpu.enqueue_dma source(%dma_start3A_102 : memref<440xi32, #tpu.memory_space<hbm>>) target(%arg7 : memref<440xi32, #tpu.memory_space<vmem>>) target_semaphore(%run_scoped3A_98 : memref<!tpu.dma_semaphore, #tpu.memory_space<semaphore_mem>>)
      %dma_wait3A_103 = tpu.memref_slice %arg2[%run_scoped3A_38, %add3A_37] : memref<2x1600000xi32, #tpu.memory_space<hbm>> -> memref<1x440xi32, #tpu.memory_space<hbm>>
      %dma_wait3A_104 = tpu.memref_squeeze %dma_wait3A_103 : memref<1x440xi32, #tpu.memory_space<hbm>> -> memref<440xi32, #tpu.memory_space<hbm>>
      %dma_wait3A_105 = tpu.memref_slice %arg2[%run_scoped3A_38, %add3A_37] : memref<2x1600000xi32, #tpu.memory_space<hbm>> -> memref<1x440xi32, #tpu.memory_space<hbm>>
      %dma_wait3A_106 = tpu.memref_squeeze %dma_wait3A_105 : memref<1x440xi32, #tpu.memory_space<hbm>> -> memref<440xi32, #tpu.memory_space<hbm>>
      tpu.wait_dma2 semaphore(%run_scoped3A_98 : memref<!tpu.dma_semaphore, #tpu.memory_space<semaphore_mem>>) src(%dma_wait3A_106 : memref<440xi32, #tpu.memory_space<hbm>>) dst(%arg7 : memref<440xi32, #tpu.memory_space<vmem>>)
      tpu.yield
    }) : () -> ()
    %dma_start3A_39 = arith.constant 0 : i32
    %dma_start3A_40 = arith.constant 0 : i32
    %dma_start3A_41 = tpu.memref_slice %arg11[%dma_start3A_39, %dma_start3A_40] : memref<50176x32xf32, #tpu.memory_space<vmem_shared>> -> memref<50176x32xf32, #tpu.memory_space<vmem_shared>>
    tpu.enqueue_indirect_dma source(%arg10 : memref<440x32xf32, #tpu.memory_space<vmem>>) target(%dma_start3A_41 : memref<50176x32xf32, #tpu.memory_space<vmem_shared>>) offsets(%arg7 : memref<440xi32, #tpu.memory_space<vmem>>) semaphore(%arg14 : memref<!tpu.dma_semaphore, #tpu.memory_space<semaphore_mem>>) {add = true}
    %add3A_42 = arith.constant 1320 : i32
    %add3A_43 = arith.addi %add3A_25, %add3A_42 : i32
    %run_scoped3A_44 = arith.constant 1 : i32
    "tpu.region"() ({
      %run_scoped3A_98 = tpu.sem_alloc : memref<!tpu.dma_semaphore, #tpu.memory_space<semaphore_mem>>
      %dma_start3A_99 = tpu.memref_slice %arg2[%run_scoped3A_44, %add3A_43] : memref<2x1600000xi32, #tpu.memory_space<hbm>> -> memref<1x440xi32, #tpu.memory_space<hbm>>
      %dma_start3A_100 = tpu.memref_squeeze %dma_start3A_99 : memref<1x440xi32, #tpu.memory_space<hbm>> -> memref<440xi32, #tpu.memory_space<hbm>>
      %dma_start3A_101 = tpu.memref_slice %arg2[%run_scoped3A_44, %add3A_43] : memref<2x1600000xi32, #tpu.memory_space<hbm>> -> memref<1x440xi32, #tpu.memory_space<hbm>>
      %dma_start3A_102 = tpu.memref_squeeze %dma_start3A_101 : memref<1x440xi32, #tpu.memory_space<hbm>> -> memref<440xi32, #tpu.memory_space<hbm>>
      tpu.enqueue_dma source(%dma_start3A_102 : memref<440xi32, #tpu.memory_space<hbm>>) target(%arg8 : memref<440xi32, #tpu.memory_space<vmem>>) target_semaphore(%run_scoped3A_98 : memref<!tpu.dma_semaphore, #tpu.memory_space<semaphore_mem>>)
      %dma_wait3A_103 = tpu.memref_slice %arg2[%run_scoped3A_44, %add3A_43] : memref<2x1600000xi32, #tpu.memory_space<hbm>> -> memref<1x440xi32, #tpu.memory_space<hbm>>
      %dma_wait3A_104 = tpu.memref_squeeze %dma_wait3A_103 : memref<1x440xi32, #tpu.memory_space<hbm>> -> memref<440xi32, #tpu.memory_space<hbm>>
      %dma_wait3A_105 = tpu.memref_slice %arg2[%run_scoped3A_44, %add3A_43] : memref<2x1600000xi32, #tpu.memory_space<hbm>> -> memref<1x440xi32, #tpu.memory_space<hbm>>
      %dma_wait3A_106 = tpu.memref_squeeze %dma_wait3A_105 : memref<1x440xi32, #tpu.memory_space<hbm>> -> memref<440xi32, #tpu.memory_space<hbm>>
      tpu.wait_dma2 semaphore(%run_scoped3A_98 : memref<!tpu.dma_semaphore, #tpu.memory_space<semaphore_mem>>) src(%dma_wait3A_106 : memref<440xi32, #tpu.memory_space<hbm>>) dst(%arg8 : memref<440xi32, #tpu.memory_space<vmem>>)
      tpu.yield
    }) : () -> ()
    %dma_start3A_45 = arith.constant 0 : i32
    %dma_start3A_46 = arith.constant 0 : i32
    %dma_start3A_47 = tpu.memref_slice %arg11[%dma_start3A_45, %dma_start3A_46] : memref<50176x32xf32, #tpu.memory_space<vmem_shared>> -> memref<50176x32xf32, #tpu.memory_space<vmem_shared>>
    tpu.enqueue_indirect_dma source(%arg10 : memref<440x32xf32, #tpu.memory_space<vmem>>) target(%dma_start3A_47 : memref<50176x32xf32, #tpu.memory_space<vmem_shared>>) offsets(%arg8 : memref<440xi32, #tpu.memory_space<vmem>>) semaphore(%arg15 : memref<!tpu.dma_semaphore, #tpu.memory_space<semaphore_mem>>) {add = true}
    %scan3A_48 = arith.constant 0 : i32
    %scan3A_49 = arith.constant 27 : i32
    %scan3A_50 = arith.addi %scan3A_48, %scan3A_49 : i32
    %scan3A_51 = arith.constant 1 : i32
    scf.for %scan3A_98 = %scan3A_48 to %scan3A_50 step %scan3A_51  : i32 {
      %mul3A_99 = arith.constant 1 : i32
      %mul3A_100 = arith.muli %scan3A_98, %mul3A_99 : i32
      %add3A_101 = arith.constant 1 : i32
      %add3A_102 = arith.addi %add3A_101, %mul3A_100 : i32
      %mul3A_103 = arith.constant 4 : i32
      %mul3A_104 = arith.muli %add3A_102, %mul3A_103 : i32
      %mul3A_105 = arith.constant 440 : i32
      %mul3A_106 = arith.muli %mul3A_104, %mul3A_105 : i32
      %add3A_107 = arith.addi %mul3A_23, %mul3A_106 : i32
      %add3A_108 = arith.constant 0 : i32
      %add3A_109 = arith.addi %add3A_107, %add3A_108 : i32
      %dma_wait3A_110 = arith.constant 0 : i32
      %dma_wait3A_111 = arith.constant 0 : i32
      %dma_wait3A_112 = tpu.memref_slice %arg11[%dma_wait3A_110, %dma_wait3A_111] : memref<50176x32xf32, #tpu.memory_space<vmem_shared>> -> memref<50176x32xf32, #tpu.memory_space<vmem_shared>>
      tpu.wait_indirect_dma semaphore(%arg12 : memref<!tpu.dma_semaphore, #tpu.memory_space<semaphore_mem>>) src(%arg10 : memref<440x32xf32, #tpu.memory_space<vmem>>) dst(%dma_wait3A_112 : memref<50176x32xf32, #tpu.memory_space<vmem_shared>>)
      %run_scoped3A_113 = arith.constant 1 : i32
      "tpu.region"() ({
        %run_scoped3A_144 = tpu.sem_alloc : memref<!tpu.dma_semaphore, #tpu.memory_space<semaphore_mem>>
        %dma_start3A_145 = tpu.memref_slice %arg2[%run_scoped3A_113, %add3A_109] : memref<2x1600000xi32, #tpu.memory_space<hbm>> -> memref<1x440xi32, #tpu.memory_space<hbm>>
        %dma_start3A_146 = tpu.memref_squeeze %dma_start3A_145 : memref<1x440xi32, #tpu.memory_space<hbm>> -> memref<440xi32, #tpu.memory_space<hbm>>
        %dma_start3A_147 = tpu.memref_slice %arg2[%run_scoped3A_113, %add3A_109] : memref<2x1600000xi32, #tpu.memory_space<hbm>> -> memref<1x440xi32, #tpu.memory_space<hbm>>
        %dma_start3A_148 = tpu.memref_squeeze %dma_start3A_147 : memref<1x440xi32, #tpu.memory_space<hbm>> -> memref<440xi32, #tpu.memory_space<hbm>>
        tpu.enqueue_dma source(%dma_start3A_148 : memref<440xi32, #tpu.memory_space<hbm>>) target(%arg5 : memref<440xi32, #tpu.memory_space<vmem>>) target_semaphore(%run_scoped3A_144 : memref<!tpu.dma_semaphore, #tpu.memory_space<semaphore_mem>>)
        %dma_wait3A_149 = tpu.memref_slice %arg2[%run_scoped3A_113, %add3A_109] : memref<2x1600000xi32, #tpu.memory_space<hbm>> -> memref<1x440xi32, #tpu.memory_space<hbm>>
        %dma_wait3A_150 = tpu.memref_squeeze %dma_wait3A_149 : memref<1x440xi32, #tpu.memory_space<hbm>> -> memref<440xi32, #tpu.memory_space<hbm>>
        %dma_wait3A_151 = tpu.memref_slice %arg2[%run_scoped3A_113, %add3A_109] : memref<2x1600000xi32, #tpu.memory_space<hbm>> -> memref<1x440xi32, #tpu.memory_space<hbm>>
        %dma_wait3A_152 = tpu.memref_squeeze %dma_wait3A_151 : memref<1x440xi32, #tpu.memory_space<hbm>> -> memref<440xi32, #tpu.memory_space<hbm>>
        tpu.wait_dma2 semaphore(%run_scoped3A_144 : memref<!tpu.dma_semaphore, #tpu.memory_space<semaphore_mem>>) src(%dma_wait3A_152 : memref<440xi32, #tpu.memory_space<hbm>>) dst(%arg5 : memref<440xi32, #tpu.memory_space<vmem>>)
        tpu.yield
      }) : () -> ()
      %dma_start3A_114 = arith.constant 0 : i32
      %dma_start3A_115 = arith.constant 0 : i32
      %dma_start3A_116 = tpu.memref_slice %arg11[%dma_start3A_114, %dma_start3A_115] : memref<50176x32xf32, #tpu.memory_space<vmem_shared>> -> memref<50176x32xf32, #tpu.memory_space<vmem_shared>>
      tpu.enqueue_indirect_dma source(%arg10 : memref<440x32xf32, #tpu.memory_space<vmem>>) target(%dma_start3A_116 : memref<50176x32xf32, #tpu.memory_space<vmem_shared>>) offsets(%arg5 : memref<440xi32, #tpu.memory_space<vmem>>) semaphore(%arg12 : memref<!tpu.dma_semaphore, #tpu.memory_space<semaphore_mem>>) {add = true}
      %add3A_117 = arith.constant 440 : i32
      %add3A_118 = arith.addi %add3A_107, %add3A_117 : i32
      %dma_wait3A_119 = arith.constant 0 : i32
      %dma_wait3A_120 = arith.constant 0 : i32
      %dma_wait3A_121 = tpu.memref_slice %arg11[%dma_wait3A_119, %dma_wait3A_120] : memref<50176x32xf32, #tpu.memory_space<vmem_shared>> -> memref<50176x32xf32, #tpu.memory_space<vmem_shared>>
      tpu.wait_indirect_dma semaphore(%arg13 : memref<!tpu.dma_semaphore, #tpu.memory_space<semaphore_mem>>) src(%arg10 : memref<440x32xf32, #tpu.memory_space<vmem>>) dst(%dma_wait3A_121 : memref<50176x32xf32, #tpu.memory_space<vmem_shared>>)
      %run_scoped3A_122 = arith.constant 1 : i32
      "tpu.region"() ({
        %run_scoped3A_144 = tpu.sem_alloc : memref<!tpu.dma_semaphore, #tpu.memory_space<semaphore_mem>>
        %dma_start3A_145 = tpu.memref_slice %arg2[%run_scoped3A_122, %add3A_118] : memref<2x1600000xi32, #tpu.memory_space<hbm>> -> memref<1x440xi32, #tpu.memory_space<hbm>>
        %dma_start3A_146 = tpu.memref_squeeze %dma_start3A_145 : memref<1x440xi32, #tpu.memory_space<hbm>> -> memref<440xi32, #tpu.memory_space<hbm>>
        %dma_start3A_147 = tpu.memref_slice %arg2[%run_scoped3A_122, %add3A_118] : memref<2x1600000xi32, #tpu.memory_space<hbm>> -> memref<1x440xi32, #tpu.memory_space<hbm>>
        %dma_start3A_148 = tpu.memref_squeeze %dma_start3A_147 : memref<1x440xi32, #tpu.memory_space<hbm>> -> memref<440xi32, #tpu.memory_space<hbm>>
        tpu.enqueue_dma source(%dma_start3A_148 : memref<440xi32, #tpu.memory_space<hbm>>) target(%arg6 : memref<440xi32, #tpu.memory_space<vmem>>) target_semaphore(%run_scoped3A_144 : memref<!tpu.dma_semaphore, #tpu.memory_space<semaphore_mem>>)
        %dma_wait3A_149 = tpu.memref_slice %arg2[%run_scoped3A_122, %add3A_118] : memref<2x1600000xi32, #tpu.memory_space<hbm>> -> memref<1x440xi32, #tpu.memory_space<hbm>>
        %dma_wait3A_150 = tpu.memref_squeeze %dma_wait3A_149 : memref<1x440xi32, #tpu.memory_space<hbm>> -> memref<440xi32, #tpu.memory_space<hbm>>
        %dma_wait3A_151 = tpu.memref_slice %arg2[%run_scoped3A_122, %add3A_118] : memref<2x1600000xi32, #tpu.memory_space<hbm>> -> memref<1x440xi32, #tpu.memory_space<hbm>>
        %dma_wait3A_152 = tpu.memref_squeeze %dma_wait3A_151 : memref<1x440xi32, #tpu.memory_space<hbm>> -> memref<440xi32, #tpu.memory_space<hbm>>
        tpu.wait_dma2 semaphore(%run_scoped3A_144 : memref<!tpu.dma_semaphore, #tpu.memory_space<semaphore_mem>>) src(%dma_wait3A_152 : memref<440xi32, #tpu.memory_space<hbm>>) dst(%arg6 : memref<440xi32, #tpu.memory_space<vmem>>)
        tpu.yield
      }) : () -> ()
      %dma_start3A_123 = arith.constant 0 : i32
      %dma_start3A_124 = arith.constant 0 : i32
      %dma_start3A_125 = tpu.memref_slice %arg11[%dma_start3A_123, %dma_start3A_124] : memref<50176x32xf32, #tpu.memory_space<vmem_shared>> -> memref<50176x32xf32, #tpu.memory_space<vmem_shared>>
      tpu.enqueue_indirect_dma source(%arg10 : memref<440x32xf32, #tpu.memory_space<vmem>>) target(%dma_start3A_125 : memref<50176x32xf32, #tpu.memory_space<vmem_shared>>) offsets(%arg6 : memref<440xi32, #tpu.memory_space<vmem>>) semaphore(%arg13 : memref<!tpu.dma_semaphore, #tpu.memory_space<semaphore_mem>>) {add = true}
      %add3A_126 = arith.constant 880 : i32
      %add3A_127 = arith.addi %add3A_107, %add3A_126 : i32
      %dma_wait3A_128 = arith.constant 0 : i32
      %dma_wait3A_129 = arith.constant 0 : i32
      %dma_wait3A_130 = tpu.memref_slice %arg11[%dma_wait3A_128, %dma_wait3A_129] : memref<50176x32xf32, #tpu.memory_space<vmem_shared>> -> memref<50176x32xf32, #tpu.memory_space<vmem_shared>>
      tpu.wait_indirect_dma semaphore(%arg14 : memref<!tpu.dma_semaphore, #tpu.memory_space<semaphore_mem>>) src(%arg10 : memref<440x32xf32, #tpu.memory_space<vmem>>) dst(%dma_wait3A_130 : memref<50176x32xf32, #tpu.memory_space<vmem_shared>>)
      %run_scoped3A_131 = arith.constant 1 : i32
      "tpu.region"() ({
        %run_scoped3A_144 = tpu.sem_alloc : memref<!tpu.dma_semaphore, #tpu.memory_space<semaphore_mem>>
        %dma_start3A_145 = tpu.memref_slice %arg2[%run_scoped3A_131, %add3A_127] : memref<2x1600000xi32, #tpu.memory_space<hbm>> -> memref<1x440xi32, #tpu.memory_space<hbm>>
        %dma_start3A_146 = tpu.memref_squeeze %dma_start3A_145 : memref<1x440xi32, #tpu.memory_space<hbm>> -> memref<440xi32, #tpu.memory_space<hbm>>
        %dma_start3A_147 = tpu.memref_slice %arg2[%run_scoped3A_131, %add3A_127] : memref<2x1600000xi32, #tpu.memory_space<hbm>> -> memref<1x440xi32, #tpu.memory_space<hbm>>
        %dma_start3A_148 = tpu.memref_squeeze %dma_start3A_147 : memref<1x440xi32, #tpu.memory_space<hbm>> -> memref<440xi32, #tpu.memory_space<hbm>>
        tpu.enqueue_dma source(%dma_start3A_148 : memref<440xi32, #tpu.memory_space<hbm>>) target(%arg7 : memref<440xi32, #tpu.memory_space<vmem>>) target_semaphore(%run_scoped3A_144 : memref<!tpu.dma_semaphore, #tpu.memory_space<semaphore_mem>>)
        %dma_wait3A_149 = tpu.memref_slice %arg2[%run_scoped3A_131, %add3A_127] : memref<2x1600000xi32, #tpu.memory_space<hbm>> -> memref<1x440xi32, #tpu.memory_space<hbm>>
        %dma_wait3A_150 = tpu.memref_squeeze %dma_wait3A_149 : memref<1x440xi32, #tpu.memory_space<hbm>> -> memref<440xi32, #tpu.memory_space<hbm>>
        %dma_wait3A_151 = tpu.memref_slice %arg2[%run_scoped3A_131, %add3A_127] : memref<2x1600000xi32, #tpu.memory_space<hbm>> -> memref<1x440xi32, #tpu.memory_space<hbm>>
        %dma_wait3A_152 = tpu.memref_squeeze %dma_wait3A_151 : memref<1x440xi32, #tpu.memory_space<hbm>> -> memref<440xi32, #tpu.memory_space<hbm>>
        tpu.wait_dma2 semaphore(%run_scoped3A_144 : memref<!tpu.dma_semaphore, #tpu.memory_space<semaphore_mem>>) src(%dma_wait3A_152 : memref<440xi32, #tpu.memory_space<hbm>>) dst(%arg7 : memref<440xi32, #tpu.memory_space<vmem>>)
        tpu.yield
      }) : () -> ()
      %dma_start3A_132 = arith.constant 0 : i32
      %dma_start3A_133 = arith.constant 0 : i32
      %dma_start3A_134 = tpu.memref_slice %arg11[%dma_start3A_132, %dma_start3A_133] : memref<50176x32xf32, #tpu.memory_space<vmem_shared>> -> memref<50176x32xf32, #tpu.memory_space<vmem_shared>>
      tpu.enqueue_indirect_dma source(%arg10 : memref<440x32xf32, #tpu.memory_space<vmem>>) target(%dma_start3A_134 : memref<50176x32xf32, #tpu.memory_space<vmem_shared>>) offsets(%arg7 : memref<440xi32, #tpu.memory_space<vmem>>) semaphore(%arg14 : memref<!tpu.dma_semaphore, #tpu.memory_space<semaphore_mem>>) {add = true}
      %add3A_135 = arith.constant 1320 : i32
      %add3A_136 = arith.addi %add3A_107, %add3A_135 : i32
      %dma_wait3A_137 = arith.constant 0 : i32
      %dma_wait3A_138 = arith.constant 0 : i32
      %dma_wait3A_139 = tpu.memref_slice %arg11[%dma_wait3A_137, %dma_wait3A_138] : memref<50176x32xf32, #tpu.memory_space<vmem_shared>> -> memref<50176x32xf32, #tpu.memory_space<vmem_shared>>
      tpu.wait_indirect_dma semaphore(%arg15 : memref<!tpu.dma_semaphore, #tpu.memory_space<semaphore_mem>>) src(%arg10 : memref<440x32xf32, #tpu.memory_space<vmem>>) dst(%dma_wait3A_139 : memref<50176x32xf32, #tpu.memory_space<vmem_shared>>)
      %run_scoped3A_140 = arith.constant 1 : i32
      "tpu.region"() ({
        %run_scoped3A_144 = tpu.sem_alloc : memref<!tpu.dma_semaphore, #tpu.memory_space<semaphore_mem>>
        %dma_start3A_145 = tpu.memref_slice %arg2[%run_scoped3A_140, %add3A_136] : memref<2x1600000xi32, #tpu.memory_space<hbm>> -> memref<1x440xi32, #tpu.memory_space<hbm>>
        %dma_start3A_146 = tpu.memref_squeeze %dma_start3A_145 : memref<1x440xi32, #tpu.memory_space<hbm>> -> memref<440xi32, #tpu.memory_space<hbm>>
        %dma_start3A_147 = tpu.memref_slice %arg2[%run_scoped3A_140, %add3A_136] : memref<2x1600000xi32, #tpu.memory_space<hbm>> -> memref<1x440xi32, #tpu.memory_space<hbm>>
        %dma_start3A_148 = tpu.memref_squeeze %dma_start3A_147 : memref<1x440xi32, #tpu.memory_space<hbm>> -> memref<440xi32, #tpu.memory_space<hbm>>
        tpu.enqueue_dma source(%dma_start3A_148 : memref<440xi32, #tpu.memory_space<hbm>>) target(%arg8 : memref<440xi32, #tpu.memory_space<vmem>>) target_semaphore(%run_scoped3A_144 : memref<!tpu.dma_semaphore, #tpu.memory_space<semaphore_mem>>)
        %dma_wait3A_149 = tpu.memref_slice %arg2[%run_scoped3A_140, %add3A_136] : memref<2x1600000xi32, #tpu.memory_space<hbm>> -> memref<1x440xi32, #tpu.memory_space<hbm>>
        %dma_wait3A_150 = tpu.memref_squeeze %dma_wait3A_149 : memref<1x440xi32, #tpu.memory_space<hbm>> -> memref<440xi32, #tpu.memory_space<hbm>>
        %dma_wait3A_151 = tpu.memref_slice %arg2[%run_scoped3A_140, %add3A_136] : memref<2x1600000xi32, #tpu.memory_space<hbm>> -> memref<1x440xi32, #tpu.memory_space<hbm>>
        %dma_wait3A_152 = tpu.memref_squeeze %dma_wait3A_151 : memref<1x440xi32, #tpu.memory_space<hbm>> -> memref<440xi32, #tpu.memory_space<hbm>>
        tpu.wait_dma2 semaphore(%run_scoped3A_144 : memref<!tpu.dma_semaphore, #tpu.memory_space<semaphore_mem>>) src(%dma_wait3A_152 : memref<440xi32, #tpu.memory_space<hbm>>) dst(%arg8 : memref<440xi32, #tpu.memory_space<vmem>>)
        tpu.yield
      }) : () -> ()
      %dma_start3A_141 = arith.constant 0 : i32
      %dma_start3A_142 = arith.constant 0 : i32
      %dma_start3A_143 = tpu.memref_slice %arg11[%dma_start3A_141, %dma_start3A_142] : memref<50176x32xf32, #tpu.memory_space<vmem_shared>> -> memref<50176x32xf32, #tpu.memory_space<vmem_shared>>
      tpu.enqueue_indirect_dma source(%arg10 : memref<440x32xf32, #tpu.memory_space<vmem>>) target(%dma_start3A_143 : memref<50176x32xf32, #tpu.memory_space<vmem_shared>>) offsets(%arg8 : memref<440xi32, #tpu.memory_space<vmem>>) semaphore(%arg15 : memref<!tpu.dma_semaphore, #tpu.memory_space<semaphore_mem>>) {add = true}
    }
    %scan3A_52 = arith.constant 27 : i32
    %add3A_53 = arith.constant 49280 : i32
    %add3A_54 = arith.addi %mul3A_23, %add3A_53 : i32
    %add3A_55 = arith.constant 0 : i32
    %add3A_56 = arith.addi %add3A_54, %add3A_55 : i32
    %dma_wait3A = arith.constant 0 : i32
    %dma_wait3A_57 = arith.constant 0 : i32
    %dma_wait3A_58 = tpu.memref_slice %arg11[%dma_wait3A, %dma_wait3A_57] : memref<50176x32xf32, #tpu.memory_space<vmem_shared>> -> memref<50176x32xf32, #tpu.memory_space<vmem_shared>>
    tpu.wait_indirect_dma semaphore(%arg12 : memref<!tpu.dma_semaphore, #tpu.memory_space<semaphore_mem>>) src(%arg10 : memref<440x32xf32, #tpu.memory_space<vmem>>) dst(%dma_wait3A_58 : memref<50176x32xf32, #tpu.memory_space<vmem_shared>>)
    %run_scoped3A_59 = arith.constant 1 : i32
    "tpu.region"() ({
      %run_scoped3A_98 = tpu.sem_alloc : memref<!tpu.dma_semaphore, #tpu.memory_space<semaphore_mem>>
      %dma_start3A_99 = tpu.memref_slice %arg2[%run_scoped3A_59, %add3A_56] : memref<2x1600000xi32, #tpu.memory_space<hbm>> -> memref<1x440xi32, #tpu.memory_space<hbm>>
      %dma_start3A_100 = tpu.memref_squeeze %dma_start3A_99 : memref<1x440xi32, #tpu.memory_space<hbm>> -> memref<440xi32, #tpu.memory_space<hbm>>
      %dma_start3A_101 = tpu.memref_slice %arg2[%run_scoped3A_59, %add3A_56] : memref<2x1600000xi32, #tpu.memory_space<hbm>> -> memref<1x440xi32, #tpu.memory_space<hbm>>
      %dma_start3A_102 = tpu.memref_squeeze %dma_start3A_101 : memref<1x440xi32, #tpu.memory_space<hbm>> -> memref<440xi32, #tpu.memory_space<hbm>>
      tpu.enqueue_dma source(%dma_start3A_102 : memref<440xi32, #tpu.memory_space<hbm>>) target(%arg5 : memref<440xi32, #tpu.memory_space<vmem>>) target_semaphore(%run_scoped3A_98 : memref<!tpu.dma_semaphore, #tpu.memory_space<semaphore_mem>>)
      %dma_wait3A_103 = tpu.memref_slice %arg2[%run_scoped3A_59, %add3A_56] : memref<2x1600000xi32, #tpu.memory_space<hbm>> -> memref<1x440xi32, #tpu.memory_space<hbm>>
      %dma_wait3A_104 = tpu.memref_squeeze %dma_wait3A_103 : memref<1x440xi32, #tpu.memory_space<hbm>> -> memref<440xi32, #tpu.memory_space<hbm>>
      %dma_wait3A_105 = tpu.memref_slice %arg2[%run_scoped3A_59, %add3A_56] : memref<2x1600000xi32, #tpu.memory_space<hbm>> -> memref<1x440xi32, #tpu.memory_space<hbm>>
      %dma_wait3A_106 = tpu.memref_squeeze %dma_wait3A_105 : memref<1x440xi32, #tpu.memory_space<hbm>> -> memref<440xi32, #tpu.memory_space<hbm>>
      tpu.wait_dma2 semaphore(%run_scoped3A_98 : memref<!tpu.dma_semaphore, #tpu.memory_space<semaphore_mem>>) src(%dma_wait3A_106 : memref<440xi32, #tpu.memory_space<hbm>>) dst(%arg5 : memref<440xi32, #tpu.memory_space<vmem>>)
      tpu.yield
    }) : () -> ()
    %dma_start3A_60 = arith.constant 0 : i32
    %dma_start3A_61 = arith.constant 0 : i32
    %dma_start3A_62 = tpu.memref_slice %arg11[%dma_start3A_60, %dma_start3A_61] : memref<50176x32xf32, #tpu.memory_space<vmem_shared>> -> memref<50176x32xf32, #tpu.memory_space<vmem_shared>>
    tpu.enqueue_indirect_dma source(%arg10 : memref<440x32xf32, #tpu.memory_space<vmem>>) target(%dma_start3A_62 : memref<50176x32xf32, #tpu.memory_space<vmem_shared>>) offsets(%arg5 : memref<440xi32, #tpu.memory_space<vmem>>) semaphore(%arg12 : memref<!tpu.dma_semaphore, #tpu.memory_space<semaphore_mem>>) {add = true}
    %add3A_63 = arith.constant 440 : i32
    %add3A_64 = arith.addi %add3A_54, %add3A_63 : i32
    %run_scoped3A_65 = arith.constant 1 : i32
    "tpu.region"() ({
      %run_scoped3A_98 = tpu.sem_alloc : memref<!tpu.dma_semaphore, #tpu.memory_space<semaphore_mem>>
      %dma_start3A_99 = tpu.memref_slice %arg2[%run_scoped3A_65, %add3A_64] : memref<2x1600000xi32, #tpu.memory_space<hbm>> -> memref<1x280xi32, #tpu.memory_space<hbm>>
      %dma_start3A_100 = tpu.memref_squeeze %dma_start3A_99 : memref<1x280xi32, #tpu.memory_space<hbm>> -> memref<280xi32, #tpu.memory_space<hbm>>
      %dma_start3A_101 = tpu.memref_slice %arg2[%run_scoped3A_65, %add3A_64] : memref<2x1600000xi32, #tpu.memory_space<hbm>> -> memref<1x280xi32, #tpu.memory_space<hbm>>
      %dma_start3A_102 = tpu.memref_squeeze %dma_start3A_101 : memref<1x280xi32, #tpu.memory_space<hbm>> -> memref<280xi32, #tpu.memory_space<hbm>>
      tpu.enqueue_dma source(%dma_start3A_102 : memref<280xi32, #tpu.memory_space<hbm>>) target(%arg9 : memref<280xi32, #tpu.memory_space<vmem>>) target_semaphore(%run_scoped3A_98 : memref<!tpu.dma_semaphore, #tpu.memory_space<semaphore_mem>>)
      %dma_wait3A_103 = tpu.memref_slice %arg2[%run_scoped3A_65, %add3A_64] : memref<2x1600000xi32, #tpu.memory_space<hbm>> -> memref<1x280xi32, #tpu.memory_space<hbm>>
      %dma_wait3A_104 = tpu.memref_squeeze %dma_wait3A_103 : memref<1x280xi32, #tpu.memory_space<hbm>> -> memref<280xi32, #tpu.memory_space<hbm>>
      %dma_wait3A_105 = tpu.memref_slice %arg2[%run_scoped3A_65, %add3A_64] : memref<2x1600000xi32, #tpu.memory_space<hbm>> -> memref<1x280xi32, #tpu.memory_space<hbm>>
      %dma_wait3A_106 = tpu.memref_squeeze %dma_wait3A_105 : memref<1x280xi32, #tpu.memory_space<hbm>> -> memref<280xi32, #tpu.memory_space<hbm>>
      tpu.wait_dma2 semaphore(%run_scoped3A_98 : memref<!tpu.dma_semaphore, #tpu.memory_space<semaphore_mem>>) src(%dma_wait3A_106 : memref<280xi32, #tpu.memory_space<hbm>>) dst(%arg9 : memref<280xi32, #tpu.memory_space<vmem>>)
      tpu.yield
    }) : () -> ()
    %dma_wait3A_66 = arith.constant 0 : i32
    %dma_wait3A_67 = arith.constant 0 : i32
    %dma_wait3A_68 = tpu.memref_slice %arg11[%dma_wait3A_66, %dma_wait3A_67] : memref<50176x32xf32, #tpu.memory_space<vmem_shared>> -> memref<50176x32xf32, #tpu.memory_space<vmem_shared>>
    tpu.wait_indirect_dma semaphore(%arg13 : memref<!tpu.dma_semaphore, #tpu.memory_space<semaphore_mem>>) src(%arg10 : memref<440x32xf32, #tpu.memory_space<vmem>>) dst(%dma_wait3A_68 : memref<50176x32xf32, #tpu.memory_space<vmem_shared>>)
    %dma_start3A_69 = arith.constant 0 : i32
    %dma_start3A_70 = arith.constant 0 : i32
    %dma_start3A_71 = tpu.memref_slice %arg10[%dma_start3A_69, %dma_start3A_70] : memref<440x32xf32, #tpu.memory_space<vmem>> -> memref<280x32xf32, #tpu.memory_space<vmem>>
    %dma_start3A_72 = arith.constant 0 : i32
    %dma_start3A_73 = arith.constant 0 : i32
    %dma_start3A_74 = tpu.memref_slice %arg11[%dma_start3A_72, %dma_start3A_73] : memref<50176x32xf32, #tpu.memory_space<vmem_shared>> -> memref<50176x32xf32, #tpu.memory_space<vmem_shared>>
    tpu.enqueue_indirect_dma source(%dma_start3A_71 : memref<280x32xf32, #tpu.memory_space<vmem>>) target(%dma_start3A_74 : memref<50176x32xf32, #tpu.memory_space<vmem_shared>>) offsets(%arg9 : memref<280xi32, #tpu.memory_space<vmem>>) semaphore(%arg13 : memref<!tpu.dma_semaphore, #tpu.memory_space<semaphore_mem>>) {add = true}
    %dma_wait3A_75 = arith.constant 0 : i32
    %dma_wait3A_76 = arith.constant 0 : i32
    %dma_wait3A_77 = tpu.memref_slice %arg11[%dma_wait3A_75, %dma_wait3A_76] : memref<50176x32xf32, #tpu.memory_space<vmem_shared>> -> memref<50176x32xf32, #tpu.memory_space<vmem_shared>>
    tpu.wait_indirect_dma semaphore(%arg12 : memref<!tpu.dma_semaphore, #tpu.memory_space<semaphore_mem>>) src(%arg10 : memref<440x32xf32, #tpu.memory_space<vmem>>) dst(%dma_wait3A_77 : memref<50176x32xf32, #tpu.memory_space<vmem_shared>>)
    %dma_wait3A_78 = arith.constant 0 : i32
    %dma_wait3A_79 = arith.constant 0 : i32
    %dma_wait3A_80 = tpu.memref_slice %arg10[%dma_wait3A_78, %dma_wait3A_79] : memref<440x32xf32, #tpu.memory_space<vmem>> -> memref<280x32xf32, #tpu.memory_space<vmem>>
    %dma_wait3A_81 = arith.constant 0 : i32
    %dma_wait3A_82 = arith.constant 0 : i32
    %dma_wait3A_83 = tpu.memref_slice %arg11[%dma_wait3A_81, %dma_wait3A_82] : memref<50176x32xf32, #tpu.memory_space<vmem_shared>> -> memref<50176x32xf32, #tpu.memory_space<vmem_shared>>
    tpu.wait_indirect_dma semaphore(%arg13 : memref<!tpu.dma_semaphore, #tpu.memory_space<semaphore_mem>>) src(%dma_wait3A_80 : memref<280x32xf32, #tpu.memory_space<vmem>>) dst(%dma_wait3A_83 : memref<50176x32xf32, #tpu.memory_space<vmem_shared>>)
    %dma_wait3A_84 = arith.constant 0 : i32
    %dma_wait3A_85 = arith.constant 0 : i32
    %dma_wait3A_86 = tpu.memref_slice %arg11[%dma_wait3A_84, %dma_wait3A_85] : memref<50176x32xf32, #tpu.memory_space<vmem_shared>> -> memref<50176x32xf32, #tpu.memory_space<vmem_shared>>
    tpu.wait_indirect_dma semaphore(%arg14 : memref<!tpu.dma_semaphore, #tpu.memory_space<semaphore_mem>>) src(%arg10 : memref<440x32xf32, #tpu.memory_space<vmem>>) dst(%dma_wait3A_86 : memref<50176x32xf32, #tpu.memory_space<vmem_shared>>)
    %dma_wait3A_87 = arith.constant 0 : i32
    %dma_wait3A_88 = arith.constant 0 : i32
    %dma_wait3A_89 = tpu.memref_slice %arg11[%dma_wait3A_87, %dma_wait3A_88] : memref<50176x32xf32, #tpu.memory_space<vmem_shared>> -> memref<50176x32xf32, #tpu.memory_space<vmem_shared>>
    tpu.wait_indirect_dma semaphore(%arg15 : memref<!tpu.dma_semaphore, #tpu.memory_space<semaphore_mem>>) src(%arg10 : memref<440x32xf32, #tpu.memory_space<vmem>>) dst(%dma_wait3A_89 : memref<50176x32xf32, #tpu.memory_space<vmem_shared>>)
    %barrier3A_90 = arith.constant 0 : index
    tpu.barrier barrier_id(%barrier3A_90)
    %eq3A = arith.constant 0 : i32
    %eq3A_91 = arith.cmpi eq, %arg0, %eq3A : i32
    %convert_element_type3A = arith.extui %eq3A_91 : i1 to i32
    %cond3A = arith.constant 0 : i32
    %cond3A_92 = arith.cmpi ne, %convert_element_type3A, %cond3A : i32
    scf.if %cond3A_92 {
      "tpu.region"() ({
        %run_scoped3A_98 = tpu.sem_alloc : memref<!tpu.dma_semaphore, #tpu.memory_space<semaphore_mem>>
        %dma_start3A_99 = arith.constant 0 : i32
        %dma_start3A_100 = tpu.memref_slice %arg3[%mul3A_2, %dma_start3A_99] : memref<50176x32xf32, #tpu.memory_space<hbm>> -> memref<3136x32xf32, #tpu.memory_space<hbm>>
        %dma_start3A_101 = arith.constant 0 : i32
        %dma_start3A_102 = tpu.memref_slice %arg11[%mul3A_2, %dma_start3A_101] : memref<50176x32xf32, #tpu.memory_space<vmem_shared>> -> memref<3136x32xf32, #tpu.memory_space<vmem_shared>>
        tpu.enqueue_dma source(%dma_start3A_102 : memref<3136x32xf32, #tpu.memory_space<vmem_shared>>) target(%dma_start3A_100 : memref<3136x32xf32, #tpu.memory_space<hbm>>) target_semaphore(%run_scoped3A_98 : memref<!tpu.dma_semaphore, #tpu.memory_space<semaphore_mem>>)
        %dma_wait3A_103 = arith.constant 0 : i32
        %dma_wait3A_104 = tpu.memref_slice %arg3[%mul3A_2, %dma_wait3A_103] : memref<50176x32xf32, #tpu.memory_space<hbm>> -> memref<3136x32xf32, #tpu.memory_space<hbm>>
        %dma_wait3A_105 = arith.constant 0 : i32
        %dma_wait3A_106 = tpu.memref_slice %arg11[%mul3A_2, %dma_wait3A_105] : memref<50176x32xf32, #tpu.memory_space<vmem_shared>> -> memref<3136x32xf32, #tpu.memory_space<vmem_shared>>
        tpu.wait_dma2 semaphore(%run_scoped3A_98 : memref<!tpu.dma_semaphore, #tpu.memory_space<semaphore_mem>>) src(%dma_wait3A_106 : memref<3136x32xf32, #tpu.memory_space<vmem_shared>>) dst(%dma_wait3A_104 : memref<3136x32xf32, #tpu.memory_space<hbm>>)
        tpu.yield
      }) : () -> ()
    } else {
    }
    %eq3A_93 = arith.constant 1 : i32
    %eq3A_94 = arith.cmpi eq, %arg0, %eq3A_93 : i32
    %convert_element_type3A_95 = arith.extui %eq3A_94 : i1 to i32
    %cond3A_96 = arith.constant 0 : i32
    %cond3A_97 = arith.cmpi ne, %convert_element_type3A_95, %cond3A_96 : i32
    scf.if %cond3A_97 {
      "tpu.region"() ({
        %run_scoped3A_98 = tpu.sem_alloc : memref<!tpu.dma_semaphore, #tpu.memory_space<semaphore_mem>>
        %dma_start3A_99 = arith.constant 0 : i32
        %dma_start3A_100 = tpu.memref_slice %arg4[%mul3A_2, %dma_start3A_99] : memref<50176x32xf32, #tpu.memory_space<hbm>> -> memref<3136x32xf32, #tpu.memory_space<hbm>>
        %dma_start3A_101 = arith.constant 0 : i32
        %dma_start3A_102 = tpu.memref_slice %arg11[%mul3A_2, %dma_start3A_101] : memref<50176x32xf32, #tpu.memory_space<vmem_shared>> -> memref<3136x32xf32, #tpu.memory_space<vmem_shared>>
        tpu.enqueue_dma source(%dma_start3A_102 : memref<3136x32xf32, #tpu.memory_space<vmem_shared>>) target(%dma_start3A_100 : memref<3136x32xf32, #tpu.memory_space<hbm>>) target_semaphore(%run_scoped3A_98 : memref<!tpu.dma_semaphore, #tpu.memory_space<semaphore_mem>>)
        %dma_wait3A_103 = arith.constant 0 : i32
        %dma_wait3A_104 = tpu.memref_slice %arg4[%mul3A_2, %dma_wait3A_103] : memref<50176x32xf32, #tpu.memory_space<hbm>> -> memref<3136x32xf32, #tpu.memory_space<hbm>>
        %dma_wait3A_105 = arith.constant 0 : i32
        %dma_wait3A_106 = tpu.memref_slice %arg11[%mul3A_2, %dma_wait3A_105] : memref<50176x32xf32, #tpu.memory_space<vmem_shared>> -> memref<3136x32xf32, #tpu.memory_space<vmem_shared>>
        tpu.wait_dma2 semaphore(%run_scoped3A_98 : memref<!tpu.dma_semaphore, #tpu.memory_space<semaphore_mem>>) src(%dma_wait3A_106 : memref<3136x32xf32, #tpu.memory_space<vmem_shared>>) dst(%dma_wait3A_104 : memref<3136x32xf32, #tpu.memory_space<hbm>>)
        tpu.yield
      }) : () -> ()
    } else {
    }
    return
  }
}

#map = affine_map<(d0, d1) -> (0, 0)>
module attributes {stable_mosaic.version = 14 : i64} {
  func.func @sc_segment_sum(%arg0: i32, %arg1: i32, %arg2: memref<50176x32xf32, #tpu.memory_space<hbm>>, %arg3: memref<2x1600000xi32, #tpu.memory_space<hbm>>, %arg4: memref<50176x32xf32, #tpu.memory_space<hbm>>, %arg5: memref<50176x32xf32, #tpu.memory_space<hbm>>, %arg6: memref<2x440xi32, #tpu.memory_space<vmem>>, %arg7: memref<2x440xi32, #tpu.memory_space<vmem>>, %arg8: memref<2x280xi32, #tpu.memory_space<vmem>>, %arg9: memref<440x32xf32, #tpu.memory_space<vmem>>, %arg10: memref<440x32xf32, #tpu.memory_space<vmem>>, %arg11: memref<50176x32xf32, #tpu.memory_space<vmem_shared>>, %arg12: memref<!tpu.dma_semaphore, #tpu.memory_space<semaphore_mem>>, %arg13: memref<!tpu.dma_semaphore, #tpu.memory_space<semaphore_mem>>, %arg14: memref<!tpu.dma_semaphore, #tpu.memory_space<semaphore_mem>>) attributes {dimension_semantics = [#tpu.dimension_semantics<core_parallel>, #tpu.dimension_semantics<subcore_parallel>], iteration_bounds = array<i64: 2, 16>, scalar_prefetch = 0 : i64, scratch_operands = 9 : i64, tpu.core_type = #tpu.core_type<sc_vector_subcore>, window_params = [{transform_indices = #map}, {transform_indices = #map}, {transform_indices = #map}, {transform_indices = #map}]} {
    %mul3A = arith.constant 2 : i32
    %mul3A_0 = arith.muli %arg1, %mul3A : i32
    %add3A = arith.addi %mul3A_0, %arg0 : i32
    %mul3A_1 = arith.constant 3136 : i32
    %mul3A_2 = arith.muli %arg1, %mul3A_1 : i32
    %broadcast_in_dim3A = arith.constant 0.000000e+00 : f32
    %broadcast_in_dim3A_3 = vector.broadcast %broadcast_in_dim3A : f32 to vector<16xf32>
    %scan3A = arith.constant 0 : i32
    %scan3A_4 = arith.constant 440 : i32
    %scan3A_5 = arith.addi %scan3A, %scan3A_4 : i32
    %scan3A_6 = arith.constant 1 : i32
    scf.for %scan3A_238 = %scan3A to %scan3A_5 step %scan3A_6  : i32 {
      %mul3A_239 = arith.constant 1 : i32
      %mul3A_240 = arith.muli %scan3A_238, %mul3A_239 : i32
      %add3A_241 = arith.constant 0 : i32
      %add3A_242 = arith.addi %add3A_241, %mul3A_240 : i32
      %swap3A = arith.index_cast %add3A_242 : i32 to index
      %swap3A_243 = arith.constant 0 : index
      %swap3A_244 = tpu.vector_load %arg9[%swap3A, %swap3A_243] {strides = array<i32>} : memref<440x32xf32, #tpu.memory_space<vmem>>, vector<1x16xf32>,
      %swap3A_245 = vector.shape_cast %swap3A_244 : vector<1x16xf32> to vector<16xf32>
      %swap3A_246 = vector.shape_cast %broadcast_in_dim3A_3 : vector<16xf32> to vector<1x16xf32>
      tpu.vector_store %arg9[%swap3A, %swap3A_243], %swap3A_246 {strides = array<i32>} : memref<440x32xf32, #tpu.memory_space<vmem>>, vector<1x16xf32>,
      %swap3A_247 = arith.index_cast %add3A_242 : i32 to index
      %swap3A_248 = arith.constant 16 : index
      %swap3A_249 = tpu.vector_load %arg9[%swap3A_247, %swap3A_248] {strides = array<i32>} : memref<440x32xf32, #tpu.memory_space<vmem>>, vector<1x16xf32>,
      %swap3A_250 = vector.shape_cast %swap3A_249 : vector<1x16xf32> to vector<16xf32>
      %swap3A_251 = vector.shape_cast %broadcast_in_dim3A_3 : vector<16xf32> to vector<1x16xf32>
      tpu.vector_store %arg9[%swap3A_247, %swap3A_248], %swap3A_251 {strides = array<i32>} : memref<440x32xf32, #tpu.memory_space<vmem>>, vector<1x16xf32>,
    }
    %scan3A_7 = arith.constant 440 : i32
    %scan3A_8 = arith.constant 0 : i32
    %scan3A_9 = arith.constant 7 : i32
    %scan3A_10 = arith.addi %scan3A_8, %scan3A_9 : i32
    %scan3A_11 = arith.constant 1 : i32
    scf.for %scan3A_238 = %scan3A_8 to %scan3A_10 step %scan3A_11  : i32 {
      %mul3A_239 = arith.constant 1 : i32
      %mul3A_240 = arith.muli %scan3A_238, %mul3A_239 : i32
      %add3A_241 = arith.constant 0 : i32
      %add3A_242 = arith.addi %add3A_241, %mul3A_240 : i32
      %mul3A_243 = arith.constant 440 : i32
      %mul3A_244 = arith.muli %add3A_242, %mul3A_243 : i32
      %add3A_245 = arith.addi %mul3A_2, %mul3A_244 : i32
      "tpu.region"() ({
        %run_scoped3A = tpu.sem_alloc : memref<!tpu.dma_semaphore, #tpu.memory_space<semaphore_mem>>
        %dma_start3A_246 = arith.constant 0 : i32
        %dma_start3A_247 = tpu.memref_slice %arg11[%add3A_245, %dma_start3A_246] : memref<50176x32xf32, #tpu.memory_space<vmem_shared>> -> memref<440x32xf32, #tpu.memory_space<vmem_shared>>
        %dma_start3A_248 = arith.constant 0 : i32
        %dma_start3A_249 = tpu.memref_slice %arg11[%add3A_245, %dma_start3A_248] : memref<50176x32xf32, #tpu.memory_space<vmem_shared>> -> memref<440x32xf32, #tpu.memory_space<vmem_shared>>
        tpu.enqueue_dma source(%arg9 : memref<440x32xf32, #tpu.memory_space<vmem>>) target(%dma_start3A_249 : memref<440x32xf32, #tpu.memory_space<vmem_shared>>) target_semaphore(%run_scoped3A : memref<!tpu.dma_semaphore, #tpu.memory_space<semaphore_mem>>)
        %dma_wait3A_250 = arith.constant 0 : i32
        %dma_wait3A_251 = tpu.memref_slice %arg11[%add3A_245, %dma_wait3A_250] : memref<50176x32xf32, #tpu.memory_space<vmem_shared>> -> memref<440x32xf32, #tpu.memory_space<vmem_shared>>
        %dma_wait3A_252 = arith.constant 0 : i32
        %dma_wait3A_253 = tpu.memref_slice %arg11[%add3A_245, %dma_wait3A_252] : memref<50176x32xf32, #tpu.memory_space<vmem_shared>> -> memref<440x32xf32, #tpu.memory_space<vmem_shared>>
        tpu.wait_dma2 semaphore(%run_scoped3A : memref<!tpu.dma_semaphore, #tpu.memory_space<semaphore_mem>>) src(%arg9 : memref<440x32xf32, #tpu.memory_space<vmem>>) dst(%dma_wait3A_253 : memref<440x32xf32, #tpu.memory_space<vmem_shared>>)
        tpu.yield
      }) : () -> ()
    }
    %scan3A_12 = arith.constant 7 : i32
    %add3A_13 = arith.constant 3080 : i32
    %add3A_14 = arith.addi %mul3A_2, %add3A_13 : i32
    "tpu.region"() ({
      %run_scoped3A = tpu.sem_alloc : memref<!tpu.dma_semaphore, #tpu.memory_space<semaphore_mem>>
      %dma_start3A_238 = arith.constant 0 : i32
      %dma_start3A_239 = arith.constant 0 : i32
      %dma_start3A_240 = tpu.memref_slice %arg9[%dma_start3A_238, %dma_start3A_239] : memref<440x32xf32, #tpu.memory_space<vmem>> -> memref<56x32xf32, #tpu.memory_space<vmem>>
      %dma_start3A_241 = arith.constant 0 : i32
      %dma_start3A_242 = tpu.memref_slice %arg11[%add3A_14, %dma_start3A_241] : memref<50176x32xf32, #tpu.memory_space<vmem_shared>> -> memref<56x32xf32, #tpu.memory_space<vmem_shared>>
      %dma_start3A_243 = arith.constant 0 : i32
      %dma_start3A_244 = tpu.memref_slice %arg11[%add3A_14, %dma_start3A_243] : memref<50176x32xf32, #tpu.memory_space<vmem_shared>> -> memref<56x32xf32, #tpu.memory_space<vmem_shared>>
      %dma_start3A_245 = arith.constant 0 : i32
      %dma_start3A_246 = arith.constant 0 : i32
      %dma_start3A_247 = tpu.memref_slice %arg9[%dma_start3A_245, %dma_start3A_246] : memref<440x32xf32, #tpu.memory_space<vmem>> -> memref<56x32xf32, #tpu.memory_space<vmem>>
      tpu.enqueue_dma source(%dma_start3A_247 : memref<56x32xf32, #tpu.memory_space<vmem>>) target(%dma_start3A_244 : memref<56x32xf32, #tpu.memory_space<vmem_shared>>) target_semaphore(%run_scoped3A : memref<!tpu.dma_semaphore, #tpu.memory_space<semaphore_mem>>)
      %dma_wait3A_248 = arith.constant 0 : i32
      %dma_wait3A_249 = arith.constant 0 : i32
      %dma_wait3A_250 = tpu.memref_slice %arg9[%dma_wait3A_248, %dma_wait3A_249] : memref<440x32xf32, #tpu.memory_space<vmem>> -> memref<56x32xf32, #tpu.memory_space<vmem>>
      %dma_wait3A_251 = arith.constant 0 : i32
      %dma_wait3A_252 = tpu.memref_slice %arg11[%add3A_14, %dma_wait3A_251] : memref<50176x32xf32, #tpu.memory_space<vmem_shared>> -> memref<56x32xf32, #tpu.memory_space<vmem_shared>>
      %dma_wait3A_253 = arith.constant 0 : i32
      %dma_wait3A_254 = tpu.memref_slice %arg11[%add3A_14, %dma_wait3A_253] : memref<50176x32xf32, #tpu.memory_space<vmem_shared>> -> memref<56x32xf32, #tpu.memory_space<vmem_shared>>
      %dma_wait3A_255 = arith.constant 0 : i32
      %dma_wait3A_256 = arith.constant 0 : i32
      %dma_wait3A_257 = tpu.memref_slice %arg9[%dma_wait3A_255, %dma_wait3A_256] : memref<440x32xf32, #tpu.memory_space<vmem>> -> memref<56x32xf32, #tpu.memory_space<vmem>>
      tpu.wait_dma2 semaphore(%run_scoped3A : memref<!tpu.dma_semaphore, #tpu.memory_space<semaphore_mem>>) src(%dma_wait3A_257 : memref<56x32xf32, #tpu.memory_space<vmem>>) dst(%dma_wait3A_254 : memref<56x32xf32, #tpu.memory_space<vmem_shared>>)
      tpu.yield
    }) : () -> ()
    %barrier3A = arith.constant 0 : index
    tpu.barrier barrier_id(%barrier3A)
    %mul3A_15 = arith.constant 50000 : i32
    %mul3A_16 = arith.muli %add3A, %mul3A_15 : i32
    %add3A_17 = arith.constant 0 : i32
    %add3A_18 = arith.addi %mul3A_16, %add3A_17 : i32
    "tpu.region"() ({
      %run_scoped3A = tpu.sem_alloc : memref<!tpu.dma_semaphore, #tpu.memory_space<semaphore_mem>>
      %dma_start3A_238 = arith.constant 0 : i32
      %dma_start3A_239 = tpu.memref_slice %arg3[%dma_start3A_238, %add3A_18] : memref<2x1600000xi32, #tpu.memory_space<hbm>> -> memref<2x440xi32, #tpu.memory_space<hbm>>
      %dma_start3A_240 = arith.constant 0 : i32
      %dma_start3A_241 = tpu.memref_slice %arg3[%dma_start3A_240, %add3A_18] : memref<2x1600000xi32, #tpu.memory_space<hbm>> -> memref<2x440xi32, #tpu.memory_space<hbm>>
      tpu.enqueue_dma source(%dma_start3A_241 : memref<2x440xi32, #tpu.memory_space<hbm>>) target(%arg6 : memref<2x440xi32, #tpu.memory_space<vmem>>) target_semaphore(%run_scoped3A : memref<!tpu.dma_semaphore, #tpu.memory_space<semaphore_mem>>)
      %dma_wait3A_242 = arith.constant 0 : i32
      %dma_wait3A_243 = tpu.memref_slice %arg3[%dma_wait3A_242, %add3A_18] : memref<2x1600000xi32, #tpu.memory_space<hbm>> -> memref<2x440xi32, #tpu.memory_space<hbm>>
      %dma_wait3A_244 = arith.constant 0 : i32
      %dma_wait3A_245 = tpu.memref_slice %arg3[%dma_wait3A_244, %add3A_18] : memref<2x1600000xi32, #tpu.memory_space<hbm>> -> memref<2x440xi32, #tpu.memory_space<hbm>>
      tpu.wait_dma2 semaphore(%run_scoped3A : memref<!tpu.dma_semaphore, #tpu.memory_space<semaphore_mem>>) src(%dma_wait3A_245 : memref<2x440xi32, #tpu.memory_space<hbm>>) dst(%arg6 : memref<2x440xi32, #tpu.memory_space<vmem>>)
      tpu.yield
    }) : () -> ()
    %dma_start3A = arith.constant 0 : i32
    %dma_start3A_19 = arith.constant 0 : i32
    %dma_start3A_20 = arith.constant 0 : i32
    %dma_start3A_21 = tpu.memref_slice %arg9[%dma_start3A_19, %dma_start3A_20] : memref<440x32xf32, #tpu.memory_space<vmem>> -> memref<224x32xf32, #tpu.memory_space<vmem>>
    %dma_start3A_22 = arith.constant 0 : i32
    %dma_start3A_23 = tpu.memref_slice %arg6[%dma_start3A, %dma_start3A_22] : memref<2x440xi32, #tpu.memory_space<vmem>> -> memref<1x224xi32, #tpu.memory_space<vmem>>
    %dma_start3A_24 = tpu.memref_squeeze %dma_start3A_23 : memref<1x224xi32, #tpu.memory_space<vmem>> -> memref<224xi32, #tpu.memory_space<vmem>>
    %dma_start3A_25 = arith.constant 0 : i32
    %dma_start3A_26 = arith.constant 0 : i32
    %dma_start3A_27 = tpu.memref_slice %arg2[%dma_start3A_25, %dma_start3A_26] : memref<50176x32xf32, #tpu.memory_space<hbm>> -> memref<50176x32xf32, #tpu.memory_space<hbm>>
    tpu.enqueue_indirect_dma source(%dma_start3A_27 : memref<50176x32xf32, #tpu.memory_space<hbm>>) target(%dma_start3A_21 : memref<224x32xf32, #tpu.memory_space<vmem>>) offsets(%dma_start3A_24 : memref<224xi32, #tpu.memory_space<vmem>>) semaphore(%arg12 : memref<!tpu.dma_semaphore, #tpu.memory_space<semaphore_mem>>)
    %dma_start3A_28 = arith.constant 0 : i32
    %dma_start3A_29 = arith.constant 224 : i32
    %dma_start3A_30 = arith.constant 0 : i32
    %dma_start3A_31 = tpu.memref_slice %arg9[%dma_start3A_29, %dma_start3A_30] : memref<440x32xf32, #tpu.memory_space<vmem>> -> memref<216x32xf32, #tpu.memory_space<vmem>>
    %dma_start3A_32 = arith.constant 224 : i32
    %dma_start3A_33 = tpu.memref_slice %arg6[%dma_start3A_28, %dma_start3A_32] : memref<2x440xi32, #tpu.memory_space<vmem>> -> memref<1x216xi32, #tpu.memory_space<vmem>>
    %dma_start3A_34 = tpu.memref_squeeze %dma_start3A_33 : memref<1x216xi32, #tpu.memory_space<vmem>> -> memref<216xi32, #tpu.memory_space<vmem>>
    %dma_start3A_35 = arith.constant 0 : i32
    %dma_start3A_36 = arith.constant 0 : i32
    %dma_start3A_37 = tpu.memref_slice %arg2[%dma_start3A_35, %dma_start3A_36] : memref<50176x32xf32, #tpu.memory_space<hbm>> -> memref<50176x32xf32, #tpu.memory_space<hbm>>
    tpu.enqueue_indirect_dma source(%dma_start3A_37 : memref<50176x32xf32, #tpu.memory_space<hbm>>) target(%dma_start3A_31 : memref<216x32xf32, #tpu.memory_space<vmem>>) offsets(%dma_start3A_34 : memref<216xi32, #tpu.memory_space<vmem>>) semaphore(%arg12 : memref<!tpu.dma_semaphore, #tpu.memory_space<semaphore_mem>>)
    %add3A_38 = arith.constant 440 : i32
    %add3A_39 = arith.addi %add3A_18, %add3A_38 : i32
    "tpu.region"() ({
      %run_scoped3A = tpu.sem_alloc : memref<!tpu.dma_semaphore, #tpu.memory_space<semaphore_mem>>
      %dma_start3A_238 = arith.constant 0 : i32
      %dma_start3A_239 = tpu.memref_slice %arg3[%dma_start3A_238, %add3A_39] : memref<2x1600000xi32, #tpu.memory_space<hbm>> -> memref<2x440xi32, #tpu.memory_space<hbm>>
      %dma_start3A_240 = arith.constant 0 : i32
      %dma_start3A_241 = tpu.memref_slice %arg3[%dma_start3A_240, %add3A_39] : memref<2x1600000xi32, #tpu.memory_space<hbm>> -> memref<2x440xi32, #tpu.memory_space<hbm>>
      tpu.enqueue_dma source(%dma_start3A_241 : memref<2x440xi32, #tpu.memory_space<hbm>>) target(%arg7 : memref<2x440xi32, #tpu.memory_space<vmem>>) target_semaphore(%run_scoped3A : memref<!tpu.dma_semaphore, #tpu.memory_space<semaphore_mem>>)
      %dma_wait3A_242 = arith.constant 0 : i32
      %dma_wait3A_243 = tpu.memref_slice %arg3[%dma_wait3A_242, %add3A_39] : memref<2x1600000xi32, #tpu.memory_space<hbm>> -> memref<2x440xi32, #tpu.memory_space<hbm>>
      %dma_wait3A_244 = arith.constant 0 : i32
      %dma_wait3A_245 = tpu.memref_slice %arg3[%dma_wait3A_244, %add3A_39] : memref<2x1600000xi32, #tpu.memory_space<hbm>> -> memref<2x440xi32, #tpu.memory_space<hbm>>
      tpu.wait_dma2 semaphore(%run_scoped3A : memref<!tpu.dma_semaphore, #tpu.memory_space<semaphore_mem>>) src(%dma_wait3A_245 : memref<2x440xi32, #tpu.memory_space<hbm>>) dst(%arg7 : memref<2x440xi32, #tpu.memory_space<vmem>>)
      tpu.yield
    }) : () -> ()
    %dma_start3A_40 = arith.constant 0 : i32
    %dma_start3A_41 = arith.constant 0 : i32
    %dma_start3A_42 = arith.constant 0 : i32
    %dma_start3A_43 = tpu.memref_slice %arg10[%dma_start3A_41, %dma_start3A_42] : memref<440x32xf32, #tpu.memory_space<vmem>> -> memref<224x32xf32, #tpu.memory_space<vmem>>
    %dma_start3A_44 = arith.constant 0 : i32
    %dma_start3A_45 = tpu.memref_slice %arg7[%dma_start3A_40, %dma_start3A_44] : memref<2x440xi32, #tpu.memory_space<vmem>> -> memref<1x224xi32, #tpu.memory_space<vmem>>
    %dma_start3A_46 = tpu.memref_squeeze %dma_start3A_45 : memref<1x224xi32, #tpu.memory_space<vmem>> -> memref<224xi32, #tpu.memory_space<vmem>>
    %dma_start3A_47 = arith.constant 0 : i32
    %dma_start3A_48 = arith.constant 0 : i32
    %dma_start3A_49 = tpu.memref_slice %arg2[%dma_start3A_47, %dma_start3A_48] : memref<50176x32xf32, #tpu.memory_space<hbm>> -> memref<50176x32xf32, #tpu.memory_space<hbm>>
    tpu.enqueue_indirect_dma source(%dma_start3A_49 : memref<50176x32xf32, #tpu.memory_space<hbm>>) target(%dma_start3A_43 : memref<224x32xf32, #tpu.memory_space<vmem>>) offsets(%dma_start3A_46 : memref<224xi32, #tpu.memory_space<vmem>>) semaphore(%arg12 : memref<!tpu.dma_semaphore, #tpu.memory_space<semaphore_mem>>)
    %dma_start3A_50 = arith.constant 0 : i32
    %dma_start3A_51 = arith.constant 224 : i32
    %dma_start3A_52 = arith.constant 0 : i32
    %dma_start3A_53 = tpu.memref_slice %arg10[%dma_start3A_51, %dma_start3A_52] : memref<440x32xf32, #tpu.memory_space<vmem>> -> memref<216x32xf32, #tpu.memory_space<vmem>>
    %dma_start3A_54 = arith.constant 224 : i32
    %dma_start3A_55 = tpu.memref_slice %arg7[%dma_start3A_50, %dma_start3A_54] : memref<2x440xi32, #tpu.memory_space<vmem>> -> memref<1x216xi32, #tpu.memory_space<vmem>>
    %dma_start3A_56 = tpu.memref_squeeze %dma_start3A_55 : memref<1x216xi32, #tpu.memory_space<vmem>> -> memref<216xi32, #tpu.memory_space<vmem>>
    %dma_start3A_57 = arith.constant 0 : i32
    %dma_start3A_58 = arith.constant 0 : i32
    %dma_start3A_59 = tpu.memref_slice %arg2[%dma_start3A_57, %dma_start3A_58] : memref<50176x32xf32, #tpu.memory_space<hbm>> -> memref<50176x32xf32, #tpu.memory_space<hbm>>
    tpu.enqueue_indirect_dma source(%dma_start3A_59 : memref<50176x32xf32, #tpu.memory_space<hbm>>) target(%dma_start3A_53 : memref<216x32xf32, #tpu.memory_space<vmem>>) offsets(%dma_start3A_56 : memref<216xi32, #tpu.memory_space<vmem>>) semaphore(%arg12 : memref<!tpu.dma_semaphore, #tpu.memory_space<semaphore_mem>>)
    %dma_wait3A = arith.constant 0 : i32
    %dma_wait3A_60 = arith.constant 0 : i32
    %dma_wait3A_61 = arith.constant 0 : i32
    %dma_wait3A_62 = tpu.memref_slice %arg9[%dma_wait3A_60, %dma_wait3A_61] : memref<440x32xf32, #tpu.memory_space<vmem>> -> memref<224x32xf32, #tpu.memory_space<vmem>>
    %dma_wait3A_63 = arith.constant 0 : i32
    %dma_wait3A_64 = tpu.memref_slice %arg6[%dma_wait3A, %dma_wait3A_63] : memref<2x440xi32, #tpu.memory_space<vmem>> -> memref<1x224xi32, #tpu.memory_space<vmem>>
    %dma_wait3A_65 = tpu.memref_squeeze %dma_wait3A_64 : memref<1x224xi32, #tpu.memory_space<vmem>> -> memref<224xi32, #tpu.memory_space<vmem>>
    %dma_wait3A_66 = arith.constant 0 : i32
    %dma_wait3A_67 = arith.constant 0 : i32
    %dma_wait3A_68 = tpu.memref_slice %arg2[%dma_wait3A_66, %dma_wait3A_67] : memref<50176x32xf32, #tpu.memory_space<hbm>> -> memref<50176x32xf32, #tpu.memory_space<hbm>>
    tpu.wait_indirect_dma semaphore(%arg12 : memref<!tpu.dma_semaphore, #tpu.memory_space<semaphore_mem>>) src(%dma_wait3A_68 : memref<50176x32xf32, #tpu.memory_space<hbm>>) dst(%dma_wait3A_62 : memref<224x32xf32, #tpu.memory_space<vmem>>)
    %dma_wait3A_69 = arith.constant 0 : i32
    %dma_wait3A_70 = arith.constant 224 : i32
    %dma_wait3A_71 = arith.constant 0 : i32
    %dma_wait3A_72 = tpu.memref_slice %arg9[%dma_wait3A_70, %dma_wait3A_71] : memref<440x32xf32, #tpu.memory_space<vmem>> -> memref<216x32xf32, #tpu.memory_space<vmem>>
    %dma_wait3A_73 = arith.constant 224 : i32
    %dma_wait3A_74 = tpu.memref_slice %arg6[%dma_wait3A_69, %dma_wait3A_73] : memref<2x440xi32, #tpu.memory_space<vmem>> -> memref<1x216xi32, #tpu.memory_space<vmem>>
    %dma_wait3A_75 = tpu.memref_squeeze %dma_wait3A_74 : memref<1x216xi32, #tpu.memory_space<vmem>> -> memref<216xi32, #tpu.memory_space<vmem>>
    %dma_wait3A_76 = arith.constant 0 : i32
    %dma_wait3A_77 = arith.constant 0 : i32
    %dma_wait3A_78 = tpu.memref_slice %arg2[%dma_wait3A_76, %dma_wait3A_77] : memref<50176x32xf32, #tpu.memory_space<hbm>> -> memref<50176x32xf32, #tpu.memory_space<hbm>>
    tpu.wait_indirect_dma semaphore(%arg12 : memref<!tpu.dma_semaphore, #tpu.memory_space<semaphore_mem>>) src(%dma_wait3A_78 : memref<50176x32xf32, #tpu.memory_space<hbm>>) dst(%dma_wait3A_72 : memref<216x32xf32, #tpu.memory_space<vmem>>)
    %dma_start3A_79 = arith.constant 1 : i32
    %dma_start3A_80 = arith.constant 0 : i32
    %dma_start3A_81 = tpu.memref_slice %arg6[%dma_start3A_79, %dma_start3A_80] : memref<2x440xi32, #tpu.memory_space<vmem>> -> memref<1x440xi32, #tpu.memory_space<vmem>>
    %dma_start3A_82 = tpu.memref_squeeze %dma_start3A_81 : memref<1x440xi32, #tpu.memory_space<vmem>> -> memref<440xi32, #tpu.memory_space<vmem>>
    %dma_start3A_83 = arith.constant 0 : i32
    %dma_start3A_84 = arith.constant 0 : i32
    %dma_start3A_85 = tpu.memref_slice %arg11[%dma_start3A_83, %dma_start3A_84] : memref<50176x32xf32, #tpu.memory_space<vmem_shared>> -> memref<50176x32xf32, #tpu.memory_space<vmem_shared>>
    tpu.enqueue_indirect_dma source(%arg9 : memref<440x32xf32, #tpu.memory_space<vmem>>) target(%dma_start3A_85 : memref<50176x32xf32, #tpu.memory_space<vmem_shared>>) offsets(%dma_start3A_82 : memref<440xi32, #tpu.memory_space<vmem>>) semaphore(%arg13 : memref<!tpu.dma_semaphore, #tpu.memory_space<semaphore_mem>>) {add = true}
    %dma_wait3A_86 = arith.constant 0 : i32
    %dma_wait3A_87 = arith.constant 0 : i32
    %dma_wait3A_88 = arith.constant 0 : i32
    %dma_wait3A_89 = tpu.memref_slice %arg10[%dma_wait3A_87, %dma_wait3A_88] : memref<440x32xf32, #tpu.memory_space<vmem>> -> memref<224x32xf32, #tpu.memory_space<vmem>>
    %dma_wait3A_90 = arith.constant 0 : i32
    %dma_wait3A_91 = tpu.memref_slice %arg7[%dma_wait3A_86, %dma_wait3A_90] : memref<2x440xi32, #tpu.memory_space<vmem>> -> memref<1x224xi32, #tpu.memory_space<vmem>>
    %dma_wait3A_92 = tpu.memref_squeeze %dma_wait3A_91 : memref<1x224xi32, #tpu.memory_space<vmem>> -> memref<224xi32, #tpu.memory_space<vmem>>
    %dma_wait3A_93 = arith.constant 0 : i32
    %dma_wait3A_94 = arith.constant 0 : i32
    %dma_wait3A_95 = tpu.memref_slice %arg2[%dma_wait3A_93, %dma_wait3A_94] : memref<50176x32xf32, #tpu.memory_space<hbm>> -> memref<50176x32xf32, #tpu.memory_space<hbm>>
    tpu.wait_indirect_dma semaphore(%arg12 : memref<!tpu.dma_semaphore, #tpu.memory_space<semaphore_mem>>) src(%dma_wait3A_95 : memref<50176x32xf32, #tpu.memory_space<hbm>>) dst(%dma_wait3A_89 : memref<224x32xf32, #tpu.memory_space<vmem>>)
    %dma_wait3A_96 = arith.constant 0 : i32
    %dma_wait3A_97 = arith.constant 224 : i32
    %dma_wait3A_98 = arith.constant 0 : i32
    %dma_wait3A_99 = tpu.memref_slice %arg10[%dma_wait3A_97, %dma_wait3A_98] : memref<440x32xf32, #tpu.memory_space<vmem>> -> memref<216x32xf32, #tpu.memory_space<vmem>>
    %dma_wait3A_100 = arith.constant 224 : i32
    %dma_wait3A_101 = tpu.memref_slice %arg7[%dma_wait3A_96, %dma_wait3A_100] : memref<2x440xi32, #tpu.memory_space<vmem>> -> memref<1x216xi32, #tpu.memory_space<vmem>>
    %dma_wait3A_102 = tpu.memref_squeeze %dma_wait3A_101 : memref<1x216xi32, #tpu.memory_space<vmem>> -> memref<216xi32, #tpu.memory_space<vmem>>
    %dma_wait3A_103 = arith.constant 0 : i32
    %dma_wait3A_104 = arith.constant 0 : i32
    %dma_wait3A_105 = tpu.memref_slice %arg2[%dma_wait3A_103, %dma_wait3A_104] : memref<50176x32xf32, #tpu.memory_space<hbm>> -> memref<50176x32xf32, #tpu.memory_space<hbm>>
    tpu.wait_indirect_dma semaphore(%arg12 : memref<!tpu.dma_semaphore, #tpu.memory_space<semaphore_mem>>) src(%dma_wait3A_105 : memref<50176x32xf32, #tpu.memory_space<hbm>>) dst(%dma_wait3A_99 : memref<216x32xf32, #tpu.memory_space<vmem>>)
    %dma_start3A_106 = arith.constant 1 : i32
    %dma_start3A_107 = arith.constant 0 : i32
    %dma_start3A_108 = tpu.memref_slice %arg7[%dma_start3A_106, %dma_start3A_107] : memref<2x440xi32, #tpu.memory_space<vmem>> -> memref<1x440xi32, #tpu.memory_space<vmem>>
    %dma_start3A_109 = tpu.memref_squeeze %dma_start3A_108 : memref<1x440xi32, #tpu.memory_space<vmem>> -> memref<440xi32, #tpu.memory_space<vmem>>
    %dma_start3A_110 = arith.constant 0 : i32
    %dma_start3A_111 = arith.constant 0 : i32
    %dma_start3A_112 = tpu.memref_slice %arg11[%dma_start3A_110, %dma_start3A_111] : memref<50176x32xf32, #tpu.memory_space<vmem_shared>> -> memref<50176x32xf32, #tpu.memory_space<vmem_shared>>
    tpu.enqueue_indirect_dma source(%arg10 : memref<440x32xf32, #tpu.memory_space<vmem>>) target(%dma_start3A_112 : memref<50176x32xf32, #tpu.memory_space<vmem_shared>>) offsets(%dma_start3A_109 : memref<440xi32, #tpu.memory_space<vmem>>) semaphore(%arg14 : memref<!tpu.dma_semaphore, #tpu.memory_space<semaphore_mem>>) {add = true}
    %scan3A_113 = arith.constant 0 : i32
    %scan3A_114 = arith.constant 55 : i32
    %scan3A_115 = arith.addi %scan3A_113, %scan3A_114 : i32
    %scan3A_116 = arith.constant 1 : i32
    scf.for %scan3A_238 = %scan3A_113 to %scan3A_115 step %scan3A_116  : i32 {
      %mul3A_239 = arith.constant 1 : i32
      %mul3A_240 = arith.muli %scan3A_238, %mul3A_239 : i32
      %add3A_241 = arith.constant 1 : i32
      %add3A_242 = arith.addi %add3A_241, %mul3A_240 : i32
      %mul3A_243 = arith.constant 2 : i32
      %mul3A_244 = arith.muli %add3A_242, %mul3A_243 : i32
      %mul3A_245 = arith.constant 440 : i32
      %mul3A_246 = arith.muli %mul3A_244, %mul3A_245 : i32
      %add3A_247 = arith.addi %mul3A_16, %mul3A_246 : i32
      %dma_wait3A_248 = arith.constant 1 : i32
      %dma_wait3A_249 = arith.constant 0 : i32
      %dma_wait3A_250 = tpu.memref_slice %arg6[%dma_wait3A_248, %dma_wait3A_249] : memref<2x440xi32, #tpu.memory_space<vmem>> -> memref<1x440xi32, #tpu.memory_space<vmem>>
      %dma_wait3A_251 = tpu.memref_squeeze %dma_wait3A_250 : memref<1x440xi32, #tpu.memory_space<vmem>> -> memref<440xi32, #tpu.memory_space<vmem>>
      %dma_wait3A_252 = arith.constant 0 : i32
      %dma_wait3A_253 = arith.constant 0 : i32
      %dma_wait3A_254 = tpu.memref_slice %arg11[%dma_wait3A_252, %dma_wait3A_253] : memref<50176x32xf32, #tpu.memory_space<vmem_shared>> -> memref<50176x32xf32, #tpu.memory_space<vmem_shared>>
      tpu.wait_indirect_dma semaphore(%arg13 : memref<!tpu.dma_semaphore, #tpu.memory_space<semaphore_mem>>) src(%arg9 : memref<440x32xf32, #tpu.memory_space<vmem>>) dst(%dma_wait3A_254 : memref<50176x32xf32, #tpu.memory_space<vmem_shared>>)
      "tpu.region"() ({
        %run_scoped3A = tpu.sem_alloc : memref<!tpu.dma_semaphore, #tpu.memory_space<semaphore_mem>>
        %dma_start3A_358 = arith.constant 0 : i32
        %dma_start3A_359 = tpu.memref_slice %arg3[%dma_start3A_358, %add3A_247] : memref<2x1600000xi32, #tpu.memory_space<hbm>> -> memref<2x440xi32, #tpu.memory_space<hbm>>
        %dma_start3A_360 = arith.constant 0 : i32
        %dma_start3A_361 = tpu.memref_slice %arg3[%dma_start3A_360, %add3A_247] : memref<2x1600000xi32, #tpu.memory_space<hbm>> -> memref<2x440xi32, #tpu.memory_space<hbm>>
        tpu.enqueue_dma source(%dma_start3A_361 : memref<2x440xi32, #tpu.memory_space<hbm>>) target(%arg6 : memref<2x440xi32, #tpu.memory_space<vmem>>) target_semaphore(%run_scoped3A : memref<!tpu.dma_semaphore, #tpu.memory_space<semaphore_mem>>)
        %dma_wait3A_362 = arith.constant 0 : i32
        %dma_wait3A_363 = tpu.memref_slice %arg3[%dma_wait3A_362, %add3A_247] : memref<2x1600000xi32, #tpu.memory_space<hbm>> -> memref<2x440xi32, #tpu.memory_space<hbm>>
        %dma_wait3A_364 = arith.constant 0 : i32
        %dma_wait3A_365 = tpu.memref_slice %arg3[%dma_wait3A_364, %add3A_247] : memref<2x1600000xi32, #tpu.memory_space<hbm>> -> memref<2x440xi32, #tpu.memory_space<hbm>>
        tpu.wait_dma2 semaphore(%run_scoped3A : memref<!tpu.dma_semaphore, #tpu.memory_space<semaphore_mem>>) src(%dma_wait3A_365 : memref<2x440xi32, #tpu.memory_space<hbm>>) dst(%arg6 : memref<2x440xi32, #tpu.memory_space<vmem>>)
        tpu.yield
      }) : () -> ()
      %dma_start3A_255 = arith.constant 0 : i32
      %dma_start3A_256 = arith.constant 0 : i32
      %dma_start3A_257 = arith.constant 0 : i32
      %dma_start3A_258 = tpu.memref_slice %arg9[%dma_start3A_256, %dma_start3A_257] : memref<440x32xf32, #tpu.memory_space<vmem>> -> memref<224x32xf32, #tpu.memory_space<vmem>>
      %dma_start3A_259 = arith.constant 0 : i32
      %dma_start3A_260 = tpu.memref_slice %arg6[%dma_start3A_255, %dma_start3A_259] : memref<2x440xi32, #tpu.memory_space<vmem>> -> memref<1x224xi32, #tpu.memory_space<vmem>>
      %dma_start3A_261 = tpu.memref_squeeze %dma_start3A_260 : memref<1x224xi32, #tpu.memory_space<vmem>> -> memref<224xi32, #tpu.memory_space<vmem>>
      %dma_start3A_262 = arith.constant 0 : i32
      %dma_start3A_263 = arith.constant 0 : i32
      %dma_start3A_264 = tpu.memref_slice %arg2[%dma_start3A_262, %dma_start3A_263] : memref<50176x32xf32, #tpu.memory_space<hbm>> -> memref<50176x32xf32, #tpu.memory_space<hbm>>
      tpu.enqueue_indirect_dma source(%dma_start3A_264 : memref<50176x32xf32, #tpu.memory_space<hbm>>) target(%dma_start3A_258 : memref<224x32xf32, #tpu.memory_space<vmem>>) offsets(%dma_start3A_261 : memref<224xi32, #tpu.memory_space<vmem>>) semaphore(%arg12 : memref<!tpu.dma_semaphore, #tpu.memory_space<semaphore_mem>>)
      %dma_start3A_265 = arith.constant 0 : i32
      %dma_start3A_266 = arith.constant 224 : i32
      %dma_start3A_267 = arith.constant 0 : i32
      %dma_start3A_268 = tpu.memref_slice %arg9[%dma_start3A_266, %dma_start3A_267] : memref<440x32xf32, #tpu.memory_space<vmem>> -> memref<216x32xf32, #tpu.memory_space<vmem>>
      %dma_start3A_269 = arith.constant 224 : i32
      %dma_start3A_270 = tpu.memref_slice %arg6[%dma_start3A_265, %dma_start3A_269] : memref<2x440xi32, #tpu.memory_space<vmem>> -> memref<1x216xi32, #tpu.memory_space<vmem>>
      %dma_start3A_271 = tpu.memref_squeeze %dma_start3A_270 : memref<1x216xi32, #tpu.memory_space<vmem>> -> memref<216xi32, #tpu.memory_space<vmem>>
      %dma_start3A_272 = arith.constant 0 : i32
      %dma_start3A_273 = arith.constant 0 : i32
      %dma_start3A_274 = tpu.memref_slice %arg2[%dma_start3A_272, %dma_start3A_273] : memref<50176x32xf32, #tpu.memory_space<hbm>> -> memref<50176x32xf32, #tpu.memory_space<hbm>>
      tpu.enqueue_indirect_dma source(%dma_start3A_274 : memref<50176x32xf32, #tpu.memory_space<hbm>>) target(%dma_start3A_268 : memref<216x32xf32, #tpu.memory_space<vmem>>) offsets(%dma_start3A_271 : memref<216xi32, #tpu.memory_space<vmem>>) semaphore(%arg12 : memref<!tpu.dma_semaphore, #tpu.memory_space<semaphore_mem>>)
      %dma_wait3A_275 = arith.constant 1 : i32
      %dma_wait3A_276 = arith.constant 0 : i32
      %dma_wait3A_277 = tpu.memref_slice %arg7[%dma_wait3A_275, %dma_wait3A_276] : memref<2x440xi32, #tpu.memory_space<vmem>> -> memref<1x440xi32, #tpu.memory_space<vmem>>
      %dma_wait3A_278 = tpu.memref_squeeze %dma_wait3A_277 : memref<1x440xi32, #tpu.memory_space<vmem>> -> memref<440xi32, #tpu.memory_space<vmem>>
      %dma_wait3A_279 = arith.constant 0 : i32
      %dma_wait3A_280 = arith.constant 0 : i32
      %dma_wait3A_281 = tpu.memref_slice %arg11[%dma_wait3A_279, %dma_wait3A_280] : memref<50176x32xf32, #tpu.memory_space<vmem_shared>> -> memref<50176x32xf32, #tpu.memory_space<vmem_shared>>
      tpu.wait_indirect_dma semaphore(%arg14 : memref<!tpu.dma_semaphore, #tpu.memory_space<semaphore_mem>>) src(%arg10 : memref<440x32xf32, #tpu.memory_space<vmem>>) dst(%dma_wait3A_281 : memref<50176x32xf32, #tpu.memory_space<vmem_shared>>)
      %add3A_282 = arith.constant 440 : i32
      %add3A_283 = arith.addi %add3A_247, %add3A_282 : i32
      "tpu.region"() ({
        %run_scoped3A = tpu.sem_alloc : memref<!tpu.dma_semaphore, #tpu.memory_space<semaphore_mem>>
        %dma_start3A_358 = arith.constant 0 : i32
        %dma_start3A_359 = tpu.memref_slice %arg3[%dma_start3A_358, %add3A_283] : memref<2x1600000xi32, #tpu.memory_space<hbm>> -> memref<2x440xi32, #tpu.memory_space<hbm>>
        %dma_start3A_360 = arith.constant 0 : i32
        %dma_start3A_361 = tpu.memref_slice %arg3[%dma_start3A_360, %add3A_283] : memref<2x1600000xi32, #tpu.memory_space<hbm>> -> memref<2x440xi32, #tpu.memory_space<hbm>>
        tpu.enqueue_dma source(%dma_start3A_361 : memref<2x440xi32, #tpu.memory_space<hbm>>) target(%arg7 : memref<2x440xi32, #tpu.memory_space<vmem>>) target_semaphore(%run_scoped3A : memref<!tpu.dma_semaphore, #tpu.memory_space<semaphore_mem>>)
        %dma_wait3A_362 = arith.constant 0 : i32
        %dma_wait3A_363 = tpu.memref_slice %arg3[%dma_wait3A_362, %add3A_283] : memref<2x1600000xi32, #tpu.memory_space<hbm>> -> memref<2x440xi32, #tpu.memory_space<hbm>>
        %dma_wait3A_364 = arith.constant 0 : i32
        %dma_wait3A_365 = tpu.memref_slice %arg3[%dma_wait3A_364, %add3A_283] : memref<2x1600000xi32, #tpu.memory_space<hbm>> -> memref<2x440xi32, #tpu.memory_space<hbm>>
        tpu.wait_dma2 semaphore(%run_scoped3A : memref<!tpu.dma_semaphore, #tpu.memory_space<semaphore_mem>>) src(%dma_wait3A_365 : memref<2x440xi32, #tpu.memory_space<hbm>>) dst(%arg7 : memref<2x440xi32, #tpu.memory_space<vmem>>)
        tpu.yield
      }) : () -> ()
      %dma_start3A_284 = arith.constant 0 : i32
      %dma_start3A_285 = arith.constant 0 : i32
      %dma_start3A_286 = arith.constant 0 : i32
      %dma_start3A_287 = tpu.memref_slice %arg10[%dma_start3A_285, %dma_start3A_286] : memref<440x32xf32, #tpu.memory_space<vmem>> -> memref<224x32xf32, #tpu.memory_space<vmem>>
      %dma_start3A_288 = arith.constant 0 : i32
      %dma_start3A_289 = tpu.memref_slice %arg7[%dma_start3A_284, %dma_start3A_288] : memref<2x440xi32, #tpu.memory_space<vmem>> -> memref<1x224xi32, #tpu.memory_space<vmem>>
      %dma_start3A_290 = tpu.memref_squeeze %dma_start3A_289 : memref<1x224xi32, #tpu.memory_space<vmem>> -> memref<224xi32, #tpu.memory_space<vmem>>
      %dma_start3A_291 = arith.constant 0 : i32
      %dma_start3A_292 = arith.constant 0 : i32
      %dma_start3A_293 = tpu.memref_slice %arg2[%dma_start3A_291, %dma_start3A_292] : memref<50176x32xf32, #tpu.memory_space<hbm>> -> memref<50176x32xf32, #tpu.memory_space<hbm>>
      tpu.enqueue_indirect_dma source(%dma_start3A_293 : memref<50176x32xf32, #tpu.memory_space<hbm>>) target(%dma_start3A_287 : memref<224x32xf32, #tpu.memory_space<vmem>>) offsets(%dma_start3A_290 : memref<224xi32, #tpu.memory_space<vmem>>) semaphore(%arg12 : memref<!tpu.dma_semaphore, #tpu.memory_space<semaphore_mem>>)
      %dma_start3A_294 = arith.constant 0 : i32
      %dma_start3A_295 = arith.constant 224 : i32
      %dma_start3A_296 = arith.constant 0 : i32
      %dma_start3A_297 = tpu.memref_slice %arg10[%dma_start3A_295, %dma_start3A_296] : memref<440x32xf32, #tpu.memory_space<vmem>> -> memref<216x32xf32, #tpu.memory_space<vmem>>
      %dma_start3A_298 = arith.constant 224 : i32
      %dma_start3A_299 = tpu.memref_slice %arg7[%dma_start3A_294, %dma_start3A_298] : memref<2x440xi32, #tpu.memory_space<vmem>> -> memref<1x216xi32, #tpu.memory_space<vmem>>
      %dma_start3A_300 = tpu.memref_squeeze %dma_start3A_299 : memref<1x216xi32, #tpu.memory_space<vmem>> -> memref<216xi32, #tpu.memory_space<vmem>>
      %dma_start3A_301 = arith.constant 0 : i32
      %dma_start3A_302 = arith.constant 0 : i32
      %dma_start3A_303 = tpu.memref_slice %arg2[%dma_start3A_301, %dma_start3A_302] : memref<50176x32xf32, #tpu.memory_space<hbm>> -> memref<50176x32xf32, #tpu.memory_space<hbm>>
      tpu.enqueue_indirect_dma source(%dma_start3A_303 : memref<50176x32xf32, #tpu.memory_space<hbm>>) target(%dma_start3A_297 : memref<216x32xf32, #tpu.memory_space<vmem>>) offsets(%dma_start3A_300 : memref<216xi32, #tpu.memory_space<vmem>>) semaphore(%arg12 : memref<!tpu.dma_semaphore, #tpu.memory_space<semaphore_mem>>)
      %dma_wait3A_304 = arith.constant 0 : i32
      %dma_wait3A_305 = arith.constant 0 : i32
      %dma_wait3A_306 = arith.constant 0 : i32
      %dma_wait3A_307 = tpu.memref_slice %arg9[%dma_wait3A_305, %dma_wait3A_306] : memref<440x32xf32, #tpu.memory_space<vmem>> -> memref<224x32xf32, #tpu.memory_space<vmem>>
      %dma_wait3A_308 = arith.constant 0 : i32
      %dma_wait3A_309 = tpu.memref_slice %arg6[%dma_wait3A_304, %dma_wait3A_308] : memref<2x440xi32, #tpu.memory_space<vmem>> -> memref<1x224xi32, #tpu.memory_space<vmem>>
      %dma_wait3A_310 = tpu.memref_squeeze %dma_wait3A_309 : memref<1x224xi32, #tpu.memory_space<vmem>> -> memref<224xi32, #tpu.memory_space<vmem>>
      %dma_wait3A_311 = arith.constant 0 : i32
      %dma_wait3A_312 = arith.constant 0 : i32
      %dma_wait3A_313 = tpu.memref_slice %arg2[%dma_wait3A_311, %dma_wait3A_312] : memref<50176x32xf32, #tpu.memory_space<hbm>> -> memref<50176x32xf32, #tpu.memory_space<hbm>>
      tpu.wait_indirect_dma semaphore(%arg12 : memref<!tpu.dma_semaphore, #tpu.memory_space<semaphore_mem>>) src(%dma_wait3A_313 : memref<50176x32xf32, #tpu.memory_space<hbm>>) dst(%dma_wait3A_307 : memref<224x32xf32, #tpu.memory_space<vmem>>)
      %dma_wait3A_314 = arith.constant 0 : i32
      %dma_wait3A_315 = arith.constant 224 : i32
      %dma_wait3A_316 = arith.constant 0 : i32
      %dma_wait3A_317 = tpu.memref_slice %arg9[%dma_wait3A_315, %dma_wait3A_316] : memref<440x32xf32, #tpu.memory_space<vmem>> -> memref<216x32xf32, #tpu.memory_space<vmem>>
      %dma_wait3A_318 = arith.constant 224 : i32
      %dma_wait3A_319 = tpu.memref_slice %arg6[%dma_wait3A_314, %dma_wait3A_318] : memref<2x440xi32, #tpu.memory_space<vmem>> -> memref<1x216xi32, #tpu.memory_space<vmem>>
      %dma_wait3A_320 = tpu.memref_squeeze %dma_wait3A_319 : memref<1x216xi32, #tpu.memory_space<vmem>> -> memref<216xi32, #tpu.memory_space<vmem>>
      %dma_wait3A_321 = arith.constant 0 : i32
      %dma_wait3A_322 = arith.constant 0 : i32
      %dma_wait3A_323 = tpu.memref_slice %arg2[%dma_wait3A_321, %dma_wait3A_322] : memref<50176x32xf32, #tpu.memory_space<hbm>> -> memref<50176x32xf32, #tpu.memory_space<hbm>>
      tpu.wait_indirect_dma semaphore(%arg12 : memref<!tpu.dma_semaphore, #tpu.memory_space<semaphore_mem>>) src(%dma_wait3A_323 : memref<50176x32xf32, #tpu.memory_space<hbm>>) dst(%dma_wait3A_317 : memref<216x32xf32, #tpu.memory_space<vmem>>)
      %dma_start3A_324 = arith.constant 1 : i32
      %dma_start3A_325 = arith.constant 0 : i32
      %dma_start3A_326 = tpu.memref_slice %arg6[%dma_start3A_324, %dma_start3A_325] : memref<2x440xi32, #tpu.memory_space<vmem>> -> memref<1x440xi32, #tpu.memory_space<vmem>>
      %dma_start3A_327 = tpu.memref_squeeze %dma_start3A_326 : memref<1x440xi32, #tpu.memory_space<vmem>> -> memref<440xi32, #tpu.memory_space<vmem>>
      %dma_start3A_328 = arith.constant 0 : i32
      %dma_start3A_329 = arith.constant 0 : i32
      %dma_start3A_330 = tpu.memref_slice %arg11[%dma_start3A_328, %dma_start3A_329] : memref<50176x32xf32, #tpu.memory_space<vmem_shared>> -> memref<50176x32xf32, #tpu.memory_space<vmem_shared>>
      tpu.enqueue_indirect_dma source(%arg9 : memref<440x32xf32, #tpu.memory_space<vmem>>) target(%dma_start3A_330 : memref<50176x32xf32, #tpu.memory_space<vmem_shared>>) offsets(%dma_start3A_327 : memref<440xi32, #tpu.memory_space<vmem>>) semaphore(%arg13 : memref<!tpu.dma_semaphore, #tpu.memory_space<semaphore_mem>>) {add = true}
      %dma_wait3A_331 = arith.constant 0 : i32
      %dma_wait3A_332 = arith.constant 0 : i32
      %dma_wait3A_333 = arith.constant 0 : i32
      %dma_wait3A_334 = tpu.memref_slice %arg10[%dma_wait3A_332, %dma_wait3A_333] : memref<440x32xf32, #tpu.memory_space<vmem>> -> memref<224x32xf32, #tpu.memory_space<vmem>>
      %dma_wait3A_335 = arith.constant 0 : i32
      %dma_wait3A_336 = tpu.memref_slice %arg7[%dma_wait3A_331, %dma_wait3A_335] : memref<2x440xi32, #tpu.memory_space<vmem>> -> memref<1x224xi32, #tpu.memory_space<vmem>>
      %dma_wait3A_337 = tpu.memref_squeeze %dma_wait3A_336 : memref<1x224xi32, #tpu.memory_space<vmem>> -> memref<224xi32, #tpu.memory_space<vmem>>
      %dma_wait3A_338 = arith.constant 0 : i32
      %dma_wait3A_339 = arith.constant 0 : i32
      %dma_wait3A_340 = tpu.memref_slice %arg2[%dma_wait3A_338, %dma_wait3A_339] : memref<50176x32xf32, #tpu.memory_space<hbm>> -> memref<50176x32xf32, #tpu.memory_space<hbm>>
      tpu.wait_indirect_dma semaphore(%arg12 : memref<!tpu.dma_semaphore, #tpu.memory_space<semaphore_mem>>) src(%dma_wait3A_340 : memref<50176x32xf32, #tpu.memory_space<hbm>>) dst(%dma_wait3A_334 : memref<224x32xf32, #tpu.memory_space<vmem>>)
      %dma_wait3A_341 = arith.constant 0 : i32
      %dma_wait3A_342 = arith.constant 224 : i32
      %dma_wait3A_343 = arith.constant 0 : i32
      %dma_wait3A_344 = tpu.memref_slice %arg10[%dma_wait3A_342, %dma_wait3A_343] : memref<440x32xf32, #tpu.memory_space<vmem>> -> memref<216x32xf32, #tpu.memory_space<vmem>>
      %dma_wait3A_345 = arith.constant 224 : i32
      %dma_wait3A_346 = tpu.memref_slice %arg7[%dma_wait3A_341, %dma_wait3A_345] : memref<2x440xi32, #tpu.memory_space<vmem>> -> memref<1x216xi32, #tpu.memory_space<vmem>>
      %dma_wait3A_347 = tpu.memref_squeeze %dma_wait3A_346 : memref<1x216xi32, #tpu.memory_space<vmem>> -> memref<216xi32, #tpu.memory_space<vmem>>
      %dma_wait3A_348 = arith.constant 0 : i32
      %dma_wait3A_349 = arith.constant 0 : i32
      %dma_wait3A_350 = tpu.memref_slice %arg2[%dma_wait3A_348, %dma_wait3A_349] : memref<50176x32xf32, #tpu.memory_space<hbm>> -> memref<50176x32xf32, #tpu.memory_space<hbm>>
      tpu.wait_indirect_dma semaphore(%arg12 : memref<!tpu.dma_semaphore, #tpu.memory_space<semaphore_mem>>) src(%dma_wait3A_350 : memref<50176x32xf32, #tpu.memory_space<hbm>>) dst(%dma_wait3A_344 : memref<216x32xf32, #tpu.memory_space<vmem>>)
      %dma_start3A_351 = arith.constant 1 : i32
      %dma_start3A_352 = arith.constant 0 : i32
      %dma_start3A_353 = tpu.memref_slice %arg7[%dma_start3A_351, %dma_start3A_352] : memref<2x440xi32, #tpu.memory_space<vmem>> -> memref<1x440xi32, #tpu.memory_space<vmem>>
      %dma_start3A_354 = tpu.memref_squeeze %dma_start3A_353 : memref<1x440xi32, #tpu.memory_space<vmem>> -> memref<440xi32, #tpu.memory_space<vmem>>
      %dma_start3A_355 = arith.constant 0 : i32
      %dma_start3A_356 = arith.constant 0 : i32
      %dma_start3A_357 = tpu.memref_slice %arg11[%dma_start3A_355, %dma_start3A_356] : memref<50176x32xf32, #tpu.memory_space<vmem_shared>> -> memref<50176x32xf32, #tpu.memory_space<vmem_shared>>
      tpu.enqueue_indirect_dma source(%arg10 : memref<440x32xf32, #tpu.memory_space<vmem>>) target(%dma_start3A_357 : memref<50176x32xf32, #tpu.memory_space<vmem_shared>>) offsets(%dma_start3A_354 : memref<440xi32, #tpu.memory_space<vmem>>) semaphore(%arg14 : memref<!tpu.dma_semaphore, #tpu.memory_space<semaphore_mem>>) {add = true}
    }
    %scan3A_117 = arith.constant 55 : i32
    %add3A_118 = arith.constant 49280 : i32
    %add3A_119 = arith.addi %mul3A_16, %add3A_118 : i32
    %dma_wait3A_120 = arith.constant 1 : i32
    %dma_wait3A_121 = arith.constant 0 : i32
    %dma_wait3A_122 = tpu.memref_slice %arg6[%dma_wait3A_120, %dma_wait3A_121] : memref<2x440xi32, #tpu.memory_space<vmem>> -> memref<1x440xi32, #tpu.memory_space<vmem>>
    %dma_wait3A_123 = tpu.memref_squeeze %dma_wait3A_122 : memref<1x440xi32, #tpu.memory_space<vmem>> -> memref<440xi32, #tpu.memory_space<vmem>>
    %dma_wait3A_124 = arith.constant 0 : i32
    %dma_wait3A_125 = arith.constant 0 : i32
    %dma_wait3A_126 = tpu.memref_slice %arg11[%dma_wait3A_124, %dma_wait3A_125] : memref<50176x32xf32, #tpu.memory_space<vmem_shared>> -> memref<50176x32xf32, #tpu.memory_space<vmem_shared>>
    tpu.wait_indirect_dma semaphore(%arg13 : memref<!tpu.dma_semaphore, #tpu.memory_space<semaphore_mem>>) src(%arg9 : memref<440x32xf32, #tpu.memory_space<vmem>>) dst(%dma_wait3A_126 : memref<50176x32xf32, #tpu.memory_space<vmem_shared>>)
    "tpu.region"() ({
      %run_scoped3A = tpu.sem_alloc : memref<!tpu.dma_semaphore, #tpu.memory_space<semaphore_mem>>
      %dma_start3A_238 = arith.constant 0 : i32
      %dma_start3A_239 = tpu.memref_slice %arg3[%dma_start3A_238, %add3A_119] : memref<2x1600000xi32, #tpu.memory_space<hbm>> -> memref<2x440xi32, #tpu.memory_space<hbm>>
      %dma_start3A_240 = arith.constant 0 : i32
      %dma_start3A_241 = tpu.memref_slice %arg3[%dma_start3A_240, %add3A_119] : memref<2x1600000xi32, #tpu.memory_space<hbm>> -> memref<2x440xi32, #tpu.memory_space<hbm>>
      tpu.enqueue_dma source(%dma_start3A_241 : memref<2x440xi32, #tpu.memory_space<hbm>>) target(%arg6 : memref<2x440xi32, #tpu.memory_space<vmem>>) target_semaphore(%run_scoped3A : memref<!tpu.dma_semaphore, #tpu.memory_space<semaphore_mem>>)
      %dma_wait3A_242 = arith.constant 0 : i32
      %dma_wait3A_243 = tpu.memref_slice %arg3[%dma_wait3A_242, %add3A_119] : memref<2x1600000xi32, #tpu.memory_space<hbm>> -> memref<2x440xi32, #tpu.memory_space<hbm>>
      %dma_wait3A_244 = arith.constant 0 : i32
      %dma_wait3A_245 = tpu.memref_slice %arg3[%dma_wait3A_244, %add3A_119] : memref<2x1600000xi32, #tpu.memory_space<hbm>> -> memref<2x440xi32, #tpu.memory_space<hbm>>
      tpu.wait_dma2 semaphore(%run_scoped3A : memref<!tpu.dma_semaphore, #tpu.memory_space<semaphore_mem>>) src(%dma_wait3A_245 : memref<2x440xi32, #tpu.memory_space<hbm>>) dst(%arg6 : memref<2x440xi32, #tpu.memory_space<vmem>>)
      tpu.yield
    }) : () -> ()
    %dma_start3A_127 = arith.constant 0 : i32
    %dma_start3A_128 = arith.constant 0 : i32
    %dma_start3A_129 = arith.constant 0 : i32
    %dma_start3A_130 = tpu.memref_slice %arg9[%dma_start3A_128, %dma_start3A_129] : memref<440x32xf32, #tpu.memory_space<vmem>> -> memref<224x32xf32, #tpu.memory_space<vmem>>
    %dma_start3A_131 = arith.constant 0 : i32
    %dma_start3A_132 = tpu.memref_slice %arg6[%dma_start3A_127, %dma_start3A_131] : memref<2x440xi32, #tpu.memory_space<vmem>> -> memref<1x224xi32, #tpu.memory_space<vmem>>
    %dma_start3A_133 = tpu.memref_squeeze %dma_start3A_132 : memref<1x224xi32, #tpu.memory_space<vmem>> -> memref<224xi32, #tpu.memory_space<vmem>>
    %dma_start3A_134 = arith.constant 0 : i32
    %dma_start3A_135 = arith.constant 0 : i32
    %dma_start3A_136 = tpu.memref_slice %arg2[%dma_start3A_134, %dma_start3A_135] : memref<50176x32xf32, #tpu.memory_space<hbm>> -> memref<50176x32xf32, #tpu.memory_space<hbm>>
    tpu.enqueue_indirect_dma source(%dma_start3A_136 : memref<50176x32xf32, #tpu.memory_space<hbm>>) target(%dma_start3A_130 : memref<224x32xf32, #tpu.memory_space<vmem>>) offsets(%dma_start3A_133 : memref<224xi32, #tpu.memory_space<vmem>>) semaphore(%arg12 : memref<!tpu.dma_semaphore, #tpu.memory_space<semaphore_mem>>)
    %dma_start3A_137 = arith.constant 0 : i32
    %dma_start3A_138 = arith.constant 224 : i32
    %dma_start3A_139 = arith.constant 0 : i32
    %dma_start3A_140 = tpu.memref_slice %arg9[%dma_start3A_138, %dma_start3A_139] : memref<440x32xf32, #tpu.memory_space<vmem>> -> memref<216x32xf32, #tpu.memory_space<vmem>>
    %dma_start3A_141 = arith.constant 224 : i32
    %dma_start3A_142 = tpu.memref_slice %arg6[%dma_start3A_137, %dma_start3A_141] : memref<2x440xi32, #tpu.memory_space<vmem>> -> memref<1x216xi32, #tpu.memory_space<vmem>>
    %dma_start3A_143 = tpu.memref_squeeze %dma_start3A_142 : memref<1x216xi32, #tpu.memory_space<vmem>> -> memref<216xi32, #tpu.memory_space<vmem>>
    %dma_start3A_144 = arith.constant 0 : i32
    %dma_start3A_145 = arith.constant 0 : i32
    %dma_start3A_146 = tpu.memref_slice %arg2[%dma_start3A_144, %dma_start3A_145] : memref<50176x32xf32, #tpu.memory_space<hbm>> -> memref<50176x32xf32, #tpu.memory_space<hbm>>
    tpu.enqueue_indirect_dma source(%dma_start3A_146 : memref<50176x32xf32, #tpu.memory_space<hbm>>) target(%dma_start3A_140 : memref<216x32xf32, #tpu.memory_space<vmem>>) offsets(%dma_start3A_143 : memref<216xi32, #tpu.memory_space<vmem>>) semaphore(%arg12 : memref<!tpu.dma_semaphore, #tpu.memory_space<semaphore_mem>>)
    %dma_wait3A_147 = arith.constant 1 : i32
    %dma_wait3A_148 = arith.constant 0 : i32
    %dma_wait3A_149 = tpu.memref_slice %arg7[%dma_wait3A_147, %dma_wait3A_148] : memref<2x440xi32, #tpu.memory_space<vmem>> -> memref<1x440xi32, #tpu.memory_space<vmem>>
    %dma_wait3A_150 = tpu.memref_squeeze %dma_wait3A_149 : memref<1x440xi32, #tpu.memory_space<vmem>> -> memref<440xi32, #tpu.memory_space<vmem>>
    %dma_wait3A_151 = arith.constant 0 : i32
    %dma_wait3A_152 = arith.constant 0 : i32
    %dma_wait3A_153 = tpu.memref_slice %arg11[%dma_wait3A_151, %dma_wait3A_152] : memref<50176x32xf32, #tpu.memory_space<vmem_shared>> -> memref<50176x32xf32, #tpu.memory_space<vmem_shared>>
    tpu.wait_indirect_dma semaphore(%arg14 : memref<!tpu.dma_semaphore, #tpu.memory_space<semaphore_mem>>) src(%arg10 : memref<440x32xf32, #tpu.memory_space<vmem>>) dst(%dma_wait3A_153 : memref<50176x32xf32, #tpu.memory_space<vmem_shared>>)
    %add3A_154 = arith.constant 440 : i32
    %add3A_155 = arith.addi %add3A_119, %add3A_154 : i32
    "tpu.region"() ({
      %run_scoped3A = tpu.sem_alloc : memref<!tpu.dma_semaphore, #tpu.memory_space<semaphore_mem>>
      %dma_start3A_238 = arith.constant 0 : i32
      %dma_start3A_239 = tpu.memref_slice %arg3[%dma_start3A_238, %add3A_155] : memref<2x1600000xi32, #tpu.memory_space<hbm>> -> memref<2x280xi32, #tpu.memory_space<hbm>>
      %dma_start3A_240 = arith.constant 0 : i32
      %dma_start3A_241 = tpu.memref_slice %arg3[%dma_start3A_240, %add3A_155] : memref<2x1600000xi32, #tpu.memory_space<hbm>> -> memref<2x280xi32, #tpu.memory_space<hbm>>
      tpu.enqueue_dma source(%dma_start3A_241 : memref<2x280xi32, #tpu.memory_space<hbm>>) target(%arg8 : memref<2x280xi32, #tpu.memory_space<vmem>>) target_semaphore(%run_scoped3A : memref<!tpu.dma_semaphore, #tpu.memory_space<semaphore_mem>>)
      %dma_wait3A_242 = arith.constant 0 : i32
      %dma_wait3A_243 = tpu.memref_slice %arg3[%dma_wait3A_242, %add3A_155] : memref<2x1600000xi32, #tpu.memory_space<hbm>> -> memref<2x280xi32, #tpu.memory_space<hbm>>
      %dma_wait3A_244 = arith.constant 0 : i32
      %dma_wait3A_245 = tpu.memref_slice %arg3[%dma_wait3A_244, %add3A_155] : memref<2x1600000xi32, #tpu.memory_space<hbm>> -> memref<2x280xi32, #tpu.memory_space<hbm>>
      tpu.wait_dma2 semaphore(%run_scoped3A : memref<!tpu.dma_semaphore, #tpu.memory_space<semaphore_mem>>) src(%dma_wait3A_245 : memref<2x280xi32, #tpu.memory_space<hbm>>) dst(%arg8 : memref<2x280xi32, #tpu.memory_space<vmem>>)
      tpu.yield
    }) : () -> ()
    %dma_start3A_156 = arith.constant 0 : i32
    %dma_start3A_157 = arith.constant 0 : i32
    %dma_start3A_158 = arith.constant 0 : i32
    %dma_start3A_159 = tpu.memref_slice %arg10[%dma_start3A_157, %dma_start3A_158] : memref<440x32xf32, #tpu.memory_space<vmem>> -> memref<280x32xf32, #tpu.memory_space<vmem>>
    %dma_start3A_160 = arith.constant 0 : i32
    %dma_start3A_161 = tpu.memref_slice %arg8[%dma_start3A_156, %dma_start3A_160] : memref<2x280xi32, #tpu.memory_space<vmem>> -> memref<1x280xi32, #tpu.memory_space<vmem>>
    %dma_start3A_162 = tpu.memref_squeeze %dma_start3A_161 : memref<1x280xi32, #tpu.memory_space<vmem>> -> memref<280xi32, #tpu.memory_space<vmem>>
    %dma_start3A_163 = arith.constant 0 : i32
    %dma_start3A_164 = arith.constant 0 : i32
    %dma_start3A_165 = tpu.memref_slice %arg2[%dma_start3A_163, %dma_start3A_164] : memref<50176x32xf32, #tpu.memory_space<hbm>> -> memref<50176x32xf32, #tpu.memory_space<hbm>>
    tpu.enqueue_indirect_dma source(%dma_start3A_165 : memref<50176x32xf32, #tpu.memory_space<hbm>>) target(%dma_start3A_159 : memref<280x32xf32, #tpu.memory_space<vmem>>) offsets(%dma_start3A_162 : memref<280xi32, #tpu.memory_space<vmem>>) semaphore(%arg12 : memref<!tpu.dma_semaphore, #tpu.memory_space<semaphore_mem>>)
    %dma_wait3A_166 = arith.constant 0 : i32
    %dma_wait3A_167 = arith.constant 0 : i32
    %dma_wait3A_168 = arith.constant 0 : i32
    %dma_wait3A_169 = tpu.memref_slice %arg9[%dma_wait3A_167, %dma_wait3A_168] : memref<440x32xf32, #tpu.memory_space<vmem>> -> memref<224x32xf32, #tpu.memory_space<vmem>>
    %dma_wait3A_170 = arith.constant 0 : i32
    %dma_wait3A_171 = tpu.memref_slice %arg6[%dma_wait3A_166, %dma_wait3A_170] : memref<2x440xi32, #tpu.memory_space<vmem>> -> memref<1x224xi32, #tpu.memory_space<vmem>>
    %dma_wait3A_172 = tpu.memref_squeeze %dma_wait3A_171 : memref<1x224xi32, #tpu.memory_space<vmem>> -> memref<224xi32, #tpu.memory_space<vmem>>
    %dma_wait3A_173 = arith.constant 0 : i32
    %dma_wait3A_174 = arith.constant 0 : i32
    %dma_wait3A_175 = tpu.memref_slice %arg2[%dma_wait3A_173, %dma_wait3A_174] : memref<50176x32xf32, #tpu.memory_space<hbm>> -> memref<50176x32xf32, #tpu.memory_space<hbm>>
    tpu.wait_indirect_dma semaphore(%arg12 : memref<!tpu.dma_semaphore, #tpu.memory_space<semaphore_mem>>) src(%dma_wait3A_175 : memref<50176x32xf32, #tpu.memory_space<hbm>>) dst(%dma_wait3A_169 : memref<224x32xf32, #tpu.memory_space<vmem>>)
    %dma_wait3A_176 = arith.constant 0 : i32
    %dma_wait3A_177 = arith.constant 224 : i32
    %dma_wait3A_178 = arith.constant 0 : i32
    %dma_wait3A_179 = tpu.memref_slice %arg9[%dma_wait3A_177, %dma_wait3A_178] : memref<440x32xf32, #tpu.memory_space<vmem>> -> memref<216x32xf32, #tpu.memory_space<vmem>>
    %dma_wait3A_180 = arith.constant 224 : i32
    %dma_wait3A_181 = tpu.memref_slice %arg6[%dma_wait3A_176, %dma_wait3A_180] : memref<2x440xi32, #tpu.memory_space<vmem>> -> memref<1x216xi32, #tpu.memory_space<vmem>>
    %dma_wait3A_182 = tpu.memref_squeeze %dma_wait3A_181 : memref<1x216xi32, #tpu.memory_space<vmem>> -> memref<216xi32, #tpu.memory_space<vmem>>
    %dma_wait3A_183 = arith.constant 0 : i32
    %dma_wait3A_184 = arith.constant 0 : i32
    %dma_wait3A_185 = tpu.memref_slice %arg2[%dma_wait3A_183, %dma_wait3A_184] : memref<50176x32xf32, #tpu.memory_space<hbm>> -> memref<50176x32xf32, #tpu.memory_space<hbm>>
    tpu.wait_indirect_dma semaphore(%arg12 : memref<!tpu.dma_semaphore, #tpu.memory_space<semaphore_mem>>) src(%dma_wait3A_185 : memref<50176x32xf32, #tpu.memory_space<hbm>>) dst(%dma_wait3A_179 : memref<216x32xf32, #tpu.memory_space<vmem>>)
    %dma_start3A_186 = arith.constant 1 : i32
    %dma_start3A_187 = arith.constant 0 : i32
    %dma_start3A_188 = tpu.memref_slice %arg6[%dma_start3A_186, %dma_start3A_187] : memref<2x440xi32, #tpu.memory_space<vmem>> -> memref<1x440xi32, #tpu.memory_space<vmem>>
    %dma_start3A_189 = tpu.memref_squeeze %dma_start3A_188 : memref<1x440xi32, #tpu.memory_space<vmem>> -> memref<440xi32, #tpu.memory_space<vmem>>
    %dma_start3A_190 = arith.constant 0 : i32
    %dma_start3A_191 = arith.constant 0 : i32
    %dma_start3A_192 = tpu.memref_slice %arg11[%dma_start3A_190, %dma_start3A_191] : memref<50176x32xf32, #tpu.memory_space<vmem_shared>> -> memref<50176x32xf32, #tpu.memory_space<vmem_shared>>
    tpu.enqueue_indirect_dma source(%arg9 : memref<440x32xf32, #tpu.memory_space<vmem>>) target(%dma_start3A_192 : memref<50176x32xf32, #tpu.memory_space<vmem_shared>>) offsets(%dma_start3A_189 : memref<440xi32, #tpu.memory_space<vmem>>) semaphore(%arg13 : memref<!tpu.dma_semaphore, #tpu.memory_space<semaphore_mem>>) {add = true}
    %dma_wait3A_193 = arith.constant 0 : i32
    %dma_wait3A_194 = arith.constant 0 : i32
    %dma_wait3A_195 = arith.constant 0 : i32
    %dma_wait3A_196 = tpu.memref_slice %arg10[%dma_wait3A_194, %dma_wait3A_195] : memref<440x32xf32, #tpu.memory_space<vmem>> -> memref<280x32xf32, #tpu.memory_space<vmem>>
    %dma_wait3A_197 = arith.constant 0 : i32
    %dma_wait3A_198 = tpu.memref_slice %arg8[%dma_wait3A_193, %dma_wait3A_197] : memref<2x280xi32, #tpu.memory_space<vmem>> -> memref<1x280xi32, #tpu.memory_space<vmem>>
    %dma_wait3A_199 = tpu.memref_squeeze %dma_wait3A_198 : memref<1x280xi32, #tpu.memory_space<vmem>> -> memref<280xi32, #tpu.memory_space<vmem>>
    %dma_wait3A_200 = arith.constant 0 : i32
    %dma_wait3A_201 = arith.constant 0 : i32
    %dma_wait3A_202 = tpu.memref_slice %arg2[%dma_wait3A_200, %dma_wait3A_201] : memref<50176x32xf32, #tpu.memory_space<hbm>> -> memref<50176x32xf32, #tpu.memory_space<hbm>>
    tpu.wait_indirect_dma semaphore(%arg12 : memref<!tpu.dma_semaphore, #tpu.memory_space<semaphore_mem>>) src(%dma_wait3A_202 : memref<50176x32xf32, #tpu.memory_space<hbm>>) dst(%dma_wait3A_196 : memref<280x32xf32, #tpu.memory_space<vmem>>)
    %dma_start3A_203 = arith.constant 1 : i32
    %dma_start3A_204 = arith.constant 0 : i32
    %dma_start3A_205 = arith.constant 0 : i32
    %dma_start3A_206 = tpu.memref_slice %arg10[%dma_start3A_204, %dma_start3A_205] : memref<440x32xf32, #tpu.memory_space<vmem>> -> memref<280x32xf32, #tpu.memory_space<vmem>>
    %dma_start3A_207 = arith.constant 0 : i32
    %dma_start3A_208 = tpu.memref_slice %arg8[%dma_start3A_203, %dma_start3A_207] : memref<2x280xi32, #tpu.memory_space<vmem>> -> memref<1x280xi32, #tpu.memory_space<vmem>>
    %dma_start3A_209 = tpu.memref_squeeze %dma_start3A_208 : memref<1x280xi32, #tpu.memory_space<vmem>> -> memref<280xi32, #tpu.memory_space<vmem>>
    %dma_start3A_210 = arith.constant 0 : i32
    %dma_start3A_211 = arith.constant 0 : i32
    %dma_start3A_212 = tpu.memref_slice %arg11[%dma_start3A_210, %dma_start3A_211] : memref<50176x32xf32, #tpu.memory_space<vmem_shared>> -> memref<50176x32xf32, #tpu.memory_space<vmem_shared>>
    tpu.enqueue_indirect_dma source(%dma_start3A_206 : memref<280x32xf32, #tpu.memory_space<vmem>>) target(%dma_start3A_212 : memref<50176x32xf32, #tpu.memory_space<vmem_shared>>) offsets(%dma_start3A_209 : memref<280xi32, #tpu.memory_space<vmem>>) semaphore(%arg14 : memref<!tpu.dma_semaphore, #tpu.memory_space<semaphore_mem>>) {add = true}
    %dma_wait3A_213 = arith.constant 1 : i32
    %dma_wait3A_214 = arith.constant 0 : i32
    %dma_wait3A_215 = tpu.memref_slice %arg6[%dma_wait3A_213, %dma_wait3A_214] : memref<2x440xi32, #tpu.memory_space<vmem>> -> memref<1x440xi32, #tpu.memory_space<vmem>>
    %dma_wait3A_216 = tpu.memref_squeeze %dma_wait3A_215 : memref<1x440xi32, #tpu.memory_space<vmem>> -> memref<440xi32, #tpu.memory_space<vmem>>
    %dma_wait3A_217 = arith.constant 0 : i32
    %dma_wait3A_218 = arith.constant 0 : i32
    %dma_wait3A_219 = tpu.memref_slice %arg11[%dma_wait3A_217, %dma_wait3A_218] : memref<50176x32xf32, #tpu.memory_space<vmem_shared>> -> memref<50176x32xf32, #tpu.memory_space<vmem_shared>>
    tpu.wait_indirect_dma semaphore(%arg13 : memref<!tpu.dma_semaphore, #tpu.memory_space<semaphore_mem>>) src(%arg9 : memref<440x32xf32, #tpu.memory_space<vmem>>) dst(%dma_wait3A_219 : memref<50176x32xf32, #tpu.memory_space<vmem_shared>>)
    %dma_wait3A_220 = arith.constant 1 : i32
    %dma_wait3A_221 = arith.constant 0 : i32
    %dma_wait3A_222 = arith.constant 0 : i32
    %dma_wait3A_223 = tpu.memref_slice %arg10[%dma_wait3A_221, %dma_wait3A_222] : memref<440x32xf32, #tpu.memory_space<vmem>> -> memref<280x32xf32, #tpu.memory_space<vmem>>
    %dma_wait3A_224 = arith.constant 0 : i32
    %dma_wait3A_225 = tpu.memref_slice %arg8[%dma_wait3A_220, %dma_wait3A_224] : memref<2x280xi32, #tpu.memory_space<vmem>> -> memref<1x280xi32, #tpu.memory_space<vmem>>
    %dma_wait3A_226 = tpu.memref_squeeze %dma_wait3A_225 : memref<1x280xi32, #tpu.memory_space<vmem>> -> memref<280xi32, #tpu.memory_space<vmem>>
    %dma_wait3A_227 = arith.constant 0 : i32
    %dma_wait3A_228 = arith.constant 0 : i32
    %dma_wait3A_229 = tpu.memref_slice %arg11[%dma_wait3A_227, %dma_wait3A_228] : memref<50176x32xf32, #tpu.memory_space<vmem_shared>> -> memref<50176x32xf32, #tpu.memory_space<vmem_shared>>
    tpu.wait_indirect_dma semaphore(%arg14 : memref<!tpu.dma_semaphore, #tpu.memory_space<semaphore_mem>>) src(%dma_wait3A_223 : memref<280x32xf32, #tpu.memory_space<vmem>>) dst(%dma_wait3A_229 : memref<50176x32xf32, #tpu.memory_space<vmem_shared>>)
    %barrier3A_230 = arith.constant 0 : index
    tpu.barrier barrier_id(%barrier3A_230)
    %eq3A = arith.constant 0 : i32
    %eq3A_231 = arith.cmpi eq, %arg0, %eq3A : i32
    %convert_element_type3A = arith.extui %eq3A_231 : i1 to i32
    %cond3A = arith.constant 0 : i32
    %cond3A_232 = arith.cmpi ne, %convert_element_type3A, %cond3A : i32
    scf.if %cond3A_232 {
      "tpu.region"() ({
        %run_scoped3A = tpu.sem_alloc : memref<!tpu.dma_semaphore, #tpu.memory_space<semaphore_mem>>
        %dma_start3A_238 = arith.constant 0 : i32
        %dma_start3A_239 = tpu.memref_slice %arg4[%mul3A_2, %dma_start3A_238] : memref<50176x32xf32, #tpu.memory_space<hbm>> -> memref<3136x32xf32, #tpu.memory_space<hbm>>
        %dma_start3A_240 = arith.constant 0 : i32
        %dma_start3A_241 = tpu.memref_slice %arg11[%mul3A_2, %dma_start3A_240] : memref<50176x32xf32, #tpu.memory_space<vmem_shared>> -> memref<3136x32xf32, #tpu.memory_space<vmem_shared>>
        tpu.enqueue_dma source(%dma_start3A_241 : memref<3136x32xf32, #tpu.memory_space<vmem_shared>>) target(%dma_start3A_239 : memref<3136x32xf32, #tpu.memory_space<hbm>>) target_semaphore(%run_scoped3A : memref<!tpu.dma_semaphore, #tpu.memory_space<semaphore_mem>>)
        %dma_wait3A_242 = arith.constant 0 : i32
        %dma_wait3A_243 = tpu.memref_slice %arg4[%mul3A_2, %dma_wait3A_242] : memref<50176x32xf32, #tpu.memory_space<hbm>> -> memref<3136x32xf32, #tpu.memory_space<hbm>>
        %dma_wait3A_244 = arith.constant 0 : i32
        %dma_wait3A_245 = tpu.memref_slice %arg11[%mul3A_2, %dma_wait3A_244] : memref<50176x32xf32, #tpu.memory_space<vmem_shared>> -> memref<3136x32xf32, #tpu.memory_space<vmem_shared>>
        tpu.wait_dma2 semaphore(%run_scoped3A : memref<!tpu.dma_semaphore, #tpu.memory_space<semaphore_mem>>) src(%dma_wait3A_245 : memref<3136x32xf32, #tpu.memory_space<vmem_shared>>) dst(%dma_wait3A_243 : memref<3136x32xf32, #tpu.memory_space<hbm>>)
        tpu.yield
      }) : () -> ()
    } else {
    }
    %eq3A_233 = arith.constant 1 : i32
    %eq3A_234 = arith.cmpi eq, %arg0, %eq3A_233 : i32
    %convert_element_type3A_235 = arith.extui %eq3A_234 : i1 to i32
    %cond3A_236 = arith.constant 0 : i32
    %cond3A_237 = arith.cmpi ne, %convert_element_type3A_235, %cond3A_236 : i32
    scf.if %cond3A_237 {
      "tpu.region"() ({
        %run_scoped3A = tpu.sem_alloc : memref<!tpu.dma_semaphore, #tpu.memory_space<semaphore_mem>>
        %dma_start3A_238 = arith.constant 0 : i32
        %dma_start3A_239 = tpu.memref_slice %arg5[%mul3A_2, %dma_start3A_238] : memref<50176x32xf32, #tpu.memory_space<hbm>> -> memref<3136x32xf32, #tpu.memory_space<hbm>>
        %dma_start3A_240 = arith.constant 0 : i32
        %dma_start3A_241 = tpu.memref_slice %arg11[%mul3A_2, %dma_start3A_240] : memref<50176x32xf32, #tpu.memory_space<vmem_shared>> -> memref<3136x32xf32, #tpu.memory_space<vmem_shared>>
        tpu.enqueue_dma source(%dma_start3A_241 : memref<3136x32xf32, #tpu.memory_space<vmem_shared>>) target(%dma_start3A_239 : memref<3136x32xf32, #tpu.memory_space<hbm>>) target_semaphore(%run_scoped3A : memref<!tpu.dma_semaphore, #tpu.memory_space<semaphore_mem>>)
        %dma_wait3A_242 = arith.constant 0 : i32
        %dma_wait3A_243 = tpu.memref_slice %arg5[%mul3A_2, %dma_wait3A_242] : memref<50176x32xf32, #tpu.memory_space<hbm>> -> memref<3136x32xf32, #tpu.memory_space<hbm>>
        %dma_wait3A_244 = arith.constant 0 : i32
        %dma_wait3A_245 = tpu.memref_slice %arg11[%mul3A_2, %dma_wait3A_244] : memref<50176x32xf32, #tpu.memory_space<vmem_shared>> -> memref<3136x32xf32, #tpu.memory_space<vmem_shared>>
        tpu.wait_dma2 semaphore(%run_scoped3A : memref<!tpu.dma_semaphore, #tpu.memory_space<semaphore_mem>>) src(%dma_wait3A_245 : memref<3136x32xf32, #tpu.memory_space<vmem_shared>>) dst(%dma_wait3A_243 : memref<3136x32xf32, #tpu.memory_space<hbm>>)
        tpu.yield
      }) : () -> ()
    } else {
    }
    return
  }
}

#map = affine_map<(d0, d1) -> (0, 0)>
module attributes {stable_mosaic.version = 14 : i64} {
  func.func @sc_segment_sum(%arg0: i32, %arg1: i32, %arg2: memref<50176x32xf32, #tpu.memory_space<hbm>>, %arg3: memref<2x1600000xi32, #tpu.memory_space<hbm>>, %arg4: memref<50176x32xf32, #tpu.memory_space<hbm>>, %arg5: memref<50176x32xf32, #tpu.memory_space<hbm>>, %arg6: memref<2x440xi32, #tpu.memory_space<vmem>>, %arg7: memref<2x440xi32, #tpu.memory_space<vmem>>, %arg8: memref<2x280xi32, #tpu.memory_space<vmem>>, %arg9: memref<440x32xf32, #tpu.memory_space<vmem>>, %arg10: memref<440x32xf32, #tpu.memory_space<vmem>>, %arg11: memref<50176x32xf32, #tpu.memory_space<vmem_shared>>, %arg12: memref<!tpu.dma_semaphore, #tpu.memory_space<semaphore_mem>>, %arg13: memref<!tpu.dma_semaphore, #tpu.memory_space<semaphore_mem>>, %arg14: memref<!tpu.dma_semaphore, #tpu.memory_space<semaphore_mem>>) attributes {dimension_semantics = [#tpu.dimension_semantics<core_parallel>, #tpu.dimension_semantics<subcore_parallel>], iteration_bounds = array<i64: 2, 16>, scalar_prefetch = 0 : i64, scratch_operands = 9 : i64, tpu.core_type = #tpu.core_type<sc_vector_subcore>, window_params = [{transform_indices = #map}, {transform_indices = #map}, {transform_indices = #map}, {transform_indices = #map}]} {
    %mul3A = arith.constant 2 : i32
    %mul3A_0 = arith.muli %arg1, %mul3A : i32
    %add3A = arith.addi %mul3A_0, %arg0 : i32
    %mul3A_1 = arith.constant 3136 : i32
    %mul3A_2 = arith.muli %arg1, %mul3A_1 : i32
    %broadcast_in_dim3A = arith.constant 0.000000e+00 : f32
    %broadcast_in_dim3A_3 = vector.broadcast %broadcast_in_dim3A : f32 to vector<16xf32>
    %scan3A = arith.constant 0 : i32
    %scan3A_4 = arith.constant 440 : i32
    %scan3A_5 = arith.addi %scan3A, %scan3A_4 : i32
    %scan3A_6 = arith.constant 1 : i32
    scf.for %scan3A_238 = %scan3A to %scan3A_5 step %scan3A_6  : i32 {
      %mul3A_239 = arith.constant 1 : i32
      %mul3A_240 = arith.muli %scan3A_238, %mul3A_239 : i32
      %add3A_241 = arith.constant 0 : i32
      %add3A_242 = arith.addi %add3A_241, %mul3A_240 : i32
      %swap3A = arith.index_cast %add3A_242 : i32 to index
      %swap3A_243 = arith.constant 0 : index
      %swap3A_244 = tpu.vector_load %arg9[%swap3A, %swap3A_243] {strides = array<i32>} : memref<440x32xf32, #tpu.memory_space<vmem>>, vector<1x16xf32>,
      %swap3A_245 = vector.shape_cast %swap3A_244 : vector<1x16xf32> to vector<16xf32>
      %swap3A_246 = vector.shape_cast %broadcast_in_dim3A_3 : vector<16xf32> to vector<1x16xf32>
      tpu.vector_store %arg9[%swap3A, %swap3A_243], %swap3A_246 {strides = array<i32>} : memref<440x32xf32, #tpu.memory_space<vmem>>, vector<1x16xf32>,
      %swap3A_247 = arith.index_cast %add3A_242 : i32 to index
      %swap3A_248 = arith.constant 16 : index
      %swap3A_249 = tpu.vector_load %arg9[%swap3A_247, %swap3A_248] {strides = array<i32>} : memref<440x32xf32, #tpu.memory_space<vmem>>, vector<1x16xf32>,
      %swap3A_250 = vector.shape_cast %swap3A_249 : vector<1x16xf32> to vector<16xf32>
      %swap3A_251 = vector.shape_cast %broadcast_in_dim3A_3 : vector<16xf32> to vector<1x16xf32>
      tpu.vector_store %arg9[%swap3A_247, %swap3A_248], %swap3A_251 {strides = array<i32>} : memref<440x32xf32, #tpu.memory_space<vmem>>, vector<1x16xf32>,
    }
    %scan3A_7 = arith.constant 440 : i32
    %scan3A_8 = arith.constant 0 : i32
    %scan3A_9 = arith.constant 7 : i32
    %scan3A_10 = arith.addi %scan3A_8, %scan3A_9 : i32
    %scan3A_11 = arith.constant 1 : i32
    scf.for %scan3A_238 = %scan3A_8 to %scan3A_10 step %scan3A_11  : i32 {
      %mul3A_239 = arith.constant 1 : i32
      %mul3A_240 = arith.muli %scan3A_238, %mul3A_239 : i32
      %add3A_241 = arith.constant 0 : i32
      %add3A_242 = arith.addi %add3A_241, %mul3A_240 : i32
      %mul3A_243 = arith.constant 440 : i32
      %mul3A_244 = arith.muli %add3A_242, %mul3A_243 : i32
      %add3A_245 = arith.addi %mul3A_2, %mul3A_244 : i32
      "tpu.region"() ({
        %run_scoped3A = tpu.sem_alloc : memref<!tpu.dma_semaphore, #tpu.memory_space<semaphore_mem>>
        %dma_start3A_246 = arith.constant 0 : i32
        %dma_start3A_247 = tpu.memref_slice %arg11[%add3A_245, %dma_start3A_246] : memref<50176x32xf32, #tpu.memory_space<vmem_shared>> -> memref<440x32xf32, #tpu.memory_space<vmem_shared>>
        %dma_start3A_248 = arith.constant 0 : i32
        %dma_start3A_249 = tpu.memref_slice %arg11[%add3A_245, %dma_start3A_248] : memref<50176x32xf32, #tpu.memory_space<vmem_shared>> -> memref<440x32xf32, #tpu.memory_space<vmem_shared>>
        tpu.enqueue_dma source(%arg9 : memref<440x32xf32, #tpu.memory_space<vmem>>) target(%dma_start3A_249 : memref<440x32xf32, #tpu.memory_space<vmem_shared>>) target_semaphore(%run_scoped3A : memref<!tpu.dma_semaphore, #tpu.memory_space<semaphore_mem>>)
        %dma_wait3A_250 = arith.constant 0 : i32
        %dma_wait3A_251 = tpu.memref_slice %arg11[%add3A_245, %dma_wait3A_250] : memref<50176x32xf32, #tpu.memory_space<vmem_shared>> -> memref<440x32xf32, #tpu.memory_space<vmem_shared>>
        %dma_wait3A_252 = arith.constant 0 : i32
        %dma_wait3A_253 = tpu.memref_slice %arg11[%add3A_245, %dma_wait3A_252] : memref<50176x32xf32, #tpu.memory_space<vmem_shared>> -> memref<440x32xf32, #tpu.memory_space<vmem_shared>>
        tpu.wait_dma2 semaphore(%run_scoped3A : memref<!tpu.dma_semaphore, #tpu.memory_space<semaphore_mem>>) src(%arg9 : memref<440x32xf32, #tpu.memory_space<vmem>>) dst(%dma_wait3A_253 : memref<440x32xf32, #tpu.memory_space<vmem_shared>>)
        tpu.yield
      }) : () -> ()
    }
    %scan3A_12 = arith.constant 7 : i32
    %add3A_13 = arith.constant 3080 : i32
    %add3A_14 = arith.addi %mul3A_2, %add3A_13 : i32
    "tpu.region"() ({
      %run_scoped3A = tpu.sem_alloc : memref<!tpu.dma_semaphore, #tpu.memory_space<semaphore_mem>>
      %dma_start3A_238 = arith.constant 0 : i32
      %dma_start3A_239 = arith.constant 0 : i32
      %dma_start3A_240 = tpu.memref_slice %arg9[%dma_start3A_238, %dma_start3A_239] : memref<440x32xf32, #tpu.memory_space<vmem>> -> memref<56x32xf32, #tpu.memory_space<vmem>>
      %dma_start3A_241 = arith.constant 0 : i32
      %dma_start3A_242 = tpu.memref_slice %arg11[%add3A_14, %dma_start3A_241] : memref<50176x32xf32, #tpu.memory_space<vmem_shared>> -> memref<56x32xf32, #tpu.memory_space<vmem_shared>>
      %dma_start3A_243 = arith.constant 0 : i32
      %dma_start3A_244 = tpu.memref_slice %arg11[%add3A_14, %dma_start3A_243] : memref<50176x32xf32, #tpu.memory_space<vmem_shared>> -> memref<56x32xf32, #tpu.memory_space<vmem_shared>>
      %dma_start3A_245 = arith.constant 0 : i32
      %dma_start3A_246 = arith.constant 0 : i32
      %dma_start3A_247 = tpu.memref_slice %arg9[%dma_start3A_245, %dma_start3A_246] : memref<440x32xf32, #tpu.memory_space<vmem>> -> memref<56x32xf32, #tpu.memory_space<vmem>>
      tpu.enqueue_dma source(%dma_start3A_247 : memref<56x32xf32, #tpu.memory_space<vmem>>) target(%dma_start3A_244 : memref<56x32xf32, #tpu.memory_space<vmem_shared>>) target_semaphore(%run_scoped3A : memref<!tpu.dma_semaphore, #tpu.memory_space<semaphore_mem>>)
      %dma_wait3A_248 = arith.constant 0 : i32
      %dma_wait3A_249 = arith.constant 0 : i32
      %dma_wait3A_250 = tpu.memref_slice %arg9[%dma_wait3A_248, %dma_wait3A_249] : memref<440x32xf32, #tpu.memory_space<vmem>> -> memref<56x32xf32, #tpu.memory_space<vmem>>
      %dma_wait3A_251 = arith.constant 0 : i32
      %dma_wait3A_252 = tpu.memref_slice %arg11[%add3A_14, %dma_wait3A_251] : memref<50176x32xf32, #tpu.memory_space<vmem_shared>> -> memref<56x32xf32, #tpu.memory_space<vmem_shared>>
      %dma_wait3A_253 = arith.constant 0 : i32
      %dma_wait3A_254 = tpu.memref_slice %arg11[%add3A_14, %dma_wait3A_253] : memref<50176x32xf32, #tpu.memory_space<vmem_shared>> -> memref<56x32xf32, #tpu.memory_space<vmem_shared>>
      %dma_wait3A_255 = arith.constant 0 : i32
      %dma_wait3A_256 = arith.constant 0 : i32
      %dma_wait3A_257 = tpu.memref_slice %arg9[%dma_wait3A_255, %dma_wait3A_256] : memref<440x32xf32, #tpu.memory_space<vmem>> -> memref<56x32xf32, #tpu.memory_space<vmem>>
      tpu.wait_dma2 semaphore(%run_scoped3A : memref<!tpu.dma_semaphore, #tpu.memory_space<semaphore_mem>>) src(%dma_wait3A_257 : memref<56x32xf32, #tpu.memory_space<vmem>>) dst(%dma_wait3A_254 : memref<56x32xf32, #tpu.memory_space<vmem_shared>>)
      tpu.yield
    }) : () -> ()
    %barrier3A = arith.constant 0 : index
    tpu.barrier barrier_id(%barrier3A)
    %mul3A_15 = arith.constant 50000 : i32
    %mul3A_16 = arith.muli %add3A, %mul3A_15 : i32
    %add3A_17 = arith.constant 0 : i32
    %add3A_18 = arith.addi %mul3A_16, %add3A_17 : i32
    "tpu.region"() ({
      %run_scoped3A = tpu.sem_alloc : memref<!tpu.dma_semaphore, #tpu.memory_space<semaphore_mem>>
      %dma_start3A_238 = arith.constant 0 : i32
      %dma_start3A_239 = tpu.memref_slice %arg3[%dma_start3A_238, %add3A_18] : memref<2x1600000xi32, #tpu.memory_space<hbm>> -> memref<2x440xi32, #tpu.memory_space<hbm>>
      %dma_start3A_240 = arith.constant 0 : i32
      %dma_start3A_241 = tpu.memref_slice %arg3[%dma_start3A_240, %add3A_18] : memref<2x1600000xi32, #tpu.memory_space<hbm>> -> memref<2x440xi32, #tpu.memory_space<hbm>>
      tpu.enqueue_dma source(%dma_start3A_241 : memref<2x440xi32, #tpu.memory_space<hbm>>) target(%arg6 : memref<2x440xi32, #tpu.memory_space<vmem>>) target_semaphore(%run_scoped3A : memref<!tpu.dma_semaphore, #tpu.memory_space<semaphore_mem>>)
      %dma_wait3A_242 = arith.constant 0 : i32
      %dma_wait3A_243 = tpu.memref_slice %arg3[%dma_wait3A_242, %add3A_18] : memref<2x1600000xi32, #tpu.memory_space<hbm>> -> memref<2x440xi32, #tpu.memory_space<hbm>>
      %dma_wait3A_244 = arith.constant 0 : i32
      %dma_wait3A_245 = tpu.memref_slice %arg3[%dma_wait3A_244, %add3A_18] : memref<2x1600000xi32, #tpu.memory_space<hbm>> -> memref<2x440xi32, #tpu.memory_space<hbm>>
      tpu.wait_dma2 semaphore(%run_scoped3A : memref<!tpu.dma_semaphore, #tpu.memory_space<semaphore_mem>>) src(%dma_wait3A_245 : memref<2x440xi32, #tpu.memory_space<hbm>>) dst(%arg6 : memref<2x440xi32, #tpu.memory_space<vmem>>)
      tpu.yield
    }) : () -> ()
    %dma_start3A = arith.constant 0 : i32
    %dma_start3A_19 = arith.constant 0 : i32
    %dma_start3A_20 = arith.constant 0 : i32
    %dma_start3A_21 = tpu.memref_slice %arg9[%dma_start3A_19, %dma_start3A_20] : memref<440x32xf32, #tpu.memory_space<vmem>> -> memref<224x32xf32, #tpu.memory_space<vmem>>
    %dma_start3A_22 = arith.constant 0 : i32
    %dma_start3A_23 = tpu.memref_slice %arg6[%dma_start3A, %dma_start3A_22] : memref<2x440xi32, #tpu.memory_space<vmem>> -> memref<1x224xi32, #tpu.memory_space<vmem>>
    %dma_start3A_24 = tpu.memref_squeeze %dma_start3A_23 : memref<1x224xi32, #tpu.memory_space<vmem>> -> memref<224xi32, #tpu.memory_space<vmem>>
    %dma_start3A_25 = arith.constant 0 : i32
    %dma_start3A_26 = arith.constant 0 : i32
    %dma_start3A_27 = tpu.memref_slice %arg2[%dma_start3A_25, %dma_start3A_26] : memref<50176x32xf32, #tpu.memory_space<hbm>> -> memref<50176x32xf32, #tpu.memory_space<hbm>>
    tpu.enqueue_indirect_dma source(%dma_start3A_27 : memref<50176x32xf32, #tpu.memory_space<hbm>>) target(%dma_start3A_21 : memref<224x32xf32, #tpu.memory_space<vmem>>) offsets(%dma_start3A_24 : memref<224xi32, #tpu.memory_space<vmem>>) semaphore(%arg12 : memref<!tpu.dma_semaphore, #tpu.memory_space<semaphore_mem>>)
    %dma_start3A_28 = arith.constant 0 : i32
    %dma_start3A_29 = arith.constant 224 : i32
    %dma_start3A_30 = arith.constant 0 : i32
    %dma_start3A_31 = tpu.memref_slice %arg9[%dma_start3A_29, %dma_start3A_30] : memref<440x32xf32, #tpu.memory_space<vmem>> -> memref<216x32xf32, #tpu.memory_space<vmem>>
    %dma_start3A_32 = arith.constant 224 : i32
    %dma_start3A_33 = tpu.memref_slice %arg6[%dma_start3A_28, %dma_start3A_32] : memref<2x440xi32, #tpu.memory_space<vmem>> -> memref<1x216xi32, #tpu.memory_space<vmem>>
    %dma_start3A_34 = tpu.memref_squeeze %dma_start3A_33 : memref<1x216xi32, #tpu.memory_space<vmem>> -> memref<216xi32, #tpu.memory_space<vmem>>
    %dma_start3A_35 = arith.constant 0 : i32
    %dma_start3A_36 = arith.constant 0 : i32
    %dma_start3A_37 = tpu.memref_slice %arg2[%dma_start3A_35, %dma_start3A_36] : memref<50176x32xf32, #tpu.memory_space<hbm>> -> memref<50176x32xf32, #tpu.memory_space<hbm>>
    tpu.enqueue_indirect_dma source(%dma_start3A_37 : memref<50176x32xf32, #tpu.memory_space<hbm>>) target(%dma_start3A_31 : memref<216x32xf32, #tpu.memory_space<vmem>>) offsets(%dma_start3A_34 : memref<216xi32, #tpu.memory_space<vmem>>) semaphore(%arg12 : memref<!tpu.dma_semaphore, #tpu.memory_space<semaphore_mem>>)
    %add3A_38 = arith.constant 440 : i32
    %add3A_39 = arith.addi %add3A_18, %add3A_38 : i32
    "tpu.region"() ({
      %run_scoped3A = tpu.sem_alloc : memref<!tpu.dma_semaphore, #tpu.memory_space<semaphore_mem>>
      %dma_start3A_238 = arith.constant 0 : i32
      %dma_start3A_239 = tpu.memref_slice %arg3[%dma_start3A_238, %add3A_39] : memref<2x1600000xi32, #tpu.memory_space<hbm>> -> memref<2x440xi32, #tpu.memory_space<hbm>>
      %dma_start3A_240 = arith.constant 0 : i32
      %dma_start3A_241 = tpu.memref_slice %arg3[%dma_start3A_240, %add3A_39] : memref<2x1600000xi32, #tpu.memory_space<hbm>> -> memref<2x440xi32, #tpu.memory_space<hbm>>
      tpu.enqueue_dma source(%dma_start3A_241 : memref<2x440xi32, #tpu.memory_space<hbm>>) target(%arg7 : memref<2x440xi32, #tpu.memory_space<vmem>>) target_semaphore(%run_scoped3A : memref<!tpu.dma_semaphore, #tpu.memory_space<semaphore_mem>>)
      %dma_wait3A_242 = arith.constant 0 : i32
      %dma_wait3A_243 = tpu.memref_slice %arg3[%dma_wait3A_242, %add3A_39] : memref<2x1600000xi32, #tpu.memory_space<hbm>> -> memref<2x440xi32, #tpu.memory_space<hbm>>
      %dma_wait3A_244 = arith.constant 0 : i32
      %dma_wait3A_245 = tpu.memref_slice %arg3[%dma_wait3A_244, %add3A_39] : memref<2x1600000xi32, #tpu.memory_space<hbm>> -> memref<2x440xi32, #tpu.memory_space<hbm>>
      tpu.wait_dma2 semaphore(%run_scoped3A : memref<!tpu.dma_semaphore, #tpu.memory_space<semaphore_mem>>) src(%dma_wait3A_245 : memref<2x440xi32, #tpu.memory_space<hbm>>) dst(%arg7 : memref<2x440xi32, #tpu.memory_space<vmem>>)
      tpu.yield
    }) : () -> ()
    %dma_start3A_40 = arith.constant 0 : i32
    %dma_start3A_41 = arith.constant 0 : i32
    %dma_start3A_42 = arith.constant 0 : i32
    %dma_start3A_43 = tpu.memref_slice %arg10[%dma_start3A_41, %dma_start3A_42] : memref<440x32xf32, #tpu.memory_space<vmem>> -> memref<224x32xf32, #tpu.memory_space<vmem>>
    %dma_start3A_44 = arith.constant 0 : i32
    %dma_start3A_45 = tpu.memref_slice %arg7[%dma_start3A_40, %dma_start3A_44] : memref<2x440xi32, #tpu.memory_space<vmem>> -> memref<1x224xi32, #tpu.memory_space<vmem>>
    %dma_start3A_46 = tpu.memref_squeeze %dma_start3A_45 : memref<1x224xi32, #tpu.memory_space<vmem>> -> memref<224xi32, #tpu.memory_space<vmem>>
    %dma_start3A_47 = arith.constant 0 : i32
    %dma_start3A_48 = arith.constant 0 : i32
    %dma_start3A_49 = tpu.memref_slice %arg2[%dma_start3A_47, %dma_start3A_48] : memref<50176x32xf32, #tpu.memory_space<hbm>> -> memref<50176x32xf32, #tpu.memory_space<hbm>>
    tpu.enqueue_indirect_dma source(%dma_start3A_49 : memref<50176x32xf32, #tpu.memory_space<hbm>>) target(%dma_start3A_43 : memref<224x32xf32, #tpu.memory_space<vmem>>) offsets(%dma_start3A_46 : memref<224xi32, #tpu.memory_space<vmem>>) semaphore(%arg12 : memref<!tpu.dma_semaphore, #tpu.memory_space<semaphore_mem>>)
    %dma_start3A_50 = arith.constant 0 : i32
    %dma_start3A_51 = arith.constant 224 : i32
    %dma_start3A_52 = arith.constant 0 : i32
    %dma_start3A_53 = tpu.memref_slice %arg10[%dma_start3A_51, %dma_start3A_52] : memref<440x32xf32, #tpu.memory_space<vmem>> -> memref<216x32xf32, #tpu.memory_space<vmem>>
    %dma_start3A_54 = arith.constant 224 : i32
    %dma_start3A_55 = tpu.memref_slice %arg7[%dma_start3A_50, %dma_start3A_54] : memref<2x440xi32, #tpu.memory_space<vmem>> -> memref<1x216xi32, #tpu.memory_space<vmem>>
    %dma_start3A_56 = tpu.memref_squeeze %dma_start3A_55 : memref<1x216xi32, #tpu.memory_space<vmem>> -> memref<216xi32, #tpu.memory_space<vmem>>
    %dma_start3A_57 = arith.constant 0 : i32
    %dma_start3A_58 = arith.constant 0 : i32
    %dma_start3A_59 = tpu.memref_slice %arg2[%dma_start3A_57, %dma_start3A_58] : memref<50176x32xf32, #tpu.memory_space<hbm>> -> memref<50176x32xf32, #tpu.memory_space<hbm>>
    tpu.enqueue_indirect_dma source(%dma_start3A_59 : memref<50176x32xf32, #tpu.memory_space<hbm>>) target(%dma_start3A_53 : memref<216x32xf32, #tpu.memory_space<vmem>>) offsets(%dma_start3A_56 : memref<216xi32, #tpu.memory_space<vmem>>) semaphore(%arg12 : memref<!tpu.dma_semaphore, #tpu.memory_space<semaphore_mem>>)
    %dma_wait3A = arith.constant 0 : i32
    %dma_wait3A_60 = arith.constant 0 : i32
    %dma_wait3A_61 = arith.constant 0 : i32
    %dma_wait3A_62 = tpu.memref_slice %arg9[%dma_wait3A_60, %dma_wait3A_61] : memref<440x32xf32, #tpu.memory_space<vmem>> -> memref<224x32xf32, #tpu.memory_space<vmem>>
    %dma_wait3A_63 = arith.constant 0 : i32
    %dma_wait3A_64 = tpu.memref_slice %arg6[%dma_wait3A, %dma_wait3A_63] : memref<2x440xi32, #tpu.memory_space<vmem>> -> memref<1x224xi32, #tpu.memory_space<vmem>>
    %dma_wait3A_65 = tpu.memref_squeeze %dma_wait3A_64 : memref<1x224xi32, #tpu.memory_space<vmem>> -> memref<224xi32, #tpu.memory_space<vmem>>
    %dma_wait3A_66 = arith.constant 0 : i32
    %dma_wait3A_67 = arith.constant 0 : i32
    %dma_wait3A_68 = tpu.memref_slice %arg2[%dma_wait3A_66, %dma_wait3A_67] : memref<50176x32xf32, #tpu.memory_space<hbm>> -> memref<50176x32xf32, #tpu.memory_space<hbm>>
    tpu.wait_indirect_dma semaphore(%arg12 : memref<!tpu.dma_semaphore, #tpu.memory_space<semaphore_mem>>) src(%dma_wait3A_68 : memref<50176x32xf32, #tpu.memory_space<hbm>>) dst(%dma_wait3A_62 : memref<224x32xf32, #tpu.memory_space<vmem>>)
    %dma_wait3A_69 = arith.constant 0 : i32
    %dma_wait3A_70 = arith.constant 224 : i32
    %dma_wait3A_71 = arith.constant 0 : i32
    %dma_wait3A_72 = tpu.memref_slice %arg9[%dma_wait3A_70, %dma_wait3A_71] : memref<440x32xf32, #tpu.memory_space<vmem>> -> memref<216x32xf32, #tpu.memory_space<vmem>>
    %dma_wait3A_73 = arith.constant 224 : i32
    %dma_wait3A_74 = tpu.memref_slice %arg6[%dma_wait3A_69, %dma_wait3A_73] : memref<2x440xi32, #tpu.memory_space<vmem>> -> memref<1x216xi32, #tpu.memory_space<vmem>>
    %dma_wait3A_75 = tpu.memref_squeeze %dma_wait3A_74 : memref<1x216xi32, #tpu.memory_space<vmem>> -> memref<216xi32, #tpu.memory_space<vmem>>
    %dma_wait3A_76 = arith.constant 0 : i32
    %dma_wait3A_77 = arith.constant 0 : i32
    %dma_wait3A_78 = tpu.memref_slice %arg2[%dma_wait3A_76, %dma_wait3A_77] : memref<50176x32xf32, #tpu.memory_space<hbm>> -> memref<50176x32xf32, #tpu.memory_space<hbm>>
    tpu.wait_indirect_dma semaphore(%arg12 : memref<!tpu.dma_semaphore, #tpu.memory_space<semaphore_mem>>) src(%dma_wait3A_78 : memref<50176x32xf32, #tpu.memory_space<hbm>>) dst(%dma_wait3A_72 : memref<216x32xf32, #tpu.memory_space<vmem>>)
    %dma_start3A_79 = arith.constant 1 : i32
    %dma_start3A_80 = arith.constant 0 : i32
    %dma_start3A_81 = tpu.memref_slice %arg6[%dma_start3A_79, %dma_start3A_80] : memref<2x440xi32, #tpu.memory_space<vmem>> -> memref<1x440xi32, #tpu.memory_space<vmem>>
    %dma_start3A_82 = tpu.memref_squeeze %dma_start3A_81 : memref<1x440xi32, #tpu.memory_space<vmem>> -> memref<440xi32, #tpu.memory_space<vmem>>
    %dma_start3A_83 = arith.constant 0 : i32
    %dma_start3A_84 = arith.constant 0 : i32
    %dma_start3A_85 = tpu.memref_slice %arg11[%dma_start3A_83, %dma_start3A_84] : memref<50176x32xf32, #tpu.memory_space<vmem_shared>> -> memref<50176x32xf32, #tpu.memory_space<vmem_shared>>
    tpu.enqueue_indirect_dma source(%arg9 : memref<440x32xf32, #tpu.memory_space<vmem>>) target(%dma_start3A_85 : memref<50176x32xf32, #tpu.memory_space<vmem_shared>>) offsets(%dma_start3A_82 : memref<440xi32, #tpu.memory_space<vmem>>) semaphore(%arg13 : memref<!tpu.dma_semaphore, #tpu.memory_space<semaphore_mem>>) {add = true}
    %dma_wait3A_86 = arith.constant 0 : i32
    %dma_wait3A_87 = arith.constant 0 : i32
    %dma_wait3A_88 = arith.constant 0 : i32
    %dma_wait3A_89 = tpu.memref_slice %arg10[%dma_wait3A_87, %dma_wait3A_88] : memref<440x32xf32, #tpu.memory_space<vmem>> -> memref<224x32xf32, #tpu.memory_space<vmem>>
    %dma_wait3A_90 = arith.constant 0 : i32
    %dma_wait3A_91 = tpu.memref_slice %arg7[%dma_wait3A_86, %dma_wait3A_90] : memref<2x440xi32, #tpu.memory_space<vmem>> -> memref<1x224xi32, #tpu.memory_space<vmem>>
    %dma_wait3A_92 = tpu.memref_squeeze %dma_wait3A_91 : memref<1x224xi32, #tpu.memory_space<vmem>> -> memref<224xi32, #tpu.memory_space<vmem>>
    %dma_wait3A_93 = arith.constant 0 : i32
    %dma_wait3A_94 = arith.constant 0 : i32
    %dma_wait3A_95 = tpu.memref_slice %arg2[%dma_wait3A_93, %dma_wait3A_94] : memref<50176x32xf32, #tpu.memory_space<hbm>> -> memref<50176x32xf32, #tpu.memory_space<hbm>>
    tpu.wait_indirect_dma semaphore(%arg12 : memref<!tpu.dma_semaphore, #tpu.memory_space<semaphore_mem>>) src(%dma_wait3A_95 : memref<50176x32xf32, #tpu.memory_space<hbm>>) dst(%dma_wait3A_89 : memref<224x32xf32, #tpu.memory_space<vmem>>)
    %dma_wait3A_96 = arith.constant 0 : i32
    %dma_wait3A_97 = arith.constant 224 : i32
    %dma_wait3A_98 = arith.constant 0 : i32
    %dma_wait3A_99 = tpu.memref_slice %arg10[%dma_wait3A_97, %dma_wait3A_98] : memref<440x32xf32, #tpu.memory_space<vmem>> -> memref<216x32xf32, #tpu.memory_space<vmem>>
    %dma_wait3A_100 = arith.constant 224 : i32
    %dma_wait3A_101 = tpu.memref_slice %arg7[%dma_wait3A_96, %dma_wait3A_100] : memref<2x440xi32, #tpu.memory_space<vmem>> -> memref<1x216xi32, #tpu.memory_space<vmem>>
    %dma_wait3A_102 = tpu.memref_squeeze %dma_wait3A_101 : memref<1x216xi32, #tpu.memory_space<vmem>> -> memref<216xi32, #tpu.memory_space<vmem>>
    %dma_wait3A_103 = arith.constant 0 : i32
    %dma_wait3A_104 = arith.constant 0 : i32
    %dma_wait3A_105 = tpu.memref_slice %arg2[%dma_wait3A_103, %dma_wait3A_104] : memref<50176x32xf32, #tpu.memory_space<hbm>> -> memref<50176x32xf32, #tpu.memory_space<hbm>>
    tpu.wait_indirect_dma semaphore(%arg12 : memref<!tpu.dma_semaphore, #tpu.memory_space<semaphore_mem>>) src(%dma_wait3A_105 : memref<50176x32xf32, #tpu.memory_space<hbm>>) dst(%dma_wait3A_99 : memref<216x32xf32, #tpu.memory_space<vmem>>)
    %dma_start3A_106 = arith.constant 1 : i32
    %dma_start3A_107 = arith.constant 0 : i32
    %dma_start3A_108 = tpu.memref_slice %arg7[%dma_start3A_106, %dma_start3A_107] : memref<2x440xi32, #tpu.memory_space<vmem>> -> memref<1x440xi32, #tpu.memory_space<vmem>>
    %dma_start3A_109 = tpu.memref_squeeze %dma_start3A_108 : memref<1x440xi32, #tpu.memory_space<vmem>> -> memref<440xi32, #tpu.memory_space<vmem>>
    %dma_start3A_110 = arith.constant 0 : i32
    %dma_start3A_111 = arith.constant 0 : i32
    %dma_start3A_112 = tpu.memref_slice %arg11[%dma_start3A_110, %dma_start3A_111] : memref<50176x32xf32, #tpu.memory_space<vmem_shared>> -> memref<50176x32xf32, #tpu.memory_space<vmem_shared>>
    tpu.enqueue_indirect_dma source(%arg10 : memref<440x32xf32, #tpu.memory_space<vmem>>) target(%dma_start3A_112 : memref<50176x32xf32, #tpu.memory_space<vmem_shared>>) offsets(%dma_start3A_109 : memref<440xi32, #tpu.memory_space<vmem>>) semaphore(%arg14 : memref<!tpu.dma_semaphore, #tpu.memory_space<semaphore_mem>>) {add = true}
    %scan3A_113 = arith.constant 0 : i32
    %scan3A_114 = arith.constant 55 : i32
    %scan3A_115 = arith.addi %scan3A_113, %scan3A_114 : i32
    %scan3A_116 = arith.constant 1 : i32
    scf.for %scan3A_238 = %scan3A_113 to %scan3A_115 step %scan3A_116  : i32 {
      %mul3A_239 = arith.constant 1 : i32
      %mul3A_240 = arith.muli %scan3A_238, %mul3A_239 : i32
      %add3A_241 = arith.constant 1 : i32
      %add3A_242 = arith.addi %add3A_241, %mul3A_240 : i32
      %mul3A_243 = arith.constant 2 : i32
      %mul3A_244 = arith.muli %add3A_242, %mul3A_243 : i32
      %mul3A_245 = arith.constant 440 : i32
      %mul3A_246 = arith.muli %mul3A_244, %mul3A_245 : i32
      %add3A_247 = arith.addi %mul3A_16, %mul3A_246 : i32
      %dma_wait3A_248 = arith.constant 1 : i32
      %dma_wait3A_249 = arith.constant 0 : i32
      %dma_wait3A_250 = tpu.memref_slice %arg6[%dma_wait3A_248, %dma_wait3A_249] : memref<2x440xi32, #tpu.memory_space<vmem>> -> memref<1x440xi32, #tpu.memory_space<vmem>>
      %dma_wait3A_251 = tpu.memref_squeeze %dma_wait3A_250 : memref<1x440xi32, #tpu.memory_space<vmem>> -> memref<440xi32, #tpu.memory_space<vmem>>
      %dma_wait3A_252 = arith.constant 0 : i32
      %dma_wait3A_253 = arith.constant 0 : i32
      %dma_wait3A_254 = tpu.memref_slice %arg11[%dma_wait3A_252, %dma_wait3A_253] : memref<50176x32xf32, #tpu.memory_space<vmem_shared>> -> memref<50176x32xf32, #tpu.memory_space<vmem_shared>>
      tpu.wait_indirect_dma semaphore(%arg13 : memref<!tpu.dma_semaphore, #tpu.memory_space<semaphore_mem>>) src(%arg9 : memref<440x32xf32, #tpu.memory_space<vmem>>) dst(%dma_wait3A_254 : memref<50176x32xf32, #tpu.memory_space<vmem_shared>>)
      "tpu.region"() ({
        %run_scoped3A = tpu.sem_alloc : memref<!tpu.dma_semaphore, #tpu.memory_space<semaphore_mem>>
        %dma_start3A_358 = arith.constant 0 : i32
        %dma_start3A_359 = tpu.memref_slice %arg3[%dma_start3A_358, %add3A_247] : memref<2x1600000xi32, #tpu.memory_space<hbm>> -> memref<2x440xi32, #tpu.memory_space<hbm>>
        %dma_start3A_360 = arith.constant 0 : i32
        %dma_start3A_361 = tpu.memref_slice %arg3[%dma_start3A_360, %add3A_247] : memref<2x1600000xi32, #tpu.memory_space<hbm>> -> memref<2x440xi32, #tpu.memory_space<hbm>>
        tpu.enqueue_dma source(%dma_start3A_361 : memref<2x440xi32, #tpu.memory_space<hbm>>) target(%arg6 : memref<2x440xi32, #tpu.memory_space<vmem>>) target_semaphore(%run_scoped3A : memref<!tpu.dma_semaphore, #tpu.memory_space<semaphore_mem>>)
        %dma_wait3A_362 = arith.constant 0 : i32
        %dma_wait3A_363 = tpu.memref_slice %arg3[%dma_wait3A_362, %add3A_247] : memref<2x1600000xi32, #tpu.memory_space<hbm>> -> memref<2x440xi32, #tpu.memory_space<hbm>>
        %dma_wait3A_364 = arith.constant 0 : i32
        %dma_wait3A_365 = tpu.memref_slice %arg3[%dma_wait3A_364, %add3A_247] : memref<2x1600000xi32, #tpu.memory_space<hbm>> -> memref<2x440xi32, #tpu.memory_space<hbm>>
        tpu.wait_dma2 semaphore(%run_scoped3A : memref<!tpu.dma_semaphore, #tpu.memory_space<semaphore_mem>>) src(%dma_wait3A_365 : memref<2x440xi32, #tpu.memory_space<hbm>>) dst(%arg6 : memref<2x440xi32, #tpu.memory_space<vmem>>)
        tpu.yield
      }) : () -> ()
      %dma_start3A_255 = arith.constant 0 : i32
      %dma_start3A_256 = arith.constant 0 : i32
      %dma_start3A_257 = arith.constant 0 : i32
      %dma_start3A_258 = tpu.memref_slice %arg9[%dma_start3A_256, %dma_start3A_257] : memref<440x32xf32, #tpu.memory_space<vmem>> -> memref<224x32xf32, #tpu.memory_space<vmem>>
      %dma_start3A_259 = arith.constant 0 : i32
      %dma_start3A_260 = tpu.memref_slice %arg6[%dma_start3A_255, %dma_start3A_259] : memref<2x440xi32, #tpu.memory_space<vmem>> -> memref<1x224xi32, #tpu.memory_space<vmem>>
      %dma_start3A_261 = tpu.memref_squeeze %dma_start3A_260 : memref<1x224xi32, #tpu.memory_space<vmem>> -> memref<224xi32, #tpu.memory_space<vmem>>
      %dma_start3A_262 = arith.constant 0 : i32
      %dma_start3A_263 = arith.constant 0 : i32
      %dma_start3A_264 = tpu.memref_slice %arg2[%dma_start3A_262, %dma_start3A_263] : memref<50176x32xf32, #tpu.memory_space<hbm>> -> memref<50176x32xf32, #tpu.memory_space<hbm>>
      tpu.enqueue_indirect_dma source(%dma_start3A_264 : memref<50176x32xf32, #tpu.memory_space<hbm>>) target(%dma_start3A_258 : memref<224x32xf32, #tpu.memory_space<vmem>>) offsets(%dma_start3A_261 : memref<224xi32, #tpu.memory_space<vmem>>) semaphore(%arg12 : memref<!tpu.dma_semaphore, #tpu.memory_space<semaphore_mem>>)
      %dma_start3A_265 = arith.constant 0 : i32
      %dma_start3A_266 = arith.constant 224 : i32
      %dma_start3A_267 = arith.constant 0 : i32
      %dma_start3A_268 = tpu.memref_slice %arg9[%dma_start3A_266, %dma_start3A_267] : memref<440x32xf32, #tpu.memory_space<vmem>> -> memref<216x32xf32, #tpu.memory_space<vmem>>
      %dma_start3A_269 = arith.constant 224 : i32
      %dma_start3A_270 = tpu.memref_slice %arg6[%dma_start3A_265, %dma_start3A_269] : memref<2x440xi32, #tpu.memory_space<vmem>> -> memref<1x216xi32, #tpu.memory_space<vmem>>
      %dma_start3A_271 = tpu.memref_squeeze %dma_start3A_270 : memref<1x216xi32, #tpu.memory_space<vmem>> -> memref<216xi32, #tpu.memory_space<vmem>>
      %dma_start3A_272 = arith.constant 0 : i32
      %dma_start3A_273 = arith.constant 0 : i32
      %dma_start3A_274 = tpu.memref_slice %arg2[%dma_start3A_272, %dma_start3A_273] : memref<50176x32xf32, #tpu.memory_space<hbm>> -> memref<50176x32xf32, #tpu.memory_space<hbm>>
      tpu.enqueue_indirect_dma source(%dma_start3A_274 : memref<50176x32xf32, #tpu.memory_space<hbm>>) target(%dma_start3A_268 : memref<216x32xf32, #tpu.memory_space<vmem>>) offsets(%dma_start3A_271 : memref<216xi32, #tpu.memory_space<vmem>>) semaphore(%arg12 : memref<!tpu.dma_semaphore, #tpu.memory_space<semaphore_mem>>)
      %dma_wait3A_275 = arith.constant 1 : i32
      %dma_wait3A_276 = arith.constant 0 : i32
      %dma_wait3A_277 = tpu.memref_slice %arg7[%dma_wait3A_275, %dma_wait3A_276] : memref<2x440xi32, #tpu.memory_space<vmem>> -> memref<1x440xi32, #tpu.memory_space<vmem>>
      %dma_wait3A_278 = tpu.memref_squeeze %dma_wait3A_277 : memref<1x440xi32, #tpu.memory_space<vmem>> -> memref<440xi32, #tpu.memory_space<vmem>>
      %dma_wait3A_279 = arith.constant 0 : i32
      %dma_wait3A_280 = arith.constant 0 : i32
      %dma_wait3A_281 = tpu.memref_slice %arg11[%dma_wait3A_279, %dma_wait3A_280] : memref<50176x32xf32, #tpu.memory_space<vmem_shared>> -> memref<50176x32xf32, #tpu.memory_space<vmem_shared>>
      tpu.wait_indirect_dma semaphore(%arg14 : memref<!tpu.dma_semaphore, #tpu.memory_space<semaphore_mem>>) src(%arg10 : memref<440x32xf32, #tpu.memory_space<vmem>>) dst(%dma_wait3A_281 : memref<50176x32xf32, #tpu.memory_space<vmem_shared>>)
      %add3A_282 = arith.constant 440 : i32
      %add3A_283 = arith.addi %add3A_247, %add3A_282 : i32
      "tpu.region"() ({
        %run_scoped3A = tpu.sem_alloc : memref<!tpu.dma_semaphore, #tpu.memory_space<semaphore_mem>>
        %dma_start3A_358 = arith.constant 0 : i32
        %dma_start3A_359 = tpu.memref_slice %arg3[%dma_start3A_358, %add3A_283] : memref<2x1600000xi32, #tpu.memory_space<hbm>> -> memref<2x440xi32, #tpu.memory_space<hbm>>
        %dma_start3A_360 = arith.constant 0 : i32
        %dma_start3A_361 = tpu.memref_slice %arg3[%dma_start3A_360, %add3A_283] : memref<2x1600000xi32, #tpu.memory_space<hbm>> -> memref<2x440xi32, #tpu.memory_space<hbm>>
        tpu.enqueue_dma source(%dma_start3A_361 : memref<2x440xi32, #tpu.memory_space<hbm>>) target(%arg7 : memref<2x440xi32, #tpu.memory_space<vmem>>) target_semaphore(%run_scoped3A : memref<!tpu.dma_semaphore, #tpu.memory_space<semaphore_mem>>)
        %dma_wait3A_362 = arith.constant 0 : i32
        %dma_wait3A_363 = tpu.memref_slice %arg3[%dma_wait3A_362, %add3A_283] : memref<2x1600000xi32, #tpu.memory_space<hbm>> -> memref<2x440xi32, #tpu.memory_space<hbm>>
        %dma_wait3A_364 = arith.constant 0 : i32
        %dma_wait3A_365 = tpu.memref_slice %arg3[%dma_wait3A_364, %add3A_283] : memref<2x1600000xi32, #tpu.memory_space<hbm>> -> memref<2x440xi32, #tpu.memory_space<hbm>>
        tpu.wait_dma2 semaphore(%run_scoped3A : memref<!tpu.dma_semaphore, #tpu.memory_space<semaphore_mem>>) src(%dma_wait3A_365 : memref<2x440xi32, #tpu.memory_space<hbm>>) dst(%arg7 : memref<2x440xi32, #tpu.memory_space<vmem>>)
        tpu.yield
      }) : () -> ()
      %dma_start3A_284 = arith.constant 0 : i32
      %dma_start3A_285 = arith.constant 0 : i32
      %dma_start3A_286 = arith.constant 0 : i32
      %dma_start3A_287 = tpu.memref_slice %arg10[%dma_start3A_285, %dma_start3A_286] : memref<440x32xf32, #tpu.memory_space<vmem>> -> memref<224x32xf32, #tpu.memory_space<vmem>>
      %dma_start3A_288 = arith.constant 0 : i32
      %dma_start3A_289 = tpu.memref_slice %arg7[%dma_start3A_284, %dma_start3A_288] : memref<2x440xi32, #tpu.memory_space<vmem>> -> memref<1x224xi32, #tpu.memory_space<vmem>>
      %dma_start3A_290 = tpu.memref_squeeze %dma_start3A_289 : memref<1x224xi32, #tpu.memory_space<vmem>> -> memref<224xi32, #tpu.memory_space<vmem>>
      %dma_start3A_291 = arith.constant 0 : i32
      %dma_start3A_292 = arith.constant 0 : i32
      %dma_start3A_293 = tpu.memref_slice %arg2[%dma_start3A_291, %dma_start3A_292] : memref<50176x32xf32, #tpu.memory_space<hbm>> -> memref<50176x32xf32, #tpu.memory_space<hbm>>
      tpu.enqueue_indirect_dma source(%dma_start3A_293 : memref<50176x32xf32, #tpu.memory_space<hbm>>) target(%dma_start3A_287 : memref<224x32xf32, #tpu.memory_space<vmem>>) offsets(%dma_start3A_290 : memref<224xi32, #tpu.memory_space<vmem>>) semaphore(%arg12 : memref<!tpu.dma_semaphore, #tpu.memory_space<semaphore_mem>>)
      %dma_start3A_294 = arith.constant 0 : i32
      %dma_start3A_295 = arith.constant 224 : i32
      %dma_start3A_296 = arith.constant 0 : i32
      %dma_start3A_297 = tpu.memref_slice %arg10[%dma_start3A_295, %dma_start3A_296] : memref<440x32xf32, #tpu.memory_space<vmem>> -> memref<216x32xf32, #tpu.memory_space<vmem>>
      %dma_start3A_298 = arith.constant 224 : i32
      %dma_start3A_299 = tpu.memref_slice %arg7[%dma_start3A_294, %dma_start3A_298] : memref<2x440xi32, #tpu.memory_space<vmem>> -> memref<1x216xi32, #tpu.memory_space<vmem>>
      %dma_start3A_300 = tpu.memref_squeeze %dma_start3A_299 : memref<1x216xi32, #tpu.memory_space<vmem>> -> memref<216xi32, #tpu.memory_space<vmem>>
      %dma_start3A_301 = arith.constant 0 : i32
      %dma_start3A_302 = arith.constant 0 : i32
      %dma_start3A_303 = tpu.memref_slice %arg2[%dma_start3A_301, %dma_start3A_302] : memref<50176x32xf32, #tpu.memory_space<hbm>> -> memref<50176x32xf32, #tpu.memory_space<hbm>>
      tpu.enqueue_indirect_dma source(%dma_start3A_303 : memref<50176x32xf32, #tpu.memory_space<hbm>>) target(%dma_start3A_297 : memref<216x32xf32, #tpu.memory_space<vmem>>) offsets(%dma_start3A_300 : memref<216xi32, #tpu.memory_space<vmem>>) semaphore(%arg12 : memref<!tpu.dma_semaphore, #tpu.memory_space<semaphore_mem>>)
      %dma_wait3A_304 = arith.constant 0 : i32
      %dma_wait3A_305 = arith.constant 0 : i32
      %dma_wait3A_306 = arith.constant 0 : i32
      %dma_wait3A_307 = tpu.memref_slice %arg9[%dma_wait3A_305, %dma_wait3A_306] : memref<440x32xf32, #tpu.memory_space<vmem>> -> memref<224x32xf32, #tpu.memory_space<vmem>>
      %dma_wait3A_308 = arith.constant 0 : i32
      %dma_wait3A_309 = tpu.memref_slice %arg6[%dma_wait3A_304, %dma_wait3A_308] : memref<2x440xi32, #tpu.memory_space<vmem>> -> memref<1x224xi32, #tpu.memory_space<vmem>>
      %dma_wait3A_310 = tpu.memref_squeeze %dma_wait3A_309 : memref<1x224xi32, #tpu.memory_space<vmem>> -> memref<224xi32, #tpu.memory_space<vmem>>
      %dma_wait3A_311 = arith.constant 0 : i32
      %dma_wait3A_312 = arith.constant 0 : i32
      %dma_wait3A_313 = tpu.memref_slice %arg2[%dma_wait3A_311, %dma_wait3A_312] : memref<50176x32xf32, #tpu.memory_space<hbm>> -> memref<50176x32xf32, #tpu.memory_space<hbm>>
      tpu.wait_indirect_dma semaphore(%arg12 : memref<!tpu.dma_semaphore, #tpu.memory_space<semaphore_mem>>) src(%dma_wait3A_313 : memref<50176x32xf32, #tpu.memory_space<hbm>>) dst(%dma_wait3A_307 : memref<224x32xf32, #tpu.memory_space<vmem>>)
      %dma_wait3A_314 = arith.constant 0 : i32
      %dma_wait3A_315 = arith.constant 224 : i32
      %dma_wait3A_316 = arith.constant 0 : i32
      %dma_wait3A_317 = tpu.memref_slice %arg9[%dma_wait3A_315, %dma_wait3A_316] : memref<440x32xf32, #tpu.memory_space<vmem>> -> memref<216x32xf32, #tpu.memory_space<vmem>>
      %dma_wait3A_318 = arith.constant 224 : i32
      %dma_wait3A_319 = tpu.memref_slice %arg6[%dma_wait3A_314, %dma_wait3A_318] : memref<2x440xi32, #tpu.memory_space<vmem>> -> memref<1x216xi32, #tpu.memory_space<vmem>>
      %dma_wait3A_320 = tpu.memref_squeeze %dma_wait3A_319 : memref<1x216xi32, #tpu.memory_space<vmem>> -> memref<216xi32, #tpu.memory_space<vmem>>
      %dma_wait3A_321 = arith.constant 0 : i32
      %dma_wait3A_322 = arith.constant 0 : i32
      %dma_wait3A_323 = tpu.memref_slice %arg2[%dma_wait3A_321, %dma_wait3A_322] : memref<50176x32xf32, #tpu.memory_space<hbm>> -> memref<50176x32xf32, #tpu.memory_space<hbm>>
      tpu.wait_indirect_dma semaphore(%arg12 : memref<!tpu.dma_semaphore, #tpu.memory_space<semaphore_mem>>) src(%dma_wait3A_323 : memref<50176x32xf32, #tpu.memory_space<hbm>>) dst(%dma_wait3A_317 : memref<216x32xf32, #tpu.memory_space<vmem>>)
      %dma_start3A_324 = arith.constant 1 : i32
      %dma_start3A_325 = arith.constant 0 : i32
      %dma_start3A_326 = tpu.memref_slice %arg6[%dma_start3A_324, %dma_start3A_325] : memref<2x440xi32, #tpu.memory_space<vmem>> -> memref<1x440xi32, #tpu.memory_space<vmem>>
      %dma_start3A_327 = tpu.memref_squeeze %dma_start3A_326 : memref<1x440xi32, #tpu.memory_space<vmem>> -> memref<440xi32, #tpu.memory_space<vmem>>
      %dma_start3A_328 = arith.constant 0 : i32
      %dma_start3A_329 = arith.constant 0 : i32
      %dma_start3A_330 = tpu.memref_slice %arg11[%dma_start3A_328, %dma_start3A_329] : memref<50176x32xf32, #tpu.memory_space<vmem_shared>> -> memref<50176x32xf32, #tpu.memory_space<vmem_shared>>
      tpu.enqueue_indirect_dma source(%arg9 : memref<440x32xf32, #tpu.memory_space<vmem>>) target(%dma_start3A_330 : memref<50176x32xf32, #tpu.memory_space<vmem_shared>>) offsets(%dma_start3A_327 : memref<440xi32, #tpu.memory_space<vmem>>) semaphore(%arg13 : memref<!tpu.dma_semaphore, #tpu.memory_space<semaphore_mem>>) {add = true}
      %dma_wait3A_331 = arith.constant 0 : i32
      %dma_wait3A_332 = arith.constant 0 : i32
      %dma_wait3A_333 = arith.constant 0 : i32
      %dma_wait3A_334 = tpu.memref_slice %arg10[%dma_wait3A_332, %dma_wait3A_333] : memref<440x32xf32, #tpu.memory_space<vmem>> -> memref<224x32xf32, #tpu.memory_space<vmem>>
      %dma_wait3A_335 = arith.constant 0 : i32
      %dma_wait3A_336 = tpu.memref_slice %arg7[%dma_wait3A_331, %dma_wait3A_335] : memref<2x440xi32, #tpu.memory_space<vmem>> -> memref<1x224xi32, #tpu.memory_space<vmem>>
      %dma_wait3A_337 = tpu.memref_squeeze %dma_wait3A_336 : memref<1x224xi32, #tpu.memory_space<vmem>> -> memref<224xi32, #tpu.memory_space<vmem>>
      %dma_wait3A_338 = arith.constant 0 : i32
      %dma_wait3A_339 = arith.constant 0 : i32
      %dma_wait3A_340 = tpu.memref_slice %arg2[%dma_wait3A_338, %dma_wait3A_339] : memref<50176x32xf32, #tpu.memory_space<hbm>> -> memref<50176x32xf32, #tpu.memory_space<hbm>>
      tpu.wait_indirect_dma semaphore(%arg12 : memref<!tpu.dma_semaphore, #tpu.memory_space<semaphore_mem>>) src(%dma_wait3A_340 : memref<50176x32xf32, #tpu.memory_space<hbm>>) dst(%dma_wait3A_334 : memref<224x32xf32, #tpu.memory_space<vmem>>)
      %dma_wait3A_341 = arith.constant 0 : i32
      %dma_wait3A_342 = arith.constant 224 : i32
      %dma_wait3A_343 = arith.constant 0 : i32
      %dma_wait3A_344 = tpu.memref_slice %arg10[%dma_wait3A_342, %dma_wait3A_343] : memref<440x32xf32, #tpu.memory_space<vmem>> -> memref<216x32xf32, #tpu.memory_space<vmem>>
      %dma_wait3A_345 = arith.constant 224 : i32
      %dma_wait3A_346 = tpu.memref_slice %arg7[%dma_wait3A_341, %dma_wait3A_345] : memref<2x440xi32, #tpu.memory_space<vmem>> -> memref<1x216xi32, #tpu.memory_space<vmem>>
      %dma_wait3A_347 = tpu.memref_squeeze %dma_wait3A_346 : memref<1x216xi32, #tpu.memory_space<vmem>> -> memref<216xi32, #tpu.memory_space<vmem>>
      %dma_wait3A_348 = arith.constant 0 : i32
      %dma_wait3A_349 = arith.constant 0 : i32
      %dma_wait3A_350 = tpu.memref_slice %arg2[%dma_wait3A_348, %dma_wait3A_349] : memref<50176x32xf32, #tpu.memory_space<hbm>> -> memref<50176x32xf32, #tpu.memory_space<hbm>>
      tpu.wait_indirect_dma semaphore(%arg12 : memref<!tpu.dma_semaphore, #tpu.memory_space<semaphore_mem>>) src(%dma_wait3A_350 : memref<50176x32xf32, #tpu.memory_space<hbm>>) dst(%dma_wait3A_344 : memref<216x32xf32, #tpu.memory_space<vmem>>)
      %dma_start3A_351 = arith.constant 1 : i32
      %dma_start3A_352 = arith.constant 0 : i32
      %dma_start3A_353 = tpu.memref_slice %arg7[%dma_start3A_351, %dma_start3A_352] : memref<2x440xi32, #tpu.memory_space<vmem>> -> memref<1x440xi32, #tpu.memory_space<vmem>>
      %dma_start3A_354 = tpu.memref_squeeze %dma_start3A_353 : memref<1x440xi32, #tpu.memory_space<vmem>> -> memref<440xi32, #tpu.memory_space<vmem>>
      %dma_start3A_355 = arith.constant 0 : i32
      %dma_start3A_356 = arith.constant 0 : i32
      %dma_start3A_357 = tpu.memref_slice %arg11[%dma_start3A_355, %dma_start3A_356] : memref<50176x32xf32, #tpu.memory_space<vmem_shared>> -> memref<50176x32xf32, #tpu.memory_space<vmem_shared>>
      tpu.enqueue_indirect_dma source(%arg10 : memref<440x32xf32, #tpu.memory_space<vmem>>) target(%dma_start3A_357 : memref<50176x32xf32, #tpu.memory_space<vmem_shared>>) offsets(%dma_start3A_354 : memref<440xi32, #tpu.memory_space<vmem>>) semaphore(%arg14 : memref<!tpu.dma_semaphore, #tpu.memory_space<semaphore_mem>>) {add = true}
    }
    %scan3A_117 = arith.constant 55 : i32
    %add3A_118 = arith.constant 49280 : i32
    %add3A_119 = arith.addi %mul3A_16, %add3A_118 : i32
    %dma_wait3A_120 = arith.constant 1 : i32
    %dma_wait3A_121 = arith.constant 0 : i32
    %dma_wait3A_122 = tpu.memref_slice %arg6[%dma_wait3A_120, %dma_wait3A_121] : memref<2x440xi32, #tpu.memory_space<vmem>> -> memref<1x440xi32, #tpu.memory_space<vmem>>
    %dma_wait3A_123 = tpu.memref_squeeze %dma_wait3A_122 : memref<1x440xi32, #tpu.memory_space<vmem>> -> memref<440xi32, #tpu.memory_space<vmem>>
    %dma_wait3A_124 = arith.constant 0 : i32
    %dma_wait3A_125 = arith.constant 0 : i32
    %dma_wait3A_126 = tpu.memref_slice %arg11[%dma_wait3A_124, %dma_wait3A_125] : memref<50176x32xf32, #tpu.memory_space<vmem_shared>> -> memref<50176x32xf32, #tpu.memory_space<vmem_shared>>
    tpu.wait_indirect_dma semaphore(%arg13 : memref<!tpu.dma_semaphore, #tpu.memory_space<semaphore_mem>>) src(%arg9 : memref<440x32xf32, #tpu.memory_space<vmem>>) dst(%dma_wait3A_126 : memref<50176x32xf32, #tpu.memory_space<vmem_shared>>)
    "tpu.region"() ({
      %run_scoped3A = tpu.sem_alloc : memref<!tpu.dma_semaphore, #tpu.memory_space<semaphore_mem>>
      %dma_start3A_238 = arith.constant 0 : i32
      %dma_start3A_239 = tpu.memref_slice %arg3[%dma_start3A_238, %add3A_119] : memref<2x1600000xi32, #tpu.memory_space<hbm>> -> memref<2x440xi32, #tpu.memory_space<hbm>>
      %dma_start3A_240 = arith.constant 0 : i32
      %dma_start3A_241 = tpu.memref_slice %arg3[%dma_start3A_240, %add3A_119] : memref<2x1600000xi32, #tpu.memory_space<hbm>> -> memref<2x440xi32, #tpu.memory_space<hbm>>
      tpu.enqueue_dma source(%dma_start3A_241 : memref<2x440xi32, #tpu.memory_space<hbm>>) target(%arg6 : memref<2x440xi32, #tpu.memory_space<vmem>>) target_semaphore(%run_scoped3A : memref<!tpu.dma_semaphore, #tpu.memory_space<semaphore_mem>>)
      %dma_wait3A_242 = arith.constant 0 : i32
      %dma_wait3A_243 = tpu.memref_slice %arg3[%dma_wait3A_242, %add3A_119] : memref<2x1600000xi32, #tpu.memory_space<hbm>> -> memref<2x440xi32, #tpu.memory_space<hbm>>
      %dma_wait3A_244 = arith.constant 0 : i32
      %dma_wait3A_245 = tpu.memref_slice %arg3[%dma_wait3A_244, %add3A_119] : memref<2x1600000xi32, #tpu.memory_space<hbm>> -> memref<2x440xi32, #tpu.memory_space<hbm>>
      tpu.wait_dma2 semaphore(%run_scoped3A : memref<!tpu.dma_semaphore, #tpu.memory_space<semaphore_mem>>) src(%dma_wait3A_245 : memref<2x440xi32, #tpu.memory_space<hbm>>) dst(%arg6 : memref<2x440xi32, #tpu.memory_space<vmem>>)
      tpu.yield
    }) : () -> ()
    %dma_start3A_127 = arith.constant 0 : i32
    %dma_start3A_128 = arith.constant 0 : i32
    %dma_start3A_129 = arith.constant 0 : i32
    %dma_start3A_130 = tpu.memref_slice %arg9[%dma_start3A_128, %dma_start3A_129] : memref<440x32xf32, #tpu.memory_space<vmem>> -> memref<224x32xf32, #tpu.memory_space<vmem>>
    %dma_start3A_131 = arith.constant 0 : i32
    %dma_start3A_132 = tpu.memref_slice %arg6[%dma_start3A_127, %dma_start3A_131] : memref<2x440xi32, #tpu.memory_space<vmem>> -> memref<1x224xi32, #tpu.memory_space<vmem>>
    %dma_start3A_133 = tpu.memref_squeeze %dma_start3A_132 : memref<1x224xi32, #tpu.memory_space<vmem>> -> memref<224xi32, #tpu.memory_space<vmem>>
    %dma_start3A_134 = arith.constant 0 : i32
    %dma_start3A_135 = arith.constant 0 : i32
    %dma_start3A_136 = tpu.memref_slice %arg2[%dma_start3A_134, %dma_start3A_135] : memref<50176x32xf32, #tpu.memory_space<hbm>> -> memref<50176x32xf32, #tpu.memory_space<hbm>>
    tpu.enqueue_indirect_dma source(%dma_start3A_136 : memref<50176x32xf32, #tpu.memory_space<hbm>>) target(%dma_start3A_130 : memref<224x32xf32, #tpu.memory_space<vmem>>) offsets(%dma_start3A_133 : memref<224xi32, #tpu.memory_space<vmem>>) semaphore(%arg12 : memref<!tpu.dma_semaphore, #tpu.memory_space<semaphore_mem>>)
    %dma_start3A_137 = arith.constant 0 : i32
    %dma_start3A_138 = arith.constant 224 : i32
    %dma_start3A_139 = arith.constant 0 : i32
    %dma_start3A_140 = tpu.memref_slice %arg9[%dma_start3A_138, %dma_start3A_139] : memref<440x32xf32, #tpu.memory_space<vmem>> -> memref<216x32xf32, #tpu.memory_space<vmem>>
    %dma_start3A_141 = arith.constant 224 : i32
    %dma_start3A_142 = tpu.memref_slice %arg6[%dma_start3A_137, %dma_start3A_141] : memref<2x440xi32, #tpu.memory_space<vmem>> -> memref<1x216xi32, #tpu.memory_space<vmem>>
    %dma_start3A_143 = tpu.memref_squeeze %dma_start3A_142 : memref<1x216xi32, #tpu.memory_space<vmem>> -> memref<216xi32, #tpu.memory_space<vmem>>
    %dma_start3A_144 = arith.constant 0 : i32
    %dma_start3A_145 = arith.constant 0 : i32
    %dma_start3A_146 = tpu.memref_slice %arg2[%dma_start3A_144, %dma_start3A_145] : memref<50176x32xf32, #tpu.memory_space<hbm>> -> memref<50176x32xf32, #tpu.memory_space<hbm>>
    tpu.enqueue_indirect_dma source(%dma_start3A_146 : memref<50176x32xf32, #tpu.memory_space<hbm>>) target(%dma_start3A_140 : memref<216x32xf32, #tpu.memory_space<vmem>>) offsets(%dma_start3A_143 : memref<216xi32, #tpu.memory_space<vmem>>) semaphore(%arg12 : memref<!tpu.dma_semaphore, #tpu.memory_space<semaphore_mem>>)
    %dma_wait3A_147 = arith.constant 1 : i32
    %dma_wait3A_148 = arith.constant 0 : i32
    %dma_wait3A_149 = tpu.memref_slice %arg7[%dma_wait3A_147, %dma_wait3A_148] : memref<2x440xi32, #tpu.memory_space<vmem>> -> memref<1x440xi32, #tpu.memory_space<vmem>>
    %dma_wait3A_150 = tpu.memref_squeeze %dma_wait3A_149 : memref<1x440xi32, #tpu.memory_space<vmem>> -> memref<440xi32, #tpu.memory_space<vmem>>
    %dma_wait3A_151 = arith.constant 0 : i32
    %dma_wait3A_152 = arith.constant 0 : i32
    %dma_wait3A_153 = tpu.memref_slice %arg11[%dma_wait3A_151, %dma_wait3A_152] : memref<50176x32xf32, #tpu.memory_space<vmem_shared>> -> memref<50176x32xf32, #tpu.memory_space<vmem_shared>>
    tpu.wait_indirect_dma semaphore(%arg14 : memref<!tpu.dma_semaphore, #tpu.memory_space<semaphore_mem>>) src(%arg10 : memref<440x32xf32, #tpu.memory_space<vmem>>) dst(%dma_wait3A_153 : memref<50176x32xf32, #tpu.memory_space<vmem_shared>>)
    %add3A_154 = arith.constant 440 : i32
    %add3A_155 = arith.addi %add3A_119, %add3A_154 : i32
    "tpu.region"() ({
      %run_scoped3A = tpu.sem_alloc : memref<!tpu.dma_semaphore, #tpu.memory_space<semaphore_mem>>
      %dma_start3A_238 = arith.constant 0 : i32
      %dma_start3A_239 = tpu.memref_slice %arg3[%dma_start3A_238, %add3A_155] : memref<2x1600000xi32, #tpu.memory_space<hbm>> -> memref<2x280xi32, #tpu.memory_space<hbm>>
      %dma_start3A_240 = arith.constant 0 : i32
      %dma_start3A_241 = tpu.memref_slice %arg3[%dma_start3A_240, %add3A_155] : memref<2x1600000xi32, #tpu.memory_space<hbm>> -> memref<2x280xi32, #tpu.memory_space<hbm>>
      tpu.enqueue_dma source(%dma_start3A_241 : memref<2x280xi32, #tpu.memory_space<hbm>>) target(%arg8 : memref<2x280xi32, #tpu.memory_space<vmem>>) target_semaphore(%run_scoped3A : memref<!tpu.dma_semaphore, #tpu.memory_space<semaphore_mem>>)
      %dma_wait3A_242 = arith.constant 0 : i32
      %dma_wait3A_243 = tpu.memref_slice %arg3[%dma_wait3A_242, %add3A_155] : memref<2x1600000xi32, #tpu.memory_space<hbm>> -> memref<2x280xi32, #tpu.memory_space<hbm>>
      %dma_wait3A_244 = arith.constant 0 : i32
      %dma_wait3A_245 = tpu.memref_slice %arg3[%dma_wait3A_244, %add3A_155] : memref<2x1600000xi32, #tpu.memory_space<hbm>> -> memref<2x280xi32, #tpu.memory_space<hbm>>
      tpu.wait_dma2 semaphore(%run_scoped3A : memref<!tpu.dma_semaphore, #tpu.memory_space<semaphore_mem>>) src(%dma_wait3A_245 : memref<2x280xi32, #tpu.memory_space<hbm>>) dst(%arg8 : memref<2x280xi32, #tpu.memory_space<vmem>>)
      tpu.yield
    }) : () -> ()
    %dma_start3A_156 = arith.constant 0 : i32
    %dma_start3A_157 = arith.constant 0 : i32
    %dma_start3A_158 = arith.constant 0 : i32
    %dma_start3A_159 = tpu.memref_slice %arg10[%dma_start3A_157, %dma_start3A_158] : memref<440x32xf32, #tpu.memory_space<vmem>> -> memref<280x32xf32, #tpu.memory_space<vmem>>
    %dma_start3A_160 = arith.constant 0 : i32
    %dma_start3A_161 = tpu.memref_slice %arg8[%dma_start3A_156, %dma_start3A_160] : memref<2x280xi32, #tpu.memory_space<vmem>> -> memref<1x280xi32, #tpu.memory_space<vmem>>
    %dma_start3A_162 = tpu.memref_squeeze %dma_start3A_161 : memref<1x280xi32, #tpu.memory_space<vmem>> -> memref<280xi32, #tpu.memory_space<vmem>>
    %dma_start3A_163 = arith.constant 0 : i32
    %dma_start3A_164 = arith.constant 0 : i32
    %dma_start3A_165 = tpu.memref_slice %arg2[%dma_start3A_163, %dma_start3A_164] : memref<50176x32xf32, #tpu.memory_space<hbm>> -> memref<50176x32xf32, #tpu.memory_space<hbm>>
    tpu.enqueue_indirect_dma source(%dma_start3A_165 : memref<50176x32xf32, #tpu.memory_space<hbm>>) target(%dma_start3A_159 : memref<280x32xf32, #tpu.memory_space<vmem>>) offsets(%dma_start3A_162 : memref<280xi32, #tpu.memory_space<vmem>>) semaphore(%arg12 : memref<!tpu.dma_semaphore, #tpu.memory_space<semaphore_mem>>)
    %dma_wait3A_166 = arith.constant 0 : i32
    %dma_wait3A_167 = arith.constant 0 : i32
    %dma_wait3A_168 = arith.constant 0 : i32
    %dma_wait3A_169 = tpu.memref_slice %arg9[%dma_wait3A_167, %dma_wait3A_168] : memref<440x32xf32, #tpu.memory_space<vmem>> -> memref<224x32xf32, #tpu.memory_space<vmem>>
    %dma_wait3A_170 = arith.constant 0 : i32
    %dma_wait3A_171 = tpu.memref_slice %arg6[%dma_wait3A_166, %dma_wait3A_170] : memref<2x440xi32, #tpu.memory_space<vmem>> -> memref<1x224xi32, #tpu.memory_space<vmem>>
    %dma_wait3A_172 = tpu.memref_squeeze %dma_wait3A_171 : memref<1x224xi32, #tpu.memory_space<vmem>> -> memref<224xi32, #tpu.memory_space<vmem>>
    %dma_wait3A_173 = arith.constant 0 : i32
    %dma_wait3A_174 = arith.constant 0 : i32
    %dma_wait3A_175 = tpu.memref_slice %arg2[%dma_wait3A_173, %dma_wait3A_174] : memref<50176x32xf32, #tpu.memory_space<hbm>> -> memref<50176x32xf32, #tpu.memory_space<hbm>>
    tpu.wait_indirect_dma semaphore(%arg12 : memref<!tpu.dma_semaphore, #tpu.memory_space<semaphore_mem>>) src(%dma_wait3A_175 : memref<50176x32xf32, #tpu.memory_space<hbm>>) dst(%dma_wait3A_169 : memref<224x32xf32, #tpu.memory_space<vmem>>)
    %dma_wait3A_176 = arith.constant 0 : i32
    %dma_wait3A_177 = arith.constant 224 : i32
    %dma_wait3A_178 = arith.constant 0 : i32
    %dma_wait3A_179 = tpu.memref_slice %arg9[%dma_wait3A_177, %dma_wait3A_178] : memref<440x32xf32, #tpu.memory_space<vmem>> -> memref<216x32xf32, #tpu.memory_space<vmem>>
    %dma_wait3A_180 = arith.constant 224 : i32
    %dma_wait3A_181 = tpu.memref_slice %arg6[%dma_wait3A_176, %dma_wait3A_180] : memref<2x440xi32, #tpu.memory_space<vmem>> -> memref<1x216xi32, #tpu.memory_space<vmem>>
    %dma_wait3A_182 = tpu.memref_squeeze %dma_wait3A_181 : memref<1x216xi32, #tpu.memory_space<vmem>> -> memref<216xi32, #tpu.memory_space<vmem>>
    %dma_wait3A_183 = arith.constant 0 : i32
    %dma_wait3A_184 = arith.constant 0 : i32
    %dma_wait3A_185 = tpu.memref_slice %arg2[%dma_wait3A_183, %dma_wait3A_184] : memref<50176x32xf32, #tpu.memory_space<hbm>> -> memref<50176x32xf32, #tpu.memory_space<hbm>>
    tpu.wait_indirect_dma semaphore(%arg12 : memref<!tpu.dma_semaphore, #tpu.memory_space<semaphore_mem>>) src(%dma_wait3A_185 : memref<50176x32xf32, #tpu.memory_space<hbm>>) dst(%dma_wait3A_179 : memref<216x32xf32, #tpu.memory_space<vmem>>)
    %dma_start3A_186 = arith.constant 1 : i32
    %dma_start3A_187 = arith.constant 0 : i32
    %dma_start3A_188 = tpu.memref_slice %arg6[%dma_start3A_186, %dma_start3A_187] : memref<2x440xi32, #tpu.memory_space<vmem>> -> memref<1x440xi32, #tpu.memory_space<vmem>>
    %dma_start3A_189 = tpu.memref_squeeze %dma_start3A_188 : memref<1x440xi32, #tpu.memory_space<vmem>> -> memref<440xi32, #tpu.memory_space<vmem>>
    %dma_start3A_190 = arith.constant 0 : i32
    %dma_start3A_191 = arith.constant 0 : i32
    %dma_start3A_192 = tpu.memref_slice %arg11[%dma_start3A_190, %dma_start3A_191] : memref<50176x32xf32, #tpu.memory_space<vmem_shared>> -> memref<50176x32xf32, #tpu.memory_space<vmem_shared>>
    tpu.enqueue_indirect_dma source(%arg9 : memref<440x32xf32, #tpu.memory_space<vmem>>) target(%dma_start3A_192 : memref<50176x32xf32, #tpu.memory_space<vmem_shared>>) offsets(%dma_start3A_189 : memref<440xi32, #tpu.memory_space<vmem>>) semaphore(%arg13 : memref<!tpu.dma_semaphore, #tpu.memory_space<semaphore_mem>>) {add = true}
    %dma_wait3A_193 = arith.constant 0 : i32
    %dma_wait3A_194 = arith.constant 0 : i32
    %dma_wait3A_195 = arith.constant 0 : i32
    %dma_wait3A_196 = tpu.memref_slice %arg10[%dma_wait3A_194, %dma_wait3A_195] : memref<440x32xf32, #tpu.memory_space<vmem>> -> memref<280x32xf32, #tpu.memory_space<vmem>>
    %dma_wait3A_197 = arith.constant 0 : i32
    %dma_wait3A_198 = tpu.memref_slice %arg8[%dma_wait3A_193, %dma_wait3A_197] : memref<2x280xi32, #tpu.memory_space<vmem>> -> memref<1x280xi32, #tpu.memory_space<vmem>>
    %dma_wait3A_199 = tpu.memref_squeeze %dma_wait3A_198 : memref<1x280xi32, #tpu.memory_space<vmem>> -> memref<280xi32, #tpu.memory_space<vmem>>
    %dma_wait3A_200 = arith.constant 0 : i32
    %dma_wait3A_201 = arith.constant 0 : i32
    %dma_wait3A_202 = tpu.memref_slice %arg2[%dma_wait3A_200, %dma_wait3A_201] : memref<50176x32xf32, #tpu.memory_space<hbm>> -> memref<50176x32xf32, #tpu.memory_space<hbm>>
    tpu.wait_indirect_dma semaphore(%arg12 : memref<!tpu.dma_semaphore, #tpu.memory_space<semaphore_mem>>) src(%dma_wait3A_202 : memref<50176x32xf32, #tpu.memory_space<hbm>>) dst(%dma_wait3A_196 : memref<280x32xf32, #tpu.memory_space<vmem>>)
    %dma_start3A_203 = arith.constant 1 : i32
    %dma_start3A_204 = arith.constant 0 : i32
    %dma_start3A_205 = arith.constant 0 : i32
    %dma_start3A_206 = tpu.memref_slice %arg10[%dma_start3A_204, %dma_start3A_205] : memref<440x32xf32, #tpu.memory_space<vmem>> -> memref<280x32xf32, #tpu.memory_space<vmem>>
    %dma_start3A_207 = arith.constant 0 : i32
    %dma_start3A_208 = tpu.memref_slice %arg8[%dma_start3A_203, %dma_start3A_207] : memref<2x280xi32, #tpu.memory_space<vmem>> -> memref<1x280xi32, #tpu.memory_space<vmem>>
    %dma_start3A_209 = tpu.memref_squeeze %dma_start3A_208 : memref<1x280xi32, #tpu.memory_space<vmem>> -> memref<280xi32, #tpu.memory_space<vmem>>
    %dma_start3A_210 = arith.constant 0 : i32
    %dma_start3A_211 = arith.constant 0 : i32
    %dma_start3A_212 = tpu.memref_slice %arg11[%dma_start3A_210, %dma_start3A_211] : memref<50176x32xf32, #tpu.memory_space<vmem_shared>> -> memref<50176x32xf32, #tpu.memory_space<vmem_shared>>
    tpu.enqueue_indirect_dma source(%dma_start3A_206 : memref<280x32xf32, #tpu.memory_space<vmem>>) target(%dma_start3A_212 : memref<50176x32xf32, #tpu.memory_space<vmem_shared>>) offsets(%dma_start3A_209 : memref<280xi32, #tpu.memory_space<vmem>>) semaphore(%arg14 : memref<!tpu.dma_semaphore, #tpu.memory_space<semaphore_mem>>) {add = true}
    %dma_wait3A_213 = arith.constant 1 : i32
    %dma_wait3A_214 = arith.constant 0 : i32
    %dma_wait3A_215 = tpu.memref_slice %arg6[%dma_wait3A_213, %dma_wait3A_214] : memref<2x440xi32, #tpu.memory_space<vmem>> -> memref<1x440xi32, #tpu.memory_space<vmem>>
    %dma_wait3A_216 = tpu.memref_squeeze %dma_wait3A_215 : memref<1x440xi32, #tpu.memory_space<vmem>> -> memref<440xi32, #tpu.memory_space<vmem>>
    %dma_wait3A_217 = arith.constant 0 : i32
    %dma_wait3A_218 = arith.constant 0 : i32
    %dma_wait3A_219 = tpu.memref_slice %arg11[%dma_wait3A_217, %dma_wait3A_218] : memref<50176x32xf32, #tpu.memory_space<vmem_shared>> -> memref<50176x32xf32, #tpu.memory_space<vmem_shared>>
    tpu.wait_indirect_dma semaphore(%arg13 : memref<!tpu.dma_semaphore, #tpu.memory_space<semaphore_mem>>) src(%arg9 : memref<440x32xf32, #tpu.memory_space<vmem>>) dst(%dma_wait3A_219 : memref<50176x32xf32, #tpu.memory_space<vmem_shared>>)
    %dma_wait3A_220 = arith.constant 1 : i32
    %dma_wait3A_221 = arith.constant 0 : i32
    %dma_wait3A_222 = arith.constant 0 : i32
    %dma_wait3A_223 = tpu.memref_slice %arg10[%dma_wait3A_221, %dma_wait3A_222] : memref<440x32xf32, #tpu.memory_space<vmem>> -> memref<280x32xf32, #tpu.memory_space<vmem>>
    %dma_wait3A_224 = arith.constant 0 : i32
    %dma_wait3A_225 = tpu.memref_slice %arg8[%dma_wait3A_220, %dma_wait3A_224] : memref<2x280xi32, #tpu.memory_space<vmem>> -> memref<1x280xi32, #tpu.memory_space<vmem>>
    %dma_wait3A_226 = tpu.memref_squeeze %dma_wait3A_225 : memref<1x280xi32, #tpu.memory_space<vmem>> -> memref<280xi32, #tpu.memory_space<vmem>>
    %dma_wait3A_227 = arith.constant 0 : i32
    %dma_wait3A_228 = arith.constant 0 : i32
    %dma_wait3A_229 = tpu.memref_slice %arg11[%dma_wait3A_227, %dma_wait3A_228] : memref<50176x32xf32, #tpu.memory_space<vmem_shared>> -> memref<50176x32xf32, #tpu.memory_space<vmem_shared>>
    tpu.wait_indirect_dma semaphore(%arg14 : memref<!tpu.dma_semaphore, #tpu.memory_space<semaphore_mem>>) src(%dma_wait3A_223 : memref<280x32xf32, #tpu.memory_space<vmem>>) dst(%dma_wait3A_229 : memref<50176x32xf32, #tpu.memory_space<vmem_shared>>)
    %barrier3A_230 = arith.constant 0 : index
    tpu.barrier barrier_id(%barrier3A_230)
    %eq3A = arith.constant 0 : i32
    %eq3A_231 = arith.cmpi eq, %arg0, %eq3A : i32
    %convert_element_type3A = arith.extui %eq3A_231 : i1 to i32
    %cond3A = arith.constant 0 : i32
    %cond3A_232 = arith.cmpi ne, %convert_element_type3A, %cond3A : i32
    scf.if %cond3A_232 {
      "tpu.region"() ({
        %run_scoped3A = tpu.sem_alloc : memref<!tpu.dma_semaphore, #tpu.memory_space<semaphore_mem>>
        %dma_start3A_238 = arith.constant 0 : i32
        %dma_start3A_239 = tpu.memref_slice %arg4[%mul3A_2, %dma_start3A_238] : memref<50176x32xf32, #tpu.memory_space<hbm>> -> memref<3136x32xf32, #tpu.memory_space<hbm>>
        %dma_start3A_240 = arith.constant 0 : i32
        %dma_start3A_241 = tpu.memref_slice %arg11[%mul3A_2, %dma_start3A_240] : memref<50176x32xf32, #tpu.memory_space<vmem_shared>> -> memref<3136x32xf32, #tpu.memory_space<vmem_shared>>
        tpu.enqueue_dma source(%dma_start3A_241 : memref<3136x32xf32, #tpu.memory_space<vmem_shared>>) target(%dma_start3A_239 : memref<3136x32xf32, #tpu.memory_space<hbm>>) target_semaphore(%run_scoped3A : memref<!tpu.dma_semaphore, #tpu.memory_space<semaphore_mem>>)
        %dma_wait3A_242 = arith.constant 0 : i32
        %dma_wait3A_243 = tpu.memref_slice %arg4[%mul3A_2, %dma_wait3A_242] : memref<50176x32xf32, #tpu.memory_space<hbm>> -> memref<3136x32xf32, #tpu.memory_space<hbm>>
        %dma_wait3A_244 = arith.constant 0 : i32
        %dma_wait3A_245 = tpu.memref_slice %arg11[%mul3A_2, %dma_wait3A_244] : memref<50176x32xf32, #tpu.memory_space<vmem_shared>> -> memref<3136x32xf32, #tpu.memory_space<vmem_shared>>
        tpu.wait_dma2 semaphore(%run_scoped3A : memref<!tpu.dma_semaphore, #tpu.memory_space<semaphore_mem>>) src(%dma_wait3A_245 : memref<3136x32xf32, #tpu.memory_space<vmem_shared>>) dst(%dma_wait3A_243 : memref<3136x32xf32, #tpu.memory_space<hbm>>)
        tpu.yield
      }) : () -> ()
    } else {
    }
    %eq3A_233 = arith.constant 1 : i32
    %eq3A_234 = arith.cmpi eq, %arg0, %eq3A_233 : i32
    %convert_element_type3A_235 = arith.extui %eq3A_234 : i1 to i32
    %cond3A_236 = arith.constant 0 : i32
    %cond3A_237 = arith.cmpi ne, %convert_element_type3A_235, %cond3A_236 : i32
    scf.if %cond3A_237 {
      "tpu.region"() ({
        %run_scoped3A = tpu.sem_alloc : memref<!tpu.dma_semaphore, #tpu.memory_space<semaphore_mem>>
        %dma_start3A_238 = arith.constant 0 : i32
        %dma_start3A_239 = tpu.memref_slice %arg5[%mul3A_2, %dma_start3A_238] : memref<50176x32xf32, #tpu.memory_space<hbm>> -> memref<3136x32xf32, #tpu.memory_space<hbm>>
        %dma_start3A_240 = arith.constant 0 : i32
        %dma_start3A_241 = tpu.memref_slice %arg11[%mul3A_2, %dma_start3A_240] : memref<50176x32xf32, #tpu.memory_space<vmem_shared>> -> memref<3136x32xf32, #tpu.memory_space<vmem_shared>>
        tpu.enqueue_dma source(%dma_start3A_241 : memref<3136x32xf32, #tpu.memory_space<vmem_shared>>) target(%dma_start3A_239 : memref<3136x32xf32, #tpu.memory_space<hbm>>) target_semaphore(%run_scoped3A : memref<!tpu.dma_semaphore, #tpu.memory_space<semaphore_mem>>)
        %dma_wait3A_242 = arith.constant 0 : i32
        %dma_wait3A_243 = tpu.memref_slice %arg5[%mul3A_2, %dma_wait3A_242] : memref<50176x32xf32, #tpu.memory_space<hbm>> -> memref<3136x32xf32, #tpu.memory_space<hbm>>
        %dma_wait3A_244 = arith.constant 0 : i32
        %dma_wait3A_245 = tpu.memref_slice %arg11[%mul3A_2, %dma_wait3A_244] : memref<50176x32xf32, #tpu.memory_space<vmem_shared>> -> memref<3136x32xf32, #tpu.memory_space<vmem_shared>>
        tpu.wait_dma2 semaphore(%run_scoped3A : memref<!tpu.dma_semaphore, #tpu.memory_space<semaphore_mem>>) src(%dma_wait3A_245 : memref<3136x32xf32, #tpu.memory_space<vmem_shared>>) dst(%dma_wait3A_243 : memref<3136x32xf32, #tpu.memory_space<hbm>>)
        tpu.yield
      }) : () -> ()
    } else {
    }
    return
  }
}

#map = affine_map<(d0, d1) -> (0, 0)>
module attributes {stable_mosaic.version = 14 : i64} {
  func.func @sc_segment_sum(%arg0: i32, %arg1: i32, %arg2: memref<50176x32xf32, #tpu.memory_space<hbm>>, %arg3: memref<2x1600000xi32, #tpu.memory_space<hbm>>, %arg4: memref<50176x32xf32, #tpu.memory_space<hbm>>, %arg5: memref<50176x32xf32, #tpu.memory_space<hbm>>, %arg6: memref<2x440xi32, #tpu.memory_space<vmem>>, %arg7: memref<2x440xi32, #tpu.memory_space<vmem>>, %arg8: memref<2x280xi32, #tpu.memory_space<vmem>>, %arg9: memref<440x32xf32, #tpu.memory_space<vmem>>, %arg10: memref<440x32xf32, #tpu.memory_space<vmem>>, %arg11: memref<50176x32xf32, #tpu.memory_space<vmem_shared>>, %arg12: memref<!tpu.dma_semaphore, #tpu.memory_space<semaphore_mem>>, %arg13: memref<!tpu.dma_semaphore, #tpu.memory_space<semaphore_mem>>, %arg14: memref<!tpu.dma_semaphore, #tpu.memory_space<semaphore_mem>>) attributes {dimension_semantics = [#tpu.dimension_semantics<core_parallel>, #tpu.dimension_semantics<subcore_parallel>], iteration_bounds = array<i64: 2, 16>, scalar_prefetch = 0 : i64, scratch_operands = 9 : i64, tpu.core_type = #tpu.core_type<sc_vector_subcore>, window_params = [{transform_indices = #map}, {transform_indices = #map}, {transform_indices = #map}, {transform_indices = #map}]} {
    %mul3A = arith.constant 2 : i32
    %mul3A_0 = arith.muli %arg1, %mul3A : i32
    %add3A = arith.addi %mul3A_0, %arg0 : i32
    %mul3A_1 = arith.constant 3136 : i32
    %mul3A_2 = arith.muli %arg1, %mul3A_1 : i32
    %broadcast_in_dim3A = arith.constant 0.000000e+00 : f32
    %broadcast_in_dim3A_3 = vector.broadcast %broadcast_in_dim3A : f32 to vector<16xf32>
    %scan3A = arith.constant 0 : i32
    %scan3A_4 = arith.constant 440 : i32
    %scan3A_5 = arith.addi %scan3A, %scan3A_4 : i32
    %scan3A_6 = arith.constant 1 : i32
    scf.for %scan3A_238 = %scan3A to %scan3A_5 step %scan3A_6  : i32 {
      %mul3A_239 = arith.constant 1 : i32
      %mul3A_240 = arith.muli %scan3A_238, %mul3A_239 : i32
      %add3A_241 = arith.constant 0 : i32
      %add3A_242 = arith.addi %add3A_241, %mul3A_240 : i32
      %swap3A = arith.index_cast %add3A_242 : i32 to index
      %swap3A_243 = arith.constant 0 : index
      %swap3A_244 = tpu.vector_load %arg9[%swap3A, %swap3A_243] {strides = array<i32>} : memref<440x32xf32, #tpu.memory_space<vmem>>, vector<1x16xf32>,
      %swap3A_245 = vector.shape_cast %swap3A_244 : vector<1x16xf32> to vector<16xf32>
      %swap3A_246 = vector.shape_cast %broadcast_in_dim3A_3 : vector<16xf32> to vector<1x16xf32>
      tpu.vector_store %arg9[%swap3A, %swap3A_243], %swap3A_246 {strides = array<i32>} : memref<440x32xf32, #tpu.memory_space<vmem>>, vector<1x16xf32>,
      %swap3A_247 = arith.index_cast %add3A_242 : i32 to index
      %swap3A_248 = arith.constant 16 : index
      %swap3A_249 = tpu.vector_load %arg9[%swap3A_247, %swap3A_248] {strides = array<i32>} : memref<440x32xf32, #tpu.memory_space<vmem>>, vector<1x16xf32>,
      %swap3A_250 = vector.shape_cast %swap3A_249 : vector<1x16xf32> to vector<16xf32>
      %swap3A_251 = vector.shape_cast %broadcast_in_dim3A_3 : vector<16xf32> to vector<1x16xf32>
      tpu.vector_store %arg9[%swap3A_247, %swap3A_248], %swap3A_251 {strides = array<i32>} : memref<440x32xf32, #tpu.memory_space<vmem>>, vector<1x16xf32>,
    }
    %scan3A_7 = arith.constant 440 : i32
    %scan3A_8 = arith.constant 0 : i32
    %scan3A_9 = arith.constant 7 : i32
    %scan3A_10 = arith.addi %scan3A_8, %scan3A_9 : i32
    %scan3A_11 = arith.constant 1 : i32
    scf.for %scan3A_238 = %scan3A_8 to %scan3A_10 step %scan3A_11  : i32 {
      %mul3A_239 = arith.constant 1 : i32
      %mul3A_240 = arith.muli %scan3A_238, %mul3A_239 : i32
      %add3A_241 = arith.constant 0 : i32
      %add3A_242 = arith.addi %add3A_241, %mul3A_240 : i32
      %mul3A_243 = arith.constant 440 : i32
      %mul3A_244 = arith.muli %add3A_242, %mul3A_243 : i32
      %add3A_245 = arith.addi %mul3A_2, %mul3A_244 : i32
      "tpu.region"() ({
        %run_scoped3A = tpu.sem_alloc : memref<!tpu.dma_semaphore, #tpu.memory_space<semaphore_mem>>
        %dma_start3A_246 = arith.constant 0 : i32
        %dma_start3A_247 = tpu.memref_slice %arg11[%add3A_245, %dma_start3A_246] : memref<50176x32xf32, #tpu.memory_space<vmem_shared>> -> memref<440x32xf32, #tpu.memory_space<vmem_shared>>
        %dma_start3A_248 = arith.constant 0 : i32
        %dma_start3A_249 = tpu.memref_slice %arg11[%add3A_245, %dma_start3A_248] : memref<50176x32xf32, #tpu.memory_space<vmem_shared>> -> memref<440x32xf32, #tpu.memory_space<vmem_shared>>
        tpu.enqueue_dma source(%arg9 : memref<440x32xf32, #tpu.memory_space<vmem>>) target(%dma_start3A_249 : memref<440x32xf32, #tpu.memory_space<vmem_shared>>) target_semaphore(%run_scoped3A : memref<!tpu.dma_semaphore, #tpu.memory_space<semaphore_mem>>)
        %dma_wait3A_250 = arith.constant 0 : i32
        %dma_wait3A_251 = tpu.memref_slice %arg11[%add3A_245, %dma_wait3A_250] : memref<50176x32xf32, #tpu.memory_space<vmem_shared>> -> memref<440x32xf32, #tpu.memory_space<vmem_shared>>
        %dma_wait3A_252 = arith.constant 0 : i32
        %dma_wait3A_253 = tpu.memref_slice %arg11[%add3A_245, %dma_wait3A_252] : memref<50176x32xf32, #tpu.memory_space<vmem_shared>> -> memref<440x32xf32, #tpu.memory_space<vmem_shared>>
        tpu.wait_dma2 semaphore(%run_scoped3A : memref<!tpu.dma_semaphore, #tpu.memory_space<semaphore_mem>>) src(%arg9 : memref<440x32xf32, #tpu.memory_space<vmem>>) dst(%dma_wait3A_253 : memref<440x32xf32, #tpu.memory_space<vmem_shared>>)
        tpu.yield
      }) : () -> ()
    }
    %scan3A_12 = arith.constant 7 : i32
    %add3A_13 = arith.constant 3080 : i32
    %add3A_14 = arith.addi %mul3A_2, %add3A_13 : i32
    "tpu.region"() ({
      %run_scoped3A = tpu.sem_alloc : memref<!tpu.dma_semaphore, #tpu.memory_space<semaphore_mem>>
      %dma_start3A_238 = arith.constant 0 : i32
      %dma_start3A_239 = arith.constant 0 : i32
      %dma_start3A_240 = tpu.memref_slice %arg9[%dma_start3A_238, %dma_start3A_239] : memref<440x32xf32, #tpu.memory_space<vmem>> -> memref<56x32xf32, #tpu.memory_space<vmem>>
      %dma_start3A_241 = arith.constant 0 : i32
      %dma_start3A_242 = tpu.memref_slice %arg11[%add3A_14, %dma_start3A_241] : memref<50176x32xf32, #tpu.memory_space<vmem_shared>> -> memref<56x32xf32, #tpu.memory_space<vmem_shared>>
      %dma_start3A_243 = arith.constant 0 : i32
      %dma_start3A_244 = tpu.memref_slice %arg11[%add3A_14, %dma_start3A_243] : memref<50176x32xf32, #tpu.memory_space<vmem_shared>> -> memref<56x32xf32, #tpu.memory_space<vmem_shared>>
      %dma_start3A_245 = arith.constant 0 : i32
      %dma_start3A_246 = arith.constant 0 : i32
      %dma_start3A_247 = tpu.memref_slice %arg9[%dma_start3A_245, %dma_start3A_246] : memref<440x32xf32, #tpu.memory_space<vmem>> -> memref<56x32xf32, #tpu.memory_space<vmem>>
      tpu.enqueue_dma source(%dma_start3A_247 : memref<56x32xf32, #tpu.memory_space<vmem>>) target(%dma_start3A_244 : memref<56x32xf32, #tpu.memory_space<vmem_shared>>) target_semaphore(%run_scoped3A : memref<!tpu.dma_semaphore, #tpu.memory_space<semaphore_mem>>)
      %dma_wait3A_248 = arith.constant 0 : i32
      %dma_wait3A_249 = arith.constant 0 : i32
      %dma_wait3A_250 = tpu.memref_slice %arg9[%dma_wait3A_248, %dma_wait3A_249] : memref<440x32xf32, #tpu.memory_space<vmem>> -> memref<56x32xf32, #tpu.memory_space<vmem>>
      %dma_wait3A_251 = arith.constant 0 : i32
      %dma_wait3A_252 = tpu.memref_slice %arg11[%add3A_14, %dma_wait3A_251] : memref<50176x32xf32, #tpu.memory_space<vmem_shared>> -> memref<56x32xf32, #tpu.memory_space<vmem_shared>>
      %dma_wait3A_253 = arith.constant 0 : i32
      %dma_wait3A_254 = tpu.memref_slice %arg11[%add3A_14, %dma_wait3A_253] : memref<50176x32xf32, #tpu.memory_space<vmem_shared>> -> memref<56x32xf32, #tpu.memory_space<vmem_shared>>
      %dma_wait3A_255 = arith.constant 0 : i32
      %dma_wait3A_256 = arith.constant 0 : i32
      %dma_wait3A_257 = tpu.memref_slice %arg9[%dma_wait3A_255, %dma_wait3A_256] : memref<440x32xf32, #tpu.memory_space<vmem>> -> memref<56x32xf32, #tpu.memory_space<vmem>>
      tpu.wait_dma2 semaphore(%run_scoped3A : memref<!tpu.dma_semaphore, #tpu.memory_space<semaphore_mem>>) src(%dma_wait3A_257 : memref<56x32xf32, #tpu.memory_space<vmem>>) dst(%dma_wait3A_254 : memref<56x32xf32, #tpu.memory_space<vmem_shared>>)
      tpu.yield
    }) : () -> ()
    %barrier3A = arith.constant 0 : index
    tpu.barrier barrier_id(%barrier3A)
    %mul3A_15 = arith.constant 50000 : i32
    %mul3A_16 = arith.muli %add3A, %mul3A_15 : i32
    %add3A_17 = arith.constant 0 : i32
    %add3A_18 = arith.addi %mul3A_16, %add3A_17 : i32
    "tpu.region"() ({
      %run_scoped3A = tpu.sem_alloc : memref<!tpu.dma_semaphore, #tpu.memory_space<semaphore_mem>>
      %dma_start3A_238 = arith.constant 0 : i32
      %dma_start3A_239 = tpu.memref_slice %arg3[%dma_start3A_238, %add3A_18] : memref<2x1600000xi32, #tpu.memory_space<hbm>> -> memref<2x440xi32, #tpu.memory_space<hbm>>
      %dma_start3A_240 = arith.constant 0 : i32
      %dma_start3A_241 = tpu.memref_slice %arg3[%dma_start3A_240, %add3A_18] : memref<2x1600000xi32, #tpu.memory_space<hbm>> -> memref<2x440xi32, #tpu.memory_space<hbm>>
      tpu.enqueue_dma source(%dma_start3A_241 : memref<2x440xi32, #tpu.memory_space<hbm>>) target(%arg6 : memref<2x440xi32, #tpu.memory_space<vmem>>) target_semaphore(%run_scoped3A : memref<!tpu.dma_semaphore, #tpu.memory_space<semaphore_mem>>)
      %dma_wait3A_242 = arith.constant 0 : i32
      %dma_wait3A_243 = tpu.memref_slice %arg3[%dma_wait3A_242, %add3A_18] : memref<2x1600000xi32, #tpu.memory_space<hbm>> -> memref<2x440xi32, #tpu.memory_space<hbm>>
      %dma_wait3A_244 = arith.constant 0 : i32
      %dma_wait3A_245 = tpu.memref_slice %arg3[%dma_wait3A_244, %add3A_18] : memref<2x1600000xi32, #tpu.memory_space<hbm>> -> memref<2x440xi32, #tpu.memory_space<hbm>>
      tpu.wait_dma2 semaphore(%run_scoped3A : memref<!tpu.dma_semaphore, #tpu.memory_space<semaphore_mem>>) src(%dma_wait3A_245 : memref<2x440xi32, #tpu.memory_space<hbm>>) dst(%arg6 : memref<2x440xi32, #tpu.memory_space<vmem>>)
      tpu.yield
    }) : () -> ()
    %dma_start3A = arith.constant 0 : i32
    %dma_start3A_19 = arith.constant 0 : i32
    %dma_start3A_20 = arith.constant 0 : i32
    %dma_start3A_21 = tpu.memref_slice %arg9[%dma_start3A_19, %dma_start3A_20] : memref<440x32xf32, #tpu.memory_space<vmem>> -> memref<224x32xf32, #tpu.memory_space<vmem>>
    %dma_start3A_22 = arith.constant 0 : i32
    %dma_start3A_23 = tpu.memref_slice %arg6[%dma_start3A, %dma_start3A_22] : memref<2x440xi32, #tpu.memory_space<vmem>> -> memref<1x224xi32, #tpu.memory_space<vmem>>
    %dma_start3A_24 = tpu.memref_squeeze %dma_start3A_23 : memref<1x224xi32, #tpu.memory_space<vmem>> -> memref<224xi32, #tpu.memory_space<vmem>>
    %dma_start3A_25 = arith.constant 0 : i32
    %dma_start3A_26 = arith.constant 0 : i32
    %dma_start3A_27 = tpu.memref_slice %arg2[%dma_start3A_25, %dma_start3A_26] : memref<50176x32xf32, #tpu.memory_space<hbm>> -> memref<50176x32xf32, #tpu.memory_space<hbm>>
    tpu.enqueue_indirect_dma source(%dma_start3A_27 : memref<50176x32xf32, #tpu.memory_space<hbm>>) target(%dma_start3A_21 : memref<224x32xf32, #tpu.memory_space<vmem>>) offsets(%dma_start3A_24 : memref<224xi32, #tpu.memory_space<vmem>>) semaphore(%arg12 : memref<!tpu.dma_semaphore, #tpu.memory_space<semaphore_mem>>)
    %dma_start3A_28 = arith.constant 0 : i32
    %dma_start3A_29 = arith.constant 224 : i32
    %dma_start3A_30 = arith.constant 0 : i32
    %dma_start3A_31 = tpu.memref_slice %arg9[%dma_start3A_29, %dma_start3A_30] : memref<440x32xf32, #tpu.memory_space<vmem>> -> memref<216x32xf32, #tpu.memory_space<vmem>>
    %dma_start3A_32 = arith.constant 224 : i32
    %dma_start3A_33 = tpu.memref_slice %arg6[%dma_start3A_28, %dma_start3A_32] : memref<2x440xi32, #tpu.memory_space<vmem>> -> memref<1x216xi32, #tpu.memory_space<vmem>>
    %dma_start3A_34 = tpu.memref_squeeze %dma_start3A_33 : memref<1x216xi32, #tpu.memory_space<vmem>> -> memref<216xi32, #tpu.memory_space<vmem>>
    %dma_start3A_35 = arith.constant 0 : i32
    %dma_start3A_36 = arith.constant 0 : i32
    %dma_start3A_37 = tpu.memref_slice %arg2[%dma_start3A_35, %dma_start3A_36] : memref<50176x32xf32, #tpu.memory_space<hbm>> -> memref<50176x32xf32, #tpu.memory_space<hbm>>
    tpu.enqueue_indirect_dma source(%dma_start3A_37 : memref<50176x32xf32, #tpu.memory_space<hbm>>) target(%dma_start3A_31 : memref<216x32xf32, #tpu.memory_space<vmem>>) offsets(%dma_start3A_34 : memref<216xi32, #tpu.memory_space<vmem>>) semaphore(%arg12 : memref<!tpu.dma_semaphore, #tpu.memory_space<semaphore_mem>>)
    %add3A_38 = arith.constant 440 : i32
    %add3A_39 = arith.addi %add3A_18, %add3A_38 : i32
    "tpu.region"() ({
      %run_scoped3A = tpu.sem_alloc : memref<!tpu.dma_semaphore, #tpu.memory_space<semaphore_mem>>
      %dma_start3A_238 = arith.constant 0 : i32
      %dma_start3A_239 = tpu.memref_slice %arg3[%dma_start3A_238, %add3A_39] : memref<2x1600000xi32, #tpu.memory_space<hbm>> -> memref<2x440xi32, #tpu.memory_space<hbm>>
      %dma_start3A_240 = arith.constant 0 : i32
      %dma_start3A_241 = tpu.memref_slice %arg3[%dma_start3A_240, %add3A_39] : memref<2x1600000xi32, #tpu.memory_space<hbm>> -> memref<2x440xi32, #tpu.memory_space<hbm>>
      tpu.enqueue_dma source(%dma_start3A_241 : memref<2x440xi32, #tpu.memory_space<hbm>>) target(%arg7 : memref<2x440xi32, #tpu.memory_space<vmem>>) target_semaphore(%run_scoped3A : memref<!tpu.dma_semaphore, #tpu.memory_space<semaphore_mem>>)
      %dma_wait3A_242 = arith.constant 0 : i32
      %dma_wait3A_243 = tpu.memref_slice %arg3[%dma_wait3A_242, %add3A_39] : memref<2x1600000xi32, #tpu.memory_space<hbm>> -> memref<2x440xi32, #tpu.memory_space<hbm>>
      %dma_wait3A_244 = arith.constant 0 : i32
      %dma_wait3A_245 = tpu.memref_slice %arg3[%dma_wait3A_244, %add3A_39] : memref<2x1600000xi32, #tpu.memory_space<hbm>> -> memref<2x440xi32, #tpu.memory_space<hbm>>
      tpu.wait_dma2 semaphore(%run_scoped3A : memref<!tpu.dma_semaphore, #tpu.memory_space<semaphore_mem>>) src(%dma_wait3A_245 : memref<2x440xi32, #tpu.memory_space<hbm>>) dst(%arg7 : memref<2x440xi32, #tpu.memory_space<vmem>>)
      tpu.yield
    }) : () -> ()
    %dma_start3A_40 = arith.constant 0 : i32
    %dma_start3A_41 = arith.constant 0 : i32
    %dma_start3A_42 = arith.constant 0 : i32
    %dma_start3A_43 = tpu.memref_slice %arg10[%dma_start3A_41, %dma_start3A_42] : memref<440x32xf32, #tpu.memory_space<vmem>> -> memref<224x32xf32, #tpu.memory_space<vmem>>
    %dma_start3A_44 = arith.constant 0 : i32
    %dma_start3A_45 = tpu.memref_slice %arg7[%dma_start3A_40, %dma_start3A_44] : memref<2x440xi32, #tpu.memory_space<vmem>> -> memref<1x224xi32, #tpu.memory_space<vmem>>
    %dma_start3A_46 = tpu.memref_squeeze %dma_start3A_45 : memref<1x224xi32, #tpu.memory_space<vmem>> -> memref<224xi32, #tpu.memory_space<vmem>>
    %dma_start3A_47 = arith.constant 0 : i32
    %dma_start3A_48 = arith.constant 0 : i32
    %dma_start3A_49 = tpu.memref_slice %arg2[%dma_start3A_47, %dma_start3A_48] : memref<50176x32xf32, #tpu.memory_space<hbm>> -> memref<50176x32xf32, #tpu.memory_space<hbm>>
    tpu.enqueue_indirect_dma source(%dma_start3A_49 : memref<50176x32xf32, #tpu.memory_space<hbm>>) target(%dma_start3A_43 : memref<224x32xf32, #tpu.memory_space<vmem>>) offsets(%dma_start3A_46 : memref<224xi32, #tpu.memory_space<vmem>>) semaphore(%arg12 : memref<!tpu.dma_semaphore, #tpu.memory_space<semaphore_mem>>)
    %dma_start3A_50 = arith.constant 0 : i32
    %dma_start3A_51 = arith.constant 224 : i32
    %dma_start3A_52 = arith.constant 0 : i32
    %dma_start3A_53 = tpu.memref_slice %arg10[%dma_start3A_51, %dma_start3A_52] : memref<440x32xf32, #tpu.memory_space<vmem>> -> memref<216x32xf32, #tpu.memory_space<vmem>>
    %dma_start3A_54 = arith.constant 224 : i32
    %dma_start3A_55 = tpu.memref_slice %arg7[%dma_start3A_50, %dma_start3A_54] : memref<2x440xi32, #tpu.memory_space<vmem>> -> memref<1x216xi32, #tpu.memory_space<vmem>>
    %dma_start3A_56 = tpu.memref_squeeze %dma_start3A_55 : memref<1x216xi32, #tpu.memory_space<vmem>> -> memref<216xi32, #tpu.memory_space<vmem>>
    %dma_start3A_57 = arith.constant 0 : i32
    %dma_start3A_58 = arith.constant 0 : i32
    %dma_start3A_59 = tpu.memref_slice %arg2[%dma_start3A_57, %dma_start3A_58] : memref<50176x32xf32, #tpu.memory_space<hbm>> -> memref<50176x32xf32, #tpu.memory_space<hbm>>
    tpu.enqueue_indirect_dma source(%dma_start3A_59 : memref<50176x32xf32, #tpu.memory_space<hbm>>) target(%dma_start3A_53 : memref<216x32xf32, #tpu.memory_space<vmem>>) offsets(%dma_start3A_56 : memref<216xi32, #tpu.memory_space<vmem>>) semaphore(%arg12 : memref<!tpu.dma_semaphore, #tpu.memory_space<semaphore_mem>>)
    %dma_wait3A = arith.constant 0 : i32
    %dma_wait3A_60 = arith.constant 0 : i32
    %dma_wait3A_61 = arith.constant 0 : i32
    %dma_wait3A_62 = tpu.memref_slice %arg9[%dma_wait3A_60, %dma_wait3A_61] : memref<440x32xf32, #tpu.memory_space<vmem>> -> memref<224x32xf32, #tpu.memory_space<vmem>>
    %dma_wait3A_63 = arith.constant 0 : i32
    %dma_wait3A_64 = tpu.memref_slice %arg6[%dma_wait3A, %dma_wait3A_63] : memref<2x440xi32, #tpu.memory_space<vmem>> -> memref<1x224xi32, #tpu.memory_space<vmem>>
    %dma_wait3A_65 = tpu.memref_squeeze %dma_wait3A_64 : memref<1x224xi32, #tpu.memory_space<vmem>> -> memref<224xi32, #tpu.memory_space<vmem>>
    %dma_wait3A_66 = arith.constant 0 : i32
    %dma_wait3A_67 = arith.constant 0 : i32
    %dma_wait3A_68 = tpu.memref_slice %arg2[%dma_wait3A_66, %dma_wait3A_67] : memref<50176x32xf32, #tpu.memory_space<hbm>> -> memref<50176x32xf32, #tpu.memory_space<hbm>>
    tpu.wait_indirect_dma semaphore(%arg12 : memref<!tpu.dma_semaphore, #tpu.memory_space<semaphore_mem>>) src(%dma_wait3A_68 : memref<50176x32xf32, #tpu.memory_space<hbm>>) dst(%dma_wait3A_62 : memref<224x32xf32, #tpu.memory_space<vmem>>)
    %dma_wait3A_69 = arith.constant 0 : i32
    %dma_wait3A_70 = arith.constant 224 : i32
    %dma_wait3A_71 = arith.constant 0 : i32
    %dma_wait3A_72 = tpu.memref_slice %arg9[%dma_wait3A_70, %dma_wait3A_71] : memref<440x32xf32, #tpu.memory_space<vmem>> -> memref<216x32xf32, #tpu.memory_space<vmem>>
    %dma_wait3A_73 = arith.constant 224 : i32
    %dma_wait3A_74 = tpu.memref_slice %arg6[%dma_wait3A_69, %dma_wait3A_73] : memref<2x440xi32, #tpu.memory_space<vmem>> -> memref<1x216xi32, #tpu.memory_space<vmem>>
    %dma_wait3A_75 = tpu.memref_squeeze %dma_wait3A_74 : memref<1x216xi32, #tpu.memory_space<vmem>> -> memref<216xi32, #tpu.memory_space<vmem>>
    %dma_wait3A_76 = arith.constant 0 : i32
    %dma_wait3A_77 = arith.constant 0 : i32
    %dma_wait3A_78 = tpu.memref_slice %arg2[%dma_wait3A_76, %dma_wait3A_77] : memref<50176x32xf32, #tpu.memory_space<hbm>> -> memref<50176x32xf32, #tpu.memory_space<hbm>>
    tpu.wait_indirect_dma semaphore(%arg12 : memref<!tpu.dma_semaphore, #tpu.memory_space<semaphore_mem>>) src(%dma_wait3A_78 : memref<50176x32xf32, #tpu.memory_space<hbm>>) dst(%dma_wait3A_72 : memref<216x32xf32, #tpu.memory_space<vmem>>)
    %dma_start3A_79 = arith.constant 1 : i32
    %dma_start3A_80 = arith.constant 0 : i32
    %dma_start3A_81 = tpu.memref_slice %arg6[%dma_start3A_79, %dma_start3A_80] : memref<2x440xi32, #tpu.memory_space<vmem>> -> memref<1x440xi32, #tpu.memory_space<vmem>>
    %dma_start3A_82 = tpu.memref_squeeze %dma_start3A_81 : memref<1x440xi32, #tpu.memory_space<vmem>> -> memref<440xi32, #tpu.memory_space<vmem>>
    %dma_start3A_83 = arith.constant 0 : i32
    %dma_start3A_84 = arith.constant 0 : i32
    %dma_start3A_85 = tpu.memref_slice %arg11[%dma_start3A_83, %dma_start3A_84] : memref<50176x32xf32, #tpu.memory_space<vmem_shared>> -> memref<50176x32xf32, #tpu.memory_space<vmem_shared>>
    tpu.enqueue_indirect_dma source(%arg9 : memref<440x32xf32, #tpu.memory_space<vmem>>) target(%dma_start3A_85 : memref<50176x32xf32, #tpu.memory_space<vmem_shared>>) offsets(%dma_start3A_82 : memref<440xi32, #tpu.memory_space<vmem>>) semaphore(%arg13 : memref<!tpu.dma_semaphore, #tpu.memory_space<semaphore_mem>>) {add = true}
    %dma_wait3A_86 = arith.constant 0 : i32
    %dma_wait3A_87 = arith.constant 0 : i32
    %dma_wait3A_88 = arith.constant 0 : i32
    %dma_wait3A_89 = tpu.memref_slice %arg10[%dma_wait3A_87, %dma_wait3A_88] : memref<440x32xf32, #tpu.memory_space<vmem>> -> memref<224x32xf32, #tpu.memory_space<vmem>>
    %dma_wait3A_90 = arith.constant 0 : i32
    %dma_wait3A_91 = tpu.memref_slice %arg7[%dma_wait3A_86, %dma_wait3A_90] : memref<2x440xi32, #tpu.memory_space<vmem>> -> memref<1x224xi32, #tpu.memory_space<vmem>>
    %dma_wait3A_92 = tpu.memref_squeeze %dma_wait3A_91 : memref<1x224xi32, #tpu.memory_space<vmem>> -> memref<224xi32, #tpu.memory_space<vmem>>
    %dma_wait3A_93 = arith.constant 0 : i32
    %dma_wait3A_94 = arith.constant 0 : i32
    %dma_wait3A_95 = tpu.memref_slice %arg2[%dma_wait3A_93, %dma_wait3A_94] : memref<50176x32xf32, #tpu.memory_space<hbm>> -> memref<50176x32xf32, #tpu.memory_space<hbm>>
    tpu.wait_indirect_dma semaphore(%arg12 : memref<!tpu.dma_semaphore, #tpu.memory_space<semaphore_mem>>) src(%dma_wait3A_95 : memref<50176x32xf32, #tpu.memory_space<hbm>>) dst(%dma_wait3A_89 : memref<224x32xf32, #tpu.memory_space<vmem>>)
    %dma_wait3A_96 = arith.constant 0 : i32
    %dma_wait3A_97 = arith.constant 224 : i32
    %dma_wait3A_98 = arith.constant 0 : i32
    %dma_wait3A_99 = tpu.memref_slice %arg10[%dma_wait3A_97, %dma_wait3A_98] : memref<440x32xf32, #tpu.memory_space<vmem>> -> memref<216x32xf32, #tpu.memory_space<vmem>>
    %dma_wait3A_100 = arith.constant 224 : i32
    %dma_wait3A_101 = tpu.memref_slice %arg7[%dma_wait3A_96, %dma_wait3A_100] : memref<2x440xi32, #tpu.memory_space<vmem>> -> memref<1x216xi32, #tpu.memory_space<vmem>>
    %dma_wait3A_102 = tpu.memref_squeeze %dma_wait3A_101 : memref<1x216xi32, #tpu.memory_space<vmem>> -> memref<216xi32, #tpu.memory_space<vmem>>
    %dma_wait3A_103 = arith.constant 0 : i32
    %dma_wait3A_104 = arith.constant 0 : i32
    %dma_wait3A_105 = tpu.memref_slice %arg2[%dma_wait3A_103, %dma_wait3A_104] : memref<50176x32xf32, #tpu.memory_space<hbm>> -> memref<50176x32xf32, #tpu.memory_space<hbm>>
    tpu.wait_indirect_dma semaphore(%arg12 : memref<!tpu.dma_semaphore, #tpu.memory_space<semaphore_mem>>) src(%dma_wait3A_105 : memref<50176x32xf32, #tpu.memory_space<hbm>>) dst(%dma_wait3A_99 : memref<216x32xf32, #tpu.memory_space<vmem>>)
    %dma_start3A_106 = arith.constant 1 : i32
    %dma_start3A_107 = arith.constant 0 : i32
    %dma_start3A_108 = tpu.memref_slice %arg7[%dma_start3A_106, %dma_start3A_107] : memref<2x440xi32, #tpu.memory_space<vmem>> -> memref<1x440xi32, #tpu.memory_space<vmem>>
    %dma_start3A_109 = tpu.memref_squeeze %dma_start3A_108 : memref<1x440xi32, #tpu.memory_space<vmem>> -> memref<440xi32, #tpu.memory_space<vmem>>
    %dma_start3A_110 = arith.constant 0 : i32
    %dma_start3A_111 = arith.constant 0 : i32
    %dma_start3A_112 = tpu.memref_slice %arg11[%dma_start3A_110, %dma_start3A_111] : memref<50176x32xf32, #tpu.memory_space<vmem_shared>> -> memref<50176x32xf32, #tpu.memory_space<vmem_shared>>
    tpu.enqueue_indirect_dma source(%arg10 : memref<440x32xf32, #tpu.memory_space<vmem>>) target(%dma_start3A_112 : memref<50176x32xf32, #tpu.memory_space<vmem_shared>>) offsets(%dma_start3A_109 : memref<440xi32, #tpu.memory_space<vmem>>) semaphore(%arg14 : memref<!tpu.dma_semaphore, #tpu.memory_space<semaphore_mem>>) {add = true}
    %scan3A_113 = arith.constant 0 : i32
    %scan3A_114 = arith.constant 55 : i32
    %scan3A_115 = arith.addi %scan3A_113, %scan3A_114 : i32
    %scan3A_116 = arith.constant 1 : i32
    scf.for %scan3A_238 = %scan3A_113 to %scan3A_115 step %scan3A_116  : i32 {
      %mul3A_239 = arith.constant 1 : i32
      %mul3A_240 = arith.muli %scan3A_238, %mul3A_239 : i32
      %add3A_241 = arith.constant 1 : i32
      %add3A_242 = arith.addi %add3A_241, %mul3A_240 : i32
      %mul3A_243 = arith.constant 2 : i32
      %mul3A_244 = arith.muli %add3A_242, %mul3A_243 : i32
      %mul3A_245 = arith.constant 440 : i32
      %mul3A_246 = arith.muli %mul3A_244, %mul3A_245 : i32
      %add3A_247 = arith.addi %mul3A_16, %mul3A_246 : i32
      %dma_wait3A_248 = arith.constant 1 : i32
      %dma_wait3A_249 = arith.constant 0 : i32
      %dma_wait3A_250 = tpu.memref_slice %arg6[%dma_wait3A_248, %dma_wait3A_249] : memref<2x440xi32, #tpu.memory_space<vmem>> -> memref<1x440xi32, #tpu.memory_space<vmem>>
      %dma_wait3A_251 = tpu.memref_squeeze %dma_wait3A_250 : memref<1x440xi32, #tpu.memory_space<vmem>> -> memref<440xi32, #tpu.memory_space<vmem>>
      %dma_wait3A_252 = arith.constant 0 : i32
      %dma_wait3A_253 = arith.constant 0 : i32
      %dma_wait3A_254 = tpu.memref_slice %arg11[%dma_wait3A_252, %dma_wait3A_253] : memref<50176x32xf32, #tpu.memory_space<vmem_shared>> -> memref<50176x32xf32, #tpu.memory_space<vmem_shared>>
      tpu.wait_indirect_dma semaphore(%arg13 : memref<!tpu.dma_semaphore, #tpu.memory_space<semaphore_mem>>) src(%arg9 : memref<440x32xf32, #tpu.memory_space<vmem>>) dst(%dma_wait3A_254 : memref<50176x32xf32, #tpu.memory_space<vmem_shared>>)
      "tpu.region"() ({
        %run_scoped3A = tpu.sem_alloc : memref<!tpu.dma_semaphore, #tpu.memory_space<semaphore_mem>>
        %dma_start3A_358 = arith.constant 0 : i32
        %dma_start3A_359 = tpu.memref_slice %arg3[%dma_start3A_358, %add3A_247] : memref<2x1600000xi32, #tpu.memory_space<hbm>> -> memref<2x440xi32, #tpu.memory_space<hbm>>
        %dma_start3A_360 = arith.constant 0 : i32
        %dma_start3A_361 = tpu.memref_slice %arg3[%dma_start3A_360, %add3A_247] : memref<2x1600000xi32, #tpu.memory_space<hbm>> -> memref<2x440xi32, #tpu.memory_space<hbm>>
        tpu.enqueue_dma source(%dma_start3A_361 : memref<2x440xi32, #tpu.memory_space<hbm>>) target(%arg6 : memref<2x440xi32, #tpu.memory_space<vmem>>) target_semaphore(%run_scoped3A : memref<!tpu.dma_semaphore, #tpu.memory_space<semaphore_mem>>)
        %dma_wait3A_362 = arith.constant 0 : i32
        %dma_wait3A_363 = tpu.memref_slice %arg3[%dma_wait3A_362, %add3A_247] : memref<2x1600000xi32, #tpu.memory_space<hbm>> -> memref<2x440xi32, #tpu.memory_space<hbm>>
        %dma_wait3A_364 = arith.constant 0 : i32
        %dma_wait3A_365 = tpu.memref_slice %arg3[%dma_wait3A_364, %add3A_247] : memref<2x1600000xi32, #tpu.memory_space<hbm>> -> memref<2x440xi32, #tpu.memory_space<hbm>>
        tpu.wait_dma2 semaphore(%run_scoped3A : memref<!tpu.dma_semaphore, #tpu.memory_space<semaphore_mem>>) src(%dma_wait3A_365 : memref<2x440xi32, #tpu.memory_space<hbm>>) dst(%arg6 : memref<2x440xi32, #tpu.memory_space<vmem>>)
        tpu.yield
      }) : () -> ()
      %dma_start3A_255 = arith.constant 0 : i32
      %dma_start3A_256 = arith.constant 0 : i32
      %dma_start3A_257 = arith.constant 0 : i32
      %dma_start3A_258 = tpu.memref_slice %arg9[%dma_start3A_256, %dma_start3A_257] : memref<440x32xf32, #tpu.memory_space<vmem>> -> memref<224x32xf32, #tpu.memory_space<vmem>>
      %dma_start3A_259 = arith.constant 0 : i32
      %dma_start3A_260 = tpu.memref_slice %arg6[%dma_start3A_255, %dma_start3A_259] : memref<2x440xi32, #tpu.memory_space<vmem>> -> memref<1x224xi32, #tpu.memory_space<vmem>>
      %dma_start3A_261 = tpu.memref_squeeze %dma_start3A_260 : memref<1x224xi32, #tpu.memory_space<vmem>> -> memref<224xi32, #tpu.memory_space<vmem>>
      %dma_start3A_262 = arith.constant 0 : i32
      %dma_start3A_263 = arith.constant 0 : i32
      %dma_start3A_264 = tpu.memref_slice %arg2[%dma_start3A_262, %dma_start3A_263] : memref<50176x32xf32, #tpu.memory_space<hbm>> -> memref<50176x32xf32, #tpu.memory_space<hbm>>
      tpu.enqueue_indirect_dma source(%dma_start3A_264 : memref<50176x32xf32, #tpu.memory_space<hbm>>) target(%dma_start3A_258 : memref<224x32xf32, #tpu.memory_space<vmem>>) offsets(%dma_start3A_261 : memref<224xi32, #tpu.memory_space<vmem>>) semaphore(%arg12 : memref<!tpu.dma_semaphore, #tpu.memory_space<semaphore_mem>>)
      %dma_start3A_265 = arith.constant 0 : i32
      %dma_start3A_266 = arith.constant 224 : i32
      %dma_start3A_267 = arith.constant 0 : i32
      %dma_start3A_268 = tpu.memref_slice %arg9[%dma_start3A_266, %dma_start3A_267] : memref<440x32xf32, #tpu.memory_space<vmem>> -> memref<216x32xf32, #tpu.memory_space<vmem>>
      %dma_start3A_269 = arith.constant 224 : i32
      %dma_start3A_270 = tpu.memref_slice %arg6[%dma_start3A_265, %dma_start3A_269] : memref<2x440xi32, #tpu.memory_space<vmem>> -> memref<1x216xi32, #tpu.memory_space<vmem>>
      %dma_start3A_271 = tpu.memref_squeeze %dma_start3A_270 : memref<1x216xi32, #tpu.memory_space<vmem>> -> memref<216xi32, #tpu.memory_space<vmem>>
      %dma_start3A_272 = arith.constant 0 : i32
      %dma_start3A_273 = arith.constant 0 : i32
      %dma_start3A_274 = tpu.memref_slice %arg2[%dma_start3A_272, %dma_start3A_273] : memref<50176x32xf32, #tpu.memory_space<hbm>> -> memref<50176x32xf32, #tpu.memory_space<hbm>>
      tpu.enqueue_indirect_dma source(%dma_start3A_274 : memref<50176x32xf32, #tpu.memory_space<hbm>>) target(%dma_start3A_268 : memref<216x32xf32, #tpu.memory_space<vmem>>) offsets(%dma_start3A_271 : memref<216xi32, #tpu.memory_space<vmem>>) semaphore(%arg12 : memref<!tpu.dma_semaphore, #tpu.memory_space<semaphore_mem>>)
      %dma_wait3A_275 = arith.constant 1 : i32
      %dma_wait3A_276 = arith.constant 0 : i32
      %dma_wait3A_277 = tpu.memref_slice %arg7[%dma_wait3A_275, %dma_wait3A_276] : memref<2x440xi32, #tpu.memory_space<vmem>> -> memref<1x440xi32, #tpu.memory_space<vmem>>
      %dma_wait3A_278 = tpu.memref_squeeze %dma_wait3A_277 : memref<1x440xi32, #tpu.memory_space<vmem>> -> memref<440xi32, #tpu.memory_space<vmem>>
      %dma_wait3A_279 = arith.constant 0 : i32
      %dma_wait3A_280 = arith.constant 0 : i32
      %dma_wait3A_281 = tpu.memref_slice %arg11[%dma_wait3A_279, %dma_wait3A_280] : memref<50176x32xf32, #tpu.memory_space<vmem_shared>> -> memref<50176x32xf32, #tpu.memory_space<vmem_shared>>
      tpu.wait_indirect_dma semaphore(%arg14 : memref<!tpu.dma_semaphore, #tpu.memory_space<semaphore_mem>>) src(%arg10 : memref<440x32xf32, #tpu.memory_space<vmem>>) dst(%dma_wait3A_281 : memref<50176x32xf32, #tpu.memory_space<vmem_shared>>)
      %add3A_282 = arith.constant 440 : i32
      %add3A_283 = arith.addi %add3A_247, %add3A_282 : i32
      "tpu.region"() ({
        %run_scoped3A = tpu.sem_alloc : memref<!tpu.dma_semaphore, #tpu.memory_space<semaphore_mem>>
        %dma_start3A_358 = arith.constant 0 : i32
        %dma_start3A_359 = tpu.memref_slice %arg3[%dma_start3A_358, %add3A_283] : memref<2x1600000xi32, #tpu.memory_space<hbm>> -> memref<2x440xi32, #tpu.memory_space<hbm>>
        %dma_start3A_360 = arith.constant 0 : i32
        %dma_start3A_361 = tpu.memref_slice %arg3[%dma_start3A_360, %add3A_283] : memref<2x1600000xi32, #tpu.memory_space<hbm>> -> memref<2x440xi32, #tpu.memory_space<hbm>>
        tpu.enqueue_dma source(%dma_start3A_361 : memref<2x440xi32, #tpu.memory_space<hbm>>) target(%arg7 : memref<2x440xi32, #tpu.memory_space<vmem>>) target_semaphore(%run_scoped3A : memref<!tpu.dma_semaphore, #tpu.memory_space<semaphore_mem>>)
        %dma_wait3A_362 = arith.constant 0 : i32
        %dma_wait3A_363 = tpu.memref_slice %arg3[%dma_wait3A_362, %add3A_283] : memref<2x1600000xi32, #tpu.memory_space<hbm>> -> memref<2x440xi32, #tpu.memory_space<hbm>>
        %dma_wait3A_364 = arith.constant 0 : i32
        %dma_wait3A_365 = tpu.memref_slice %arg3[%dma_wait3A_364, %add3A_283] : memref<2x1600000xi32, #tpu.memory_space<hbm>> -> memref<2x440xi32, #tpu.memory_space<hbm>>
        tpu.wait_dma2 semaphore(%run_scoped3A : memref<!tpu.dma_semaphore, #tpu.memory_space<semaphore_mem>>) src(%dma_wait3A_365 : memref<2x440xi32, #tpu.memory_space<hbm>>) dst(%arg7 : memref<2x440xi32, #tpu.memory_space<vmem>>)
        tpu.yield
      }) : () -> ()
      %dma_start3A_284 = arith.constant 0 : i32
      %dma_start3A_285 = arith.constant 0 : i32
      %dma_start3A_286 = arith.constant 0 : i32
      %dma_start3A_287 = tpu.memref_slice %arg10[%dma_start3A_285, %dma_start3A_286] : memref<440x32xf32, #tpu.memory_space<vmem>> -> memref<224x32xf32, #tpu.memory_space<vmem>>
      %dma_start3A_288 = arith.constant 0 : i32
      %dma_start3A_289 = tpu.memref_slice %arg7[%dma_start3A_284, %dma_start3A_288] : memref<2x440xi32, #tpu.memory_space<vmem>> -> memref<1x224xi32, #tpu.memory_space<vmem>>
      %dma_start3A_290 = tpu.memref_squeeze %dma_start3A_289 : memref<1x224xi32, #tpu.memory_space<vmem>> -> memref<224xi32, #tpu.memory_space<vmem>>
      %dma_start3A_291 = arith.constant 0 : i32
      %dma_start3A_292 = arith.constant 0 : i32
      %dma_start3A_293 = tpu.memref_slice %arg2[%dma_start3A_291, %dma_start3A_292] : memref<50176x32xf32, #tpu.memory_space<hbm>> -> memref<50176x32xf32, #tpu.memory_space<hbm>>
      tpu.enqueue_indirect_dma source(%dma_start3A_293 : memref<50176x32xf32, #tpu.memory_space<hbm>>) target(%dma_start3A_287 : memref<224x32xf32, #tpu.memory_space<vmem>>) offsets(%dma_start3A_290 : memref<224xi32, #tpu.memory_space<vmem>>) semaphore(%arg12 : memref<!tpu.dma_semaphore, #tpu.memory_space<semaphore_mem>>)
      %dma_start3A_294 = arith.constant 0 : i32
      %dma_start3A_295 = arith.constant 224 : i32
      %dma_start3A_296 = arith.constant 0 : i32
      %dma_start3A_297 = tpu.memref_slice %arg10[%dma_start3A_295, %dma_start3A_296] : memref<440x32xf32, #tpu.memory_space<vmem>> -> memref<216x32xf32, #tpu.memory_space<vmem>>
      %dma_start3A_298 = arith.constant 224 : i32
      %dma_start3A_299 = tpu.memref_slice %arg7[%dma_start3A_294, %dma_start3A_298] : memref<2x440xi32, #tpu.memory_space<vmem>> -> memref<1x216xi32, #tpu.memory_space<vmem>>
      %dma_start3A_300 = tpu.memref_squeeze %dma_start3A_299 : memref<1x216xi32, #tpu.memory_space<vmem>> -> memref<216xi32, #tpu.memory_space<vmem>>
      %dma_start3A_301 = arith.constant 0 : i32
      %dma_start3A_302 = arith.constant 0 : i32
      %dma_start3A_303 = tpu.memref_slice %arg2[%dma_start3A_301, %dma_start3A_302] : memref<50176x32xf32, #tpu.memory_space<hbm>> -> memref<50176x32xf32, #tpu.memory_space<hbm>>
      tpu.enqueue_indirect_dma source(%dma_start3A_303 : memref<50176x32xf32, #tpu.memory_space<hbm>>) target(%dma_start3A_297 : memref<216x32xf32, #tpu.memory_space<vmem>>) offsets(%dma_start3A_300 : memref<216xi32, #tpu.memory_space<vmem>>) semaphore(%arg12 : memref<!tpu.dma_semaphore, #tpu.memory_space<semaphore_mem>>)
      %dma_wait3A_304 = arith.constant 0 : i32
      %dma_wait3A_305 = arith.constant 0 : i32
      %dma_wait3A_306 = arith.constant 0 : i32
      %dma_wait3A_307 = tpu.memref_slice %arg9[%dma_wait3A_305, %dma_wait3A_306] : memref<440x32xf32, #tpu.memory_space<vmem>> -> memref<224x32xf32, #tpu.memory_space<vmem>>
      %dma_wait3A_308 = arith.constant 0 : i32
      %dma_wait3A_309 = tpu.memref_slice %arg6[%dma_wait3A_304, %dma_wait3A_308] : memref<2x440xi32, #tpu.memory_space<vmem>> -> memref<1x224xi32, #tpu.memory_space<vmem>>
      %dma_wait3A_310 = tpu.memref_squeeze %dma_wait3A_309 : memref<1x224xi32, #tpu.memory_space<vmem>> -> memref<224xi32, #tpu.memory_space<vmem>>
      %dma_wait3A_311 = arith.constant 0 : i32
      %dma_wait3A_312 = arith.constant 0 : i32
      %dma_wait3A_313 = tpu.memref_slice %arg2[%dma_wait3A_311, %dma_wait3A_312] : memref<50176x32xf32, #tpu.memory_space<hbm>> -> memref<50176x32xf32, #tpu.memory_space<hbm>>
      tpu.wait_indirect_dma semaphore(%arg12 : memref<!tpu.dma_semaphore, #tpu.memory_space<semaphore_mem>>) src(%dma_wait3A_313 : memref<50176x32xf32, #tpu.memory_space<hbm>>) dst(%dma_wait3A_307 : memref<224x32xf32, #tpu.memory_space<vmem>>)
      %dma_wait3A_314 = arith.constant 0 : i32
      %dma_wait3A_315 = arith.constant 224 : i32
      %dma_wait3A_316 = arith.constant 0 : i32
      %dma_wait3A_317 = tpu.memref_slice %arg9[%dma_wait3A_315, %dma_wait3A_316] : memref<440x32xf32, #tpu.memory_space<vmem>> -> memref<216x32xf32, #tpu.memory_space<vmem>>
      %dma_wait3A_318 = arith.constant 224 : i32
      %dma_wait3A_319 = tpu.memref_slice %arg6[%dma_wait3A_314, %dma_wait3A_318] : memref<2x440xi32, #tpu.memory_space<vmem>> -> memref<1x216xi32, #tpu.memory_space<vmem>>
      %dma_wait3A_320 = tpu.memref_squeeze %dma_wait3A_319 : memref<1x216xi32, #tpu.memory_space<vmem>> -> memref<216xi32, #tpu.memory_space<vmem>>
      %dma_wait3A_321 = arith.constant 0 : i32
      %dma_wait3A_322 = arith.constant 0 : i32
      %dma_wait3A_323 = tpu.memref_slice %arg2[%dma_wait3A_321, %dma_wait3A_322] : memref<50176x32xf32, #tpu.memory_space<hbm>> -> memref<50176x32xf32, #tpu.memory_space<hbm>>
      tpu.wait_indirect_dma semaphore(%arg12 : memref<!tpu.dma_semaphore, #tpu.memory_space<semaphore_mem>>) src(%dma_wait3A_323 : memref<50176x32xf32, #tpu.memory_space<hbm>>) dst(%dma_wait3A_317 : memref<216x32xf32, #tpu.memory_space<vmem>>)
      %dma_start3A_324 = arith.constant 1 : i32
      %dma_start3A_325 = arith.constant 0 : i32
      %dma_start3A_326 = tpu.memref_slice %arg6[%dma_start3A_324, %dma_start3A_325] : memref<2x440xi32, #tpu.memory_space<vmem>> -> memref<1x440xi32, #tpu.memory_space<vmem>>
      %dma_start3A_327 = tpu.memref_squeeze %dma_start3A_326 : memref<1x440xi32, #tpu.memory_space<vmem>> -> memref<440xi32, #tpu.memory_space<vmem>>
      %dma_start3A_328 = arith.constant 0 : i32
      %dma_start3A_329 = arith.constant 0 : i32
      %dma_start3A_330 = tpu.memref_slice %arg11[%dma_start3A_328, %dma_start3A_329] : memref<50176x32xf32, #tpu.memory_space<vmem_shared>> -> memref<50176x32xf32, #tpu.memory_space<vmem_shared>>
      tpu.enqueue_indirect_dma source(%arg9 : memref<440x32xf32, #tpu.memory_space<vmem>>) target(%dma_start3A_330 : memref<50176x32xf32, #tpu.memory_space<vmem_shared>>) offsets(%dma_start3A_327 : memref<440xi32, #tpu.memory_space<vmem>>) semaphore(%arg13 : memref<!tpu.dma_semaphore, #tpu.memory_space<semaphore_mem>>) {add = true}
      %dma_wait3A_331 = arith.constant 0 : i32
      %dma_wait3A_332 = arith.constant 0 : i32
      %dma_wait3A_333 = arith.constant 0 : i32
      %dma_wait3A_334 = tpu.memref_slice %arg10[%dma_wait3A_332, %dma_wait3A_333] : memref<440x32xf32, #tpu.memory_space<vmem>> -> memref<224x32xf32, #tpu.memory_space<vmem>>
      %dma_wait3A_335 = arith.constant 0 : i32
      %dma_wait3A_336 = tpu.memref_slice %arg7[%dma_wait3A_331, %dma_wait3A_335] : memref<2x440xi32, #tpu.memory_space<vmem>> -> memref<1x224xi32, #tpu.memory_space<vmem>>
      %dma_wait3A_337 = tpu.memref_squeeze %dma_wait3A_336 : memref<1x224xi32, #tpu.memory_space<vmem>> -> memref<224xi32, #tpu.memory_space<vmem>>
      %dma_wait3A_338 = arith.constant 0 : i32
      %dma_wait3A_339 = arith.constant 0 : i32
      %dma_wait3A_340 = tpu.memref_slice %arg2[%dma_wait3A_338, %dma_wait3A_339] : memref<50176x32xf32, #tpu.memory_space<hbm>> -> memref<50176x32xf32, #tpu.memory_space<hbm>>
      tpu.wait_indirect_dma semaphore(%arg12 : memref<!tpu.dma_semaphore, #tpu.memory_space<semaphore_mem>>) src(%dma_wait3A_340 : memref<50176x32xf32, #tpu.memory_space<hbm>>) dst(%dma_wait3A_334 : memref<224x32xf32, #tpu.memory_space<vmem>>)
      %dma_wait3A_341 = arith.constant 0 : i32
      %dma_wait3A_342 = arith.constant 224 : i32
      %dma_wait3A_343 = arith.constant 0 : i32
      %dma_wait3A_344 = tpu.memref_slice %arg10[%dma_wait3A_342, %dma_wait3A_343] : memref<440x32xf32, #tpu.memory_space<vmem>> -> memref<216x32xf32, #tpu.memory_space<vmem>>
      %dma_wait3A_345 = arith.constant 224 : i32
      %dma_wait3A_346 = tpu.memref_slice %arg7[%dma_wait3A_341, %dma_wait3A_345] : memref<2x440xi32, #tpu.memory_space<vmem>> -> memref<1x216xi32, #tpu.memory_space<vmem>>
      %dma_wait3A_347 = tpu.memref_squeeze %dma_wait3A_346 : memref<1x216xi32, #tpu.memory_space<vmem>> -> memref<216xi32, #tpu.memory_space<vmem>>
      %dma_wait3A_348 = arith.constant 0 : i32
      %dma_wait3A_349 = arith.constant 0 : i32
      %dma_wait3A_350 = tpu.memref_slice %arg2[%dma_wait3A_348, %dma_wait3A_349] : memref<50176x32xf32, #tpu.memory_space<hbm>> -> memref<50176x32xf32, #tpu.memory_space<hbm>>
      tpu.wait_indirect_dma semaphore(%arg12 : memref<!tpu.dma_semaphore, #tpu.memory_space<semaphore_mem>>) src(%dma_wait3A_350 : memref<50176x32xf32, #tpu.memory_space<hbm>>) dst(%dma_wait3A_344 : memref<216x32xf32, #tpu.memory_space<vmem>>)
      %dma_start3A_351 = arith.constant 1 : i32
      %dma_start3A_352 = arith.constant 0 : i32
      %dma_start3A_353 = tpu.memref_slice %arg7[%dma_start3A_351, %dma_start3A_352] : memref<2x440xi32, #tpu.memory_space<vmem>> -> memref<1x440xi32, #tpu.memory_space<vmem>>
      %dma_start3A_354 = tpu.memref_squeeze %dma_start3A_353 : memref<1x440xi32, #tpu.memory_space<vmem>> -> memref<440xi32, #tpu.memory_space<vmem>>
      %dma_start3A_355 = arith.constant 0 : i32
      %dma_start3A_356 = arith.constant 0 : i32
      %dma_start3A_357 = tpu.memref_slice %arg11[%dma_start3A_355, %dma_start3A_356] : memref<50176x32xf32, #tpu.memory_space<vmem_shared>> -> memref<50176x32xf32, #tpu.memory_space<vmem_shared>>
      tpu.enqueue_indirect_dma source(%arg10 : memref<440x32xf32, #tpu.memory_space<vmem>>) target(%dma_start3A_357 : memref<50176x32xf32, #tpu.memory_space<vmem_shared>>) offsets(%dma_start3A_354 : memref<440xi32, #tpu.memory_space<vmem>>) semaphore(%arg14 : memref<!tpu.dma_semaphore, #tpu.memory_space<semaphore_mem>>) {add = true}
    }
    %scan3A_117 = arith.constant 55 : i32
    %add3A_118 = arith.constant 49280 : i32
    %add3A_119 = arith.addi %mul3A_16, %add3A_118 : i32
    %dma_wait3A_120 = arith.constant 1 : i32
    %dma_wait3A_121 = arith.constant 0 : i32
    %dma_wait3A_122 = tpu.memref_slice %arg6[%dma_wait3A_120, %dma_wait3A_121] : memref<2x440xi32, #tpu.memory_space<vmem>> -> memref<1x440xi32, #tpu.memory_space<vmem>>
    %dma_wait3A_123 = tpu.memref_squeeze %dma_wait3A_122 : memref<1x440xi32, #tpu.memory_space<vmem>> -> memref<440xi32, #tpu.memory_space<vmem>>
    %dma_wait3A_124 = arith.constant 0 : i32
    %dma_wait3A_125 = arith.constant 0 : i32
    %dma_wait3A_126 = tpu.memref_slice %arg11[%dma_wait3A_124, %dma_wait3A_125] : memref<50176x32xf32, #tpu.memory_space<vmem_shared>> -> memref<50176x32xf32, #tpu.memory_space<vmem_shared>>
    tpu.wait_indirect_dma semaphore(%arg13 : memref<!tpu.dma_semaphore, #tpu.memory_space<semaphore_mem>>) src(%arg9 : memref<440x32xf32, #tpu.memory_space<vmem>>) dst(%dma_wait3A_126 : memref<50176x32xf32, #tpu.memory_space<vmem_shared>>)
    "tpu.region"() ({
      %run_scoped3A = tpu.sem_alloc : memref<!tpu.dma_semaphore, #tpu.memory_space<semaphore_mem>>
      %dma_start3A_238 = arith.constant 0 : i32
      %dma_start3A_239 = tpu.memref_slice %arg3[%dma_start3A_238, %add3A_119] : memref<2x1600000xi32, #tpu.memory_space<hbm>> -> memref<2x440xi32, #tpu.memory_space<hbm>>
      %dma_start3A_240 = arith.constant 0 : i32
      %dma_start3A_241 = tpu.memref_slice %arg3[%dma_start3A_240, %add3A_119] : memref<2x1600000xi32, #tpu.memory_space<hbm>> -> memref<2x440xi32, #tpu.memory_space<hbm>>
      tpu.enqueue_dma source(%dma_start3A_241 : memref<2x440xi32, #tpu.memory_space<hbm>>) target(%arg6 : memref<2x440xi32, #tpu.memory_space<vmem>>) target_semaphore(%run_scoped3A : memref<!tpu.dma_semaphore, #tpu.memory_space<semaphore_mem>>)
      %dma_wait3A_242 = arith.constant 0 : i32
      %dma_wait3A_243 = tpu.memref_slice %arg3[%dma_wait3A_242, %add3A_119] : memref<2x1600000xi32, #tpu.memory_space<hbm>> -> memref<2x440xi32, #tpu.memory_space<hbm>>
      %dma_wait3A_244 = arith.constant 0 : i32
      %dma_wait3A_245 = tpu.memref_slice %arg3[%dma_wait3A_244, %add3A_119] : memref<2x1600000xi32, #tpu.memory_space<hbm>> -> memref<2x440xi32, #tpu.memory_space<hbm>>
      tpu.wait_dma2 semaphore(%run_scoped3A : memref<!tpu.dma_semaphore, #tpu.memory_space<semaphore_mem>>) src(%dma_wait3A_245 : memref<2x440xi32, #tpu.memory_space<hbm>>) dst(%arg6 : memref<2x440xi32, #tpu.memory_space<vmem>>)
      tpu.yield
    }) : () -> ()
    %dma_start3A_127 = arith.constant 0 : i32
    %dma_start3A_128 = arith.constant 0 : i32
    %dma_start3A_129 = arith.constant 0 : i32
    %dma_start3A_130 = tpu.memref_slice %arg9[%dma_start3A_128, %dma_start3A_129] : memref<440x32xf32, #tpu.memory_space<vmem>> -> memref<224x32xf32, #tpu.memory_space<vmem>>
    %dma_start3A_131 = arith.constant 0 : i32
    %dma_start3A_132 = tpu.memref_slice %arg6[%dma_start3A_127, %dma_start3A_131] : memref<2x440xi32, #tpu.memory_space<vmem>> -> memref<1x224xi32, #tpu.memory_space<vmem>>
    %dma_start3A_133 = tpu.memref_squeeze %dma_start3A_132 : memref<1x224xi32, #tpu.memory_space<vmem>> -> memref<224xi32, #tpu.memory_space<vmem>>
    %dma_start3A_134 = arith.constant 0 : i32
    %dma_start3A_135 = arith.constant 0 : i32
    %dma_start3A_136 = tpu.memref_slice %arg2[%dma_start3A_134, %dma_start3A_135] : memref<50176x32xf32, #tpu.memory_space<hbm>> -> memref<50176x32xf32, #tpu.memory_space<hbm>>
    tpu.enqueue_indirect_dma source(%dma_start3A_136 : memref<50176x32xf32, #tpu.memory_space<hbm>>) target(%dma_start3A_130 : memref<224x32xf32, #tpu.memory_space<vmem>>) offsets(%dma_start3A_133 : memref<224xi32, #tpu.memory_space<vmem>>) semaphore(%arg12 : memref<!tpu.dma_semaphore, #tpu.memory_space<semaphore_mem>>)
    %dma_start3A_137 = arith.constant 0 : i32
    %dma_start3A_138 = arith.constant 224 : i32
    %dma_start3A_139 = arith.constant 0 : i32
    %dma_start3A_140 = tpu.memref_slice %arg9[%dma_start3A_138, %dma_start3A_139] : memref<440x32xf32, #tpu.memory_space<vmem>> -> memref<216x32xf32, #tpu.memory_space<vmem>>
    %dma_start3A_141 = arith.constant 224 : i32
    %dma_start3A_142 = tpu.memref_slice %arg6[%dma_start3A_137, %dma_start3A_141] : memref<2x440xi32, #tpu.memory_space<vmem>> -> memref<1x216xi32, #tpu.memory_space<vmem>>
    %dma_start3A_143 = tpu.memref_squeeze %dma_start3A_142 : memref<1x216xi32, #tpu.memory_space<vmem>> -> memref<216xi32, #tpu.memory_space<vmem>>
    %dma_start3A_144 = arith.constant 0 : i32
    %dma_start3A_145 = arith.constant 0 : i32
    %dma_start3A_146 = tpu.memref_slice %arg2[%dma_start3A_144, %dma_start3A_145] : memref<50176x32xf32, #tpu.memory_space<hbm>> -> memref<50176x32xf32, #tpu.memory_space<hbm>>
    tpu.enqueue_indirect_dma source(%dma_start3A_146 : memref<50176x32xf32, #tpu.memory_space<hbm>>) target(%dma_start3A_140 : memref<216x32xf32, #tpu.memory_space<vmem>>) offsets(%dma_start3A_143 : memref<216xi32, #tpu.memory_space<vmem>>) semaphore(%arg12 : memref<!tpu.dma_semaphore, #tpu.memory_space<semaphore_mem>>)
    %dma_wait3A_147 = arith.constant 1 : i32
    %dma_wait3A_148 = arith.constant 0 : i32
    %dma_wait3A_149 = tpu.memref_slice %arg7[%dma_wait3A_147, %dma_wait3A_148] : memref<2x440xi32, #tpu.memory_space<vmem>> -> memref<1x440xi32, #tpu.memory_space<vmem>>
    %dma_wait3A_150 = tpu.memref_squeeze %dma_wait3A_149 : memref<1x440xi32, #tpu.memory_space<vmem>> -> memref<440xi32, #tpu.memory_space<vmem>>
    %dma_wait3A_151 = arith.constant 0 : i32
    %dma_wait3A_152 = arith.constant 0 : i32
    %dma_wait3A_153 = tpu.memref_slice %arg11[%dma_wait3A_151, %dma_wait3A_152] : memref<50176x32xf32, #tpu.memory_space<vmem_shared>> -> memref<50176x32xf32, #tpu.memory_space<vmem_shared>>
    tpu.wait_indirect_dma semaphore(%arg14 : memref<!tpu.dma_semaphore, #tpu.memory_space<semaphore_mem>>) src(%arg10 : memref<440x32xf32, #tpu.memory_space<vmem>>) dst(%dma_wait3A_153 : memref<50176x32xf32, #tpu.memory_space<vmem_shared>>)
    %add3A_154 = arith.constant 440 : i32
    %add3A_155 = arith.addi %add3A_119, %add3A_154 : i32
    "tpu.region"() ({
      %run_scoped3A = tpu.sem_alloc : memref<!tpu.dma_semaphore, #tpu.memory_space<semaphore_mem>>
      %dma_start3A_238 = arith.constant 0 : i32
      %dma_start3A_239 = tpu.memref_slice %arg3[%dma_start3A_238, %add3A_155] : memref<2x1600000xi32, #tpu.memory_space<hbm>> -> memref<2x280xi32, #tpu.memory_space<hbm>>
      %dma_start3A_240 = arith.constant 0 : i32
      %dma_start3A_241 = tpu.memref_slice %arg3[%dma_start3A_240, %add3A_155] : memref<2x1600000xi32, #tpu.memory_space<hbm>> -> memref<2x280xi32, #tpu.memory_space<hbm>>
      tpu.enqueue_dma source(%dma_start3A_241 : memref<2x280xi32, #tpu.memory_space<hbm>>) target(%arg8 : memref<2x280xi32, #tpu.memory_space<vmem>>) target_semaphore(%run_scoped3A : memref<!tpu.dma_semaphore, #tpu.memory_space<semaphore_mem>>)
      %dma_wait3A_242 = arith.constant 0 : i32
      %dma_wait3A_243 = tpu.memref_slice %arg3[%dma_wait3A_242, %add3A_155] : memref<2x1600000xi32, #tpu.memory_space<hbm>> -> memref<2x280xi32, #tpu.memory_space<hbm>>
      %dma_wait3A_244 = arith.constant 0 : i32
      %dma_wait3A_245 = tpu.memref_slice %arg3[%dma_wait3A_244, %add3A_155] : memref<2x1600000xi32, #tpu.memory_space<hbm>> -> memref<2x280xi32, #tpu.memory_space<hbm>>
      tpu.wait_dma2 semaphore(%run_scoped3A : memref<!tpu.dma_semaphore, #tpu.memory_space<semaphore_mem>>) src(%dma_wait3A_245 : memref<2x280xi32, #tpu.memory_space<hbm>>) dst(%arg8 : memref<2x280xi32, #tpu.memory_space<vmem>>)
      tpu.yield
    }) : () -> ()
    %dma_start3A_156 = arith.constant 0 : i32
    %dma_start3A_157 = arith.constant 0 : i32
    %dma_start3A_158 = arith.constant 0 : i32
    %dma_start3A_159 = tpu.memref_slice %arg10[%dma_start3A_157, %dma_start3A_158] : memref<440x32xf32, #tpu.memory_space<vmem>> -> memref<280x32xf32, #tpu.memory_space<vmem>>
    %dma_start3A_160 = arith.constant 0 : i32
    %dma_start3A_161 = tpu.memref_slice %arg8[%dma_start3A_156, %dma_start3A_160] : memref<2x280xi32, #tpu.memory_space<vmem>> -> memref<1x280xi32, #tpu.memory_space<vmem>>
    %dma_start3A_162 = tpu.memref_squeeze %dma_start3A_161 : memref<1x280xi32, #tpu.memory_space<vmem>> -> memref<280xi32, #tpu.memory_space<vmem>>
    %dma_start3A_163 = arith.constant 0 : i32
    %dma_start3A_164 = arith.constant 0 : i32
    %dma_start3A_165 = tpu.memref_slice %arg2[%dma_start3A_163, %dma_start3A_164] : memref<50176x32xf32, #tpu.memory_space<hbm>> -> memref<50176x32xf32, #tpu.memory_space<hbm>>
    tpu.enqueue_indirect_dma source(%dma_start3A_165 : memref<50176x32xf32, #tpu.memory_space<hbm>>) target(%dma_start3A_159 : memref<280x32xf32, #tpu.memory_space<vmem>>) offsets(%dma_start3A_162 : memref<280xi32, #tpu.memory_space<vmem>>) semaphore(%arg12 : memref<!tpu.dma_semaphore, #tpu.memory_space<semaphore_mem>>)
    %dma_wait3A_166 = arith.constant 0 : i32
    %dma_wait3A_167 = arith.constant 0 : i32
    %dma_wait3A_168 = arith.constant 0 : i32
    %dma_wait3A_169 = tpu.memref_slice %arg9[%dma_wait3A_167, %dma_wait3A_168] : memref<440x32xf32, #tpu.memory_space<vmem>> -> memref<224x32xf32, #tpu.memory_space<vmem>>
    %dma_wait3A_170 = arith.constant 0 : i32
    %dma_wait3A_171 = tpu.memref_slice %arg6[%dma_wait3A_166, %dma_wait3A_170] : memref<2x440xi32, #tpu.memory_space<vmem>> -> memref<1x224xi32, #tpu.memory_space<vmem>>
    %dma_wait3A_172 = tpu.memref_squeeze %dma_wait3A_171 : memref<1x224xi32, #tpu.memory_space<vmem>> -> memref<224xi32, #tpu.memory_space<vmem>>
    %dma_wait3A_173 = arith.constant 0 : i32
    %dma_wait3A_174 = arith.constant 0 : i32
    %dma_wait3A_175 = tpu.memref_slice %arg2[%dma_wait3A_173, %dma_wait3A_174] : memref<50176x32xf32, #tpu.memory_space<hbm>> -> memref<50176x32xf32, #tpu.memory_space<hbm>>
    tpu.wait_indirect_dma semaphore(%arg12 : memref<!tpu.dma_semaphore, #tpu.memory_space<semaphore_mem>>) src(%dma_wait3A_175 : memref<50176x32xf32, #tpu.memory_space<hbm>>) dst(%dma_wait3A_169 : memref<224x32xf32, #tpu.memory_space<vmem>>)
    %dma_wait3A_176 = arith.constant 0 : i32
    %dma_wait3A_177 = arith.constant 224 : i32
    %dma_wait3A_178 = arith.constant 0 : i32
    %dma_wait3A_179 = tpu.memref_slice %arg9[%dma_wait3A_177, %dma_wait3A_178] : memref<440x32xf32, #tpu.memory_space<vmem>> -> memref<216x32xf32, #tpu.memory_space<vmem>>
    %dma_wait3A_180 = arith.constant 224 : i32
    %dma_wait3A_181 = tpu.memref_slice %arg6[%dma_wait3A_176, %dma_wait3A_180] : memref<2x440xi32, #tpu.memory_space<vmem>> -> memref<1x216xi32, #tpu.memory_space<vmem>>
    %dma_wait3A_182 = tpu.memref_squeeze %dma_wait3A_181 : memref<1x216xi32, #tpu.memory_space<vmem>> -> memref<216xi32, #tpu.memory_space<vmem>>
    %dma_wait3A_183 = arith.constant 0 : i32
    %dma_wait3A_184 = arith.constant 0 : i32
    %dma_wait3A_185 = tpu.memref_slice %arg2[%dma_wait3A_183, %dma_wait3A_184] : memref<50176x32xf32, #tpu.memory_space<hbm>> -> memref<50176x32xf32, #tpu.memory_space<hbm>>
    tpu.wait_indirect_dma semaphore(%arg12 : memref<!tpu.dma_semaphore, #tpu.memory_space<semaphore_mem>>) src(%dma_wait3A_185 : memref<50176x32xf32, #tpu.memory_space<hbm>>) dst(%dma_wait3A_179 : memref<216x32xf32, #tpu.memory_space<vmem>>)
    %dma_start3A_186 = arith.constant 1 : i32
    %dma_start3A_187 = arith.constant 0 : i32
    %dma_start3A_188 = tpu.memref_slice %arg6[%dma_start3A_186, %dma_start3A_187] : memref<2x440xi32, #tpu.memory_space<vmem>> -> memref<1x440xi32, #tpu.memory_space<vmem>>
    %dma_start3A_189 = tpu.memref_squeeze %dma_start3A_188 : memref<1x440xi32, #tpu.memory_space<vmem>> -> memref<440xi32, #tpu.memory_space<vmem>>
    %dma_start3A_190 = arith.constant 0 : i32
    %dma_start3A_191 = arith.constant 0 : i32
    %dma_start3A_192 = tpu.memref_slice %arg11[%dma_start3A_190, %dma_start3A_191] : memref<50176x32xf32, #tpu.memory_space<vmem_shared>> -> memref<50176x32xf32, #tpu.memory_space<vmem_shared>>
    tpu.enqueue_indirect_dma source(%arg9 : memref<440x32xf32, #tpu.memory_space<vmem>>) target(%dma_start3A_192 : memref<50176x32xf32, #tpu.memory_space<vmem_shared>>) offsets(%dma_start3A_189 : memref<440xi32, #tpu.memory_space<vmem>>) semaphore(%arg13 : memref<!tpu.dma_semaphore, #tpu.memory_space<semaphore_mem>>) {add = true}
    %dma_wait3A_193 = arith.constant 0 : i32
    %dma_wait3A_194 = arith.constant 0 : i32
    %dma_wait3A_195 = arith.constant 0 : i32
    %dma_wait3A_196 = tpu.memref_slice %arg10[%dma_wait3A_194, %dma_wait3A_195] : memref<440x32xf32, #tpu.memory_space<vmem>> -> memref<280x32xf32, #tpu.memory_space<vmem>>
    %dma_wait3A_197 = arith.constant 0 : i32
    %dma_wait3A_198 = tpu.memref_slice %arg8[%dma_wait3A_193, %dma_wait3A_197] : memref<2x280xi32, #tpu.memory_space<vmem>> -> memref<1x280xi32, #tpu.memory_space<vmem>>
    %dma_wait3A_199 = tpu.memref_squeeze %dma_wait3A_198 : memref<1x280xi32, #tpu.memory_space<vmem>> -> memref<280xi32, #tpu.memory_space<vmem>>
    %dma_wait3A_200 = arith.constant 0 : i32
    %dma_wait3A_201 = arith.constant 0 : i32
    %dma_wait3A_202 = tpu.memref_slice %arg2[%dma_wait3A_200, %dma_wait3A_201] : memref<50176x32xf32, #tpu.memory_space<hbm>> -> memref<50176x32xf32, #tpu.memory_space<hbm>>
    tpu.wait_indirect_dma semaphore(%arg12 : memref<!tpu.dma_semaphore, #tpu.memory_space<semaphore_mem>>) src(%dma_wait3A_202 : memref<50176x32xf32, #tpu.memory_space<hbm>>) dst(%dma_wait3A_196 : memref<280x32xf32, #tpu.memory_space<vmem>>)
    %dma_start3A_203 = arith.constant 1 : i32
    %dma_start3A_204 = arith.constant 0 : i32
    %dma_start3A_205 = arith.constant 0 : i32
    %dma_start3A_206 = tpu.memref_slice %arg10[%dma_start3A_204, %dma_start3A_205] : memref<440x32xf32, #tpu.memory_space<vmem>> -> memref<280x32xf32, #tpu.memory_space<vmem>>
    %dma_start3A_207 = arith.constant 0 : i32
    %dma_start3A_208 = tpu.memref_slice %arg8[%dma_start3A_203, %dma_start3A_207] : memref<2x280xi32, #tpu.memory_space<vmem>> -> memref<1x280xi32, #tpu.memory_space<vmem>>
    %dma_start3A_209 = tpu.memref_squeeze %dma_start3A_208 : memref<1x280xi32, #tpu.memory_space<vmem>> -> memref<280xi32, #tpu.memory_space<vmem>>
    %dma_start3A_210 = arith.constant 0 : i32
    %dma_start3A_211 = arith.constant 0 : i32
    %dma_start3A_212 = tpu.memref_slice %arg11[%dma_start3A_210, %dma_start3A_211] : memref<50176x32xf32, #tpu.memory_space<vmem_shared>> -> memref<50176x32xf32, #tpu.memory_space<vmem_shared>>
    tpu.enqueue_indirect_dma source(%dma_start3A_206 : memref<280x32xf32, #tpu.memory_space<vmem>>) target(%dma_start3A_212 : memref<50176x32xf32, #tpu.memory_space<vmem_shared>>) offsets(%dma_start3A_209 : memref<280xi32, #tpu.memory_space<vmem>>) semaphore(%arg14 : memref<!tpu.dma_semaphore, #tpu.memory_space<semaphore_mem>>) {add = true}
    %dma_wait3A_213 = arith.constant 1 : i32
    %dma_wait3A_214 = arith.constant 0 : i32
    %dma_wait3A_215 = tpu.memref_slice %arg6[%dma_wait3A_213, %dma_wait3A_214] : memref<2x440xi32, #tpu.memory_space<vmem>> -> memref<1x440xi32, #tpu.memory_space<vmem>>
    %dma_wait3A_216 = tpu.memref_squeeze %dma_wait3A_215 : memref<1x440xi32, #tpu.memory_space<vmem>> -> memref<440xi32, #tpu.memory_space<vmem>>
    %dma_wait3A_217 = arith.constant 0 : i32
    %dma_wait3A_218 = arith.constant 0 : i32
    %dma_wait3A_219 = tpu.memref_slice %arg11[%dma_wait3A_217, %dma_wait3A_218] : memref<50176x32xf32, #tpu.memory_space<vmem_shared>> -> memref<50176x32xf32, #tpu.memory_space<vmem_shared>>
    tpu.wait_indirect_dma semaphore(%arg13 : memref<!tpu.dma_semaphore, #tpu.memory_space<semaphore_mem>>) src(%arg9 : memref<440x32xf32, #tpu.memory_space<vmem>>) dst(%dma_wait3A_219 : memref<50176x32xf32, #tpu.memory_space<vmem_shared>>)
    %dma_wait3A_220 = arith.constant 1 : i32
    %dma_wait3A_221 = arith.constant 0 : i32
    %dma_wait3A_222 = arith.constant 0 : i32
    %dma_wait3A_223 = tpu.memref_slice %arg10[%dma_wait3A_221, %dma_wait3A_222] : memref<440x32xf32, #tpu.memory_space<vmem>> -> memref<280x32xf32, #tpu.memory_space<vmem>>
    %dma_wait3A_224 = arith.constant 0 : i32
    %dma_wait3A_225 = tpu.memref_slice %arg8[%dma_wait3A_220, %dma_wait3A_224] : memref<2x280xi32, #tpu.memory_space<vmem>> -> memref<1x280xi32, #tpu.memory_space<vmem>>
    %dma_wait3A_226 = tpu.memref_squeeze %dma_wait3A_225 : memref<1x280xi32, #tpu.memory_space<vmem>> -> memref<280xi32, #tpu.memory_space<vmem>>
    %dma_wait3A_227 = arith.constant 0 : i32
    %dma_wait3A_228 = arith.constant 0 : i32
    %dma_wait3A_229 = tpu.memref_slice %arg11[%dma_wait3A_227, %dma_wait3A_228] : memref<50176x32xf32, #tpu.memory_space<vmem_shared>> -> memref<50176x32xf32, #tpu.memory_space<vmem_shared>>
    tpu.wait_indirect_dma semaphore(%arg14 : memref<!tpu.dma_semaphore, #tpu.memory_space<semaphore_mem>>) src(%dma_wait3A_223 : memref<280x32xf32, #tpu.memory_space<vmem>>) dst(%dma_wait3A_229 : memref<50176x32xf32, #tpu.memory_space<vmem_shared>>)
    %barrier3A_230 = arith.constant 0 : index
    tpu.barrier barrier_id(%barrier3A_230)
    %eq3A = arith.constant 0 : i32
    %eq3A_231 = arith.cmpi eq, %arg0, %eq3A : i32
    %convert_element_type3A = arith.extui %eq3A_231 : i1 to i32
    %cond3A = arith.constant 0 : i32
    %cond3A_232 = arith.cmpi ne, %convert_element_type3A, %cond3A : i32
    scf.if %cond3A_232 {
      "tpu.region"() ({
        %run_scoped3A = tpu.sem_alloc : memref<!tpu.dma_semaphore, #tpu.memory_space<semaphore_mem>>
        %dma_start3A_238 = arith.constant 0 : i32
        %dma_start3A_239 = tpu.memref_slice %arg4[%mul3A_2, %dma_start3A_238] : memref<50176x32xf32, #tpu.memory_space<hbm>> -> memref<3136x32xf32, #tpu.memory_space<hbm>>
        %dma_start3A_240 = arith.constant 0 : i32
        %dma_start3A_241 = tpu.memref_slice %arg11[%mul3A_2, %dma_start3A_240] : memref<50176x32xf32, #tpu.memory_space<vmem_shared>> -> memref<3136x32xf32, #tpu.memory_space<vmem_shared>>
        tpu.enqueue_dma source(%dma_start3A_241 : memref<3136x32xf32, #tpu.memory_space<vmem_shared>>) target(%dma_start3A_239 : memref<3136x32xf32, #tpu.memory_space<hbm>>) target_semaphore(%run_scoped3A : memref<!tpu.dma_semaphore, #tpu.memory_space<semaphore_mem>>)
        %dma_wait3A_242 = arith.constant 0 : i32
        %dma_wait3A_243 = tpu.memref_slice %arg4[%mul3A_2, %dma_wait3A_242] : memref<50176x32xf32, #tpu.memory_space<hbm>> -> memref<3136x32xf32, #tpu.memory_space<hbm>>
        %dma_wait3A_244 = arith.constant 0 : i32
        %dma_wait3A_245 = tpu.memref_slice %arg11[%mul3A_2, %dma_wait3A_244] : memref<50176x32xf32, #tpu.memory_space<vmem_shared>> -> memref<3136x32xf32, #tpu.memory_space<vmem_shared>>
        tpu.wait_dma2 semaphore(%run_scoped3A : memref<!tpu.dma_semaphore, #tpu.memory_space<semaphore_mem>>) src(%dma_wait3A_245 : memref<3136x32xf32, #tpu.memory_space<vmem_shared>>) dst(%dma_wait3A_243 : memref<3136x32xf32, #tpu.memory_space<hbm>>)
        tpu.yield
      }) : () -> ()
    } else {
    }
    %eq3A_233 = arith.constant 1 : i32
    %eq3A_234 = arith.cmpi eq, %arg0, %eq3A_233 : i32
    %convert_element_type3A_235 = arith.extui %eq3A_234 : i1 to i32
    %cond3A_236 = arith.constant 0 : i32
    %cond3A_237 = arith.cmpi ne, %convert_element_type3A_235, %cond3A_236 : i32
    scf.if %cond3A_237 {
      "tpu.region"() ({
        %run_scoped3A = tpu.sem_alloc : memref<!tpu.dma_semaphore, #tpu.memory_space<semaphore_mem>>
        %dma_start3A_238 = arith.constant 0 : i32
        %dma_start3A_239 = tpu.memref_slice %arg5[%mul3A_2, %dma_start3A_238] : memref<50176x32xf32, #tpu.memory_space<hbm>> -> memref<3136x32xf32, #tpu.memory_space<hbm>>
        %dma_start3A_240 = arith.constant 0 : i32
        %dma_start3A_241 = tpu.memref_slice %arg11[%mul3A_2, %dma_start3A_240] : memref<50176x32xf32, #tpu.memory_space<vmem_shared>> -> memref<3136x32xf32, #tpu.memory_space<vmem_shared>>
        tpu.enqueue_dma source(%dma_start3A_241 : memref<3136x32xf32, #tpu.memory_space<vmem_shared>>) target(%dma_start3A_239 : memref<3136x32xf32, #tpu.memory_space<hbm>>) target_semaphore(%run_scoped3A : memref<!tpu.dma_semaphore, #tpu.memory_space<semaphore_mem>>)
        %dma_wait3A_242 = arith.constant 0 : i32
        %dma_wait3A_243 = tpu.memref_slice %arg5[%mul3A_2, %dma_wait3A_242] : memref<50176x32xf32, #tpu.memory_space<hbm>> -> memref<3136x32xf32, #tpu.memory_space<hbm>>
        %dma_wait3A_244 = arith.constant 0 : i32
        %dma_wait3A_245 = tpu.memref_slice %arg11[%mul3A_2, %dma_wait3A_244] : memref<50176x32xf32, #tpu.memory_space<vmem_shared>> -> memref<3136x32xf32, #tpu.memory_space<vmem_shared>>
        tpu.wait_dma2 semaphore(%run_scoped3A : memref<!tpu.dma_semaphore, #tpu.memory_space<semaphore_mem>>) src(%dma_wait3A_245 : memref<3136x32xf32, #tpu.memory_space<vmem_shared>>) dst(%dma_wait3A_243 : memref<3136x32xf32, #tpu.memory_space<hbm>>)
        tpu.yield
      }) : () -> ()
    } else {
    }
    return
  }
}

module attributes {stable_mosaic.version = 14 : i64} {
  func.func @_tc_init_body(%arg0: i32, %arg1: memref<896x128xf32, #tpu.memory_space<vmem>>, %arg2: memref<896x128xf32, #tpu.memory_space<vmem>>, %arg3: memref<896x128xf32, #tpu.memory_space<vmem>>, %arg4: memref<896x128xf32, #tpu.memory_space<vmem>>, %arg5: memref<896x128xf32, #tpu.memory_space<vmem>>) attributes {dimension_semantics = [#tpu.dimension_semantics<arbitrary>], iteration_bounds = array<i64: 14>, scalar_prefetch = 0 : i64, scratch_operands = 0 : i64, tpu.core_type = #tpu.core_type<tc>, window_params = [{transform_indices = @transform_0, window_bounds = array<i64: 896, 128>}, {transform_indices = @transform_1, window_bounds = array<i64: 896, 128>}, {transform_indices = @transform_2, window_bounds = array<i64: 896, 128>}, {transform_indices = @transform_3, window_bounds = array<i64: 896, 128>}, {transform_indices = @transform_4, window_bounds = array<i64: 896, 128>}]} {
    %get3A = arith.constant 0 : index
    %get3A_0 = arith.constant 0 : index
    %get3A_1 = vector.load %arg1[%get3A, %get3A_0] : memref<896x128xf32, #tpu.memory_space<vmem>>, vector<896x128xf32>
    %get3A_2 = arith.constant 0 : index
    %get3A_3 = arith.constant 0 : index
    %get3A_4 = vector.load %arg2[%get3A_2, %get3A_3] : memref<896x128xf32, #tpu.memory_space<vmem>>, vector<896x128xf32>
    %add3A = arith.addf %get3A_1, %get3A_4 : vector<896x128xf32>
    %gt3A = arith.constant 0.000000e+00 : f32
    %gt3A_5 = vector.broadcast %gt3A : f32 to vector<896x128xf32>
    %gt3A_6 = arith.cmpf ogt, %add3A, %gt3A_5 : vector<896x128xf32>
    %max3A = arith.constant 9.99999996E-13 : f32
    %max3A_7 = vector.broadcast %max3A : f32 to vector<896x128xf32>
    %max3A_8 = arith.maximumf %add3A, %max3A_7 : vector<896x128xf32>
    %rsqrt3A = math.rsqrt %max3A_8 : vector<896x128xf32>
    %jit3A = arith.constant 0.000000e+00 : f32
    %broadcast_in_dim3A = vector.broadcast %jit3A : f32 to vector<896x128xf32>
    %select_n3A = arith.select %gt3A_6, %rsqrt3A, %broadcast_in_dim3A : vector<896x128xi1>, vector<896x128xf32>
    %swap3A = arith.constant 0 : index
    %swap3A_9 = arith.constant 0 : index
    %swap3A_10 = vector.load %arg4[%swap3A, %swap3A_9] : memref<896x128xf32, #tpu.memory_space<vmem>>, vector<896x128xf32>
    tpu.vector_store %arg4[%swap3A, %swap3A_9], %select_n3A {strides = array<i32>} : memref<896x128xf32, #tpu.memory_space<vmem>>, vector<896x128xf32>,
    %get3A_11 = arith.constant 0 : index
    %get3A_12 = arith.constant 0 : index
    %get3A_13 = vector.load %arg3[%get3A_11, %get3A_12] : memref<896x128xf32, #tpu.memory_space<vmem>>, vector<896x128xf32>
    %mul3A = arith.mulf %get3A_13, %select_n3A : vector<896x128xf32>
    %swap3A_14 = arith.constant 0 : index
    %swap3A_15 = arith.constant 0 : index
    %swap3A_16 = vector.load %arg5[%swap3A_14, %swap3A_15] : memref<896x128xf32, #tpu.memory_space<vmem>>, vector<896x128xf32>
    tpu.vector_store %arg5[%swap3A_14, %swap3A_15], %mul3A {strides = array<i32>} : memref<896x128xf32, #tpu.memory_space<vmem>>, vector<896x128xf32>,
    return
  }
  func.func @transform_0(%arg0: i32) -> (i32, i32) {
    %c0_i32 = arith.constant 0 : i32
    %c0_i32_0 = arith.constant 0 : i32
    return %arg0, %c0_i32 : i32, i32
  }
  func.func @transform_1(%arg0: i32) -> (i32, i32) {
    %c0_i32 = arith.constant 0 : i32
    %c0_i32_0 = arith.constant 0 : i32
    return %arg0, %c0_i32 : i32, i32
  }
  func.func @transform_2(%arg0: i32) -> (i32, i32) {
    %c0_i32 = arith.constant 0 : i32
    %c0_i32_0 = arith.constant 0 : i32
    return %arg0, %c0_i32 : i32, i32
  }
  func.func @transform_3(%arg0: i32) -> (i32, i32) {
    %c0_i32 = arith.constant 0 : i32
    %c0_i32_0 = arith.constant 0 : i32
    return %arg0, %c0_i32 : i32, i32
  }
  func.func @transform_4(%arg0: i32) -> (i32, i32) {
    %c0_i32 = arith.constant 0 : i32
    %c0_i32_0 = arith.constant 0 : i32
    return %arg0, %c0_i32 : i32, i32
  }
}

module attributes {stable_mosaic.version = 14 : i64} {
  func.func @_tc_combine_body(%arg0: i32, %arg1: memref<896x128xf32, #tpu.memory_space<vmem>>, %arg2: memref<896x128xf32, #tpu.memory_space<vmem>>, %arg3: memref<896x128xf32, #tpu.memory_space<vmem>>, %arg4: memref<896x128xf32, #tpu.memory_space<vmem>>, %arg5: memref<896x128xf32, #tpu.memory_space<vmem>>) attributes {dimension_semantics = [#tpu.dimension_semantics<arbitrary>], iteration_bounds = array<i64: 14>, scalar_prefetch = 0 : i64, scratch_operands = 0 : i64, tpu.core_type = #tpu.core_type<tc>, window_params = [{transform_indices = @transform_0, window_bounds = array<i64: 896, 128>}, {transform_indices = @transform_1, window_bounds = array<i64: 896, 128>}, {transform_indices = @transform_2, window_bounds = array<i64: 896, 128>}, {transform_indices = @transform_3, window_bounds = array<i64: 896, 128>}, {transform_indices = @transform_4, window_bounds = array<i64: 896, 128>}]} {
    %get3A = arith.constant 0 : index
    %get3A_0 = arith.constant 0 : index
    %get3A_1 = vector.load %arg3[%get3A, %get3A_0] : memref<896x128xf32, #tpu.memory_space<vmem>>, vector<896x128xf32>
    %get3A_2 = arith.constant 0 : index
    %get3A_3 = arith.constant 0 : index
    %get3A_4 = vector.load %arg1[%get3A_2, %get3A_3] : memref<896x128xf32, #tpu.memory_space<vmem>>, vector<896x128xf32>
    %get3A_5 = arith.constant 0 : index
    %get3A_6 = arith.constant 0 : index
    %get3A_7 = vector.load %arg2[%get3A_5, %get3A_6] : memref<896x128xf32, #tpu.memory_space<vmem>>, vector<896x128xf32>
    %add3A = arith.addf %get3A_4, %get3A_7 : vector<896x128xf32>
    %mul3A = arith.mulf %get3A_1, %add3A : vector<896x128xf32>
    %swap3A = arith.constant 0 : index
    %swap3A_8 = arith.constant 0 : index
    %swap3A_9 = vector.load %arg4[%swap3A, %swap3A_8] : memref<896x128xf32, #tpu.memory_space<vmem>>, vector<896x128xf32>
    tpu.vector_store %arg4[%swap3A, %swap3A_8], %mul3A {strides = array<i32>} : memref<896x128xf32, #tpu.memory_space<vmem>>, vector<896x128xf32>,
    %mul3A_10 = arith.mulf %mul3A, %get3A_1 : vector<896x128xf32>
    %swap3A_11 = arith.constant 0 : index
    %swap3A_12 = arith.constant 0 : index
    %swap3A_13 = vector.load %arg5[%swap3A_11, %swap3A_12] : memref<896x128xf32, #tpu.memory_space<vmem>>, vector<896x128xf32>
    tpu.vector_store %arg5[%swap3A_11, %swap3A_12], %mul3A_10 {strides = array<i32>} : memref<896x128xf32, #tpu.memory_space<vmem>>, vector<896x128xf32>,
    return
  }
  func.func @transform_0(%arg0: i32) -> (i32, i32) {
    %c0_i32 = arith.constant 0 : i32
    %c0_i32_0 = arith.constant 0 : i32
    return %arg0, %c0_i32 : i32, i32
  }
  func.func @transform_1(%arg0: i32) -> (i32, i32) {
    %c0_i32 = arith.constant 0 : i32
    %c0_i32_0 = arith.constant 0 : i32
    return %arg0, %c0_i32 : i32, i32
  }
  func.func @transform_2(%arg0: i32) -> (i32, i32) {
    %c0_i32 = arith.constant 0 : i32
    %c0_i32_0 = arith.constant 0 : i32
    return %arg0, %c0_i32 : i32, i32
  }
  func.func @transform_3(%arg0: i32) -> (i32, i32) {
    %c0_i32 = arith.constant 0 : i32
    %c0_i32_0 = arith.constant 0 : i32
    return %arg0, %c0_i32 : i32, i32
  }
  func.func @transform_4(%arg0: i32) -> (i32, i32) {
    %c0_i32 = arith.constant 0 : i32
    %c0_i32_0 = arith.constant 0 : i32
    return %arg0, %c0_i32 : i32, i32
  }
}

module attributes {stable_mosaic.version = 14 : i64} {
  func.func @_tc_final_body(%arg0: i32, %arg1: memref<896x128xf32, #tpu.memory_space<vmem>>, %arg2: memref<896x128xf32, #tpu.memory_space<vmem>>, %arg3: memref<896x128xf32, #tpu.memory_space<vmem>>, %arg4: memref<896x128xf32, #tpu.memory_space<vmem>>, %arg5: memref<896x128xf32, #tpu.memory_space<vmem>>, %arg6: memref<896x128xf32, #tpu.memory_space<vmem>>, %arg7: memref<896x128xf32, #tpu.memory_space<vmem>>) attributes {dimension_semantics = [#tpu.dimension_semantics<arbitrary>], iteration_bounds = array<i64: 14>, scalar_prefetch = 0 : i64, scratch_operands = 0 : i64, tpu.core_type = #tpu.core_type<tc>, window_params = [{transform_indices = @transform_0, window_bounds = array<i64: 896, 128>}, {transform_indices = @transform_1, window_bounds = array<i64: 896, 128>}, {transform_indices = @transform_2, window_bounds = array<i64: 896, 128>}, {transform_indices = @transform_3, window_bounds = array<i64: 896, 128>}, {transform_indices = @transform_4, window_bounds = array<i64: 896, 128>}, {transform_indices = @transform_5, window_bounds = array<i64: 896, 128>}, {transform_indices = @transform_6, window_bounds = array<i64: 896, 128>}]} {
    %get3A = arith.constant 0 : index
    %get3A_0 = arith.constant 0 : index
    %get3A_1 = vector.load %arg3[%get3A, %get3A_0] : memref<896x128xf32, #tpu.memory_space<vmem>>, vector<896x128xf32>
    %get3A_2 = arith.constant 0 : index
    %get3A_3 = arith.constant 0 : index
    %get3A_4 = vector.load %arg1[%get3A_2, %get3A_3] : memref<896x128xf32, #tpu.memory_space<vmem>>, vector<896x128xf32>
    %get3A_5 = arith.constant 0 : index
    %get3A_6 = arith.constant 0 : index
    %get3A_7 = vector.load %arg2[%get3A_5, %get3A_6] : memref<896x128xf32, #tpu.memory_space<vmem>>, vector<896x128xf32>
    %add3A = arith.addf %get3A_4, %get3A_7 : vector<896x128xf32>
    %mul3A = arith.mulf %get3A_1, %add3A : vector<896x128xf32>
    %get3A_8 = arith.constant 0 : index
    %get3A_9 = arith.constant 0 : index
    %get3A_10 = vector.load %arg4[%get3A_8, %get3A_9] : memref<896x128xf32, #tpu.memory_space<vmem>>, vector<896x128xf32>
    %get3A_11 = arith.constant 0 : index
    %get3A_12 = arith.constant 0 : index
    %get3A_13 = vector.load %arg5[%get3A_11, %get3A_12] : memref<896x128xf32, #tpu.memory_space<vmem>>, vector<896x128xf32>
    %add3A_14 = arith.addf %get3A_10, %get3A_13 : vector<896x128xf32>
    %get3A_15 = arith.constant 0 : index
    %get3A_16 = arith.constant 0 : index
    %get3A_17 = vector.load %arg6[%get3A_15, %get3A_16] : memref<896x128xf32, #tpu.memory_space<vmem>>, vector<896x128xf32>
    %add3A_18 = arith.addf %add3A_14, %get3A_17 : vector<896x128xf32>
    %add3A_19 = arith.addf %add3A_18, %mul3A : vector<896x128xf32>
    %mul3A_20 = arith.constant 2.500000e-01 : f32
    %mul3A_21 = vector.broadcast %mul3A_20 : f32 to vector<896x128xf32>
    %mul3A_22 = arith.mulf %add3A_19, %mul3A_21 : vector<896x128xf32>
    %swap3A = arith.constant 0 : index
    %swap3A_23 = arith.constant 0 : index
    %swap3A_24 = vector.load %arg7[%swap3A, %swap3A_23] : memref<896x128xf32, #tpu.memory_space<vmem>>, vector<896x128xf32>
    tpu.vector_store %arg7[%swap3A, %swap3A_23], %mul3A_22 {strides = array<i32>} : memref<896x128xf32, #tpu.memory_space<vmem>>, vector<896x128xf32>,
    return
  }
  func.func @transform_0(%arg0: i32) -> (i32, i32) {
    %c0_i32 = arith.constant 0 : i32
    %c0_i32_0 = arith.constant 0 : i32
    return %arg0, %c0_i32 : i32, i32
  }
  func.func @transform_1(%arg0: i32) -> (i32, i32) {
    %c0_i32 = arith.constant 0 : i32
    %c0_i32_0 = arith.constant 0 : i32
    return %arg0, %c0_i32 : i32, i32
  }
  func.func @transform_2(%arg0: i32) -> (i32, i32) {
    %c0_i32 = arith.constant 0 : i32
    %c0_i32_0 = arith.constant 0 : i32
    return %arg0, %c0_i32 : i32, i32
  }
  func.func @transform_3(%arg0: i32) -> (i32, i32) {
    %c0_i32 = arith.constant 0 : i32
    %c0_i32_0 = arith.constant 0 : i32
    return %arg0, %c0_i32 : i32, i32
  }
  func.func @transform_4(%arg0: i32) -> (i32, i32) {
    %c0_i32 = arith.constant 0 : i32
    %c0_i32_0 = arith.constant 0 : i32
    return %arg0, %c0_i32 : i32, i32
  }
  func.func @transform_5(%arg0: i32) -> (i32, i32) {
    %c0_i32 = arith.constant 0 : i32
    %c0_i32_0 = arith.constant 0 : i32
    return %arg0, %c0_i32 : i32, i32
  }
  func.func @transform_6(%arg0: i32) -> (i32, i32) {
    %c0_i32 = arith.constant 0 : i32
    %c0_i32_0 = arith.constant 0 : i32
    return %arg0, %c0_i32 : i32, i32
  }
}

</mosaic_0001>

<sc_bundles>
// kernel: kernel.10.cloned.1.call-start
scs
__scs_entry_jumppad:
0x0: {  	(pc) =	sbr.rel $0x88, $3  }
0x1: {  	(tag) =	ssettag $0x0;
	lr =	simm.s32 $0x1  }
0x2: {  	[smem:$0x3F9E] =	sst lr;
	_ =	strace $0xD0000000  }
0x3: {  	_ = 	snop  }
0x4: {  	_ = 	snop  }
0x5: {  	_ = 	snop  }
0x6: {  	_ = 	snop  }
0x7: {  	_ = 	snop  }
__scs_overlays_trampoline_lowered:
0x8: {  	[smem:$0x3FAD] =	sst s0  }
0x9: {  	[smem:$0x3FAE] =	sst s1  }
0xa: {  	[smem:$0x3FAF] =	sst s2  }
0xb: {  	[smem:$0x3FB0] =	sst s3  }
0xc: {  	[smem:$0x3FB1] =	sst s4  }
0xd: {  	[smem:$0x3FB2] =	sst s5  }
0xe: {  	[smem:$0x3FB3] =	sst s6  }
0xf: {  	[smem:$0x3FB4] =	sst s7  }
0x10: {  	[smem:$0x3FB5] =	sst s8  }
0x11: {  	[smem:$0x3FB6] =	sst s9;
	s0 =	simm.s32 @!p0 $0x0  }
0x12: {  	s1 =	sld [smem:$0x3F9C];
	s0 =	simm.s32 @p0 $0x1  }
0x13: {  	[smem:$0x3FB7] =	sst s0;
	s0 =	simm.s32 @!p1 $0x0  }
0x14: {  	s2 =	sld [smem:$0x3F9B];
	s0 =	simm.s32 @p1 $0x1  }
0x15: {  	[smem:$0x3FB8] =	sst s0;
	s0 =	simm.s32 @!p2 $0x0  }
0x16: {  	s3 =	sld [smem:$0x3FDB];
	s0 =	simm.s32 @p2 $0x1  }
0x17: {  	s4 =	simm.s32 $0x1BF5;
	[smem:$0x3FBA] =	sst s0  }
0x18: {  	s0 =	sld [smem:$0x3F9D];
	_ =	swait.ge [sflag:s4], $0x0  }
0x19: {  	s7 =	sld [smem:$0x3F9E]  }
0x1a: {  	s8 =	sadd.s32 $0xFFFFE003, lr  }
0x1b: {  	s9 =	sadd.s32 $0xFFFFFEF7, lr;
	s5 =	simm.s32 $0xFFFFFFFF;
	p2 =	slt.u32 s8, $0xFFFFF086  }
0x1c: {  	p1 =	slt.u32 s9, $0xF7A;
	s5 =	simm.s32 @!p2 $0x0  }
0x1d: {  	s5 =	simm.s32 @p1 $0x1;
	p0 =	seq.s32 s7, s2  }
0x1e: {  	s7 =	smul.u32 @!p0 $0xF7A, s2;
	p2 =	seq.s32 @!p0 s5, $0x0  }
0x1f: {  	s9 =	smul.u32 $0xF7A, s1;
	s8 =	simm.s32 @!p0 $0x1BF5;
	p2 =	por !p2, p0  }
0x20: {  	[sflag:s8] =	ssyncset.s32 @!p0 $0xFFFFF086;
	s6 =	sadd.s32 @!p0 s3, s7;
	s7 =	simm.s32 @!p0 $0x108  }
0x21: {  	s3 =	sadd.s32 s3, s9;
	s6 =	sadd.s32 @!p0 $0x88, s6;
	s7 =	simm.s32 @p2 $0x1082  }
0x22: {  	[simem:s7], [sflag:s8] =	dma.local @!p0 [hbm:s6], $0xF7A  }
0x23: {  	s9 =	sor.u32 $0xD0000000, s2;
	s6 =	simm.s32 $0x108;
	_ =	swait.ge @!p0 [sflag:s8], $0x0  }
0x24: {  	s3 =	sadd.s32 $0x88, s3;
	s6 =	simm.s32 @!p1 $0x1082;
	[sflag:s4] =	ssyncset.s32 $0xFFFFF086  }
0x25: {  	[simem:s6], [sflag:s4] =	dma.local [hbm:s3], $0xF7A  }
0x26: {  	[smem:$0x3F9E] =	sst s1;
	(tag) =	ssettag s2;
	_ =	strace s9  }
0x27: {  	s1 =	sld [smem:$0x3FAE]  }
0x28: {  	s2 =	sld [smem:$0x3FAF]  }
0x29: {  	s4 =	sld [smem:$0x3FB1]  }
0x2a: {  	p0 =	seq.s32 s5, $0x0;
	s5 =	sld [smem:$0x3FB2]  }
0x2b: {  	s6 =	sld [smem:$0x3FB3]  }
0x2c: {  	s7 =	sld [smem:$0x3FB4]  }
0x2d: {  	s3 =	simm.s32 $0x108;
	s8 =	sld [smem:$0x3FB5]  }
0x2e: {  	s3 =	simm.s32 @!p0 $0x1082;
	s9 =	sld [smem:$0x3FB6]  }
0x2f: {  	lr =	sadd.s32 s0, s3;
	s0 =	sld [smem:$0x3FAD]  }
0x30: {  	s3 =	sld [smem:$0x3FB0]  }
0x31: {  	[smem:$0x3FB9] =	sst s10  }
0x32: {  	s10 =	sld [smem:$0x3FB7];
	_ =	sdelay $0x3  }
0x33: {  	p0 =	seq.s32 s10, $0x1;
	s10 =	sld [smem:$0x3FB9];
	_ =	sdelay $0x3  }
0x34: {  	[smem:$0x3FB9] =	sst s10  }
0x35: {  	s10 =	sld [smem:$0x3FB8];
	_ =	sdelay $0x3  }
0x36: {  	p1 =	seq.s32 s10, $0x1;
	s10 =	sld [smem:$0x3FB9];
	_ =	sdelay $0x3  }
0x37: {  	[smem:$0x3FB9] =	sst s10  }
0x38: {  	s10 =	sld [smem:$0x3FBA]  }
0x39: {  	_ = 	snop;
	(pc) =	sbr.ind lr, $3  }
0x3a: {  	_ = 	snop  }
0x3b: {  	_ = 	snop  }
0x3c: {  	p2 =	seq.s32 s10, $0x1;
	s10 =	sld [smem:$0x3FB9]  }
0x3d: {  	_ =	shalt  }
0x3e: {  	_ =	shalt  }
0x3f: {  	_ =	shalt  }
0x40: {  	_ =	shalt  }
0x41: {  	_ =	shalt  }
0x42: {  	_ =	shalt  }
0x43: {  	_ =	shalt  }
0x44: {  	_ =	shalt  }
0x45: {  	_ =	shalt  }
0x46: {  	_ =	shalt  }
0x47: {  	_ =	shalt  }
0x48: {  	_ =	shalt  }
0x49: {  	_ =	shalt  }
0x4a: {  	_ =	shalt  }
0x4b: {  	_ =	shalt  }
0x4c: {  	_ =	shalt  }
0x4d: {  	_ =	shalt  }
0x4e: {  	_ =	shalt  }
0x4f: {  	_ =	shalt  }
0x50: {  	_ =	shalt  }
0x51: {  	_ =	shalt  }
0x52: {  	_ =	shalt  }
0x53: {  	_ =	shalt  }
0x54: {  	_ =	shalt  }
0x55: {  	_ =	shalt  }
0x56: {  	_ =	shalt  }
0x57: {  	_ =	shalt  }
0x58: {  	_ =	shalt  }
0x59: {  	_ =	shalt  }
0x5a: {  	_ =	shalt  }
0x5b: {  	_ =	shalt  }
0x5c: {  	_ =	shalt  }
0x5d: {  	_ =	shalt  }
0x5e: {  	_ =	shalt  }
0x5f: {  	_ =	shalt  }
0x60: {  	_ =	shalt  }
0x61: {  	_ =	shalt  }
0x62: {  	_ =	shalt  }
0x63: {  	_ =	shalt  }
0x64: {  	_ =	shalt  }
0x65: {  	_ =	shalt  }
0x66: {  	_ =	shalt  }
0x67: {  	_ =	shalt  }
0x68: {  	_ =	shalt  }
0x69: {  	_ =	shalt  }
0x6a: {  	_ =	shalt  }
0x6b: {  	_ =	shalt  }
0x6c: {  	_ =	shalt  }
0x6d: {  	_ =	shalt  }
0x6e: {  	_ =	shalt  }
0x6f: {  	_ =	shalt  }
0x70: {  	_ =	shalt  }
0x71: {  	_ =	shalt  }
0x72: {  	_ =	shalt  }
0x73: {  	_ =	shalt  }
0x74: {  	_ =	shalt  }
0x75: {  	_ =	shalt  }
0x76: {  	_ =	shalt  }
0x77: {  	_ =	shalt  }
0x78: {  	_ =	shalt  }
0x79: {  	_ =	shalt  }
0x7a: {  	_ =	shalt  }
0x7b: {  	_ =	shalt  }
0x7c: {  	_ =	shalt  }
0x7d: {  	_ =	shalt  }
0x7e: {  	_ =	shalt  }
0x7f: {  	_ =	shalt  }
0x80: {  	_ =	shalt  }
0x81: {  	_ =	shalt  }
0x82: {  	_ =	shalt  }
0x83: {  	_ =	shalt  }
0x84: {  	_ =	shalt  }
0x85: {  	_ =	shalt  }
0x86: {  	_ =	shalt  }
0x87: {  	_ =	shalt  }
.Lfunc_end0:
.L_simem_size_0:
called_computation_lowered:
.L_overlay_start_0:
0x88: {  	s2 =	sld [smem:$0x3FD9]  }
0x89: {  	s3 =	sld [smem:$0x3FFE];
	_ =	sdelay $0x1  }
0x8a: {  	s1 =	srdreg.scid  }
0x8b: {  	s0 =	sand.u32 $0x1, s1  }
0x8c: {  	s16 =	sshll.u32 s0, $0xA;
	s2 =	sadd.s32 s3, s2  }
0x8d: {  	s2 =	sadd.s32 s2, s16  }
0x8e: {  	[smem:$0x3FC5] =	sst s2  }
0x8f: {  	_ = 	snop  }
0x90: {  	(tm) =	ssettm $0x1  }
0x91: {  	s17 =	sld [smem:$0x3FFB];
	_ =	sdelay $0x3  }
0x92: {  	_ =	strace s17  }
0x93: {  	s2 =	sld [smem:$0x3FFC];
	_ =	sdelay $0x3  }
0x94: {  	_ =	strace s2  }
0x95: {  	s2 =	sld [smem:$0x3FFD];
	_ =	sdelay $0x3  }
0x96: {  	_ =	strace s2  }
0x97: {  	_ =	strace $0x8FFFFFFF  }
0x98: {  	s18 =	sld [smem:$0x3FDB];
	_ =	sdelay $0x1  }
0x99: {  	s19 =	simm.s32 $_scs_section_size  }
0x9a: {  	s4 =	simm.s32 $_size__tile_overlayer_lowered;
	s5 =	simm.s32 $_tile_overlayer_lowered  }
0x9b: {  	s22 =	simm.s32 $0x1BFF;
	s21 =	sshll.u32 s5, $0x1;
	s2 =	sadd.s32 s19, s18  }
0x9c: {  	s6 =	simm.s32 $0x0;
	s20 =	sshll.u32 s4, $0x1;
	s4 =	sadd.s32 s21, s2  }
0x9d: {  	[timem:s6], [sflag:s22] =	dma.local [hbm:s4], s20  }
0x9e: {  	_ =	swait.ge [sflag:s22], s20  }
0x9f: {  	s3 =	ssub.s32 $0x0, s20;
	[sflag:s22] =	ssyncset.done $0x0  }
0xa0: {  	[sflag:s22] =	ssyncadd.s32 s3;
	_ =	sdelay $0x1  }
0xa1: {  	s23 =	simm.s32 $0x1B8B  }
0xa2: {  	_ =	swait.ge [sflag:s23], $0x1  }
0xa3: {  	[sflag:s23] =	ssyncset.done $0x0  }
0xa4: {  	s25 =	simm.s32 $0x1B8E;
	s24 =	sld [smem:$0x3FFE];
	[sflag:s23] =	ssyncadd.s32 $0xFFFFFFFF  }
0xa5: {  	s26 =	simm.s32 $execute0_lowered;
	[smem:$0x3FD2] =	sst s25  }
0xa6: {  	s4 =	sshll.u32 s26, $0x1;
	_ =	strace $0x80000046;
	[dreg:$0x1] =	wrdreg $0xFFFFFFFF  }
0xa7: {  	s28 =	simm.s32 $_size_execute0_lowered;
	s2 =	sadd.s32 s2, s4;
	[dreg:$0x0] =	wrdreg $0x0  }
0xa8: {  	s4 =	sshll.u32 s28, $0x1;
	[dreg:$0x2] =	wrdreg s2  }
0xa9: {  	[dreg:$0x3] =	wrdreg s4  }
0xaa: {  	[dreg:$0x4] =	wrdreg $0xC0  }
0xab: {  	_ =	task [dreg:s6], $0x5FFFF  }
0xac: {  	[dreg:$0x1] =	wrdreg $0xFFFFFFFF  }
0xad: {  	[dreg:$0x0] =	wrdreg $0x60  }
0xae: {  	[dreg:$0x2] =	wrdreg s24  }
0xaf: {  	[dreg:$0x3] =	wrdreg $0x3EF80  }
0xb0: {  	[dreg:$0x4] =	wrdreg $0x9  }
0xb1: {  	_ =	task.clear_ibuf [dreg:s6], $0x5FFFF;
	_ =	strace $0x90000046  }
0xb2: {  	s29 =	simm.s32 $0x9;
	_ =	strace $0x80000048  }
0xb3: {  	_ =	swait.ge [sflag:s29], $0x1  }
0xb4: {  	[sflag:s29] =	ssyncadd.s32 $0xFFFFFFFF  }
0xb5: {  	_ =	strace $0x90000048  }
0xb6: {  	_ =	sfence  }
0xb7: {  	s30 =	sld [smem:$0x0];
	_ =	sdelay $0x2  }
0xb8: {  	s31 =	sshll.u32 s1, $0xD;
	s1 =	sshrl.u32 s1, $0x2  }
0xb9: {  	s3 =	sand.u32 $0x4000, s31;
	s1 =	sadd.s32 s1, s30  }
0xba: {  	s0 =	sor.u32 s3, s0;
	s1 =	sshll.u32 s1, $0x11  }
0xbb: {  	s0 =	sor.u32 s1, s0  }
0xbc: {  	s0 =	sadd.s32 $0x8F2B, s0  }
0xbd: {  	[sflag:s0] =	ssyncadd.remote.s32 $0x1  }
0xbe: {  	_ =	sfence.sel $0xFFFF  }
0xbf: {  	[dreg:$0x0] =	wrdreg $0xFFFFFFFF;
	(pc) =	sbr.abs _section_cstart, $3  }
0xc0: {  	[dreg:$0x1] =	wrdreg $0xFFFFFFFF  }
0xc1: {  	_ =	task.clear_ibuf [dreg:s6], $0x2FFFF;
	_ =	strace $0x9FFFFFFF  }
0xc2: {  	(tm) =	ssettm $0x7FFFFFFF  }
0xc3: {  	_ =	shalt  }
tec
execute0_lowered:
.L_overlay_start_1:
0x0: {  	(tag) =	ssettag $0x1  }
0x1: {  	s0 =	rddreg [dreg:$0x0]  }
0x2: {  	s2 =	rddreg [dreg:$0x1];
	s1 =	srdreg.scid  }
0x3: {  	s10 =	stileid.u32;
	s3 =	simm.s32 $0x0;
	s28 =	simm.s32 $0x1B8  }
0x4: {  	s29 =	simm.s32 $0x370;
	s30 =	simm.s32 $0x528;
	s31 =	simm.s32 $0x1  }
0x5: {  	s1 =	sand.u32 $0x1, s1;
	s4 =	sshll.u32 s10, $0x1;
	s5 =	smul.u32 $0x62000, s10  }
0x6: {  	[smem:$0x7FF] =	sst s3;
	s8 =	sadd.s32 $0x4200, s0;
	s12 =	smul.u32 $0x18800, s10  }
0x7: {  	s4 =	sor.u32 s1, s4;
	_ =	strace $0x80000047;
	s6 =	ssub.s32 $0x2, s1  }
0x8: {  	p0 =	seq.s32 s1, $0x1;
	s1 =	smul.u32 $0xC350, s1;
	s5 =	sshrl.u32 s5, $0x2  }
0x9: {  	s7 =	smul.u32 $0xC350, s4;
	s21 =	sshrl.u32 s6, $0x1;
	s4 =	sadd.s32 s5, s2  }
0xa: {  	s26 =	sshrl.u32 s12, $0x3;
	s6 =	ssub.s32 s6, s21;
	s9 =	sadd.s32 $0x18100, s4  }
0xb: {  	s22 =	sshrl.u32 s7, $0x3;
	s23 =	sadd.s32 $0x186BB8, s7;
	s25 =	sadd.s32 $0x186F28, s7  }
0xc: {  	s7 =	sadd.s32 $0x192C38, s7;
	s13 =	sadd.s32 $0x3700, s4;
	s14 =	sadd.s32 $0x6E00, s4  }
0xd: {  	s15 =	sadd.s32 $0xA500, s4;
	s16 =	sadd.s32 $0xDC00, s4;
	s5 =	sadd.s32 s8, s22  }
0xe: {  	s17 =	sadd.s32 $0x11300, s4;
	[dreg:$0x3] =	wrdreg s9;
	s11 =	sadd.s32 $0x30D40, s5  }
0xf: {  	s9 =	sshrl.u32 s23, $0x3;
	s24 =	sadd.s32 $0x30DAE, s5;
	[dreg:$0x4] =	wrdreg s11  }
0x10: {  	s18 =	sadd.s32 $0x14A00, s4;
	s9 =	sadd.s32 s8, s9;
	[dreg:$0x5] =	wrdreg s24  }
0x11: {  	s5 =	sadd.s32 $0x32550, s5;
	[dreg:$0x6] =	wrdreg s9;
	s9 =	sshrl.u32 s25, $0x3  }
0x12: {  	s7 =	sshrl.u32 s7, $0x3;
	[dreg:$0x8] =	wrdreg s5;
	s9 =	sadd.s32 s8, s9  }
0x13: {  	s11 =	sadd.s32 s8, s7;
	[dreg:$0x7] =	wrdreg s9;
	s9 =	smul.u32 $0x186A0, s10  }
0x14: {  	s10 =	sadd.s32 s12, s2;
	s12 =	smax.u32 s6, $0x1;
	s6 =	simm.s32 $0x96E00  }
0x15: {  	s5 =	simm.s32 $0x4;
	s6 =	simm.s32 @!p0 $0x65E00;
	s1 =	sadd.s32 s1, s9  }
0x16: {  	s0 =	sadd.s32 s6, s0;
	s6 =	simm.s32 $0x6E0;
	s7 =	sadd.s32 $0x187608, s1  }
0x17: {  	s19 =	sadd.s32 s0, s26;
	s24 =	sadd.s32 $0x187450, s1;
	s25 =	sadd.s32 $0x187298, s1  }
0x18: {  	s1 =	sadd.s32 $0x1870E0, s1;
	s23 =	sshrl.u32 s7, $0x3;
	s0 =	sshrl.u32 s24, $0x3  }
0x19: {  	s26 =	sshrl.u32 s25, $0x3;
	s1 =	sshrl.u32 s1, $0x3;
	s24 =	simm.s32 $0x7F8  }
0x1a: {  	s25 =	sshrl.u32 s10, $0x3;
	s7 =	simm.s32 $0x0;
	s20 =	sadd.s32 s23, s8  }
0x1b: {  	s21 =	sadd.s32 s0, s8;
	s22 =	sadd.s32 s26, s8;
	s23 =	sadd.s32 s1, s8  }
0x1c: {  	v0 =	vimm.f32 $0.0e+00;
	v1 =	vimm.f32 $1.000000000e+00;
	s26 =	simm.s32 $0x5;
	s0 =	simm.s32 $0x2;
	s1 =	simm.s32 $0x3  }
.LBB2_1:
0x1d: {  	s8 =	simm.s32 $0x80;
	s9 =	simm.s32 $0x0  }
.LBB2_2:
0x1e: {  	p0 =	sne.s32 s8, $0xDB80;
	[tilespmem:s9+$0x7F8] =	vst v0;
	s10 =	smov.u32 s8;
	s8 =	sadd.s32 $0x80, s8  }
.Ltmp0:
0x1f: {  	[tilespmem:s9+$0x808] =	vst v0;
	(pc) =	sbr.rel @p0 .LBB2_2-.Ltmp0, $2  }
0x20: {  	_ =	sdelay $0x2  }
0x21: {  	s9 =	sshra.s32 s10, $0x2  }
0x22: {  	[tilespmem:s9+$0x7F8] =	vst v0  }
0x23: {  	[tilespmem:s9+$0x808] =	vst v0  }
0x24: {  	[spmem:s4] =	stream.linear.scatter [tilespmem:s24], [sflag:$0x5], $0x3700, $0x38;
	[tilespmem:$0x1C6F8] =	vst v63  }
0x25: {  	_ =	swait.ge [sflag:s26], $0x3700  }
0x26: {  	[sflag:s26] =	ssyncset.done $0x0  }
0x27: {  	[sflag:s26] =	ssyncadd.s32 $0xFFFFC900  }
0x28: {  	[spmem:s13] =	stream.linear.scatter [tilespmem:s24], [sflag:$0x5], $0x3700, $0x38;
	[tilespmem:$0x1C6F8] =	vst v63  }
0x29: {  	_ =	swait.ge [sflag:s26], $0x3700  }
0x2a: {  	[sflag:s26] =	ssyncset.done $0x0  }
0x2b: {  	[sflag:s26] =	ssyncadd.s32 $0xFFFFC900  }
0x2c: {  	[spmem:s14] =	stream.linear.scatter [tilespmem:s24], [sflag:$0x5], $0x3700, $0x38;
	[tilespmem:$0x1C6F8] =	vst v63  }
0x2d: {  	_ =	swait.ge [sflag:s26], $0x3700  }
0x2e: {  	[sflag:s26] =	ssyncset.done $0x0  }
0x2f: {  	[sflag:s26] =	ssyncadd.s32 $0xFFFFC900  }
0x30: {  	[spmem:s15] =	stream.linear.scatter [tilespmem:s24], [sflag:$0x5], $0x3700, $0x38;
	[tilespmem:$0x1C6F8] =	vst v63  }
0x31: {  	_ =	swait.ge [sflag:s26], $0x3700  }
0x32: {  	[sflag:s26] =	ssyncset.done $0x0  }
0x33: {  	[sflag:s26] =	ssyncadd.s32 $0xFFFFC900  }
0x34: {  	[spmem:s16] =	stream.linear.scatter [tilespmem:s24], [sflag:$0x5], $0x3700, $0x38;
	[tilespmem:$0x1C6F8] =	vst v63  }
0x35: {  	_ =	swait.ge [sflag:s26], $0x3700  }
0x36: {  	[sflag:s26] =	ssyncset.done $0x0  }
0x37: {  	[sflag:s26] =	ssyncadd.s32 $0xFFFFC900  }
0x38: {  	[spmem:s17] =	stream.linear.scatter [tilespmem:s24], [sflag:$0x5], $0x3700, $0x38;
	[tilespmem:$0x1C6F8] =	vst v63  }
0x39: {  	_ =	swait.ge [sflag:s26], $0x3700  }
0x3a: {  	[sflag:s26] =	ssyncset.done $0x0  }
0x3b: {  	[sflag:s26] =	ssyncadd.s32 $0xFFFFC900  }
0x3c: {  	[spmem:s18] =	stream.linear.scatter [tilespmem:s24], [sflag:$0x5], $0x3700, $0x38;
	[tilespmem:$0x1C6F8] =	vst v63  }
0x3d: {  	_ =	swait.ge [sflag:s26], $0x3700  }
0x3e: {  	[sflag:s26] =	ssyncset.done $0x0  }
0x3f: {  	s8 =	rddreg [dreg:$0x3];
	[sflag:s26] =	ssyncadd.s32 $0xFFFFC900  }
0x40: {  	[spmem:s8] =	stream.linear.scatter [tilespmem:s24], [sflag:$0x5], $0x700, $0x38;
	[tilespmem:$0x1C6F8] =	vst v63  }
0x41: {  	_ =	swait.ge [sflag:s26], $0x700  }
0x42: {  	[sflag:s26] =	ssyncset.done $0x0  }
0x43: {  	s9 =	simm.s32 $0x0;
	s8 =	simm.s32 $0x80;
	[sflag:s26] =	ssyncadd.s32 $0xFFFFF900  }
.LBB2_4:
0x44: {  	p0 =	sne.s32 s8, $0xDB80;
	[tilespmem:s9+$0x7F8] =	vst v1;
	s10 =	smov.u32 s8;
	s8 =	sadd.s32 $0x80, s8  }
.Ltmp1:
0x45: {  	[tilespmem:s9+$0x808] =	vst v1;
	(pc) =	sbr.rel @p0 .LBB2_4-.Ltmp1, $2  }
0x46: {  	_ =	sdelay $0x2  }
0x47: {  	s9 =	sshra.s32 s10, $0x2  }
0x48: {  	[tilespmem:s9+$0x7F8] =	vst v1  }
0x49: {  	[tilespmem:s9+$0x808] =	vst v1  }
0x4a: {  	[bflag:$0x0] =	sbarrier.arrive $0xFFFF  }
0x4b: {  	s8 =	simm.s32 $0x0;
	s10 =	rddreg [dreg:$0x4]  }
0x4c: {  	[tilespmem:s8], [sflag:$0x5] =	stream.linear.gather [hbm4b:s10+s8], $0x1B8, $0x38;
	[tilespmem:$0x1C6F8] =	vst v63  }
0x4d: {  	_ =	swait.ge [sflag:s26], $0x1B8  }
0x4e: {  	[sflag:s26] =	ssyncset.done $0x0  }
0x4f: {  	[sflag:s26] =	ssyncadd.s32 $0xFFFFFE48  }
0x50: {  	[spmem:s2] =	stream.indirect.scatter.add.f32 [tilespmem:s24], [sflag:$0x1], $0x20, s8, s28, $0xb8;
	[tilespmem:$0x1C6F8] =	vst v63  }
0x51: {  	s10 =	rddreg [dreg:$0x6]  }
0x52: {  	[tilespmem:s28], [sflag:$0x5] =	stream.linear.gather [hbm4b:s10+s8], $0x1B8, $0x38;
	[tilespmem:$0x1C6F8] =	vst v63  }
0x53: {  	_ =	swait.ge [sflag:s26], $0x1B8  }
0x54: {  	[sflag:s26] =	ssyncset.done $0x0  }
0x55: {  	[sflag:s26] =	ssyncadd.s32 $0xFFFFFE48  }
0x56: {  	[spmem:s2] =	stream.indirect.scatter.add.f32 [tilespmem:s24], [sflag:$0x2], $0x20, s28, s28, $0xb8;
	[tilespmem:$0x1C6F8] =	vst v63  }
0x57: {  	s10 =	rddreg [dreg:$0x5]  }
0x58: {  	[tilespmem:s29], [sflag:$0x5] =	stream.linear.gather [hbm4b:s10+s8], $0x1B8, $0x38;
	[tilespmem:$0x1C6F8] =	vst v63  }
0x59: {  	_ =	swait.ge [sflag:s26], $0x1B8  }
0x5a: {  	[sflag:s26] =	ssyncset.done $0x0  }
0x5b: {  	[sflag:s26] =	ssyncadd.s32 $0xFFFFFE48  }
0x5c: {  	[spmem:s2] =	stream.indirect.scatter.add.f32 [tilespmem:s24], [sflag:$0x3], $0x20, s29, s28, $0xb8;
	[tilespmem:$0x1C6F8] =	vst v63  }
0x5d: {  	s10 =	rddreg [dreg:$0x7]  }
0x5e: {  	[tilespmem:s30], [sflag:$0x5] =	stream.linear.gather [hbm4b:s10+s8], $0x1B8, $0x38;
	[tilespmem:$0x1C6F8] =	vst v63  }
0x5f: {  	_ =	swait.ge [sflag:s26], $0x1B8  }
0x60: {  	[sflag:s26] =	ssyncset.done $0x0  }
0x61: {  	[sflag:s26] =	ssyncadd.s32 $0xFFFFFE48  }
0x62: {  	[spmem:s2] =	stream.indirect.scatter.add.f32 [tilespmem:s24], [sflag:$0x4], $0x20, s30, s28, $0xb8;
	[tilespmem:$0x1C6F8] =	vst v63  }
0x63: {  	_ =	swait.ge [sflag:s31], $0x3700  }
0x64: {  	[sflag:s31] =	ssyncset.done $0x0  }
0x65: {  	s9 =	sadd.s32 $0x0, s23;
	[sflag:s31] =	ssyncadd.s32 $0xFFFFC900  }
0x66: {  	[tilespmem:s3], [sflag:$0x5] =	stream.linear.gather [hbm4b:s9+s3], $0x1B8, $0x38;
	[tilespmem:$0x1C6F8] =	vst v63  }
0x67: {  	_ =	swait.ge [sflag:s26], $0x1B8  }
0x68: {  	[sflag:s26] =	ssyncset.done $0x0  }
0x69: {  	[sflag:s26] =	ssyncadd.s32 $0xFFFFFE48  }
0x6a: {  	[spmem:s2] =	stream.indirect.scatter.add.f32 [tilespmem:s24], [sflag:$0x1], $0x20, s3, s28, $0xb8;
	[tilespmem:$0x1C6F8] =	vst v63  }
0x6b: {  	_ =	swait.ge [sflag:s0], $0x3700  }
0x6c: {  	[sflag:s0] =	ssyncset.done $0x0  }
0x6d: {  	s10 =	sadd.s32 $0x0, s22;
	[sflag:s0] =	ssyncadd.s32 $0xFFFFC900  }
0x6e: {  	[tilespmem:s28], [sflag:$0x5] =	stream.linear.gather [hbm4b:s10+s3], $0x1B8, $0x38;
	[tilespmem:$0x1C6F8] =	vst v63  }
0x6f: {  	_ =	swait.ge [sflag:s26], $0x1B8  }
0x70: {  	[sflag:s26] =	ssyncset.done $0x0  }
0x71: {  	[sflag:s26] =	ssyncadd.s32 $0xFFFFFE48  }
0x72: {  	[spmem:s2] =	stream.indirect.scatter.add.f32 [tilespmem:s24], [sflag:$0x2], $0x20, s28, s28, $0xb8;
	[tilespmem:$0x1C6F8] =	vst v63  }
0x73: {  	_ =	swait.ge [sflag:s1], $0x3700  }
0x74: {  	[sflag:s1] =	ssyncset.done $0x0  }
0x75: {  	s9 =	sadd.s32 $0x0, s21;
	[sflag:s1] =	ssyncadd.s32 $0xFFFFC900  }
0x76: {  	[tilespmem:s29], [sflag:$0x5] =	stream.linear.gather [hbm4b:s9+s3], $0x1B8, $0x38;
	[tilespmem:$0x1C6F8] =	vst v63  }
0x77: {  	_ =	swait.ge [sflag:s26], $0x1B8  }
0x78: {  	[sflag:s26] =	ssyncset.done $0x0  }
0x79: {  	[sflag:s26] =	ssyncadd.s32 $0xFFFFFE48  }
0x7a: {  	[spmem:s2] =	stream.indirect.scatter.add.f32 [tilespmem:s24], [sflag:$0x3], $0x20, s29, s28, $0xb8;
	[tilespmem:$0x1C6F8] =	vst v63  }
0x7b: {  	_ =	swait.ge [sflag:s5], $0x3700  }
0x7c: {  	[sflag:s5] =	ssyncset.done $0x0  }
0x7d: {  	s10 =	sadd.s32 $0x0, s20;
	[sflag:s5] =	ssyncadd.s32 $0xFFFFC900  }
0x7e: {  	[tilespmem:s30], [sflag:$0x5] =	stream.linear.gather [hbm4b:s10+s3], $0x1B8, $0x38;
	[tilespmem:$0x1C6F8] =	vst v63  }
0x7f: {  	_ =	swait.ge [sflag:s26], $0x1B8  }
0x80: {  	[sflag:s26] =	ssyncset.done $0x0  }
0x81: {  	s8 =	simm.s32 $0xDC;
	[sflag:s26] =	ssyncadd.s32 $0xFFFFFE48  }
.LBB2_6:
0x82: {  	[spmem:s2] =	stream.indirect.scatter.add.f32 [tilespmem:s24], [sflag:$0x4], $0x20, s30, s28, $0xb8;
	[tilespmem:$0x1C6F8] =	vst v63  }
0x83: {  	s9 =	smov.u32 s8  }
0x84: {  	p0 =	sne.s32 s8, $0x1658;
	s8 =	sadd.s32 $0xDC, s8;
	_ =	swait.ge [sflag:s31], $0x3700  }
0x85: {  	[sflag:s31] =	ssyncset.done $0x0  }
0x86: {  	s10 =	sadd.s32 s9, s23;
	[sflag:s31] =	ssyncadd.s32 $0xFFFFC900  }
0x87: {  	[tilespmem:s3], [sflag:$0x5] =	stream.linear.gather [hbm4b:s10+s3], $0x1B8, $0x38;
	[tilespmem:$0x1C6F8] =	vst v63  }
0x88: {  	_ =	swait.ge [sflag:s26], $0x1B8  }
0x89: {  	[sflag:s26] =	ssyncset.done $0x0  }
0x8a: {  	[sflag:s26] =	ssyncadd.s32 $0xFFFFFE48  }
0x8b: {  	[spmem:s2] =	stream.indirect.scatter.add.f32 [tilespmem:s24], [sflag:$0x1], $0x20, s3, s28, $0xb8;
	[tilespmem:$0x1C6F8] =	vst v63  }
0x8c: {  	_ =	swait.ge [sflag:s0], $0x3700  }
0x8d: {  	[sflag:s0] =	ssyncset.done $0x0  }
0x8e: {  	s10 =	sadd.s32 s9, s22;
	[sflag:s0] =	ssyncadd.s32 $0xFFFFC900  }
0x8f: {  	[tilespmem:s28], [sflag:$0x5] =	stream.linear.gather [hbm4b:s10+s3], $0x1B8, $0x38;
	[tilespmem:$0x1C6F8] =	vst v63  }
0x90: {  	_ =	swait.ge [sflag:s26], $0x1B8  }
0x91: {  	[sflag:s26] =	ssyncset.done $0x0  }
0x92: {  	[sflag:s26] =	ssyncadd.s32 $0xFFFFFE48  }
0x93: {  	[spmem:s2] =	stream.indirect.scatter.add.f32 [tilespmem:s24], [sflag:$0x2], $0x20, s28, s28, $0xb8;
	[tilespmem:$0x1C6F8] =	vst v63  }
0x94: {  	_ =	swait.ge [sflag:s1], $0x3700  }
0x95: {  	[sflag:s1] =	ssyncset.done $0x0  }
0x96: {  	s10 =	sadd.s32 s9, s21;
	[sflag:s1] =	ssyncadd.s32 $0xFFFFC900  }
0x97: {  	[tilespmem:s29], [sflag:$0x5] =	stream.linear.gather [hbm4b:s10+s3], $0x1B8, $0x38;
	[tilespmem:$0x1C6F8] =	vst v63  }
0x98: {  	_ =	swait.ge [sflag:s26], $0x1B8  }
0x99: {  	[sflag:s26] =	ssyncset.done $0x0  }
0x9a: {  	[sflag:s26] =	ssyncadd.s32 $0xFFFFFE48  }
0x9b: {  	[spmem:s2] =	stream.indirect.scatter.add.f32 [tilespmem:s24], [sflag:$0x3], $0x20, s29, s28, $0xb8;
	[tilespmem:$0x1C6F8] =	vst v63  }
0x9c: {  	_ =	swait.ge [sflag:s5], $0x3700  }
0x9d: {  	[sflag:s5] =	ssyncset.done $0x0  }
.Ltmp2:
0x9e: {  	s9 =	sadd.s32 s9, s20;
	[sflag:s5] =	ssyncadd.s32 $0xFFFFC900;
	(pc) =	sbr.rel @p0 .LBB2_6-.Ltmp2, $4  }
0x9f: {  	[tilespmem:s30], [sflag:$0x5] =	stream.linear.gather [hbm4b:s9+s3], $0x1B8, $0x38;
	[tilespmem:$0x1C6F8] =	vst v63  }
0xa0: {  	_ =	swait.ge [sflag:s26], $0x1B8  }
0xa1: {  	[sflag:s26] =	ssyncset.done $0x0  }
0xa2: {  	[sflag:s26] =	ssyncadd.s32 $0xFFFFFE48  }
0xa3: {  	[spmem:s2] =	stream.indirect.scatter.add.f32 [tilespmem:s24], [sflag:$0x4], $0x20, s30, s28, $0xb8;
	[tilespmem:$0x1C6F8] =	vst v63  }
0xa4: {  	_ =	swait.ge [sflag:s31], $0x3700  }
0xa5: {  	[sflag:s31] =	ssyncset.done $0x0  }
0xa6: {  	s8 =	rddreg [dreg:$0x8];
	[sflag:s31] =	ssyncadd.s32 $0xFFFFC900  }
0xa7: {  	[tilespmem:s3], [sflag:$0x5] =	stream.linear.gather [hbm4b:s8+s3], $0x1B8, $0x38;
	[tilespmem:$0x1C6F8] =	vst v63  }
0xa8: {  	_ =	swait.ge [sflag:s26], $0x1B8  }
0xa9: {  	[sflag:s26] =	ssyncset.done $0x0  }
0xaa: {  	[sflag:s26] =	ssyncadd.s32 $0xFFFFFE48  }
0xab: {  	[spmem:s2] =	stream.indirect.scatter.add.f32 [tilespmem:s24], [sflag:$0x1], $0x20, s3, s28, $0xb8;
	[tilespmem:$0x1C6F8] =	vst v63  }
0xac: {  	_ = 	snop  }
0xad: {  	[tilespmem:s6], [sflag:$0x5] =	stream.linear.gather [hbm4b:s11+s3], $0x118, $0x38;
	[tilespmem:$0x1C6F8] =	vst v63  }
0xae: {  	_ =	swait.ge [sflag:s26], $0x118  }
0xaf: {  	[sflag:s26] =	ssyncset.done $0x0  }
0xb0: {  	[sflag:s26] =	ssyncadd.s32 $0xFFFFFEE8  }
0xb1: {  	_ =	swait.ge [sflag:s0], $0x3700  }
0xb2: {  	[sflag:s0] =	ssyncset.done $0x0  }
0xb3: {  	s9 =	simm.s32 $0x118;
	[sflag:s0] =	ssyncadd.s32 $0xFFFFC900  }
0xb4: {  	[spmem:s2] =	stream.indirect.scatter.add.f32 [tilespmem:s24], [sflag:$0x2], $0x20, s6, s9, $0xb8;
	[tilespmem:$0x1C6F8] =	vst v63  }
0xb5: {  	_ =	swait.ge [sflag:s31], $0x3700  }
0xb6: {  	[sflag:s31] =	ssyncset.done $0x0  }
0xb7: {  	[sflag:s31] =	ssyncadd.s32 $0xFFFFC900  }
0xb8: {  	_ =	swait.ge [sflag:s0], $0x2300  }
0xb9: {  	[sflag:s0] =	ssyncset.done $0x0  }
0xba: {  	[sflag:s0] =	ssyncadd.s32 $0xFFFFDD00  }
0xbb: {  	_ =	swait.ge [sflag:s1], $0x3700  }
0xbc: {  	[sflag:s1] =	ssyncset.done $0x0  }
0xbd: {  	[sflag:s1] =	ssyncadd.s32 $0xFFFFC900  }
0xbe: {  	_ =	swait.ge [sflag:s5], $0x3700  }
0xbf: {  	s10 =	stileid.u32;
	s7 =	sadd.s32 $0x1, s7;
	[sflag:s5] =	ssyncset.done $0x0  }
0xc0: {  	p0 =	sne.s32 s7, s12;
	s8 =	sshll.u32 s10, $0x6;
	[sflag:s5] =	ssyncadd.s32 $0xFFFFC900  }
.Ltmp3:
0xc1: {  	s8 =	sor.u32 $0x1C05, s8;
	[bflag:$0x0] =	sbarrier.arrive $0xFFFF;
	(pc) =	sbr.rel @p0 .LBB2_1-.Ltmp3, $4  }
0xc2: {  	[hbm:s19], [sflag:s8] =	dma.local [spmem:s25], $0x3100  }
0xc3: {  	_ =	swait.ge [sflag:s26], $0x3100  }
0xc4: {  	[sflag:s26] =	ssyncset.done $0x0  }
0xc5: {  	[sflag:s26] =	ssyncadd.s32 $0xFFFFCF00  }
0xc6: {  	_ =	sfence.sel $0x180000  }
0xc7: {  	[bflag:$0x0] =	sbarrier.arrive $0xFFFF  }
0xc8: {  	_ =	strace $0x90000047  }
0xc9: {  	s0 =	stileid.u32;
	[bflag:$0x2] =	sbarrier.arrive $0xFFFF  }
0xca: {  	p0 =	sne.s32 s0, $0x0;
	s0 =	rddreg [dreg:$0x2]  }
0xcb: {  	s0 =	sadd.s32 @!p0 $0x100000, s0  }
0xcc: {  	[sflag:s0] =	ssyncadd.tile.s32 @!p0 $0x1;
	_ =	shalt  }
.Lfunc_end2:
_tile_overlayer_lowered:
.L_overlay_start_2:
0xcd: {  	(tag) =	ssettag $0x2  }
0xce: {  	s0 =	rddreg [dreg:$0x0];
	s2 =	stileid.u32  }
0xcf: {  	s1 =	rddreg [dreg:$0x1];
	p0 =	sne.s32 s2, $0x0  }
0xd0: {  	s3 =	rddreg [dreg:$0x2];
	[bflag:$0x3] =	sbarrier.arrive $0xFFFF;
	s2 =	simm.s32 @!p0 $0x1C05  }
0xd1: {  	[timem:s3], [sflag:s2] =	dma.local @!p0 [hbm:s0], s1  }
0xd2: {  	s0 =	simm.s32 @!p0 $0x5  }
0xd3: {  	_ =	swait.ge @!p0 [sflag:s0], s1  }
0xd4: {  	s1 =	ssub.s32 @!p0 $0x0, s1;
	[sflag:s0] =	ssyncset.done @!p0 $0x0  }
0xd5: {  	[sflag:s0] =	ssyncadd.s32 @!p0 s1  }
0xd6: {  	[bflag:$0x3] =	sbarrier.arrive $0xFFFF  }
0xd7: {  	_ =	shalt  }

// kernel: kernel.13.cloned.1.call-start
scs
__scs_entry_jumppad:
0x0: {  	(pc) =	sbr.rel $0x88, $3  }
0x1: {  	(tag) =	ssettag $0x0;
	lr =	simm.s32 $0x1  }
0x2: {  	[smem:$0x3F9E] =	sst lr;
	_ =	strace $0xD0000000  }
0x3: {  	_ = 	snop  }
0x4: {  	_ = 	snop  }
0x5: {  	_ = 	snop  }
0x6: {  	_ = 	snop  }
0x7: {  	_ = 	snop  }
__scs_overlays_trampoline_lowered:
0x8: {  	[smem:$0x3FAD] =	sst s0  }
0x9: {  	[smem:$0x3FAE] =	sst s1  }
0xa: {  	[smem:$0x3FAF] =	sst s2  }
0xb: {  	[smem:$0x3FB0] =	sst s3  }
0xc: {  	[smem:$0x3FB1] =	sst s4  }
0xd: {  	[smem:$0x3FB2] =	sst s5  }
0xe: {  	[smem:$0x3FB3] =	sst s6  }
0xf: {  	[smem:$0x3FB4] =	sst s7  }
0x10: {  	[smem:$0x3FB5] =	sst s8  }
0x11: {  	[smem:$0x3FB6] =	sst s9;
	s0 =	simm.s32 @!p0 $0x0  }
0x12: {  	s1 =	sld [smem:$0x3F9C];
	s0 =	simm.s32 @p0 $0x1  }
0x13: {  	[smem:$0x3FB7] =	sst s0;
	s0 =	simm.s32 @!p1 $0x0  }
0x14: {  	s2 =	sld [smem:$0x3F9B];
	s0 =	simm.s32 @p1 $0x1  }
0x15: {  	[smem:$0x3FB8] =	sst s0;
	s0 =	simm.s32 @!p2 $0x0  }
0x16: {  	s3 =	sld [smem:$0x3FDB];
	s0 =	simm.s32 @p2 $0x1  }
0x17: {  	s4 =	simm.s32 $0x1BF5;
	[smem:$0x3FBA] =	sst s0  }
0x18: {  	s0 =	sld [smem:$0x3F9D];
	_ =	swait.ge [sflag:s4], $0x0  }
0x19: {  	s7 =	sld [smem:$0x3F9E]  }
0x1a: {  	s8 =	sadd.s32 $0xFFFFE003, lr  }
0x1b: {  	s9 =	sadd.s32 $0xFFFFFEF7, lr;
	s5 =	simm.s32 $0xFFFFFFFF;
	p2 =	slt.u32 s8, $0xFFFFF086  }
0x1c: {  	p1 =	slt.u32 s9, $0xF7A;
	s5 =	simm.s32 @!p2 $0x0  }
0x1d: {  	s5 =	simm.s32 @p1 $0x1;
	p0 =	seq.s32 s7, s2  }
0x1e: {  	s7 =	smul.u32 @!p0 $0xF7A, s2;
	p2 =	seq.s32 @!p0 s5, $0x0  }
0x1f: {  	s9 =	smul.u32 $0xF7A, s1;
	s8 =	simm.s32 @!p0 $0x1BF5;
	p2 =	por !p2, p0  }
0x20: {  	[sflag:s8] =	ssyncset.s32 @!p0 $0xFFFFF086;
	s6 =	sadd.s32 @!p0 s3, s7;
	s7 =	simm.s32 @!p0 $0x108  }
0x21: {  	s3 =	sadd.s32 s3, s9;
	s6 =	sadd.s32 @!p0 $0x88, s6;
	s7 =	simm.s32 @p2 $0x1082  }
0x22: {  	[simem:s7], [sflag:s8] =	dma.local @!p0 [hbm:s6], $0xF7A  }
0x23: {  	s9 =	sor.u32 $0xD0000000, s2;
	s6 =	simm.s32 $0x108;
	_ =	swait.ge @!p0 [sflag:s8], $0x0  }
0x24: {  	s3 =	sadd.s32 $0x88, s3;
	s6 =	simm.s32 @!p1 $0x1082;
	[sflag:s4] =	ssyncset.s32 $0xFFFFF086  }
0x25: {  	[simem:s6], [sflag:s4] =	dma.local [hbm:s3], $0xF7A  }
0x26: {  	[smem:$0x3F9E] =	sst s1;
	(tag) =	ssettag s2;
	_ =	strace s9  }
0x27: {  	s1 =	sld [smem:$0x3FAE]  }
0x28: {  	s2 =	sld [smem:$0x3FAF]  }
0x29: {  	s4 =	sld [smem:$0x3FB1]  }
0x2a: {  	p0 =	seq.s32 s5, $0x0;
	s5 =	sld [smem:$0x3FB2]  }
0x2b: {  	s6 =	sld [smem:$0x3FB3]  }
0x2c: {  	s7 =	sld [smem:$0x3FB4]  }
0x2d: {  	s3 =	simm.s32 $0x108;
	s8 =	sld [smem:$0x3FB5]  }
0x2e: {  	s3 =	simm.s32 @!p0 $0x1082;
	s9 =	sld [smem:$0x3FB6]  }
0x2f: {  	lr =	sadd.s32 s0, s3;
	s0 =	sld [smem:$0x3FAD]  }
0x30: {  	s3 =	sld [smem:$0x3FB0]  }
0x31: {  	[smem:$0x3FB9] =	sst s10  }
0x32: {  	s10 =	sld [smem:$0x3FB7];
	_ =	sdelay $0x3  }
0x33: {  	p0 =	seq.s32 s10, $0x1;
	s10 =	sld [smem:$0x3FB9];
	_ =	sdelay $0x3  }
0x34: {  	[smem:$0x3FB9] =	sst s10  }
0x35: {  	s10 =	sld [smem:$0x3FB8];
	_ =	sdelay $0x3  }
0x36: {  	p1 =	seq.s32 s10, $0x1;
	s10 =	sld [smem:$0x3FB9];
	_ =	sdelay $0x3  }
0x37: {  	[smem:$0x3FB9] =	sst s10  }
0x38: {  	s10 =	sld [smem:$0x3FBA]  }
0x39: {  	_ = 	snop;
	(pc) =	sbr.ind lr, $3  }
0x3a: {  	_ = 	snop  }
0x3b: {  	_ = 	snop  }
0x3c: {  	p2 =	seq.s32 s10, $0x1;
	s10 =	sld [smem:$0x3FB9]  }
0x3d: {  	_ =	shalt  }
0x3e: {  	_ =	shalt  }
0x3f: {  	_ =	shalt  }
0x40: {  	_ =	shalt  }
0x41: {  	_ =	shalt  }
0x42: {  	_ =	shalt  }
0x43: {  	_ =	shalt  }
0x44: {  	_ =	shalt  }
0x45: {  	_ =	shalt  }
0x46: {  	_ =	shalt  }
0x47: {  	_ =	shalt  }
0x48: {  	_ =	shalt  }
0x49: {  	_ =	shalt  }
0x4a: {  	_ =	shalt  }
0x4b: {  	_ =	shalt  }
0x4c: {  	_ =	shalt  }
0x4d: {  	_ =	shalt  }
0x4e: {  	_ =	shalt  }
0x4f: {  	_ =	shalt  }
0x50: {  	_ =	shalt  }
0x51: {  	_ =	shalt  }
0x52: {  	_ =	shalt  }
0x53: {  	_ =	shalt  }
0x54: {  	_ =	shalt  }
0x55: {  	_ =	shalt  }
0x56: {  	_ =	shalt  }
0x57: {  	_ =	shalt  }
0x58: {  	_ =	shalt  }
0x59: {  	_ =	shalt  }
0x5a: {  	_ =	shalt  }
0x5b: {  	_ =	shalt  }
0x5c: {  	_ =	shalt  }
0x5d: {  	_ =	shalt  }
0x5e: {  	_ =	shalt  }
0x5f: {  	_ =	shalt  }
0x60: {  	_ =	shalt  }
0x61: {  	_ =	shalt  }
0x62: {  	_ =	shalt  }
0x63: {  	_ =	shalt  }
0x64: {  	_ =	shalt  }
0x65: {  	_ =	shalt  }
0x66: {  	_ =	shalt  }
0x67: {  	_ =	shalt  }
0x68: {  	_ =	shalt  }
0x69: {  	_ =	shalt  }
0x6a: {  	_ =	shalt  }
0x6b: {  	_ =	shalt  }
0x6c: {  	_ =	shalt  }
0x6d: {  	_ =	shalt  }
0x6e: {  	_ =	shalt  }
0x6f: {  	_ =	shalt  }
0x70: {  	_ =	shalt  }
0x71: {  	_ =	shalt  }
0x72: {  	_ =	shalt  }
0x73: {  	_ =	shalt  }
0x74: {  	_ =	shalt  }
0x75: {  	_ =	shalt  }
0x76: {  	_ =	shalt  }
0x77: {  	_ =	shalt  }
0x78: {  	_ =	shalt  }
0x79: {  	_ =	shalt  }
0x7a: {  	_ =	shalt  }
0x7b: {  	_ =	shalt  }
0x7c: {  	_ =	shalt  }
0x7d: {  	_ =	shalt  }
0x7e: {  	_ =	shalt  }
0x7f: {  	_ =	shalt  }
0x80: {  	_ =	shalt  }
0x81: {  	_ =	shalt  }
0x82: {  	_ =	shalt  }
0x83: {  	_ =	shalt  }
0x84: {  	_ =	shalt  }
0x85: {  	_ =	shalt  }
0x86: {  	_ =	shalt  }
0x87: {  	_ =	shalt  }
.Lfunc_end0:
.L_simem_size_0:
called_computation.1_lowered:
.L_overlay_start_0:
0x88: {  	s2 =	sld [smem:$0x3FD9]  }
0x89: {  	s3 =	sld [smem:$0x3FFE];
	_ =	sdelay $0x1  }
0x8a: {  	s1 =	srdreg.scid  }
0x8b: {  	s0 =	sand.u32 $0x1, s1  }
0x8c: {  	s16 =	sshll.u32 s0, $0xA;
	s2 =	sadd.s32 s3, s2  }
0x8d: {  	s2 =	sadd.s32 s2, s16  }
0x8e: {  	[smem:$0x3FC5] =	sst s2  }
0x8f: {  	_ = 	snop  }
0x90: {  	(tm) =	ssettm $0x1  }
0x91: {  	s17 =	sld [smem:$0x3FFB];
	_ =	sdelay $0x3  }
0x92: {  	_ =	strace s17  }
0x93: {  	s2 =	sld [smem:$0x3FFC];
	_ =	sdelay $0x3  }
0x94: {  	_ =	strace s2  }
0x95: {  	s2 =	sld [smem:$0x3FFD];
	_ =	sdelay $0x3  }
0x96: {  	_ =	strace s2  }
0x97: {  	_ =	strace $0x8FFFFFFF  }
0x98: {  	s18 =	sld [smem:$0x3FDB];
	_ =	sdelay $0x1  }
0x99: {  	s19 =	simm.s32 $_scs_section_size  }
0x9a: {  	s4 =	simm.s32 $_size__tile_overlayer_lowered;
	s5 =	simm.s32 $_tile_overlayer_lowered  }
0x9b: {  	s22 =	simm.s32 $0x1BFF;
	s21 =	sshll.u32 s5, $0x1;
	s2 =	sadd.s32 s19, s18  }
0x9c: {  	s6 =	simm.s32 $0x0;
	s20 =	sshll.u32 s4, $0x1;
	s4 =	sadd.s32 s21, s2  }
0x9d: {  	[timem:s6], [sflag:s22] =	dma.local [hbm:s4], s20  }
0x9e: {  	_ =	swait.ge [sflag:s22], s20  }
0x9f: {  	s3 =	ssub.s32 $0x0, s20;
	[sflag:s22] =	ssyncset.done $0x0  }
0xa0: {  	[sflag:s22] =	ssyncadd.s32 s3;
	_ =	sdelay $0x1  }
0xa1: {  	s23 =	simm.s32 $0x1B8B  }
0xa2: {  	_ =	swait.ge [sflag:s23], $0x1  }
0xa3: {  	[sflag:s23] =	ssyncset.done $0x0  }
0xa4: {  	s25 =	simm.s32 $0x1B8E;
	s24 =	sld [smem:$0x3FFE];
	[sflag:s23] =	ssyncadd.s32 $0xFFFFFFFF  }
0xa5: {  	s26 =	simm.s32 $execute0_lowered;
	[smem:$0x3FD2] =	sst s25  }
0xa6: {  	s4 =	sshll.u32 s26, $0x1;
	_ =	strace $0x80000049;
	[dreg:$0x1] =	wrdreg $0xFFFFFFFF  }
0xa7: {  	s28 =	simm.s32 $_size_execute0_lowered;
	s2 =	sadd.s32 s2, s4;
	[dreg:$0x0] =	wrdreg $0x0  }
0xa8: {  	s4 =	sshll.u32 s28, $0x1;
	[dreg:$0x2] =	wrdreg s2  }
0xa9: {  	[dreg:$0x3] =	wrdreg s4  }
0xaa: {  	[dreg:$0x4] =	wrdreg $0xC0  }
0xab: {  	_ =	task [dreg:s6], $0x5FFFF  }
0xac: {  	[dreg:$0x1] =	wrdreg $0xFFFFFFFF  }
0xad: {  	[dreg:$0x0] =	wrdreg $0x60  }
0xae: {  	[dreg:$0x2] =	wrdreg s24  }
0xaf: {  	[dreg:$0x3] =	wrdreg $0x77100  }
0xb0: {  	[dreg:$0x4] =	wrdreg $0x9  }
0xb1: {  	_ =	task.clear_ibuf [dreg:s6], $0x5FFFF;
	_ =	strace $0x90000049  }
0xb2: {  	s29 =	simm.s32 $0x9;
	_ =	strace $0x8000004B  }
0xb3: {  	_ =	swait.ge [sflag:s29], $0x1  }
0xb4: {  	[sflag:s29] =	ssyncadd.s32 $0xFFFFFFFF  }
0xb5: {  	_ =	strace $0x9000004B  }
0xb6: {  	_ =	sfence  }
0xb7: {  	s30 =	sld [smem:$0x0];
	_ =	sdelay $0x2  }
0xb8: {  	s31 =	sshll.u32 s1, $0xD;
	s1 =	sshrl.u32 s1, $0x2  }
0xb9: {  	s3 =	sand.u32 $0x4000, s31;
	s1 =	sadd.s32 s1, s30  }
0xba: {  	s0 =	sor.u32 s3, s0;
	s1 =	sshll.u32 s1, $0x11  }
0xbb: {  	s0 =	sor.u32 s1, s0  }
0xbc: {  	s0 =	sadd.s32 $0x8F2B, s0  }
0xbd: {  	[sflag:s0] =	ssyncadd.remote.s32 $0x1  }
0xbe: {  	_ =	sfence.sel $0xFFFF  }
0xbf: {  	[dreg:$0x0] =	wrdreg $0xFFFFFFFF;
	(pc) =	sbr.abs _section_cstart, $3  }
0xc0: {  	[dreg:$0x1] =	wrdreg $0xFFFFFFFF  }
0xc1: {  	_ =	task.clear_ibuf [dreg:s6], $0x2FFFF;
	_ =	strace $0x9FFFFFFF  }
0xc2: {  	(tm) =	ssettm $0x7FFFFFFF  }
0xc3: {  	_ =	shalt  }
tec
execute0_lowered:
.L_overlay_start_1:
0x0: {  	(tag) =	ssettag $0x1  }
0x1: {  	s0 =	rddreg [dreg:$0x0]  }
0x2: {  	s2 =	rddreg [dreg:$0x1];
	s3 =	simm.s32 $0x0;
	s1 =	srdreg.scid  }
0x3: {  	s11 =	stileid.u32;
	s28 =	simm.s32 $0xE0;
	s29 =	simm.s32 $0xD8  }
0x4: {  	s30 =	simm.s32 $0x2510;
	s31 =	simm.s32 $0x370;
	s6 =	smul.u32 $0x62000, s11  }
0x5: {  	[smem:$0x7FF] =	sst s3;
	s1 =	sand.u32 $0x1, s1;
	s14 =	smul.u32 $0x18800, s11  }
0x6: {  	s4 =	sshll.u32 s11, $0x1;
	s18 =	smul.u32 $0x186A0, s11;
	s11 =	simm.s32 $0x2  }
0x7: {  	_ =	strace $0x8000004A;
	s5 =	sor.u32 s1, s4;
	s4 =	sadd.s32 $0x65E00, s0  }
0x8: {  	s7 =	ssub.s32 $0x2, s1;
	p0 =	seq.s32 s1, $0x1;
	s1 =	smul.u32 $0xC350, s1  }
0x9: {  	s8 =	smul.u32 $0xC350, s5;
	s5 =	sadd.s32 $0x4200, s0;
	s9 =	sshrl.u32 s7, $0x1  }
0xa: {  	s6 =	sshrl.u32 s6, $0x2;
	s16 =	sshrl.u32 s14, $0x3;
	s17 =	sadd.s32 s14, s2  }
0xb: {  	s14 =	simm.s32 $0x0;
	s7 =	ssub.s32 s7, s9;
	s6 =	sadd.s32 s6, s2  }
0xc: {  	s1 =	sadd.s32 s1, s18;
	s12 =	sshrl.u32 s8, $0x3;
	s10 =	sadd.s32 $0x18100, s6  }
0xd: {  	s13 =	sadd.s32 $0x1B8, s8;
	s7 =	smax.u32 s7, $0x1;
	[dreg:$0x3] =	wrdreg s10  }
0xe: {  	s8 =	sadd.s32 $0xC238, s8;
	s19 =	sadd.s32 $0x3700, s6;
	[dreg:$0x8] =	wrdreg s7  }
0xf: {  	s20 =	sadd.s32 $0x6E00, s6;
	s21 =	sadd.s32 $0xA500, s6;
	[dreg:$0x9] =	wrdreg s19  }
0x10: {  	s22 =	sadd.s32 $0xDC00, s6;
	s23 =	sadd.s32 $0x11300, s6;
	[dreg:$0xa] =	wrdreg s20  }
0x11: {  	s24 =	sadd.s32 $0x14A00, s6;
	s25 =	sadd.s32 $0x528, s1;
	[dreg:$0xb] =	wrdreg s21  }
0x12: {  	s12 =	sadd.s32 s5, s12;
	s9 =	sshrl.u32 s13, $0x3;
	[dreg:$0xc] =	wrdreg s22  }
0x13: {  	s8 =	sshrl.u32 s8, $0x3;
	s10 =	simm.s32 $0x129E00;
	[dreg:$0xd] =	wrdreg s23  }
0x14: {  	[dreg:$0xe] =	wrdreg s24;
	s20 =	sadd.s32 $0x370, s1;
	s26 =	sshrl.u32 s25, $0x3  }
0x15: {  	s22 =	simm.s32 $0x910;
	s23 =	simm.s32 $0x4;
	s24 =	simm.s32 $0x1B8  }
0x16: {  	s25 =	sshrl.u32 s17, $0x3;
	s1 =	simm.s32 $0x450;
	s7 =	simm.s32 $0x5C10  }
0x17: {  	s13 =	simm.s32 $0x6E0;
	s9 =	sadd.s32 s5, s9;
	[dreg:$0x4] =	wrdreg s12  }
0x18: {  	s15 =	sadd.s32 $0x1810, s12;
	s8 =	sadd.s32 s5, s8;
	[dreg:$0x5] =	wrdreg s9  }
0x19: {  	s10 =	simm.s32 @!p0 $0xF8E00;
	s21 =	sadd.s32 s26, s5;
	[dreg:$0x6] =	wrdreg s15  }
0x1a: {  	s26 =	simm.s32 $0x186A00;
	s12 =	simm.s32 $0x118;
	[dreg:$0x7] =	wrdreg s8  }
0x1b: {  	s0 =	sadd.s32 s10, s0;
	s9 =	simm.s32 $0x1;
	s10 =	simm.s32 $0x528  }
0x1c: {  	v0 =	vimm.f32 $0.0e+00;
	s8 =	simm.s32 $0x3;
	s19 =	sadd.s32 s0, s16;
	s0 =	simm.s32 $0x4010  }
.LBB2_1:
0x1d: {  	s15 =	simm.s32 $0x80;
	s16 =	simm.s32 $0x0  }
.LBB2_2:
0x1e: {  	p0 =	sne.s32 s15, $0xDB80;
	[tilespmem:s16+$0x910] =	vst v0;
	s17 =	smov.u32 s15;
	s15 =	sadd.s32 $0x80, s15  }
.Ltmp0:
0x1f: {  	[tilespmem:s16+$0x920] =	vst v0;
	(pc) =	sbr.rel @p0 .LBB2_2-.Ltmp0, $2  }
0x20: {  	_ =	sdelay $0x2  }
0x21: {  	s16 =	sshra.s32 s17, $0x2  }
0x22: {  	[tilespmem:s16+$0x910] =	vst v0  }
0x23: {  	[tilespmem:s16+$0x920] =	vst v0  }
0x24: {  	[spmem:s6] =	stream.linear.scatter [tilespmem:s22], [sflag:$0x4], $0x3700, $0x38;
	[tilespmem:$0x1FF10] =	vst v63  }
0x25: {  	_ =	swait.ge [sflag:s23], $0x3700  }
0x26: {  	[sflag:s23] =	ssyncset.done $0x0  }
0x27: {  	s15 =	rddreg [dreg:$0x9];
	[sflag:s23] =	ssyncadd.s32 $0xFFFFC900  }
0x28: {  	[spmem:s15] =	stream.linear.scatter [tilespmem:s22], [sflag:$0x4], $0x3700, $0x38;
	[tilespmem:$0x1FF10] =	vst v63  }
0x29: {  	_ =	swait.ge [sflag:s23], $0x3700  }
0x2a: {  	[sflag:s23] =	ssyncset.done $0x0  }
0x2b: {  	s17 =	rddreg [dreg:$0xa];
	[sflag:s23] =	ssyncadd.s32 $0xFFFFC900  }
0x2c: {  	[spmem:s17] =	stream.linear.scatter [tilespmem:s22], [sflag:$0x4], $0x3700, $0x38;
	[tilespmem:$0x1FF10] =	vst v63  }
0x2d: {  	_ =	swait.ge [sflag:s23], $0x3700  }
0x2e: {  	[sflag:s23] =	ssyncset.done $0x0  }
0x2f: {  	s18 =	rddreg [dreg:$0xb];
	[sflag:s23] =	ssyncadd.s32 $0xFFFFC900  }
0x30: {  	[spmem:s18] =	stream.linear.scatter [tilespmem:s22], [sflag:$0x4], $0x3700, $0x38;
	[tilespmem:$0x1FF10] =	vst v63  }
0x31: {  	_ =	swait.ge [sflag:s23], $0x3700  }
0x32: {  	[sflag:s23] =	ssyncset.done $0x0  }
0x33: {  	s16 =	rddreg [dreg:$0xc];
	[sflag:s23] =	ssyncadd.s32 $0xFFFFC900  }
0x34: {  	[spmem:s16] =	stream.linear.scatter [tilespmem:s22], [sflag:$0x4], $0x3700, $0x38;
	[tilespmem:$0x1FF10] =	vst v63  }
0x35: {  	_ =	swait.ge [sflag:s23], $0x3700  }
0x36: {  	[sflag:s23] =	ssyncset.done $0x0  }
0x37: {  	s17 =	rddreg [dreg:$0xd];
	[sflag:s23] =	ssyncadd.s32 $0xFFFFC900  }
0x38: {  	[spmem:s17] =	stream.linear.scatter [tilespmem:s22], [sflag:$0x4], $0x3700, $0x38;
	[tilespmem:$0x1FF10] =	vst v63  }
0x39: {  	_ =	swait.ge [sflag:s23], $0x3700  }
0x3a: {  	[sflag:s23] =	ssyncset.done $0x0  }
0x3b: {  	s18 =	rddreg [dreg:$0xe];
	[sflag:s23] =	ssyncadd.s32 $0xFFFFC900  }
0x3c: {  	[spmem:s18] =	stream.linear.scatter [tilespmem:s22], [sflag:$0x4], $0x3700, $0x38;
	[tilespmem:$0x1FF10] =	vst v63  }
0x3d: {  	_ =	swait.ge [sflag:s23], $0x3700  }
0x3e: {  	[sflag:s23] =	ssyncset.done $0x0  }
0x3f: {  	s16 =	rddreg [dreg:$0x3];
	[sflag:s23] =	ssyncadd.s32 $0xFFFFC900  }
0x40: {  	[spmem:s16] =	stream.linear.scatter [tilespmem:s22], [sflag:$0x4], $0x700, $0x38;
	[tilespmem:$0x1FF10] =	vst v63  }
0x41: {  	_ =	swait.ge [sflag:s23], $0x700  }
0x42: {  	[sflag:s23] =	ssyncset.done $0x0  }
0x43: {  	[sflag:s23] =	ssyncadd.s32 $0xFFFFF900  }
0x44: {  	[bflag:$0x0] =	sbarrier.arrive $0xFFFF  }
0x45: {  	s17 =	simm.s32 $0x0;
	s18 =	rddreg [dreg:$0x4]  }
0x46: {  	[tilespmem:s17], [sflag:$0x4] =	stream.strided.gather [hbm4b:s18+s24], $0x370, s26, s24, $0x38;
	[tilespmem:$0x1FF10] =	vst v63  }
0x47: {  	_ =	swait.ge [sflag:s23], $0x370  }
0x48: {  	[sflag:s23] =	ssyncset.done $0x0  }
0x49: {  	[sflag:s23] =	ssyncadd.s32 $0xFFFFFC90  }
0x4a: {  	[tilespmem:s22], [sflag:$0x1] =	stream.indirect.gather [hbm4b:s4+s28], $0x20, s17, s28, $0xb8;
	[tilespmem:$0x1FF10] =	vst v63  }
0x4b: {  	_ = 	snop  }
0x4c: {  	[tilespmem:s30], [sflag:$0x1] =	stream.indirect.gather [hbm4b:s4+s29], $0x20, s28, s29, $0xb8;
	[tilespmem:$0x1FF10] =	vst v63  }
0x4d: {  	s16 =	rddreg [dreg:$0x5]  }
0x4e: {  	[tilespmem:s31], [sflag:$0x4] =	stream.strided.gather [hbm4b:s16+s24], $0x370, s26, s24, $0x38;
	[tilespmem:$0x1FF10] =	vst v63  }
0x4f: {  	_ =	swait.ge [sflag:s23], $0x370  }
0x50: {  	[sflag:s23] =	ssyncset.done $0x0  }
0x51: {  	[sflag:s23] =	ssyncadd.s32 $0xFFFFFC90  }
0x52: {  	[tilespmem:s0], [sflag:$0x1] =	stream.indirect.gather [hbm4b:s4+s28], $0x20, s31, s28, $0xb8;
	[tilespmem:$0x1FF10] =	vst v63  }
0x53: {  	_ = 	snop  }
0x54: {  	[tilespmem:s7], [sflag:$0x1] =	stream.indirect.gather [hbm4b:s4+s29], $0x20, s1, s29, $0xb8;
	[tilespmem:$0x1FF10] =	vst v63  }
0x55: {  	_ =	swait.ge [sflag:s9], $0x1C00  }
0x56: {  	[sflag:s9] =	ssyncset.done $0x0  }
0x57: {  	[sflag:s9] =	ssyncadd.s32 $0xFFFFE400  }
0x58: {  	_ =	swait.ge [sflag:s9], $0x1B00  }
0x59: {  	[sflag:s9] =	ssyncset.done $0x0  }
0x5a: {  	[sflag:s9] =	ssyncadd.s32 $0xFFFFE500  }
0x5b: {  	[spmem:s2] =	stream.indirect.scatter.add.f32 [tilespmem:s22], [sflag:$0x2], $0x20, s24, s24, $0xb8;
	[tilespmem:$0x1FF10] =	vst v63  }
0x5c: {  	_ =	swait.ge [sflag:s9], $0x1C00  }
0x5d: {  	[sflag:s9] =	ssyncset.done $0x0  }
0x5e: {  	[sflag:s9] =	ssyncadd.s32 $0xFFFFE400  }
0x5f: {  	_ =	swait.ge [sflag:s9], $0x1B00  }
0x60: {  	[sflag:s9] =	ssyncset.done $0x0  }
0x61: {  	[sflag:s9] =	ssyncadd.s32 $0xFFFFE500  }
0x62: {  	[spmem:s2] =	stream.indirect.scatter.add.f32 [tilespmem:s0], [sflag:$0x3], $0x20, s10, s24, $0xb8;
	[tilespmem:$0x1FF10] =	vst v63  }
0x63: {  	_ =	swait.ge [sflag:s11], $0x3700  }
0x64: {  	s17 =	sshrl.u32 s20, $0x3;
	[sflag:s11] =	ssyncset.done $0x0  }
0x65: {  	s15 =	sadd.s32 s5, s17;
	[sflag:s11] =	ssyncadd.s32 $0xFFFFC900  }
0x66: {  	[tilespmem:s3], [sflag:$0x4] =	stream.strided.gather [hbm4b:s15+s24], $0x370, s26, s24, $0x38;
	[tilespmem:$0x1FF10] =	vst v63  }
0x67: {  	_ =	swait.ge [sflag:s23], $0x370  }
0x68: {  	[sflag:s23] =	ssyncset.done $0x0  }
0x69: {  	[sflag:s23] =	ssyncadd.s32 $0xFFFFFC90  }
0x6a: {  	[tilespmem:s22], [sflag:$0x1] =	stream.indirect.gather [hbm4b:s4+s28], $0x20, s3, s28, $0xb8;
	[tilespmem:$0x1FF10] =	vst v63  }
0x6b: {  	_ = 	snop  }
0x6c: {  	[tilespmem:s30], [sflag:$0x1] =	stream.indirect.gather [hbm4b:s4+s29], $0x20, s28, s29, $0xb8;
	[tilespmem:$0x1FF10] =	vst v63  }
0x6d: {  	_ =	swait.ge [sflag:s8], $0x3700  }
0x6e: {  	[sflag:s8] =	ssyncset.done $0x0  }
0x6f: {  	s18 =	sadd.s32 $0x0, s21;
	[sflag:s8] =	ssyncadd.s32 $0xFFFFC900  }
0x70: {  	[tilespmem:s31], [sflag:$0x4] =	stream.strided.gather [hbm4b:s18+s24], $0x370, s26, s24, $0x38;
	[tilespmem:$0x1FF10] =	vst v63  }
0x71: {  	_ =	swait.ge [sflag:s23], $0x370  }
0x72: {  	[sflag:s23] =	ssyncset.done $0x0  }
0x73: {  	[sflag:s23] =	ssyncadd.s32 $0xFFFFFC90  }
0x74: {  	[tilespmem:s0], [sflag:$0x1] =	stream.indirect.gather [hbm4b:s4+s28], $0x20, s31, s28, $0xb8;
	[tilespmem:$0x1FF10] =	vst v63  }
0x75: {  	_ = 	snop  }
0x76: {  	[tilespmem:s7], [sflag:$0x1] =	stream.indirect.gather [hbm4b:s4+s29], $0x20, s1, s29, $0xb8;
	[tilespmem:$0x1FF10] =	vst v63  }
0x77: {  	_ =	swait.ge [sflag:s9], $0x1C00  }
0x78: {  	[sflag:s9] =	ssyncset.done $0x0  }
0x79: {  	[sflag:s9] =	ssyncadd.s32 $0xFFFFE400  }
0x7a: {  	_ =	swait.ge [sflag:s9], $0x1B00  }
0x7b: {  	[sflag:s9] =	ssyncset.done $0x0  }
0x7c: {  	[sflag:s9] =	ssyncadd.s32 $0xFFFFE500  }
0x7d: {  	[spmem:s2] =	stream.indirect.scatter.add.f32 [tilespmem:s22], [sflag:$0x2], $0x20, s24, s24, $0xb8;
	[tilespmem:$0x1FF10] =	vst v63  }
0x7e: {  	_ =	swait.ge [sflag:s9], $0x1C00  }
0x7f: {  	[sflag:s9] =	ssyncset.done $0x0  }
0x80: {  	[sflag:s9] =	ssyncadd.s32 $0xFFFFE400  }
0x81: {  	_ =	swait.ge [sflag:s9], $0x1B00  }
0x82: {  	[sflag:s9] =	ssyncset.done $0x0  }
0x83: {  	s16 =	sadd.s32 $0x370, s20;
	s15 =	simm.s32 $0x6E;
	[sflag:s9] =	ssyncadd.s32 $0xFFFFE500  }
.LBB2_4:
0x84: {  	[spmem:s2] =	stream.indirect.scatter.add.f32 [tilespmem:s0], [sflag:$0x3], $0x20, s10, s24, $0xb8;
	[tilespmem:$0x1FF10] =	vst v63  }
0x85: {  	s17 =	smov.u32 s15  }
0x86: {  	p0 =	sne.s32 s15, $0x1734;
	s15 =	sadd.s32 $0x6E, s15;
	_ =	swait.ge [sflag:s11], $0x3700  }
0x87: {  	s18 =	sshrl.u32 s16, $0x3;
	[sflag:s11] =	ssyncset.done $0x0  }
0x88: {  	s18 =	sadd.s32 s5, s18;
	[sflag:s11] =	ssyncadd.s32 $0xFFFFC900  }
0x89: {  	[tilespmem:s3], [sflag:$0x4] =	stream.strided.gather [hbm4b:s18+s24], $0x370, s26, s24, $0x38;
	[tilespmem:$0x1FF10] =	vst v63  }
0x8a: {  	_ =	swait.ge [sflag:s23], $0x370  }
0x8b: {  	[sflag:s23] =	ssyncset.done $0x0  }
0x8c: {  	[sflag:s23] =	ssyncadd.s32 $0xFFFFFC90  }
0x8d: {  	[tilespmem:s22], [sflag:$0x1] =	stream.indirect.gather [hbm4b:s4+s28], $0x20, s3, s28, $0xb8;
	[tilespmem:$0x1FF10] =	vst v63  }
0x8e: {  	_ = 	snop  }
0x8f: {  	[tilespmem:s30], [sflag:$0x1] =	stream.indirect.gather [hbm4b:s4+s29], $0x20, s28, s29, $0xb8;
	[tilespmem:$0x1FF10] =	vst v63  }
0x90: {  	_ =	swait.ge [sflag:s8], $0x3700  }
0x91: {  	[sflag:s8] =	ssyncset.done $0x0  }
0x92: {  	s17 =	sadd.s32 s17, s21;
	[sflag:s8] =	ssyncadd.s32 $0xFFFFC900  }
0x93: {  	[tilespmem:s31], [sflag:$0x4] =	stream.strided.gather [hbm4b:s17+s24], $0x370, s26, s24, $0x38;
	[tilespmem:$0x1FF10] =	vst v63  }
0x94: {  	_ =	swait.ge [sflag:s23], $0x370  }
0x95: {  	[sflag:s23] =	ssyncset.done $0x0  }
0x96: {  	[sflag:s23] =	ssyncadd.s32 $0xFFFFFC90  }
0x97: {  	[tilespmem:s0], [sflag:$0x1] =	stream.indirect.gather [hbm4b:s4+s28], $0x20, s31, s28, $0xb8;
	[tilespmem:$0x1FF10] =	vst v63  }
0x98: {  	_ = 	snop  }
0x99: {  	[tilespmem:s7], [sflag:$0x1] =	stream.indirect.gather [hbm4b:s4+s29], $0x20, s1, s29, $0xb8;
	[tilespmem:$0x1FF10] =	vst v63  }
0x9a: {  	_ =	swait.ge [sflag:s9], $0x1C00  }
0x9b: {  	[sflag:s9] =	ssyncset.done $0x0  }
0x9c: {  	[sflag:s9] =	ssyncadd.s32 $0xFFFFE400  }
0x9d: {  	_ =	swait.ge [sflag:s9], $0x1B00  }
0x9e: {  	[sflag:s9] =	ssyncset.done $0x0  }
0x9f: {  	[sflag:s9] =	ssyncadd.s32 $0xFFFFE500  }
0xa0: {  	[spmem:s2] =	stream.indirect.scatter.add.f32 [tilespmem:s22], [sflag:$0x2], $0x20, s24, s24, $0xb8;
	[tilespmem:$0x1FF10] =	vst v63  }
0xa1: {  	_ =	swait.ge [sflag:s9], $0x1C00  }
.Ltmp1:
0xa2: {  	[sflag:s9] =	ssyncset.done $0x0;
	(pc) =	sbr.rel @p0 .LBB2_4-.Ltmp1, $4  }
0xa3: {  	[sflag:s9] =	ssyncadd.s32 $0xFFFFE400  }
0xa4: {  	_ =	swait.ge [sflag:s9], $0x1B00  }
0xa5: {  	[sflag:s9] =	ssyncset.done $0x0  }
0xa6: {  	s16 =	sadd.s32 $0x370, s16;
	[sflag:s9] =	ssyncadd.s32 $0xFFFFE500  }
0xa7: {  	[spmem:s2] =	stream.indirect.scatter.add.f32 [tilespmem:s0], [sflag:$0x3], $0x20, s10, s24, $0xb8;
	[tilespmem:$0x1FF10] =	vst v63  }
0xa8: {  	_ =	swait.ge [sflag:s11], $0x3700  }
0xa9: {  	[sflag:s11] =	ssyncset.done $0x0  }
0xaa: {  	s15 =	rddreg [dreg:$0x6];
	[sflag:s11] =	ssyncadd.s32 $0xFFFFC900  }
0xab: {  	[tilespmem:s3], [sflag:$0x4] =	stream.strided.gather [hbm4b:s15+s24], $0x370, s26, s24, $0x38;
	[tilespmem:$0x1FF10] =	vst v63  }
0xac: {  	_ =	swait.ge [sflag:s23], $0x370  }
0xad: {  	[sflag:s23] =	ssyncset.done $0x0  }
0xae: {  	[sflag:s23] =	ssyncadd.s32 $0xFFFFFC90  }
0xaf: {  	[tilespmem:s22], [sflag:$0x1] =	stream.indirect.gather [hbm4b:s4+s28], $0x20, s3, s28, $0xb8;
	[tilespmem:$0x1FF10] =	vst v63  }
0xb0: {  	_ = 	snop  }
0xb1: {  	[tilespmem:s30], [sflag:$0x1] =	stream.indirect.gather [hbm4b:s4+s29], $0x20, s28, s29, $0xb8;
	[tilespmem:$0x1FF10] =	vst v63  }
0xb2: {  	_ =	swait.ge [sflag:s8], $0x3700  }
0xb3: {  	[sflag:s8] =	ssyncset.done $0x0  }
0xb4: {  	s18 =	rddreg [dreg:$0x7];
	[sflag:s8] =	ssyncadd.s32 $0xFFFFC900  }
0xb5: {  	[tilespmem:s13], [sflag:$0x4] =	stream.strided.gather [hbm4b:s18+s12], $0x230, s26, s12, $0x38;
	[tilespmem:$0x1FF10] =	vst v63  }
0xb6: {  	_ =	swait.ge [sflag:s23], $0x230  }
0xb7: {  	[sflag:s23] =	ssyncset.done $0x0  }
0xb8: {  	[sflag:s23] =	ssyncadd.s32 $0xFFFFFDD0  }
0xb9: {  	[tilespmem:s0], [sflag:$0x1] =	stream.indirect.gather [hbm4b:s4+s12], $0x20, s13, s12, $0xb8;
	[tilespmem:$0x1FF10] =	vst v63  }
0xba: {  	_ =	swait.ge [sflag:s9], $0x1C00  }
0xbb: {  	[sflag:s9] =	ssyncset.done $0x0  }
0xbc: {  	[sflag:s9] =	ssyncadd.s32 $0xFFFFE400  }
0xbd: {  	_ =	swait.ge [sflag:s9], $0x1B00  }
0xbe: {  	[sflag:s9] =	ssyncset.done $0x0  }
0xbf: {  	[sflag:s9] =	ssyncadd.s32 $0xFFFFE500  }
0xc0: {  	[spmem:s2] =	stream.indirect.scatter.add.f32 [tilespmem:s22], [sflag:$0x2], $0x20, s24, s24, $0xb8;
	[tilespmem:$0x1FF10] =	vst v63  }
0xc1: {  	_ =	swait.ge [sflag:s9], $0x2300  }
0xc2: {  	[sflag:s9] =	ssyncset.done $0x0  }
0xc3: {  	s16 =	simm.s32 $0x7F8;
	[sflag:s9] =	ssyncadd.s32 $0xFFFFDD00  }
0xc4: {  	[spmem:s2] =	stream.indirect.scatter.add.f32 [tilespmem:s0], [sflag:$0x3], $0x20, s16, s12, $0xb8;
	[tilespmem:$0x1FF10] =	vst v63  }
0xc5: {  	_ =	swait.ge [sflag:s11], $0x3700  }
0xc6: {  	[sflag:s11] =	ssyncset.done $0x0  }
0xc7: {  	[sflag:s11] =	ssyncadd.s32 $0xFFFFC900  }
0xc8: {  	_ =	swait.ge [sflag:s8], $0x2300  }
0xc9: {  	s17 =	stileid.u32;
	[sflag:s8] =	ssyncset.done $0x0  }
0xca: {  	s15 =	sshll.u32 s17, $0x6;
	[sflag:s8] =	ssyncadd.s32 $0xFFFFDD00  }
0xcb: {  	s15 =	sor.u32 $0x1C04, s15;
	[bflag:$0x0] =	sbarrier.arrive $0xFFFF  }
0xcc: {  	[hbm:s19], [sflag:s15] =	dma.local [spmem:s25], $0x3100  }
0xcd: {  	_ =	swait.ge [sflag:s23], $0x3100  }
0xce: {  	s14 =	sadd.s32 $0x1, s14;
	s18 =	rddreg [dreg:$0x8]  }
0xcf: {  	p0 =	sne.s32 s14, s18  }
.Ltmp2:
0xd0: {  	_ = 	snop;
	(pc) =	sbr.rel @p0 .LBB2_1-.Ltmp2, $3  }
0xd1: {  	_ =	sdelay $0x1  }
0xd2: {  	[sflag:s23] =	ssyncset.done $0x0  }
0xd3: {  	[sflag:s23] =	ssyncadd.s32 $0xFFFFCF00  }
0xd4: {  	_ =	sfence.sel $0x180000  }
0xd5: {  	[bflag:$0x0] =	sbarrier.arrive $0xFFFF  }
0xd6: {  	_ =	strace $0x9000004A  }
0xd7: {  	s0 =	stileid.u32;
	[bflag:$0x2] =	sbarrier.arrive $0xFFFF  }
0xd8: {  	p0 =	sne.s32 s0, $0x0;
	s0 =	rddreg [dreg:$0x2]  }
0xd9: {  	s0 =	sadd.s32 @!p0 $0x100000, s0  }
0xda: {  	[sflag:s0] =	ssyncadd.tile.s32 @!p0 $0x1;
	_ =	shalt  }
.Lfunc_end2:
_tile_overlayer_lowered:
.L_overlay_start_2:
0xdb: {  	(tag) =	ssettag $0x2  }
0xdc: {  	s0 =	rddreg [dreg:$0x0];
	s2 =	stileid.u32  }
0xdd: {  	s1 =	rddreg [dreg:$0x1];
	p0 =	sne.s32 s2, $0x0  }
0xde: {  	s3 =	rddreg [dreg:$0x2];
	[bflag:$0x3] =	sbarrier.arrive $0xFFFF;
	s2 =	simm.s32 @!p0 $0x1C04  }
0xdf: {  	[timem:s3], [sflag:s2] =	dma.local @!p0 [hbm:s0], s1  }
0xe0: {  	s0 =	simm.s32 @!p0 $0x4  }
0xe1: {  	_ =	swait.ge @!p0 [sflag:s0], s1  }
0xe2: {  	s1 =	ssub.s32 @!p0 $0x0, s1;
	[sflag:s0] =	ssyncset.done @!p0 $0x0  }
0xe3: {  	[sflag:s0] =	ssyncadd.s32 @!p0 s1  }
0xe4: {  	[bflag:$0x3] =	sbarrier.arrive $0xFFFF  }
0xe5: {  	_ =	shalt  }

// kernel: kernel.16.cloned.1.call-start
scs
__scs_entry_jumppad:
0x0: {  	(pc) =	sbr.rel $0x88, $3  }
0x1: {  	(tag) =	ssettag $0x0;
	lr =	simm.s32 $0x1  }
0x2: {  	[smem:$0x3F9E] =	sst lr;
	_ =	strace $0xD0000000  }
0x3: {  	_ = 	snop  }
0x4: {  	_ = 	snop  }
0x5: {  	_ = 	snop  }
0x6: {  	_ = 	snop  }
0x7: {  	_ = 	snop  }
__scs_overlays_trampoline_lowered:
0x8: {  	[smem:$0x3FAD] =	sst s0  }
0x9: {  	[smem:$0x3FAE] =	sst s1  }
0xa: {  	[smem:$0x3FAF] =	sst s2  }
0xb: {  	[smem:$0x3FB0] =	sst s3  }
0xc: {  	[smem:$0x3FB1] =	sst s4  }
0xd: {  	[smem:$0x3FB2] =	sst s5  }
0xe: {  	[smem:$0x3FB3] =	sst s6  }
0xf: {  	[smem:$0x3FB4] =	sst s7  }
0x10: {  	[smem:$0x3FB5] =	sst s8  }
0x11: {  	[smem:$0x3FB6] =	sst s9;
	s0 =	simm.s32 @!p0 $0x0  }
0x12: {  	s1 =	sld [smem:$0x3F9C];
	s0 =	simm.s32 @p0 $0x1  }
0x13: {  	[smem:$0x3FB7] =	sst s0;
	s0 =	simm.s32 @!p1 $0x0  }
0x14: {  	s2 =	sld [smem:$0x3F9B];
	s0 =	simm.s32 @p1 $0x1  }
0x15: {  	[smem:$0x3FB8] =	sst s0;
	s0 =	simm.s32 @!p2 $0x0  }
0x16: {  	s3 =	sld [smem:$0x3FDB];
	s0 =	simm.s32 @p2 $0x1  }
0x17: {  	s4 =	simm.s32 $0x1BF5;
	[smem:$0x3FBA] =	sst s0  }
0x18: {  	s0 =	sld [smem:$0x3F9D];
	_ =	swait.ge [sflag:s4], $0x0  }
0x19: {  	s7 =	sld [smem:$0x3F9E]  }
0x1a: {  	s8 =	sadd.s32 $0xFFFFE003, lr  }
0x1b: {  	s9 =	sadd.s32 $0xFFFFFEF7, lr;
	s5 =	simm.s32 $0xFFFFFFFF;
	p2 =	slt.u32 s8, $0xFFFFF086  }
0x1c: {  	p1 =	slt.u32 s9, $0xF7A;
	s5 =	simm.s32 @!p2 $0x0  }
0x1d: {  	s5 =	simm.s32 @p1 $0x1;
	p0 =	seq.s32 s7, s2  }
0x1e: {  	s7 =	smul.u32 @!p0 $0xF7A, s2;
	p2 =	seq.s32 @!p0 s5, $0x0  }
0x1f: {  	s9 =	smul.u32 $0xF7A, s1;
	s8 =	simm.s32 @!p0 $0x1BF5;
	p2 =	por !p2, p0  }
0x20: {  	[sflag:s8] =	ssyncset.s32 @!p0 $0xFFFFF086;
	s6 =	sadd.s32 @!p0 s3, s7;
	s7 =	simm.s32 @!p0 $0x108  }
0x21: {  	s3 =	sadd.s32 s3, s9;
	s6 =	sadd.s32 @!p0 $0x88, s6;
	s7 =	simm.s32 @p2 $0x1082  }
0x22: {  	[simem:s7], [sflag:s8] =	dma.local @!p0 [hbm:s6], $0xF7A  }
0x23: {  	s9 =	sor.u32 $0xD0000000, s2;
	s6 =	simm.s32 $0x108;
	_ =	swait.ge @!p0 [sflag:s8], $0x0  }
0x24: {  	s3 =	sadd.s32 $0x88, s3;
	s6 =	simm.s32 @!p1 $0x1082;
	[sflag:s4] =	ssyncset.s32 $0xFFFFF086  }
0x25: {  	[simem:s6], [sflag:s4] =	dma.local [hbm:s3], $0xF7A  }
0x26: {  	[smem:$0x3F9E] =	sst s1;
	(tag) =	ssettag s2;
	_ =	strace s9  }
0x27: {  	s1 =	sld [smem:$0x3FAE]  }
0x28: {  	s2 =	sld [smem:$0x3FAF]  }
0x29: {  	s4 =	sld [smem:$0x3FB1]  }
0x2a: {  	p0 =	seq.s32 s5, $0x0;
	s5 =	sld [smem:$0x3FB2]  }
0x2b: {  	s6 =	sld [smem:$0x3FB3]  }
0x2c: {  	s7 =	sld [smem:$0x3FB4]  }
0x2d: {  	s3 =	simm.s32 $0x108;
	s8 =	sld [smem:$0x3FB5]  }
0x2e: {  	s3 =	simm.s32 @!p0 $0x1082;
	s9 =	sld [smem:$0x3FB6]  }
0x2f: {  	lr =	sadd.s32 s0, s3;
	s0 =	sld [smem:$0x3FAD]  }
0x30: {  	s3 =	sld [smem:$0x3FB0]  }
0x31: {  	[smem:$0x3FB9] =	sst s10  }
0x32: {  	s10 =	sld [smem:$0x3FB7];
	_ =	sdelay $0x3  }
0x33: {  	p0 =	seq.s32 s10, $0x1;
	s10 =	sld [smem:$0x3FB9];
	_ =	sdelay $0x3  }
0x34: {  	[smem:$0x3FB9] =	sst s10  }
0x35: {  	s10 =	sld [smem:$0x3FB8];
	_ =	sdelay $0x3  }
0x36: {  	p1 =	seq.s32 s10, $0x1;
	s10 =	sld [smem:$0x3FB9];
	_ =	sdelay $0x3  }
0x37: {  	[smem:$0x3FB9] =	sst s10  }
0x38: {  	s10 =	sld [smem:$0x3FBA]  }
0x39: {  	_ = 	snop;
	(pc) =	sbr.ind lr, $3  }
0x3a: {  	_ = 	snop  }
0x3b: {  	_ = 	snop  }
0x3c: {  	p2 =	seq.s32 s10, $0x1;
	s10 =	sld [smem:$0x3FB9]  }
0x3d: {  	_ =	shalt  }
0x3e: {  	_ =	shalt  }
0x3f: {  	_ =	shalt  }
0x40: {  	_ =	shalt  }
0x41: {  	_ =	shalt  }
0x42: {  	_ =	shalt  }
0x43: {  	_ =	shalt  }
0x44: {  	_ =	shalt  }
0x45: {  	_ =	shalt  }
0x46: {  	_ =	shalt  }
0x47: {  	_ =	shalt  }
0x48: {  	_ =	shalt  }
0x49: {  	_ =	shalt  }
0x4a: {  	_ =	shalt  }
0x4b: {  	_ =	shalt  }
0x4c: {  	_ =	shalt  }
0x4d: {  	_ =	shalt  }
0x4e: {  	_ =	shalt  }
0x4f: {  	_ =	shalt  }
0x50: {  	_ =	shalt  }
0x51: {  	_ =	shalt  }
0x52: {  	_ =	shalt  }
0x53: {  	_ =	shalt  }
0x54: {  	_ =	shalt  }
0x55: {  	_ =	shalt  }
0x56: {  	_ =	shalt  }
0x57: {  	_ =	shalt  }
0x58: {  	_ =	shalt  }
0x59: {  	_ =	shalt  }
0x5a: {  	_ =	shalt  }
0x5b: {  	_ =	shalt  }
0x5c: {  	_ =	shalt  }
0x5d: {  	_ =	shalt  }
0x5e: {  	_ =	shalt  }
0x5f: {  	_ =	shalt  }
0x60: {  	_ =	shalt  }
0x61: {  	_ =	shalt  }
0x62: {  	_ =	shalt  }
0x63: {  	_ =	shalt  }
0x64: {  	_ =	shalt  }
0x65: {  	_ =	shalt  }
0x66: {  	_ =	shalt  }
0x67: {  	_ =	shalt  }
0x68: {  	_ =	shalt  }
0x69: {  	_ =	shalt  }
0x6a: {  	_ =	shalt  }
0x6b: {  	_ =	shalt  }
0x6c: {  	_ =	shalt  }
0x6d: {  	_ =	shalt  }
0x6e: {  	_ =	shalt  }
0x6f: {  	_ =	shalt  }
0x70: {  	_ =	shalt  }
0x71: {  	_ =	shalt  }
0x72: {  	_ =	shalt  }
0x73: {  	_ =	shalt  }
0x74: {  	_ =	shalt  }
0x75: {  	_ =	shalt  }
0x76: {  	_ =	shalt  }
0x77: {  	_ =	shalt  }
0x78: {  	_ =	shalt  }
0x79: {  	_ =	shalt  }
0x7a: {  	_ =	shalt  }
0x7b: {  	_ =	shalt  }
0x7c: {  	_ =	shalt  }
0x7d: {  	_ =	shalt  }
0x7e: {  	_ =	shalt  }
0x7f: {  	_ =	shalt  }
0x80: {  	_ =	shalt  }
0x81: {  	_ =	shalt  }
0x82: {  	_ =	shalt  }
0x83: {  	_ =	shalt  }
0x84: {  	_ =	shalt  }
0x85: {  	_ =	shalt  }
0x86: {  	_ =	shalt  }
0x87: {  	_ =	shalt  }
.Lfunc_end0:
.L_simem_size_0:
called_computation.2_lowered:
.L_overlay_start_0:
0x88: {  	s2 =	sld [smem:$0x3FD9]  }
0x89: {  	s3 =	sld [smem:$0x3FFE];
	_ =	sdelay $0x1  }
0x8a: {  	s1 =	srdreg.scid  }
0x8b: {  	s0 =	sand.u32 $0x1, s1  }
0x8c: {  	s16 =	sshll.u32 s0, $0xA;
	s2 =	sadd.s32 s3, s2  }
0x8d: {  	s2 =	sadd.s32 s2, s16  }
0x8e: {  	[smem:$0x3FC5] =	sst s2  }
0x8f: {  	_ = 	snop  }
0x90: {  	(tm) =	ssettm $0x1  }
0x91: {  	s17 =	sld [smem:$0x3FFB];
	_ =	sdelay $0x3  }
0x92: {  	_ =	strace s17  }
0x93: {  	s2 =	sld [smem:$0x3FFC];
	_ =	sdelay $0x3  }
0x94: {  	_ =	strace s2  }
0x95: {  	s2 =	sld [smem:$0x3FFD];
	_ =	sdelay $0x3  }
0x96: {  	_ =	strace s2  }
0x97: {  	_ =	strace $0x8FFFFFFF  }
0x98: {  	s18 =	sld [smem:$0x3FDB];
	_ =	sdelay $0x1  }
0x99: {  	s19 =	simm.s32 $_scs_section_size  }
0x9a: {  	s4 =	simm.s32 $_size__tile_overlayer_lowered;
	s5 =	simm.s32 $_tile_overlayer_lowered  }
0x9b: {  	s22 =	simm.s32 $0x1BFF;
	s21 =	sshll.u32 s5, $0x1;
	s2 =	sadd.s32 s19, s18  }
0x9c: {  	s6 =	simm.s32 $0x0;
	s20 =	sshll.u32 s4, $0x1;
	s4 =	sadd.s32 s21, s2  }
0x9d: {  	[timem:s6], [sflag:s22] =	dma.local [hbm:s4], s20  }
0x9e: {  	_ =	swait.ge [sflag:s22], s20  }
0x9f: {  	s3 =	ssub.s32 $0x0, s20;
	[sflag:s22] =	ssyncset.done $0x0  }
0xa0: {  	[sflag:s22] =	ssyncadd.s32 s3;
	_ =	sdelay $0x1  }
0xa1: {  	s23 =	simm.s32 $0x1B8B  }
0xa2: {  	_ =	swait.ge [sflag:s23], $0x1  }
0xa3: {  	[sflag:s23] =	ssyncset.done $0x0  }
0xa4: {  	s25 =	simm.s32 $0x1B8E;
	s24 =	sld [smem:$0x3FFE];
	[sflag:s23] =	ssyncadd.s32 $0xFFFFFFFF  }
0xa5: {  	s26 =	simm.s32 $execute0_lowered;
	[smem:$0x3FD2] =	sst s25  }
0xa6: {  	s4 =	sshll.u32 s26, $0x1;
	_ =	strace $0x8000004C;
	[dreg:$0x1] =	wrdreg $0xFFFFFFFF  }
0xa7: {  	s28 =	simm.s32 $_size_execute0_lowered;
	s2 =	sadd.s32 s2, s4;
	[dreg:$0x0] =	wrdreg $0x0  }
0xa8: {  	s4 =	sshll.u32 s28, $0x1;
	[dreg:$0x2] =	wrdreg s2  }
0xa9: {  	[dreg:$0x3] =	wrdreg s4  }
0xaa: {  	[dreg:$0x4] =	wrdreg $0xC0  }
0xab: {  	_ =	task [dreg:s6], $0x5FFFF  }
0xac: {  	[dreg:$0x1] =	wrdreg $0xFFFFFFFF  }
0xad: {  	[dreg:$0x0] =	wrdreg $0x60  }
0xae: {  	[dreg:$0x2] =	wrdreg s24  }
0xaf: {  	[dreg:$0x3] =	wrdreg $0x77100  }
0xb0: {  	[dreg:$0x4] =	wrdreg $0x9  }
0xb1: {  	_ =	task.clear_ibuf [dreg:s6], $0x5FFFF;
	_ =	strace $0x9000004C  }
0xb2: {  	s29 =	simm.s32 $0x9;
	_ =	strace $0x8000004E  }
0xb3: {  	_ =	swait.ge [sflag:s29], $0x1  }
0xb4: {  	[sflag:s29] =	ssyncadd.s32 $0xFFFFFFFF  }
0xb5: {  	_ =	strace $0x9000004E  }
0xb6: {  	_ =	sfence  }
0xb7: {  	s30 =	sld [smem:$0x0];
	_ =	sdelay $0x2  }
0xb8: {  	s31 =	sshll.u32 s1, $0xD;
	s1 =	sshrl.u32 s1, $0x2  }
0xb9: {  	s3 =	sand.u32 $0x4000, s31;
	s1 =	sadd.s32 s1, s30  }
0xba: {  	s0 =	sor.u32 s3, s0;
	s1 =	sshll.u32 s1, $0x11  }
0xbb: {  	s0 =	sor.u32 s1, s0  }
0xbc: {  	s0 =	sadd.s32 $0x8F2B, s0  }
0xbd: {  	[sflag:s0] =	ssyncadd.remote.s32 $0x1  }
0xbe: {  	_ =	sfence.sel $0xFFFF  }
0xbf: {  	[dreg:$0x0] =	wrdreg $0xFFFFFFFF;
	(pc) =	sbr.abs _section_cstart, $3  }
0xc0: {  	[dreg:$0x1] =	wrdreg $0xFFFFFFFF  }
0xc1: {  	_ =	task.clear_ibuf [dreg:s6], $0x2FFFF;
	_ =	strace $0x9FFFFFFF  }
0xc2: {  	(tm) =	ssettm $0x7FFFFFFF  }
0xc3: {  	_ =	shalt  }
tec
execute0_lowered:
.L_overlay_start_1:
0x0: {  	(tag) =	ssettag $0x1  }
0x1: {  	s0 =	rddreg [dreg:$0x0]  }
0x2: {  	s2 =	rddreg [dreg:$0x1];
	s3 =	simm.s32 $0x0;
	s1 =	srdreg.scid  }
0x3: {  	s11 =	stileid.u32;
	s28 =	simm.s32 $0xE0;
	s29 =	simm.s32 $0xD8  }
0x4: {  	s30 =	simm.s32 $0x2510;
	s31 =	simm.s32 $0x370;
	s6 =	smul.u32 $0x62000, s11  }
0x5: {  	[smem:$0x7FF] =	sst s3;
	s1 =	sand.u32 $0x1, s1;
	s14 =	smul.u32 $0x18800, s11  }
0x6: {  	s4 =	sshll.u32 s11, $0x1;
	s18 =	smul.u32 $0x186A0, s11;
	s11 =	simm.s32 $0x2  }
0x7: {  	_ =	strace $0x8000004D;
	s5 =	sor.u32 s1, s4;
	s4 =	sadd.s32 $0x65E00, s0  }
0x8: {  	s7 =	ssub.s32 $0x2, s1;
	p0 =	seq.s32 s1, $0x1;
	s1 =	smul.u32 $0xC350, s1  }
0x9: {  	s8 =	smul.u32 $0xC350, s5;
	s5 =	sadd.s32 $0x4200, s0;
	s9 =	sshrl.u32 s7, $0x1  }
0xa: {  	s6 =	sshrl.u32 s6, $0x2;
	s16 =	sshrl.u32 s14, $0x3;
	s17 =	sadd.s32 s14, s2  }
0xb: {  	s14 =	simm.s32 $0x0;
	s7 =	ssub.s32 s7, s9;
	s6 =	sadd.s32 s6, s2  }
0xc: {  	s1 =	sadd.s32 s1, s18;
	s12 =	sshrl.u32 s8, $0x3;
	s10 =	sadd.s32 $0x18100, s6  }
0xd: {  	s13 =	sadd.s32 $0x1B8, s8;
	s7 =	smax.u32 s7, $0x1;
	[dreg:$0x3] =	wrdreg s10  }
0xe: {  	s8 =	sadd.s32 $0xC238, s8;
	s19 =	sadd.s32 $0x3700, s6;
	[dreg:$0x8] =	wrdreg s7  }
0xf: {  	s20 =	sadd.s32 $0x6E00, s6;
	s21 =	sadd.s32 $0xA500, s6;
	[dreg:$0x9] =	wrdreg s19  }
0x10: {  	s22 =	sadd.s32 $0xDC00, s6;
	s23 =	sadd.s32 $0x11300, s6;
	[dreg:$0xa] =	wrdreg s20  }
0x11: {  	s24 =	sadd.s32 $0x14A00, s6;
	s25 =	sadd.s32 $0x528, s1;
	[dreg:$0xb] =	wrdreg s21  }
0x12: {  	s12 =	sadd.s32 s5, s12;
	s9 =	sshrl.u32 s13, $0x3;
	[dreg:$0xc] =	wrdreg s22  }
0x13: {  	s8 =	sshrl.u32 s8, $0x3;
	s10 =	simm.s32 $0x15AE00;
	[dreg:$0xd] =	wrdreg s23  }
0x14: {  	[dreg:$0xe] =	wrdreg s24;
	s20 =	sadd.s32 $0x370, s1;
	s26 =	sshrl.u32 s25, $0x3  }
0x15: {  	s22 =	simm.s32 $0x910;
	s23 =	simm.s32 $0x4;
	s24 =	simm.s32 $0x1B8  }
0x16: {  	s25 =	sshrl.u32 s17, $0x3;
	s1 =	simm.s32 $0x450;
	s7 =	simm.s32 $0x5C10  }
0x17: {  	s13 =	simm.s32 $0x6E0;
	s9 =	sadd.s32 s5, s9;
	[dreg:$0x4] =	wrdreg s12  }
0x18: {  	s15 =	sadd.s32 $0x1810, s12;
	s8 =	sadd.s32 s5, s8;
	[dreg:$0x5] =	wrdreg s9  }
0x19: {  	s10 =	simm.s32 @!p0 $0x129E00;
	s21 =	sadd.s32 s26, s5;
	[dreg:$0x6] =	wrdreg s15  }
0x1a: {  	s26 =	simm.s32 $0x186A00;
	s12 =	simm.s32 $0x118;
	[dreg:$0x7] =	wrdreg s8  }
0x1b: {  	s0 =	sadd.s32 s10, s0;
	s9 =	simm.s32 $0x1;
	s10 =	simm.s32 $0x528  }
0x1c: {  	v0 =	vimm.f32 $0.0e+00;
	s8 =	simm.s32 $0x3;
	s19 =	sadd.s32 s0, s16;
	s0 =	simm.s32 $0x4010  }
.LBB2_1:
0x1d: {  	s15 =	simm.s32 $0x80;
	s16 =	simm.s32 $0x0  }
.LBB2_2:
0x1e: {  	p0 =	sne.s32 s15, $0xDB80;
	[tilespmem:s16+$0x910] =	vst v0;
	s17 =	smov.u32 s15;
	s15 =	sadd.s32 $0x80, s15  }
.Ltmp0:
0x1f: {  	[tilespmem:s16+$0x920] =	vst v0;
	(pc) =	sbr.rel @p0 .LBB2_2-.Ltmp0, $2  }
0x20: {  	_ =	sdelay $0x2  }
0x21: {  	s16 =	sshra.s32 s17, $0x2  }
0x22: {  	[tilespmem:s16+$0x910] =	vst v0  }
0x23: {  	[tilespmem:s16+$0x920] =	vst v0  }
0x24: {  	[spmem:s6] =	stream.linear.scatter [tilespmem:s22], [sflag:$0x4], $0x3700, $0x38;
	[tilespmem:$0x1FF10] =	vst v63  }
0x25: {  	_ =	swait.ge [sflag:s23], $0x3700  }
0x26: {  	[sflag:s23] =	ssyncset.done $0x0  }
0x27: {  	s15 =	rddreg [dreg:$0x9];
	[sflag:s23] =	ssyncadd.s32 $0xFFFFC900  }
0x28: {  	[spmem:s15] =	stream.linear.scatter [tilespmem:s22], [sflag:$0x4], $0x3700, $0x38;
	[tilespmem:$0x1FF10] =	vst v63  }
0x29: {  	_ =	swait.ge [sflag:s23], $0x3700  }
0x2a: {  	[sflag:s23] =	ssyncset.done $0x0  }
0x2b: {  	s17 =	rddreg [dreg:$0xa];
	[sflag:s23] =	ssyncadd.s32 $0xFFFFC900  }
0x2c: {  	[spmem:s17] =	stream.linear.scatter [tilespmem:s22], [sflag:$0x4], $0x3700, $0x38;
	[tilespmem:$0x1FF10] =	vst v63  }
0x2d: {  	_ =	swait.ge [sflag:s23], $0x3700  }
0x2e: {  	[sflag:s23] =	ssyncset.done $0x0  }
0x2f: {  	s18 =	rddreg [dreg:$0xb];
	[sflag:s23] =	ssyncadd.s32 $0xFFFFC900  }
0x30: {  	[spmem:s18] =	stream.linear.scatter [tilespmem:s22], [sflag:$0x4], $0x3700, $0x38;
	[tilespmem:$0x1FF10] =	vst v63  }
0x31: {  	_ =	swait.ge [sflag:s23], $0x3700  }
0x32: {  	[sflag:s23] =	ssyncset.done $0x0  }
0x33: {  	s16 =	rddreg [dreg:$0xc];
	[sflag:s23] =	ssyncadd.s32 $0xFFFFC900  }
0x34: {  	[spmem:s16] =	stream.linear.scatter [tilespmem:s22], [sflag:$0x4], $0x3700, $0x38;
	[tilespmem:$0x1FF10] =	vst v63  }
0x35: {  	_ =	swait.ge [sflag:s23], $0x3700  }
0x36: {  	[sflag:s23] =	ssyncset.done $0x0  }
0x37: {  	s17 =	rddreg [dreg:$0xd];
	[sflag:s23] =	ssyncadd.s32 $0xFFFFC900  }
0x38: {  	[spmem:s17] =	stream.linear.scatter [tilespmem:s22], [sflag:$0x4], $0x3700, $0x38;
	[tilespmem:$0x1FF10] =	vst v63  }
0x39: {  	_ =	swait.ge [sflag:s23], $0x3700  }
0x3a: {  	[sflag:s23] =	ssyncset.done $0x0  }
0x3b: {  	s18 =	rddreg [dreg:$0xe];
	[sflag:s23] =	ssyncadd.s32 $0xFFFFC900  }
0x3c: {  	[spmem:s18] =	stream.linear.scatter [tilespmem:s22], [sflag:$0x4], $0x3700, $0x38;
	[tilespmem:$0x1FF10] =	vst v63  }
0x3d: {  	_ =	swait.ge [sflag:s23], $0x3700  }
0x3e: {  	[sflag:s23] =	ssyncset.done $0x0  }
0x3f: {  	s16 =	rddreg [dreg:$0x3];
	[sflag:s23] =	ssyncadd.s32 $0xFFFFC900  }
0x40: {  	[spmem:s16] =	stream.linear.scatter [tilespmem:s22], [sflag:$0x4], $0x700, $0x38;
	[tilespmem:$0x1FF10] =	vst v63  }
0x41: {  	_ =	swait.ge [sflag:s23], $0x700  }
0x42: {  	[sflag:s23] =	ssyncset.done $0x0  }
0x43: {  	[sflag:s23] =	ssyncadd.s32 $0xFFFFF900  }
0x44: {  	[bflag:$0x0] =	sbarrier.arrive $0xFFFF  }
0x45: {  	s17 =	simm.s32 $0x0;
	s18 =	rddreg [dreg:$0x4]  }
0x46: {  	[tilespmem:s17], [sflag:$0x4] =	stream.strided.gather [hbm4b:s18+s24], $0x370, s26, s24, $0x38;
	[tilespmem:$0x1FF10] =	vst v63  }
0x47: {  	_ =	swait.ge [sflag:s23], $0x370  }
0x48: {  	[sflag:s23] =	ssyncset.done $0x0  }
0x49: {  	[sflag:s23] =	ssyncadd.s32 $0xFFFFFC90  }
0x4a: {  	[tilespmem:s22], [sflag:$0x1] =	stream.indirect.gather [hbm4b:s4+s28], $0x20, s17, s28, $0xb8;
	[tilespmem:$0x1FF10] =	vst v63  }
0x4b: {  	_ = 	snop  }
0x4c: {  	[tilespmem:s30], [sflag:$0x1] =	stream.indirect.gather [hbm4b:s4+s29], $0x20, s28, s29, $0xb8;
	[tilespmem:$0x1FF10] =	vst v63  }
0x4d: {  	s16 =	rddreg [dreg:$0x5]  }
0x4e: {  	[tilespmem:s31], [sflag:$0x4] =	stream.strided.gather [hbm4b:s16+s24], $0x370, s26, s24, $0x38;
	[tilespmem:$0x1FF10] =	vst v63  }
0x4f: {  	_ =	swait.ge [sflag:s23], $0x370  }
0x50: {  	[sflag:s23] =	ssyncset.done $0x0  }
0x51: {  	[sflag:s23] =	ssyncadd.s32 $0xFFFFFC90  }
0x52: {  	[tilespmem:s0], [sflag:$0x1] =	stream.indirect.gather [hbm4b:s4+s28], $0x20, s31, s28, $0xb8;
	[tilespmem:$0x1FF10] =	vst v63  }
0x53: {  	_ = 	snop  }
0x54: {  	[tilespmem:s7], [sflag:$0x1] =	stream.indirect.gather [hbm4b:s4+s29], $0x20, s1, s29, $0xb8;
	[tilespmem:$0x1FF10] =	vst v63  }
0x55: {  	_ =	swait.ge [sflag:s9], $0x1C00  }
0x56: {  	[sflag:s9] =	ssyncset.done $0x0  }
0x57: {  	[sflag:s9] =	ssyncadd.s32 $0xFFFFE400  }
0x58: {  	_ =	swait.ge [sflag:s9], $0x1B00  }
0x59: {  	[sflag:s9] =	ssyncset.done $0x0  }
0x5a: {  	[sflag:s9] =	ssyncadd.s32 $0xFFFFE500  }
0x5b: {  	[spmem:s2] =	stream.indirect.scatter.add.f32 [tilespmem:s22], [sflag:$0x2], $0x20, s24, s24, $0xb8;
	[tilespmem:$0x1FF10] =	vst v63  }
0x5c: {  	_ =	swait.ge [sflag:s9], $0x1C00  }
0x5d: {  	[sflag:s9] =	ssyncset.done $0x0  }
0x5e: {  	[sflag:s9] =	ssyncadd.s32 $0xFFFFE400  }
0x5f: {  	_ =	swait.ge [sflag:s9], $0x1B00  }
0x60: {  	[sflag:s9] =	ssyncset.done $0x0  }
0x61: {  	[sflag:s9] =	ssyncadd.s32 $0xFFFFE500  }
0x62: {  	[spmem:s2] =	stream.indirect.scatter.add.f32 [tilespmem:s0], [sflag:$0x3], $0x20, s10, s24, $0xb8;
	[tilespmem:$0x1FF10] =	vst v63  }
0x63: {  	_ =	swait.ge [sflag:s11], $0x3700  }
0x64: {  	s17 =	sshrl.u32 s20, $0x3;
	[sflag:s11] =	ssyncset.done $0x0  }
0x65: {  	s15 =	sadd.s32 s5, s17;
	[sflag:s11] =	ssyncadd.s32 $0xFFFFC900  }
0x66: {  	[tilespmem:s3], [sflag:$0x4] =	stream.strided.gather [hbm4b:s15+s24], $0x370, s26, s24, $0x38;
	[tilespmem:$0x1FF10] =	vst v63  }
0x67: {  	_ =	swait.ge [sflag:s23], $0x370  }
0x68: {  	[sflag:s23] =	ssyncset.done $0x0  }
0x69: {  	[sflag:s23] =	ssyncadd.s32 $0xFFFFFC90  }
0x6a: {  	[tilespmem:s22], [sflag:$0x1] =	stream.indirect.gather [hbm4b:s4+s28], $0x20, s3, s28, $0xb8;
	[tilespmem:$0x1FF10] =	vst v63  }
0x6b: {  	_ = 	snop  }
0x6c: {  	[tilespmem:s30], [sflag:$0x1] =	stream.indirect.gather [hbm4b:s4+s29], $0x20, s28, s29, $0xb8;
	[tilespmem:$0x1FF10] =	vst v63  }
0x6d: {  	_ =	swait.ge [sflag:s8], $0x3700  }
0x6e: {  	[sflag:s8] =	ssyncset.done $0x0  }
0x6f: {  	s18 =	sadd.s32 $0x0, s21;
	[sflag:s8] =	ssyncadd.s32 $0xFFFFC900  }
0x70: {  	[tilespmem:s31], [sflag:$0x4] =	stream.strided.gather [hbm4b:s18+s24], $0x370, s26, s24, $0x38;
	[tilespmem:$0x1FF10] =	vst v63  }
0x71: {  	_ =	swait.ge [sflag:s23], $0x370  }
0x72: {  	[sflag:s23] =	ssyncset.done $0x0  }
0x73: {  	[sflag:s23] =	ssyncadd.s32 $0xFFFFFC90  }
0x74: {  	[tilespmem:s0], [sflag:$0x1] =	stream.indirect.gather [hbm4b:s4+s28], $0x20, s31, s28, $0xb8;
	[tilespmem:$0x1FF10] =	vst v63  }
0x75: {  	_ = 	snop  }
0x76: {  	[tilespmem:s7], [sflag:$0x1] =	stream.indirect.gather [hbm4b:s4+s29], $0x20, s1, s29, $0xb8;
	[tilespmem:$0x1FF10] =	vst v63  }
0x77: {  	_ =	swait.ge [sflag:s9], $0x1C00  }
0x78: {  	[sflag:s9] =	ssyncset.done $0x0  }
0x79: {  	[sflag:s9] =	ssyncadd.s32 $0xFFFFE400  }
0x7a: {  	_ =	swait.ge [sflag:s9], $0x1B00  }
0x7b: {  	[sflag:s9] =	ssyncset.done $0x0  }
0x7c: {  	[sflag:s9] =	ssyncadd.s32 $0xFFFFE500  }
0x7d: {  	[spmem:s2] =	stream.indirect.scatter.add.f32 [tilespmem:s22], [sflag:$0x2], $0x20, s24, s24, $0xb8;
	[tilespmem:$0x1FF10] =	vst v63  }
0x7e: {  	_ =	swait.ge [sflag:s9], $0x1C00  }
0x7f: {  	[sflag:s9] =	ssyncset.done $0x0  }
0x80: {  	[sflag:s9] =	ssyncadd.s32 $0xFFFFE400  }
0x81: {  	_ =	swait.ge [sflag:s9], $0x1B00  }
0x82: {  	[sflag:s9] =	ssyncset.done $0x0  }
0x83: {  	s16 =	sadd.s32 $0x370, s20;
	s15 =	simm.s32 $0x6E;
	[sflag:s9] =	ssyncadd.s32 $0xFFFFE500  }
.LBB2_4:
0x84: {  	[spmem:s2] =	stream.indirect.scatter.add.f32 [tilespmem:s0], [sflag:$0x3], $0x20, s10, s24, $0xb8;
	[tilespmem:$0x1FF10] =	vst v63  }
0x85: {  	s17 =	smov.u32 s15  }
0x86: {  	p0 =	sne.s32 s15, $0x1734;
	s15 =	sadd.s32 $0x6E, s15;
	_ =	swait.ge [sflag:s11], $0x3700  }
0x87: {  	s18 =	sshrl.u32 s16, $0x3;
	[sflag:s11] =	ssyncset.done $0x0  }
0x88: {  	s18 =	sadd.s32 s5, s18;
	[sflag:s11] =	ssyncadd.s32 $0xFFFFC900  }
0x89: {  	[tilespmem:s3], [sflag:$0x4] =	stream.strided.gather [hbm4b:s18+s24], $0x370, s26, s24, $0x38;
	[tilespmem:$0x1FF10] =	vst v63  }
0x8a: {  	_ =	swait.ge [sflag:s23], $0x370  }
0x8b: {  	[sflag:s23] =	ssyncset.done $0x0  }
0x8c: {  	[sflag:s23] =	ssyncadd.s32 $0xFFFFFC90  }
0x8d: {  	[tilespmem:s22], [sflag:$0x1] =	stream.indirect.gather [hbm4b:s4+s28], $0x20, s3, s28, $0xb8;
	[tilespmem:$0x1FF10] =	vst v63  }
0x8e: {  	_ = 	snop  }
0x8f: {  	[tilespmem:s30], [sflag:$0x1] =	stream.indirect.gather [hbm4b:s4+s29], $0x20, s28, s29, $0xb8;
	[tilespmem:$0x1FF10] =	vst v63  }
0x90: {  	_ =	swait.ge [sflag:s8], $0x3700  }
0x91: {  	[sflag:s8] =	ssyncset.done $0x0  }
0x92: {  	s17 =	sadd.s32 s17, s21;
	[sflag:s8] =	ssyncadd.s32 $0xFFFFC900  }
0x93: {  	[tilespmem:s31], [sflag:$0x4] =	stream.strided.gather [hbm4b:s17+s24], $0x370, s26, s24, $0x38;
	[tilespmem:$0x1FF10] =	vst v63  }
0x94: {  	_ =	swait.ge [sflag:s23], $0x370  }
0x95: {  	[sflag:s23] =	ssyncset.done $0x0  }
0x96: {  	[sflag:s23] =	ssyncadd.s32 $0xFFFFFC90  }
0x97: {  	[tilespmem:s0], [sflag:$0x1] =	stream.indirect.gather [hbm4b:s4+s28], $0x20, s31, s28, $0xb8;
	[tilespmem:$0x1FF10] =	vst v63  }
0x98: {  	_ = 	snop  }
0x99: {  	[tilespmem:s7], [sflag:$0x1] =	stream.indirect.gather [hbm4b:s4+s29], $0x20, s1, s29, $0xb8;
	[tilespmem:$0x1FF10] =	vst v63  }
0x9a: {  	_ =	swait.ge [sflag:s9], $0x1C00  }
0x9b: {  	[sflag:s9] =	ssyncset.done $0x0  }
0x9c: {  	[sflag:s9] =	ssyncadd.s32 $0xFFFFE400  }
0x9d: {  	_ =	swait.ge [sflag:s9], $0x1B00  }
0x9e: {  	[sflag:s9] =	ssyncset.done $0x0  }
0x9f: {  	[sflag:s9] =	ssyncadd.s32 $0xFFFFE500  }
0xa0: {  	[spmem:s2] =	stream.indirect.scatter.add.f32 [tilespmem:s22], [sflag:$0x2], $0x20, s24, s24, $0xb8;
	[tilespmem:$0x1FF10] =	vst v63  }
0xa1: {  	_ =	swait.ge [sflag:s9], $0x1C00  }
.Ltmp1:
0xa2: {  	[sflag:s9] =	ssyncset.done $0x0;
	(pc) =	sbr.rel @p0 .LBB2_4-.Ltmp1, $4  }
0xa3: {  	[sflag:s9] =	ssyncadd.s32 $0xFFFFE400  }
0xa4: {  	_ =	swait.ge [sflag:s9], $0x1B00  }
0xa5: {  	[sflag:s9] =	ssyncset.done $0x0  }
0xa6: {  	s16 =	sadd.s32 $0x370, s16;
	[sflag:s9] =	ssyncadd.s32 $0xFFFFE500  }
0xa7: {  	[spmem:s2] =	stream.indirect.scatter.add.f32 [tilespmem:s0], [sflag:$0x3], $0x20, s10, s24, $0xb8;
	[tilespmem:$0x1FF10] =	vst v63  }
0xa8: {  	_ =	swait.ge [sflag:s11], $0x3700  }
0xa9: {  	[sflag:s11] =	ssyncset.done $0x0  }
0xaa: {  	s15 =	rddreg [dreg:$0x6];
	[sflag:s11] =	ssyncadd.s32 $0xFFFFC900  }
0xab: {  	[tilespmem:s3], [sflag:$0x4] =	stream.strided.gather [hbm4b:s15+s24], $0x370, s26, s24, $0x38;
	[tilespmem:$0x1FF10] =	vst v63  }
0xac: {  	_ =	swait.ge [sflag:s23], $0x370  }
0xad: {  	[sflag:s23] =	ssyncset.done $0x0  }
0xae: {  	[sflag:s23] =	ssyncadd.s32 $0xFFFFFC90  }
0xaf: {  	[tilespmem:s22], [sflag:$0x1] =	stream.indirect.gather [hbm4b:s4+s28], $0x20, s3, s28, $0xb8;
	[tilespmem:$0x1FF10] =	vst v63  }
0xb0: {  	_ = 	snop  }
0xb1: {  	[tilespmem:s30], [sflag:$0x1] =	stream.indirect.gather [hbm4b:s4+s29], $0x20, s28, s29, $0xb8;
	[tilespmem:$0x1FF10] =	vst v63  }
0xb2: {  	_ =	swait.ge [sflag:s8], $0x3700  }
0xb3: {  	[sflag:s8] =	ssyncset.done $0x0  }
0xb4: {  	s18 =	rddreg [dreg:$0x7];
	[sflag:s8] =	ssyncadd.s32 $0xFFFFC900  }
0xb5: {  	[tilespmem:s13], [sflag:$0x4] =	stream.strided.gather [hbm4b:s18+s12], $0x230, s26, s12, $0x38;
	[tilespmem:$0x1FF10] =	vst v63  }
0xb6: {  	_ =	swait.ge [sflag:s23], $0x230  }
0xb7: {  	[sflag:s23] =	ssyncset.done $0x0  }
0xb8: {  	[sflag:s23] =	ssyncadd.s32 $0xFFFFFDD0  }
0xb9: {  	[tilespmem:s0], [sflag:$0x1] =	stream.indirect.gather [hbm4b:s4+s12], $0x20, s13, s12, $0xb8;
	[tilespmem:$0x1FF10] =	vst v63  }
0xba: {  	_ =	swait.ge [sflag:s9], $0x1C00  }
0xbb: {  	[sflag:s9] =	ssyncset.done $0x0  }
0xbc: {  	[sflag:s9] =	ssyncadd.s32 $0xFFFFE400  }
0xbd: {  	_ =	swait.ge [sflag:s9], $0x1B00  }
0xbe: {  	[sflag:s9] =	ssyncset.done $0x0  }
0xbf: {  	[sflag:s9] =	ssyncadd.s32 $0xFFFFE500  }
0xc0: {  	[spmem:s2] =	stream.indirect.scatter.add.f32 [tilespmem:s22], [sflag:$0x2], $0x20, s24, s24, $0xb8;
	[tilespmem:$0x1FF10] =	vst v63  }
0xc1: {  	_ =	swait.ge [sflag:s9], $0x2300  }
0xc2: {  	[sflag:s9] =	ssyncset.done $0x0  }
0xc3: {  	s16 =	simm.s32 $0x7F8;
	[sflag:s9] =	ssyncadd.s32 $0xFFFFDD00  }
0xc4: {  	[spmem:s2] =	stream.indirect.scatter.add.f32 [tilespmem:s0], [sflag:$0x3], $0x20, s16, s12, $0xb8;
	[tilespmem:$0x1FF10] =	vst v63  }
0xc5: {  	_ =	swait.ge [sflag:s11], $0x3700  }
0xc6: {  	[sflag:s11] =	ssyncset.done $0x0  }
0xc7: {  	[sflag:s11] =	ssyncadd.s32 $0xFFFFC900  }
0xc8: {  	_ =	swait.ge [sflag:s8], $0x2300  }
0xc9: {  	s17 =	stileid.u32;
	[sflag:s8] =	ssyncset.done $0x0  }
0xca: {  	s15 =	sshll.u32 s17, $0x6;
	[sflag:s8] =	ssyncadd.s32 $0xFFFFDD00  }
0xcb: {  	s15 =	sor.u32 $0x1C04, s15;
	[bflag:$0x0] =	sbarrier.arrive $0xFFFF  }
0xcc: {  	[hbm:s19], [sflag:s15] =	dma.local [spmem:s25], $0x3100  }
0xcd: {  	_ =	swait.ge [sflag:s23], $0x3100  }
0xce: {  	s14 =	sadd.s32 $0x1, s14;
	s18 =	rddreg [dreg:$0x8]  }
0xcf: {  	p0 =	sne.s32 s14, s18  }
.Ltmp2:
0xd0: {  	_ = 	snop;
	(pc) =	sbr.rel @p0 .LBB2_1-.Ltmp2, $3  }
0xd1: {  	_ =	sdelay $0x1  }
0xd2: {  	[sflag:s23] =	ssyncset.done $0x0  }
0xd3: {  	[sflag:s23] =	ssyncadd.s32 $0xFFFFCF00  }
0xd4: {  	_ =	sfence.sel $0x180000  }
0xd5: {  	[bflag:$0x0] =	sbarrier.arrive $0xFFFF  }
0xd6: {  	_ =	strace $0x9000004D  }
0xd7: {  	s0 =	stileid.u32;
	[bflag:$0x2] =	sbarrier.arrive $0xFFFF  }
0xd8: {  	p0 =	sne.s32 s0, $0x0;
	s0 =	rddreg [dreg:$0x2]  }
0xd9: {  	s0 =	sadd.s32 @!p0 $0x100000, s0  }
0xda: {  	[sflag:s0] =	ssyncadd.tile.s32 @!p0 $0x1;
	_ =	shalt  }
.Lfunc_end2:
_tile_overlayer_lowered:
.L_overlay_start_2:
0xdb: {  	(tag) =	ssettag $0x2  }
0xdc: {  	s0 =	rddreg [dreg:$0x0];
	s2 =	stileid.u32  }
0xdd: {  	s1 =	rddreg [dreg:$0x1];
	p0 =	sne.s32 s2, $0x0  }
0xde: {  	s3 =	rddreg [dreg:$0x2];
	[bflag:$0x3] =	sbarrier.arrive $0xFFFF;
	s2 =	simm.s32 @!p0 $0x1C04  }
0xdf: {  	[timem:s3], [sflag:s2] =	dma.local @!p0 [hbm:s0], s1  }
0xe0: {  	s0 =	simm.s32 @!p0 $0x4  }
0xe1: {  	_ =	swait.ge @!p0 [sflag:s0], s1  }
0xe2: {  	s1 =	ssub.s32 @!p0 $0x0, s1;
	[sflag:s0] =	ssyncset.done @!p0 $0x0  }
0xe3: {  	[sflag:s0] =	ssyncadd.s32 @!p0 s1  }
0xe4: {  	[bflag:$0x3] =	sbarrier.arrive $0xFFFF  }
0xe5: {  	_ =	shalt  }

// kernel: kernel.19.cloned.1.call-start
scs
__scs_entry_jumppad:
0x0: {  	(pc) =	sbr.rel $0x88, $3  }
0x1: {  	(tag) =	ssettag $0x0;
	lr =	simm.s32 $0x1  }
0x2: {  	[smem:$0x3F9E] =	sst lr;
	_ =	strace $0xD0000000  }
0x3: {  	_ = 	snop  }
0x4: {  	_ = 	snop  }
0x5: {  	_ = 	snop  }
0x6: {  	_ = 	snop  }
0x7: {  	_ = 	snop  }
__scs_overlays_trampoline_lowered:
0x8: {  	[smem:$0x3FAD] =	sst s0  }
0x9: {  	[smem:$0x3FAE] =	sst s1  }
0xa: {  	[smem:$0x3FAF] =	sst s2  }
0xb: {  	[smem:$0x3FB0] =	sst s3  }
0xc: {  	[smem:$0x3FB1] =	sst s4  }
0xd: {  	[smem:$0x3FB2] =	sst s5  }
0xe: {  	[smem:$0x3FB3] =	sst s6  }
0xf: {  	[smem:$0x3FB4] =	sst s7  }
0x10: {  	[smem:$0x3FB5] =	sst s8  }
0x11: {  	[smem:$0x3FB6] =	sst s9;
	s0 =	simm.s32 @!p0 $0x0  }
0x12: {  	s1 =	sld [smem:$0x3F9C];
	s0 =	simm.s32 @p0 $0x1  }
0x13: {  	[smem:$0x3FB7] =	sst s0;
	s0 =	simm.s32 @!p1 $0x0  }
0x14: {  	s2 =	sld [smem:$0x3F9B];
	s0 =	simm.s32 @p1 $0x1  }
0x15: {  	[smem:$0x3FB8] =	sst s0;
	s0 =	simm.s32 @!p2 $0x0  }
0x16: {  	s3 =	sld [smem:$0x3FDB];
	s0 =	simm.s32 @p2 $0x1  }
0x17: {  	s4 =	simm.s32 $0x1BF5;
	[smem:$0x3FBA] =	sst s0  }
0x18: {  	s0 =	sld [smem:$0x3F9D];
	_ =	swait.ge [sflag:s4], $0x0  }
0x19: {  	s7 =	sld [smem:$0x3F9E]  }
0x1a: {  	s8 =	sadd.s32 $0xFFFFE003, lr  }
0x1b: {  	s9 =	sadd.s32 $0xFFFFFEF7, lr;
	s5 =	simm.s32 $0xFFFFFFFF;
	p2 =	slt.u32 s8, $0xFFFFF086  }
0x1c: {  	p1 =	slt.u32 s9, $0xF7A;
	s5 =	simm.s32 @!p2 $0x0  }
0x1d: {  	s5 =	simm.s32 @p1 $0x1;
	p0 =	seq.s32 s7, s2  }
0x1e: {  	s7 =	smul.u32 @!p0 $0xF7A, s2;
	p2 =	seq.s32 @!p0 s5, $0x0  }
0x1f: {  	s9 =	smul.u32 $0xF7A, s1;
	s8 =	simm.s32 @!p0 $0x1BF5;
	p2 =	por !p2, p0  }
0x20: {  	[sflag:s8] =	ssyncset.s32 @!p0 $0xFFFFF086;
	s6 =	sadd.s32 @!p0 s3, s7;
	s7 =	simm.s32 @!p0 $0x108  }
0x21: {  	s3 =	sadd.s32 s3, s9;
	s6 =	sadd.s32 @!p0 $0x88, s6;
	s7 =	simm.s32 @p2 $0x1082  }
0x22: {  	[simem:s7], [sflag:s8] =	dma.local @!p0 [hbm:s6], $0xF7A  }
0x23: {  	s9 =	sor.u32 $0xD0000000, s2;
	s6 =	simm.s32 $0x108;
	_ =	swait.ge @!p0 [sflag:s8], $0x0  }
0x24: {  	s3 =	sadd.s32 $0x88, s3;
	s6 =	simm.s32 @!p1 $0x1082;
	[sflag:s4] =	ssyncset.s32 $0xFFFFF086  }
0x25: {  	[simem:s6], [sflag:s4] =	dma.local [hbm:s3], $0xF7A  }
0x26: {  	[smem:$0x3F9E] =	sst s1;
	(tag) =	ssettag s2;
	_ =	strace s9  }
0x27: {  	s1 =	sld [smem:$0x3FAE]  }
0x28: {  	s2 =	sld [smem:$0x3FAF]  }
0x29: {  	s4 =	sld [smem:$0x3FB1]  }
0x2a: {  	p0 =	seq.s32 s5, $0x0;
	s5 =	sld [smem:$0x3FB2]  }
0x2b: {  	s6 =	sld [smem:$0x3FB3]  }
0x2c: {  	s7 =	sld [smem:$0x3FB4]  }
0x2d: {  	s3 =	simm.s32 $0x108;
	s8 =	sld [smem:$0x3FB5]  }
0x2e: {  	s3 =	simm.s32 @!p0 $0x1082;
	s9 =	sld [smem:$0x3FB6]  }
0x2f: {  	lr =	sadd.s32 s0, s3;
	s0 =	sld [smem:$0x3FAD]  }
0x30: {  	s3 =	sld [smem:$0x3FB0]  }
0x31: {  	[smem:$0x3FB9] =	sst s10  }
0x32: {  	s10 =	sld [smem:$0x3FB7];
	_ =	sdelay $0x3  }
0x33: {  	p0 =	seq.s32 s10, $0x1;
	s10 =	sld [smem:$0x3FB9];
	_ =	sdelay $0x3  }
0x34: {  	[smem:$0x3FB9] =	sst s10  }
0x35: {  	s10 =	sld [smem:$0x3FB8];
	_ =	sdelay $0x3  }
0x36: {  	p1 =	seq.s32 s10, $0x1;
	s10 =	sld [smem:$0x3FB9];
	_ =	sdelay $0x3  }
0x37: {  	[smem:$0x3FB9] =	sst s10  }
0x38: {  	s10 =	sld [smem:$0x3FBA]  }
0x39: {  	_ = 	snop;
	(pc) =	sbr.ind lr, $3  }
0x3a: {  	_ = 	snop  }
0x3b: {  	_ = 	snop  }
0x3c: {  	p2 =	seq.s32 s10, $0x1;
	s10 =	sld [smem:$0x3FB9]  }
0x3d: {  	_ =	shalt  }
0x3e: {  	_ =	shalt  }
0x3f: {  	_ =	shalt  }
0x40: {  	_ =	shalt  }
0x41: {  	_ =	shalt  }
0x42: {  	_ =	shalt  }
0x43: {  	_ =	shalt  }
0x44: {  	_ =	shalt  }
0x45: {  	_ =	shalt  }
0x46: {  	_ =	shalt  }
0x47: {  	_ =	shalt  }
0x48: {  	_ =	shalt  }
0x49: {  	_ =	shalt  }
0x4a: {  	_ =	shalt  }
0x4b: {  	_ =	shalt  }
0x4c: {  	_ =	shalt  }
0x4d: {  	_ =	shalt  }
0x4e: {  	_ =	shalt  }
0x4f: {  	_ =	shalt  }
0x50: {  	_ =	shalt  }
0x51: {  	_ =	shalt  }
0x52: {  	_ =	shalt  }
0x53: {  	_ =	shalt  }
0x54: {  	_ =	shalt  }
0x55: {  	_ =	shalt  }
0x56: {  	_ =	shalt  }
0x57: {  	_ =	shalt  }
0x58: {  	_ =	shalt  }
0x59: {  	_ =	shalt  }
0x5a: {  	_ =	shalt  }
0x5b: {  	_ =	shalt  }
0x5c: {  	_ =	shalt  }
0x5d: {  	_ =	shalt  }
0x5e: {  	_ =	shalt  }
0x5f: {  	_ =	shalt  }
0x60: {  	_ =	shalt  }
0x61: {  	_ =	shalt  }
0x62: {  	_ =	shalt  }
0x63: {  	_ =	shalt  }
0x64: {  	_ =	shalt  }
0x65: {  	_ =	shalt  }
0x66: {  	_ =	shalt  }
0x67: {  	_ =	shalt  }
0x68: {  	_ =	shalt  }
0x69: {  	_ =	shalt  }
0x6a: {  	_ =	shalt  }
0x6b: {  	_ =	shalt  }
0x6c: {  	_ =	shalt  }
0x6d: {  	_ =	shalt  }
0x6e: {  	_ =	shalt  }
0x6f: {  	_ =	shalt  }
0x70: {  	_ =	shalt  }
0x71: {  	_ =	shalt  }
0x72: {  	_ =	shalt  }
0x73: {  	_ =	shalt  }
0x74: {  	_ =	shalt  }
0x75: {  	_ =	shalt  }
0x76: {  	_ =	shalt  }
0x77: {  	_ =	shalt  }
0x78: {  	_ =	shalt  }
0x79: {  	_ =	shalt  }
0x7a: {  	_ =	shalt  }
0x7b: {  	_ =	shalt  }
0x7c: {  	_ =	shalt  }
0x7d: {  	_ =	shalt  }
0x7e: {  	_ =	shalt  }
0x7f: {  	_ =	shalt  }
0x80: {  	_ =	shalt  }
0x81: {  	_ =	shalt  }
0x82: {  	_ =	shalt  }
0x83: {  	_ =	shalt  }
0x84: {  	_ =	shalt  }
0x85: {  	_ =	shalt  }
0x86: {  	_ =	shalt  }
0x87: {  	_ =	shalt  }
.Lfunc_end0:
.L_simem_size_0:
called_computation.3_lowered:
.L_overlay_start_0:
0x88: {  	s2 =	sld [smem:$0x3FD9]  }
0x89: {  	s3 =	sld [smem:$0x3FFE];
	_ =	sdelay $0x1  }
0x8a: {  	s1 =	srdreg.scid  }
0x8b: {  	s0 =	sand.u32 $0x1, s1  }
0x8c: {  	s16 =	sshll.u32 s0, $0xA;
	s2 =	sadd.s32 s3, s2  }
0x8d: {  	s2 =	sadd.s32 s2, s16  }
0x8e: {  	[smem:$0x3FC5] =	sst s2  }
0x8f: {  	_ = 	snop  }
0x90: {  	(tm) =	ssettm $0x1  }
0x91: {  	s17 =	sld [smem:$0x3FFB];
	_ =	sdelay $0x3  }
0x92: {  	_ =	strace s17  }
0x93: {  	s2 =	sld [smem:$0x3FFC];
	_ =	sdelay $0x3  }
0x94: {  	_ =	strace s2  }
0x95: {  	s2 =	sld [smem:$0x3FFD];
	_ =	sdelay $0x3  }
0x96: {  	_ =	strace s2  }
0x97: {  	_ =	strace $0x8FFFFFFF  }
0x98: {  	s18 =	sld [smem:$0x3FDB];
	_ =	sdelay $0x1  }
0x99: {  	s19 =	simm.s32 $_scs_section_size  }
0x9a: {  	s4 =	simm.s32 $_size__tile_overlayer_lowered;
	s5 =	simm.s32 $_tile_overlayer_lowered  }
0x9b: {  	s22 =	simm.s32 $0x1BFF;
	s21 =	sshll.u32 s5, $0x1;
	s2 =	sadd.s32 s19, s18  }
0x9c: {  	s6 =	simm.s32 $0x0;
	s20 =	sshll.u32 s4, $0x1;
	s4 =	sadd.s32 s21, s2  }
0x9d: {  	[timem:s6], [sflag:s22] =	dma.local [hbm:s4], s20  }
0x9e: {  	_ =	swait.ge [sflag:s22], s20  }
0x9f: {  	s3 =	ssub.s32 $0x0, s20;
	[sflag:s22] =	ssyncset.done $0x0  }
0xa0: {  	[sflag:s22] =	ssyncadd.s32 s3;
	_ =	sdelay $0x1  }
0xa1: {  	s23 =	simm.s32 $0x1B8B  }
0xa2: {  	_ =	swait.ge [sflag:s23], $0x1  }
0xa3: {  	[sflag:s23] =	ssyncset.done $0x0  }
0xa4: {  	s25 =	simm.s32 $0x1B8E;
	s24 =	sld [smem:$0x3FFE];
	[sflag:s23] =	ssyncadd.s32 $0xFFFFFFFF  }
0xa5: {  	s26 =	simm.s32 $execute0_lowered;
	[smem:$0x3FD2] =	sst s25  }
0xa6: {  	s4 =	sshll.u32 s26, $0x1;
	_ =	strace $0x8000004F;
	[dreg:$0x1] =	wrdreg $0xFFFFFFFF  }
0xa7: {  	s28 =	simm.s32 $_size_execute0_lowered;
	s2 =	sadd.s32 s2, s4;
	[dreg:$0x0] =	wrdreg $0x0  }
0xa8: {  	s4 =	sshll.u32 s28, $0x1;
	[dreg:$0x2] =	wrdreg s2  }
0xa9: {  	[dreg:$0x3] =	wrdreg s4  }
0xaa: {  	[dreg:$0x4] =	wrdreg $0xC0  }
0xab: {  	_ =	task [dreg:s6], $0x5FFFF  }
0xac: {  	[dreg:$0x1] =	wrdreg $0xFFFFFFFF  }
0xad: {  	[dreg:$0x0] =	wrdreg $0x60  }
0xae: {  	[dreg:$0x2] =	wrdreg s24  }
0xaf: {  	[dreg:$0x3] =	wrdreg $0x77100  }
0xb0: {  	[dreg:$0x4] =	wrdreg $0x9  }
0xb1: {  	_ =	task.clear_ibuf [dreg:s6], $0x5FFFF;
	_ =	strace $0x9000004F  }
0xb2: {  	s29 =	simm.s32 $0x9;
	_ =	strace $0x80000051  }
0xb3: {  	_ =	swait.ge [sflag:s29], $0x1  }
0xb4: {  	[sflag:s29] =	ssyncadd.s32 $0xFFFFFFFF  }
0xb5: {  	_ =	strace $0x90000051  }
0xb6: {  	_ =	sfence  }
0xb7: {  	s30 =	sld [smem:$0x0];
	_ =	sdelay $0x2  }
0xb8: {  	s31 =	sshll.u32 s1, $0xD;
	s1 =	sshrl.u32 s1, $0x2  }
0xb9: {  	s3 =	sand.u32 $0x4000, s31;
	s1 =	sadd.s32 s1, s30  }
0xba: {  	s0 =	sor.u32 s3, s0;
	s1 =	sshll.u32 s1, $0x11  }
0xbb: {  	s0 =	sor.u32 s1, s0  }
0xbc: {  	s0 =	sadd.s32 $0x8F2B, s0  }
0xbd: {  	[sflag:s0] =	ssyncadd.remote.s32 $0x1  }
0xbe: {  	_ =	sfence.sel $0xFFFF  }
0xbf: {  	[dreg:$0x0] =	wrdreg $0xFFFFFFFF;
	(pc) =	sbr.abs _section_cstart, $3  }
0xc0: {  	[dreg:$0x1] =	wrdreg $0xFFFFFFFF  }
0xc1: {  	_ =	task.clear_ibuf [dreg:s6], $0x2FFFF;
	_ =	strace $0x9FFFFFFF  }
0xc2: {  	(tm) =	ssettm $0x7FFFFFFF  }
0xc3: {  	_ =	shalt  }
tec
execute0_lowered:
.L_overlay_start_1:
0x0: {  	(tag) =	ssettag $0x1  }
0x1: {  	s0 =	rddreg [dreg:$0x0]  }
0x2: {  	s2 =	rddreg [dreg:$0x1];
	s3 =	simm.s32 $0x0;
	s1 =	srdreg.scid  }
0x3: {  	s11 =	stileid.u32;
	s28 =	simm.s32 $0xE0;
	s29 =	simm.s32 $0xD8  }
0x4: {  	s30 =	simm.s32 $0x2510;
	s31 =	simm.s32 $0x370;
	s6 =	smul.u32 $0x62000, s11  }
0x5: {  	[smem:$0x7FF] =	sst s3;
	s1 =	sand.u32 $0x1, s1;
	s14 =	smul.u32 $0x18800, s11  }
0x6: {  	s4 =	sshll.u32 s11, $0x1;
	s18 =	smul.u32 $0x186A0, s11;
	s11 =	simm.s32 $0x2  }
0x7: {  	_ =	strace $0x80000050;
	s5 =	sor.u32 s1, s4;
	s4 =	sadd.s32 $0x65E00, s0  }
0x8: {  	s7 =	ssub.s32 $0x2, s1;
	p0 =	seq.s32 s1, $0x1;
	s1 =	smul.u32 $0xC350, s1  }
0x9: {  	s8 =	smul.u32 $0xC350, s5;
	s5 =	sadd.s32 $0x4200, s0;
	s9 =	sshrl.u32 s7, $0x1  }
0xa: {  	s6 =	sshrl.u32 s6, $0x2;
	s16 =	sshrl.u32 s14, $0x3;
	s17 =	sadd.s32 s14, s2  }
0xb: {  	s14 =	simm.s32 $0x0;
	s7 =	ssub.s32 s7, s9;
	s6 =	sadd.s32 s6, s2  }
0xc: {  	s1 =	sadd.s32 s1, s18;
	s12 =	sshrl.u32 s8, $0x3;
	s10 =	sadd.s32 $0x18100, s6  }
0xd: {  	s13 =	sadd.s32 $0x1B8, s8;
	s7 =	smax.u32 s7, $0x1;
	[dreg:$0x3] =	wrdreg s10  }
0xe: {  	s8 =	sadd.s32 $0xC238, s8;
	s19 =	sadd.s32 $0x3700, s6;
	[dreg:$0x8] =	wrdreg s7  }
0xf: {  	s20 =	sadd.s32 $0x6E00, s6;
	s21 =	sadd.s32 $0xA500, s6;
	[dreg:$0x9] =	wrdreg s19  }
0x10: {  	s22 =	sadd.s32 $0xDC00, s6;
	s23 =	sadd.s32 $0x11300, s6;
	[dreg:$0xa] =	wrdreg s20  }
0x11: {  	s24 =	sadd.s32 $0x14A00, s6;
	s25 =	sadd.s32 $0x528, s1;
	[dreg:$0xb] =	wrdreg s21  }
0x12: {  	s12 =	sadd.s32 s5, s12;
	s9 =	sshrl.u32 s13, $0x3;
	[dreg:$0xc] =	wrdreg s22  }
0x13: {  	s8 =	sshrl.u32 s8, $0x3;
	s10 =	simm.s32 $0x18BE00;
	[dreg:$0xd] =	wrdreg s23  }
0x14: {  	[dreg:$0xe] =	wrdreg s24;
	s20 =	sadd.s32 $0x370, s1;
	s26 =	sshrl.u32 s25, $0x3  }
0x15: {  	s22 =	simm.s32 $0x910;
	s23 =	simm.s32 $0x4;
	s24 =	simm.s32 $0x1B8  }
0x16: {  	s25 =	sshrl.u32 s17, $0x3;
	s1 =	simm.s32 $0x450;
	s7 =	simm.s32 $0x5C10  }
0x17: {  	s13 =	simm.s32 $0x6E0;
	s9 =	sadd.s32 s5, s9;
	[dreg:$0x4] =	wrdreg s12  }
0x18: {  	s15 =	sadd.s32 $0x1810, s12;
	s8 =	sadd.s32 s5, s8;
	[dreg:$0x5] =	wrdreg s9  }
0x19: {  	s10 =	simm.s32 @!p0 $0x15AE00;
	s21 =	sadd.s32 s26, s5;
	[dreg:$0x6] =	wrdreg s15  }
0x1a: {  	s26 =	simm.s32 $0x186A00;
	s12 =	simm.s32 $0x118;
	[dreg:$0x7] =	wrdreg s8  }
0x1b: {  	s0 =	sadd.s32 s10, s0;
	s9 =	simm.s32 $0x1;
	s10 =	simm.s32 $0x528  }
0x1c: {  	v0 =	vimm.f32 $0.0e+00;
	s8 =	simm.s32 $0x3;
	s19 =	sadd.s32 s0, s16;
	s0 =	simm.s32 $0x4010  }
.LBB2_1:
0x1d: {  	s15 =	simm.s32 $0x80;
	s16 =	simm.s32 $0x0  }
.LBB2_2:
0x1e: {  	p0 =	sne.s32 s15, $0xDB80;
	[tilespmem:s16+$0x910] =	vst v0;
	s17 =	smov.u32 s15;
	s15 =	sadd.s32 $0x80, s15  }
.Ltmp0:
0x1f: {  	[tilespmem:s16+$0x920] =	vst v0;
	(pc) =	sbr.rel @p0 .LBB2_2-.Ltmp0, $2  }
0x20: {  	_ =	sdelay $0x2  }
0x21: {  	s16 =	sshra.s32 s17, $0x2  }
0x22: {  	[tilespmem:s16+$0x910] =	vst v0  }
0x23: {  	[tilespmem:s16+$0x920] =	vst v0  }
0x24: {  	[spmem:s6] =	stream.linear.scatter [tilespmem:s22], [sflag:$0x4], $0x3700, $0x38;
	[tilespmem:$0x1FF10] =	vst v63  }
0x25: {  	_ =	swait.ge [sflag:s23], $0x3700  }
0x26: {  	[sflag:s23] =	ssyncset.done $0x0  }
0x27: {  	s15 =	rddreg [dreg:$0x9];
	[sflag:s23] =	ssyncadd.s32 $0xFFFFC900  }
0x28: {  	[spmem:s15] =	stream.linear.scatter [tilespmem:s22], [sflag:$0x4], $0x3700, $0x38;
	[tilespmem:$0x1FF10] =	vst v63  }
0x29: {  	_ =	swait.ge [sflag:s23], $0x3700  }
0x2a: {  	[sflag:s23] =	ssyncset.done $0x0  }
0x2b: {  	s17 =	rddreg [dreg:$0xa];
	[sflag:s23] =	ssyncadd.s32 $0xFFFFC900  }
0x2c: {  	[spmem:s17] =	stream.linear.scatter [tilespmem:s22], [sflag:$0x4], $0x3700, $0x38;
	[tilespmem:$0x1FF10] =	vst v63  }
0x2d: {  	_ =	swait.ge [sflag:s23], $0x3700  }
0x2e: {  	[sflag:s23] =	ssyncset.done $0x0  }
0x2f: {  	s18 =	rddreg [dreg:$0xb];
	[sflag:s23] =	ssyncadd.s32 $0xFFFFC900  }
0x30: {  	[spmem:s18] =	stream.linear.scatter [tilespmem:s22], [sflag:$0x4], $0x3700, $0x38;
	[tilespmem:$0x1FF10] =	vst v63  }
0x31: {  	_ =	swait.ge [sflag:s23], $0x3700  }
0x32: {  	[sflag:s23] =	ssyncset.done $0x0  }
0x33: {  	s16 =	rddreg [dreg:$0xc];
	[sflag:s23] =	ssyncadd.s32 $0xFFFFC900  }
0x34: {  	[spmem:s16] =	stream.linear.scatter [tilespmem:s22], [sflag:$0x4], $0x3700, $0x38;
	[tilespmem:$0x1FF10] =	vst v63  }
0x35: {  	_ =	swait.ge [sflag:s23], $0x3700  }
0x36: {  	[sflag:s23] =	ssyncset.done $0x0  }
0x37: {  	s17 =	rddreg [dreg:$0xd];
	[sflag:s23] =	ssyncadd.s32 $0xFFFFC900  }
0x38: {  	[spmem:s17] =	stream.linear.scatter [tilespmem:s22], [sflag:$0x4], $0x3700, $0x38;
	[tilespmem:$0x1FF10] =	vst v63  }
0x39: {  	_ =	swait.ge [sflag:s23], $0x3700  }
0x3a: {  	[sflag:s23] =	ssyncset.done $0x0  }
0x3b: {  	s18 =	rddreg [dreg:$0xe];
	[sflag:s23] =	ssyncadd.s32 $0xFFFFC900  }
0x3c: {  	[spmem:s18] =	stream.linear.scatter [tilespmem:s22], [sflag:$0x4], $0x3700, $0x38;
	[tilespmem:$0x1FF10] =	vst v63  }
0x3d: {  	_ =	swait.ge [sflag:s23], $0x3700  }
0x3e: {  	[sflag:s23] =	ssyncset.done $0x0  }
0x3f: {  	s16 =	rddreg [dreg:$0x3];
	[sflag:s23] =	ssyncadd.s32 $0xFFFFC900  }
0x40: {  	[spmem:s16] =	stream.linear.scatter [tilespmem:s22], [sflag:$0x4], $0x700, $0x38;
	[tilespmem:$0x1FF10] =	vst v63  }
0x41: {  	_ =	swait.ge [sflag:s23], $0x700  }
0x42: {  	[sflag:s23] =	ssyncset.done $0x0  }
0x43: {  	[sflag:s23] =	ssyncadd.s32 $0xFFFFF900  }
0x44: {  	[bflag:$0x0] =	sbarrier.arrive $0xFFFF  }
0x45: {  	s17 =	simm.s32 $0x0;
	s18 =	rddreg [dreg:$0x4]  }
0x46: {  	[tilespmem:s17], [sflag:$0x4] =	stream.strided.gather [hbm4b:s18+s24], $0x370, s26, s24, $0x38;
	[tilespmem:$0x1FF10] =	vst v63  }
0x47: {  	_ =	swait.ge [sflag:s23], $0x370  }
0x48: {  	[sflag:s23] =	ssyncset.done $0x0  }
0x49: {  	[sflag:s23] =	ssyncadd.s32 $0xFFFFFC90  }
0x4a: {  	[tilespmem:s22], [sflag:$0x1] =	stream.indirect.gather [hbm4b:s4+s28], $0x20, s17, s28, $0xb8;
	[tilespmem:$0x1FF10] =	vst v63  }
0x4b: {  	_ = 	snop  }
0x4c: {  	[tilespmem:s30], [sflag:$0x1] =	stream.indirect.gather [hbm4b:s4+s29], $0x20, s28, s29, $0xb8;
	[tilespmem:$0x1FF10] =	vst v63  }
0x4d: {  	s16 =	rddreg [dreg:$0x5]  }
0x4e: {  	[tilespmem:s31], [sflag:$0x4] =	stream.strided.gather [hbm4b:s16+s24], $0x370, s26, s24, $0x38;
	[tilespmem:$0x1FF10] =	vst v63  }
0x4f: {  	_ =	swait.ge [sflag:s23], $0x370  }
0x50: {  	[sflag:s23] =	ssyncset.done $0x0  }
0x51: {  	[sflag:s23] =	ssyncadd.s32 $0xFFFFFC90  }
0x52: {  	[tilespmem:s0], [sflag:$0x1] =	stream.indirect.gather [hbm4b:s4+s28], $0x20, s31, s28, $0xb8;
	[tilespmem:$0x1FF10] =	vst v63  }
0x53: {  	_ = 	snop  }
0x54: {  	[tilespmem:s7], [sflag:$0x1] =	stream.indirect.gather [hbm4b:s4+s29], $0x20, s1, s29, $0xb8;
	[tilespmem:$0x1FF10] =	vst v63  }
0x55: {  	_ =	swait.ge [sflag:s9], $0x1C00  }
0x56: {  	[sflag:s9] =	ssyncset.done $0x0  }
0x57: {  	[sflag:s9] =	ssyncadd.s32 $0xFFFFE400  }
0x58: {  	_ =	swait.ge [sflag:s9], $0x1B00  }
0x59: {  	[sflag:s9] =	ssyncset.done $0x0  }
0x5a: {  	[sflag:s9] =	ssyncadd.s32 $0xFFFFE500  }
0x5b: {  	[spmem:s2] =	stream.indirect.scatter.add.f32 [tilespmem:s22], [sflag:$0x2], $0x20, s24, s24, $0xb8;
	[tilespmem:$0x1FF10] =	vst v63  }
0x5c: {  	_ =	swait.ge [sflag:s9], $0x1C00  }
0x5d: {  	[sflag:s9] =	ssyncset.done $0x0  }
0x5e: {  	[sflag:s9] =	ssyncadd.s32 $0xFFFFE400  }
0x5f: {  	_ =	swait.ge [sflag:s9], $0x1B00  }
0x60: {  	[sflag:s9] =	ssyncset.done $0x0  }
0x61: {  	[sflag:s9] =	ssyncadd.s32 $0xFFFFE500  }
0x62: {  	[spmem:s2] =	stream.indirect.scatter.add.f32 [tilespmem:s0], [sflag:$0x3], $0x20, s10, s24, $0xb8;
	[tilespmem:$0x1FF10] =	vst v63  }
0x63: {  	_ =	swait.ge [sflag:s11], $0x3700  }
0x64: {  	s17 =	sshrl.u32 s20, $0x3;
	[sflag:s11] =	ssyncset.done $0x0  }
0x65: {  	s15 =	sadd.s32 s5, s17;
	[sflag:s11] =	ssyncadd.s32 $0xFFFFC900  }
0x66: {  	[tilespmem:s3], [sflag:$0x4] =	stream.strided.gather [hbm4b:s15+s24], $0x370, s26, s24, $0x38;
	[tilespmem:$0x1FF10] =	vst v63  }
0x67: {  	_ =	swait.ge [sflag:s23], $0x370  }
0x68: {  	[sflag:s23] =	ssyncset.done $0x0  }
0x69: {  	[sflag:s23] =	ssyncadd.s32 $0xFFFFFC90  }
0x6a: {  	[tilespmem:s22], [sflag:$0x1] =	stream.indirect.gather [hbm4b:s4+s28], $0x20, s3, s28, $0xb8;
	[tilespmem:$0x1FF10] =	vst v63  }
0x6b: {  	_ = 	snop  }
0x6c: {  	[tilespmem:s30], [sflag:$0x1] =	stream.indirect.gather [hbm4b:s4+s29], $0x20, s28, s29, $0xb8;
	[tilespmem:$0x1FF10] =	vst v63  }
0x6d: {  	_ =	swait.ge [sflag:s8], $0x3700  }
0x6e: {  	[sflag:s8] =	ssyncset.done $0x0  }
0x6f: {  	s18 =	sadd.s32 $0x0, s21;
	[sflag:s8] =	ssyncadd.s32 $0xFFFFC900  }
0x70: {  	[tilespmem:s31], [sflag:$0x4] =	stream.strided.gather [hbm4b:s18+s24], $0x370, s26, s24, $0x38;
	[tilespmem:$0x1FF10] =	vst v63  }
0x71: {  	_ =	swait.ge [sflag:s23], $0x370  }
0x72: {  	[sflag:s23] =	ssyncset.done $0x0  }
0x73: {  	[sflag:s23] =	ssyncadd.s32 $0xFFFFFC90  }
0x74: {  	[tilespmem:s0], [sflag:$0x1] =	stream.indirect.gather [hbm4b:s4+s28], $0x20, s31, s28, $0xb8;
	[tilespmem:$0x1FF10] =	vst v63  }
0x75: {  	_ = 	snop  }
0x76: {  	[tilespmem:s7], [sflag:$0x1] =	stream.indirect.gather [hbm4b:s4+s29], $0x20, s1, s29, $0xb8;
	[tilespmem:$0x1FF10] =	vst v63  }
0x77: {  	_ =	swait.ge [sflag:s9], $0x1C00  }
0x78: {  	[sflag:s9] =	ssyncset.done $0x0  }
0x79: {  	[sflag:s9] =	ssyncadd.s32 $0xFFFFE400  }
0x7a: {  	_ =	swait.ge [sflag:s9], $0x1B00  }
0x7b: {  	[sflag:s9] =	ssyncset.done $0x0  }
0x7c: {  	[sflag:s9] =	ssyncadd.s32 $0xFFFFE500  }
0x7d: {  	[spmem:s2] =	stream.indirect.scatter.add.f32 [tilespmem:s22], [sflag:$0x2], $0x20, s24, s24, $0xb8;
	[tilespmem:$0x1FF10] =	vst v63  }
0x7e: {  	_ =	swait.ge [sflag:s9], $0x1C00  }
0x7f: {  	[sflag:s9] =	ssyncset.done $0x0  }
0x80: {  	[sflag:s9] =	ssyncadd.s32 $0xFFFFE400  }
0x81: {  	_ =	swait.ge [sflag:s9], $0x1B00  }
0x82: {  	[sflag:s9] =	ssyncset.done $0x0  }
0x83: {  	s16 =	sadd.s32 $0x370, s20;
	s15 =	simm.s32 $0x6E;
	[sflag:s9] =	ssyncadd.s32 $0xFFFFE500  }
.LBB2_4:
0x84: {  	[spmem:s2] =	stream.indirect.scatter.add.f32 [tilespmem:s0], [sflag:$0x3], $0x20, s10, s24, $0xb8;
	[tilespmem:$0x1FF10] =	vst v63  }
0x85: {  	s17 =	smov.u32 s15  }
0x86: {  	p0 =	sne.s32 s15, $0x1734;
	s15 =	sadd.s32 $0x6E, s15;
	_ =	swait.ge [sflag:s11], $0x3700  }
0x87: {  	s18 =	sshrl.u32 s16, $0x3;
	[sflag:s11] =	ssyncset.done $0x0  }
0x88: {  	s18 =	sadd.s32 s5, s18;
	[sflag:s11] =	ssyncadd.s32 $0xFFFFC900  }
0x89: {  	[tilespmem:s3], [sflag:$0x4] =	stream.strided.gather [hbm4b:s18+s24], $0x370, s26, s24, $0x38;
	[tilespmem:$0x1FF10] =	vst v63  }
0x8a: {  	_ =	swait.ge [sflag:s23], $0x370  }
0x8b: {  	[sflag:s23] =	ssyncset.done $0x0  }
0x8c: {  	[sflag:s23] =	ssyncadd.s32 $0xFFFFFC90  }
0x8d: {  	[tilespmem:s22], [sflag:$0x1] =	stream.indirect.gather [hbm4b:s4+s28], $0x20, s3, s28, $0xb8;
	[tilespmem:$0x1FF10] =	vst v63  }
0x8e: {  	_ = 	snop  }
0x8f: {  	[tilespmem:s30], [sflag:$0x1] =	stream.indirect.gather [hbm4b:s4+s29], $0x20, s28, s29, $0xb8;
	[tilespmem:$0x1FF10] =	vst v63  }
0x90: {  	_ =	swait.ge [sflag:s8], $0x3700  }
0x91: {  	[sflag:s8] =	ssyncset.done $0x0  }
0x92: {  	s17 =	sadd.s32 s17, s21;
	[sflag:s8] =	ssyncadd.s32 $0xFFFFC900  }
0x93: {  	[tilespmem:s31], [sflag:$0x4] =	stream.strided.gather [hbm4b:s17+s24], $0x370, s26, s24, $0x38;
	[tilespmem:$0x1FF10] =	vst v63  }
0x94: {  	_ =	swait.ge [sflag:s23], $0x370  }
0x95: {  	[sflag:s23] =	ssyncset.done $0x0  }
0x96: {  	[sflag:s23] =	ssyncadd.s32 $0xFFFFFC90  }
0x97: {  	[tilespmem:s0], [sflag:$0x1] =	stream.indirect.gather [hbm4b:s4+s28], $0x20, s31, s28, $0xb8;
	[tilespmem:$0x1FF10] =	vst v63  }
0x98: {  	_ = 	snop  }
0x99: {  	[tilespmem:s7], [sflag:$0x1] =	stream.indirect.gather [hbm4b:s4+s29], $0x20, s1, s29, $0xb8;
	[tilespmem:$0x1FF10] =	vst v63  }
0x9a: {  	_ =	swait.ge [sflag:s9], $0x1C00  }
0x9b: {  	[sflag:s9] =	ssyncset.done $0x0  }
0x9c: {  	[sflag:s9] =	ssyncadd.s32 $0xFFFFE400  }
0x9d: {  	_ =	swait.ge [sflag:s9], $0x1B00  }
0x9e: {  	[sflag:s9] =	ssyncset.done $0x0  }
0x9f: {  	[sflag:s9] =	ssyncadd.s32 $0xFFFFE500  }
0xa0: {  	[spmem:s2] =	stream.indirect.scatter.add.f32 [tilespmem:s22], [sflag:$0x2], $0x20, s24, s24, $0xb8;
	[tilespmem:$0x1FF10] =	vst v63  }
0xa1: {  	_ =	swait.ge [sflag:s9], $0x1C00  }
.Ltmp1:
0xa2: {  	[sflag:s9] =	ssyncset.done $0x0;
	(pc) =	sbr.rel @p0 .LBB2_4-.Ltmp1, $4  }
0xa3: {  	[sflag:s9] =	ssyncadd.s32 $0xFFFFE400  }
0xa4: {  	_ =	swait.ge [sflag:s9], $0x1B00  }
0xa5: {  	[sflag:s9] =	ssyncset.done $0x0  }
0xa6: {  	s16 =	sadd.s32 $0x370, s16;
	[sflag:s9] =	ssyncadd.s32 $0xFFFFE500  }
0xa7: {  	[spmem:s2] =	stream.indirect.scatter.add.f32 [tilespmem:s0], [sflag:$0x3], $0x20, s10, s24, $0xb8;
	[tilespmem:$0x1FF10] =	vst v63  }
0xa8: {  	_ =	swait.ge [sflag:s11], $0x3700  }
0xa9: {  	[sflag:s11] =	ssyncset.done $0x0  }
0xaa: {  	s15 =	rddreg [dreg:$0x6];
	[sflag:s11] =	ssyncadd.s32 $0xFFFFC900  }
0xab: {  	[tilespmem:s3], [sflag:$0x4] =	stream.strided.gather [hbm4b:s15+s24], $0x370, s26, s24, $0x38;
	[tilespmem:$0x1FF10] =	vst v63  }
0xac: {  	_ =	swait.ge [sflag:s23], $0x370  }
0xad: {  	[sflag:s23] =	ssyncset.done $0x0  }
0xae: {  	[sflag:s23] =	ssyncadd.s32 $0xFFFFFC90  }
0xaf: {  	[tilespmem:s22], [sflag:$0x1] =	stream.indirect.gather [hbm4b:s4+s28], $0x20, s3, s28, $0xb8;
	[tilespmem:$0x1FF10] =	vst v63  }
0xb0: {  	_ = 	snop  }
0xb1: {  	[tilespmem:s30], [sflag:$0x1] =	stream.indirect.gather [hbm4b:s4+s29], $0x20, s28, s29, $0xb8;
	[tilespmem:$0x1FF10] =	vst v63  }
0xb2: {  	_ =	swait.ge [sflag:s8], $0x3700  }
0xb3: {  	[sflag:s8] =	ssyncset.done $0x0  }
0xb4: {  	s18 =	rddreg [dreg:$0x7];
	[sflag:s8] =	ssyncadd.s32 $0xFFFFC900  }
0xb5: {  	[tilespmem:s13], [sflag:$0x4] =	stream.strided.gather [hbm4b:s18+s12], $0x230, s26, s12, $0x38;
	[tilespmem:$0x1FF10] =	vst v63  }
0xb6: {  	_ =	swait.ge [sflag:s23], $0x230  }
0xb7: {  	[sflag:s23] =	ssyncset.done $0x0  }
0xb8: {  	[sflag:s23] =	ssyncadd.s32 $0xFFFFFDD0  }
0xb9: {  	[tilespmem:s0], [sflag:$0x1] =	stream.indirect.gather [hbm4b:s4+s12], $0x20, s13, s12, $0xb8;
	[tilespmem:$0x1FF10] =	vst v63  }
0xba: {  	_ =	swait.ge [sflag:s9], $0x1C00  }
0xbb: {  	[sflag:s9] =	ssyncset.done $0x0  }
0xbc: {  	[sflag:s9] =	ssyncadd.s32 $0xFFFFE400  }
0xbd: {  	_ =	swait.ge [sflag:s9], $0x1B00  }
0xbe: {  	[sflag:s9] =	ssyncset.done $0x0  }
0xbf: {  	[sflag:s9] =	ssyncadd.s32 $0xFFFFE500  }
0xc0: {  	[spmem:s2] =	stream.indirect.scatter.add.f32 [tilespmem:s22], [sflag:$0x2], $0x20, s24, s24, $0xb8;
	[tilespmem:$0x1FF10] =	vst v63  }
0xc1: {  	_ =	swait.ge [sflag:s9], $0x2300  }
0xc2: {  	[sflag:s9] =	ssyncset.done $0x0  }
0xc3: {  	s16 =	simm.s32 $0x7F8;
	[sflag:s9] =	ssyncadd.s32 $0xFFFFDD00  }
0xc4: {  	[spmem:s2] =	stream.indirect.scatter.add.f32 [tilespmem:s0], [sflag:$0x3], $0x20, s16, s12, $0xb8;
	[tilespmem:$0x1FF10] =	vst v63  }
0xc5: {  	_ =	swait.ge [sflag:s11], $0x3700  }
0xc6: {  	[sflag:s11] =	ssyncset.done $0x0  }
0xc7: {  	[sflag:s11] =	ssyncadd.s32 $0xFFFFC900  }
0xc8: {  	_ =	swait.ge [sflag:s8], $0x2300  }
0xc9: {  	s17 =	stileid.u32;
	[sflag:s8] =	ssyncset.done $0x0  }
0xca: {  	s15 =	sshll.u32 s17, $0x6;
	[sflag:s8] =	ssyncadd.s32 $0xFFFFDD00  }
0xcb: {  	s15 =	sor.u32 $0x1C04, s15;
	[bflag:$0x0] =	sbarrier.arrive $0xFFFF  }
0xcc: {  	[hbm:s19], [sflag:s15] =	dma.local [spmem:s25], $0x3100  }
0xcd: {  	_ =	swait.ge [sflag:s23], $0x3100  }
0xce: {  	s14 =	sadd.s32 $0x1, s14;
	s18 =	rddreg [dreg:$0x8]  }
0xcf: {  	p0 =	sne.s32 s14, s18  }
.Ltmp2:
0xd0: {  	_ = 	snop;
	(pc) =	sbr.rel @p0 .LBB2_1-.Ltmp2, $3  }
0xd1: {  	_ =	sdelay $0x1  }
0xd2: {  	[sflag:s23] =	ssyncset.done $0x0  }
0xd3: {  	[sflag:s23] =	ssyncadd.s32 $0xFFFFCF00  }
0xd4: {  	_ =	sfence.sel $0x180000  }
0xd5: {  	[bflag:$0x0] =	sbarrier.arrive $0xFFFF  }
0xd6: {  	_ =	strace $0x90000050  }
0xd7: {  	s0 =	stileid.u32;
	[bflag:$0x2] =	sbarrier.arrive $0xFFFF  }
0xd8: {  	p0 =	sne.s32 s0, $0x0;
	s0 =	rddreg [dreg:$0x2]  }
0xd9: {  	s0 =	sadd.s32 @!p0 $0x100000, s0  }
0xda: {  	[sflag:s0] =	ssyncadd.tile.s32 @!p0 $0x1;
	_ =	shalt  }
.Lfunc_end2:
_tile_overlayer_lowered:
.L_overlay_start_2:
0xdb: {  	(tag) =	ssettag $0x2  }
0xdc: {  	s0 =	rddreg [dreg:$0x0];
	s2 =	stileid.u32  }
0xdd: {  	s1 =	rddreg [dreg:$0x1];
	p0 =	sne.s32 s2, $0x0  }
0xde: {  	s3 =	rddreg [dreg:$0x2];
	[bflag:$0x3] =	sbarrier.arrive $0xFFFF;
	s2 =	simm.s32 @!p0 $0x1C04  }
0xdf: {  	[timem:s3], [sflag:s2] =	dma.local @!p0 [hbm:s0], s1  }
0xe0: {  	s0 =	simm.s32 @!p0 $0x4  }
0xe1: {  	_ =	swait.ge @!p0 [sflag:s0], s1  }
0xe2: {  	s1 =	ssub.s32 @!p0 $0x0, s1;
	[sflag:s0] =	ssyncset.done @!p0 $0x0  }
0xe3: {  	[sflag:s0] =	ssyncadd.s32 @!p0 s1  }
0xe4: {  	[bflag:$0x3] =	sbarrier.arrive $0xFFFF  }
0xe5: {  	_ =	shalt  }

</sc_bundles>
